<compile_context>
chip_gen: v7x
topology: tpu7x:2x2x1
jax: 0.10.2.dev20260603
libtpu: 0.0.44.dev20260713+nightly
codegen_flags: <defaults>
</compile_context>

<pallas_src>
import functools
import numpy as np

import jax
import jax.numpy as jnp
from jax import lax
from jax.experimental import pallas as pl
from jax.experimental.pallas import tpu as pltpu
from jax.experimental.pallas import tpu_sc as plsc

N_NODES = 50000
N_EDGES = 800000
HID = 64
NUM_GRAPHS = 256
_DEG_HIST = np.array([0, 0, 0, 0, 120, 360, 840, 1600, 2600, 3600, 4400, 4900,
                      5000, 4900, 4400, 3600, 2600, 1600, 840, 360, 120],
                     dtype=np.float64)
AVG_LOG = float((np.log(np.arange(len(_DEG_HIST)) + 1.0) * _DEG_HIST).sum()
                / _DEG_HIST.sum())

_NW = 32
_NV = 1600
_NPAD = _NW * _NV
_RSBUF = 1664
_BLK = 32
_STAGE = 64
_MPAD = N_EDGES + 2 * _BLK + 8


def _seg_agg_body(m_hbm, rs_hbm, mn_hbm, mx_hbm, s_hbm, q_hbm,
                  rows_v, rs_v, mnst, mxst, sst, qst):
    wid = lax.axis_index("s") * 2 + lax.axis_index("c")
    vbase = wid * _NV
    pltpu.sync_copy(rs_hbm.at[pl.ds(vbase, _RSBUF)], rs_v)

    inf = jnp.full((16,), jnp.inf, jnp.float32)
    zero = jnp.zeros((16,), jnp.float32)

    def node_body(v_local, _):
        rsvec = rs_v[pl.ds(v_local, 16)]
        e0 = rsvec[0]
        e1 = rsvec[1]
        eb0 = pl.multiple_of((e0 // 8) * 8, 8)
        nblk = jnp.maximum(e1 - eb0 + (_BLK - 1), 0) // _BLK

        def blk_body(k, acc):
            eb = pl.multiple_of(eb0 + k * _BLK, 8)
            jstart = jnp.maximum(e0 - eb, 0)
            jend = jnp.minimum(e1 - eb, _BLK)
            pltpu.sync_copy(m_hbm.at[pl.ds(eb, _BLK)], rows_v)

            def edge_body(j, acc):
                (mn0, mn1, mn2, mn3, mx0, mx1, mx2, mx3,
                 s0, s1, s2, s3, q0, q1, q2, q3) = acc
                r0 = rows_v[j, pl.ds(0, 16)]
                r1 = rows_v[j, pl.ds(16, 16)]
                r2 = rows_v[j, pl.ds(32, 16)]
                r3 = rows_v[j, pl.ds(48, 16)]
                return (jnp.minimum(mn0, r0), jnp.minimum(mn1, r1),
                        jnp.minimum(mn2, r2), jnp.minimum(mn3, r3),
                        jnp.maximum(mx0, r0), jnp.maximum(mx1, r1),
                        jnp.maximum(mx2, r2), jnp.maximum(mx3, r3),
                        s0 + r0, s1 + r1, s2 + r2, s3 + r3,
                        q0 + r0 * r0, q1 + r1 * r1,
                        q2 + r2 * r2, q3 + r3 * r3)

            return lax.fori_loop(jstart, jend, edge_body, acc)

        init = (inf, inf, inf, inf, -inf, -inf, -inf, -inf,
                zero, zero, zero, zero, zero, zero, zero, zero)
        acc = lax.fori_loop(0, nblk, blk_body, init)

        sr = lax.rem(v_local, _STAGE)
        for k in range(4):
            mnst[sr, pl.ds(16 * k, 16)] = acc[k]
            mxst[sr, pl.ds(16 * k, 16)] = acc[4 + k]
            sst[sr, pl.ds(16 * k, 16)] = acc[8 + k]
            qst[sr, pl.ds(16 * k, 16)] = acc[12 + k]

        @pl.when(sr == _STAGE - 1)
        def _flush():
            row0 = pl.multiple_of(vbase + v_local - (_STAGE - 1), 8)
            pltpu.sync_copy(mnst, mn_hbm.at[pl.ds(row0, _STAGE)])
            pltpu.sync_copy(mxst, mx_hbm.at[pl.ds(row0, _STAGE)])
            pltpu.sync_copy(sst, s_hbm.at[pl.ds(row0, _STAGE)])
            pltpu.sync_copy(qst, q_hbm.at[pl.ds(row0, _STAGE)])

        return _

    lax.fori_loop(0, _NV, node_body, 0)


def _seg_agg(m_sorted, rs_padded):
    out = jax.ShapeDtypeStruct((_NPAD, HID), jnp.float32)
    kern = pl.kernel(
        _seg_agg_body,
        out_type=(out, out, out, out),
        mesh=plsc.VectorSubcoreMesh(core_axis_name="c", subcore_axis_name="s"),
        scratch_types=[
            pltpu.VMEM((_BLK, HID), jnp.float32),
            pltpu.VMEM((_RSBUF,), jnp.int32),
            pltpu.VMEM((_STAGE, HID), jnp.float32),
            pltpu.VMEM((_STAGE, HID), jnp.float32),
            pltpu.VMEM((_STAGE, HID), jnp.float32),
            pltpu.VMEM((_STAGE, HID), jnp.float32),
        ],
    )
    return kern(m_sorted, rs_padded)


def _csr(dst):
    perm = jnp.argsort(dst, stable=True).astype(jnp.int32)
    dst_sorted = dst[perm]
    rs = jnp.searchsorted(dst_sorted,
                          jnp.arange(_NPAD + _RSBUF, dtype=jnp.int32),
                          side='left').astype(jnp.int32)
    return perm, dst_sorted, rs


def _bn(x, g, b):
    mu = x.mean(0)
    v = x.var(0)
    return (x - mu) / jnp.sqrt(v + 1e-5) * g + b


def kernel(x, edge_index, edge_attr, batch, params):
    src, dst = edge_index[0], edge_index[1]
    n = N_NODES
    perm, dst_s, rs = _csr(dst)
    src_s = src[perm]
    h = jax.nn.leaky_relu(x @ params['Wn'] + params['bn'])
    ea = jax.nn.leaky_relu(edge_attr[perm] @ params['We0'] + params['be0'])
    cnt_raw = (rs[1:n + 1] - rs[:n]).astype(jnp.float32)
    cnt = jnp.maximum(cnt_raw, 1.0)
    for p in params['convs']:
        e = ea @ p['We'] + p['be']
        m = jnp.concatenate([h[dst_s], h[src_s], e], axis=-1) @ p['Wpre'] + p['bpre']
        m_padded = jnp.concatenate(
            [m, jnp.zeros((_MPAD - N_EDGES, HID), jnp.float32)])
        mn_k, mx_k, S_k, Q_k = _seg_agg(m_padded, rs)
        mean = S_k[:n] / cnt[:, None]
        has = (cnt_raw > 0)[:, None]
        mn = jnp.where(has, mn_k[:n], 0.0)
        mx = jnp.where(has, mx_k[:n], 0.0)
        msq = Q_k[:n] / cnt[:, None]
        std = jnp.sqrt(jax.nn.relu(msq - mean * mean) + 1e-5)
        agg = jnp.concatenate([mean, mn, mx, std], axis=-1)
        logd = jnp.log(cnt + 1.0)[:, None]
        out = jnp.concatenate([agg, agg * (logd / AVG_LOG), agg * (AVG_LOG / logd)], axis=-1)
        out = jnp.concatenate([h, out], axis=-1) @ p['Wpost'] + p['bpost']
        out = out @ p['Wlin'] + p['blin']
        h = jax.nn.relu(_bn(out, p['g'], p['bb']))
    g = jax.ops.segment_sum(h, batch, NUM_GRAPHS)
    g = jax.nn.relu(_bn(g @ params['Wm'] + params['bm'], params['gm'], params['bmb']))
    g = jax.nn.relu(_bn(g @ params['Wo1'] + params['bo1'], params['go1'], params['bo1b']))
    g = jax.nn.relu(_bn(g @ params['Wo2'] + params['bo2'], params['go2'], params['bo2b']))
    return g @ params['Wo3'] + params['bo3']

# --- scband reference (transcript-rebuilt; emitter-appended) ---
"""Pipeline reference for scband-pnapcsaft2-9577777070401 (READ-ONLY COPY).

The authoritative reference and input builder live on the scoring server;
editing this copy changes nothing except your own understanding.
"""

import jax, jax.numpy as jnp
import numpy as np

N_NODES = 50000
N_EDGES = 800000
HID = 64
NUM_GRAPHS = 256
DEG_HIST = np.array([0, 0, 0, 0, 120, 360, 840, 1600, 2600, 3600, 4400, 4900, 5000, 4900, 4400, 3600, 2600, 1600, 840, 360, 120], dtype=np.float64)
AVG_LOG = float((np.log(np.arange(len(DEG_HIST)) + 1.0) * DEG_HIST).sum() / DEG_HIST.sum())


def _lin_params(key, fan_in, fan_out):
    k1, k2 = jax.random.split(key)
    s = 1.0 / np.sqrt(fan_in)
    W = jax.random.uniform(k1, (fan_in, fan_out), minval=-s, maxval=s, dtype=jnp.float32)
    b = jax.random.uniform(k2, (fan_out,), minval=-s, maxval=s, dtype=jnp.float32)
    return W, b


def setup_inputs(seed: int = 0) -> dict:
    key = jax.random.key(seed)
    ks = jax.random.split(key, 16)
    x = jax.random.normal(ks[0], (N_NODES, 32), dtype=jnp.float32)
    edge_index = jax.random.randint(ks[1], (2, N_EDGES), 0, N_NODES, dtype=jnp.int32)
    edge_attr = jax.random.normal(ks[2], (N_EDGES, 11), dtype=jnp.float32)
    batch = jnp.sort(jax.random.randint(ks[3], (N_NODES,), 0, NUM_GRAPHS, dtype=jnp.int32))
    params = {}
    params['Wn'], params['bn'] = _lin_params(ks[4], 32, HID)
    params['We0'], params['be0'] = _lin_params(ks[5], 11, HID)
    convs = []
    for i in range(2):
        kk = jax.random.split(ks[6 + i], 4)
        p = {}
        p['We'], p['be'] = _lin_params(kk[0], HID, HID)
        p['Wpre'], p['bpre'] = _lin_params(kk[1], 3 * HID, HID)
        p['Wpost'], p['bpost'] = _lin_params(kk[2], 13 * HID, HID)
        p['Wlin'], p['blin'] = _lin_params(kk[3], HID, HID)
        p['g'] = jnp.ones((HID,), jnp.float32)
        p['bb'] = jnp.zeros((HID,), jnp.float32)
        convs.append(p)
    params['convs'] = convs
    params['Wm'], params['bm'] = _lin_params(ks[8], HID, HID)
    params['gm'] = jnp.ones((HID,), jnp.float32)
    params['bmb'] = jnp.zeros((HID,), jnp.float32)
    params['Wo1'], params['bo1'] = _lin_params(ks[9], HID, HID // 2)
    params['go1'] = jnp.ones((HID // 2,), jnp.float32)
    params['bo1b'] = jnp.zeros((HID // 2,), jnp.float32)
    params['Wo2'], params['bo2'] = _lin_params(ks[10], HID // 2, HID // 4)
    params['go2'] = jnp.ones((HID // 4,), jnp.float32)
    params['bo2b'] = jnp.zeros((HID // 4,), jnp.float32)
    params['Wo3'], params['bo3'] = _lin_params(ks[11], HID // 4, 3)
    return {'x': x, 'edge_index': edge_index, 'edge_attr': edge_attr, 'batch': batch, 'params': params}


def _bn(x, g, b):
    mu = x.mean(0)
    v = x.var(0)
    return (x - mu) / jnp.sqrt(v + 1e-5) * g + b


def _pna(h, ea, src, dst, p):
    n = h.shape[0]
    e = ea @ p['We'] + p['be']
    m = jnp.concatenate([h[dst], h[src], e], axis=-1) @ p['Wpre'] + p['bpre']
    cnt_raw = jax.ops.segment_sum(jnp.ones((m.shape[0],), m.dtype), dst, n)
    cnt = jnp.maximum(cnt_raw, 1.0)
    mean = jax.ops.segment_sum(m, dst, n) / cnt[:, None]
    has = (cnt_raw > 0)[:, None]
    mn = jnp.where(has, jax.ops.segment_min(m, dst, n), 0.0)
    mx = jnp.where(has, jax.ops.segment_max(m, dst, n), 0.0)
    msq = jax.ops.segment_sum(m * m, dst, n) / cnt[:, None]
    std = jnp.sqrt(jax.nn.relu(msq - mean * mean) + 1e-5)
    agg = jnp.concatenate([mean, mn, mx, std], axis=-1)
    logd = jnp.log(cnt + 1.0)[:, None]
    out = jnp.concatenate([agg, agg * (logd / AVG_LOG), agg * (AVG_LOG / logd)], axis=-1)
    out = jnp.concatenate([h, out], axis=-1) @ p['Wpost'] + p['bpost']
    return out @ p['Wlin'] + p['blin']


def _forward(x, edge_attr, params, edge_index, batch):
    src, dst = edge_index[0], edge_index[1]
    h = jax.nn.leaky_relu(x @ params['Wn'] + params['bn'])
    ea = jax.nn.leaky_relu(edge_attr @ params['We0'] + params['be0'])
    for p in params['convs']:
        h = jax.nn.relu(_bn(_pna(h, ea, src, dst, p), p['g'], p['bb']))
    g = jax.ops.segment_sum(h, batch, NUM_GRAPHS)
    g = jax.nn.relu(_bn(g @ params['Wm'] + params['bm'], params['gm'], params['bmb']))
    g = jax.nn.relu(_bn(g @ params['Wo1'] + params['bo1'], params['go1'], params['bo1b']))
    g = jax.nn.relu(_bn(g @ params['Wo2'] + params['bo2'], params['go2'], params['bo2b']))
    return g @ params['Wo3'] + params['bo3']


def reference(x, edge_index, edge_attr, batch, params):
    return _forward(x, edge_attr, params, edge_index, batch)

if __name__ == "__main__":
    import jax
    _d = setup_inputs()
    print(jax.jit(kernel)(*tuple(_d.values())))

</pallas_src>

<mosaic_0001>
#map = affine_map<(d0, d1) -> (0, 0)>
#map1 = affine_map<(d0, d1) -> (0)>
module attributes {stable_mosaic.version = 14 : i64} {
  func.func @_seg_agg_body(%arg0: i32, %arg1: i32, %arg2: memref<800072x64xf32, #tpu.memory_space<hbm>>, %arg3: memref<52864xi32, #tpu.memory_space<hbm>>, %arg4: memref<51200x64xf32, #tpu.memory_space<hbm>>, %arg5: memref<51200x64xf32, #tpu.memory_space<hbm>>, %arg6: memref<51200x64xf32, #tpu.memory_space<hbm>>, %arg7: memref<51200x64xf32, #tpu.memory_space<hbm>>, %arg8: memref<32x64xf32, #tpu.memory_space<vmem>>, %arg9: memref<1664xi32, #tpu.memory_space<vmem>>, %arg10: memref<64x64xf32, #tpu.memory_space<vmem>>, %arg11: memref<64x64xf32, #tpu.memory_space<vmem>>, %arg12: memref<64x64xf32, #tpu.memory_space<vmem>>, %arg13: memref<64x64xf32, #tpu.memory_space<vmem>>) attributes {dimension_semantics = [#tpu.dimension_semantics<core_parallel>, #tpu.dimension_semantics<subcore_parallel>], iteration_bounds = array<i64: 2, 16>, scalar_prefetch = 0 : i64, scratch_operands = 6 : i64, tpu.core_type = #tpu.core_type<sc_vector_subcore>, window_params = [{transform_indices = #map}, {transform_indices = #map1}, {transform_indices = #map}, {transform_indices = #map}, {transform_indices = #map}, {transform_indices = #map}]} {
    %mul3A = arith.constant 2 : i32
    %mul3A_0 = arith.muli %arg1, %mul3A : i32
    %add3A = arith.addi %mul3A_0, %arg0 : i32
    %mul3A_1 = arith.constant 1600 : i32
    %mul3A_2 = arith.muli %add3A, %mul3A_1 : i32
    "tpu.region"() ({
      %run_scoped3A = tpu.sem_alloc : memref<!tpu.dma_semaphore, #tpu.memory_space<semaphore_mem>>
      %dma_start3A = tpu.memref_slice %arg3[%mul3A_2] : memref<52864xi32, #tpu.memory_space<hbm>> -> memref<1664xi32, #tpu.memory_space<hbm>>
      %dma_start3A_11 = tpu.memref_slice %arg3[%mul3A_2] : memref<52864xi32, #tpu.memory_space<hbm>> -> memref<1664xi32, #tpu.memory_space<hbm>>
      tpu.enqueue_dma source(%dma_start3A_11 : memref<1664xi32, #tpu.memory_space<hbm>>) target(%arg9 : memref<1664xi32, #tpu.memory_space<vmem>>) target_semaphore(%run_scoped3A : memref<!tpu.dma_semaphore, #tpu.memory_space<semaphore_mem>>)
      %dma_wait3A = tpu.memref_slice %arg3[%mul3A_2] : memref<52864xi32, #tpu.memory_space<hbm>> -> memref<1664xi32, #tpu.memory_space<hbm>>
      %dma_wait3A_12 = tpu.memref_slice %arg3[%mul3A_2] : memref<52864xi32, #tpu.memory_space<hbm>> -> memref<1664xi32, #tpu.memory_space<hbm>>
      tpu.wait_dma2 semaphore(%run_scoped3A : memref<!tpu.dma_semaphore, #tpu.memory_space<semaphore_mem>>) src(%dma_wait3A_12 : memref<1664xi32, #tpu.memory_space<hbm>>) dst(%arg9 : memref<1664xi32, #tpu.memory_space<vmem>>)
      tpu.yield
    }) : () -> ()
    %broadcast_in_dim3A = arith.constant 0x7F800000 : f32
    %broadcast_in_dim3A_3 = vector.broadcast %broadcast_in_dim3A : f32 to vector<16xf32>
    %broadcast_in_dim3A_4 = arith.constant 0.000000e+00 : f32
    %broadcast_in_dim3A_5 = vector.broadcast %broadcast_in_dim3A_4 : f32 to vector<16xf32>
    %scan3A = arith.constant 0 : i32
    %scan3A_6 = arith.constant 0 : i32
    %scan3A_7 = arith.constant 1600 : i32
    %scan3A_8 = arith.addi %scan3A_6, %scan3A_7 : i32
    %scan3A_9 = arith.constant 1 : i32
    scf.for %scan3A_11 = %scan3A_6 to %scan3A_8 step %scan3A_9  : i32 {
      %get3A = arith.index_cast %scan3A_11 : i32 to index
      %get3A_12 = tpu.vector_load %arg9[%get3A] {strides = array<i32>} : memref<1664xi32, #tpu.memory_space<vmem>>, vector<16xi32>,
      %get3A_13 = vector.shape_cast %get3A_12 : vector<16xi32> to vector<16xi32>
      %slice3A = vector.extract_strided_slice %get3A_13 {offsets = [0], sizes = [1], strides = [1]} : vector<16xi32> to vector<1xi32>
      %squeeze3A = vector.extract %slice3A[0] : i32 from vector<1xi32>
      %slice3A_14 = vector.extract_strided_slice %get3A_13 {offsets = [1], sizes = [1], strides = [1]} : vector<16xi32> to vector<1xi32>
      %squeeze3A_15 = vector.extract %slice3A_14[0] : i32 from vector<1xi32>
      %jit3A = arith.constant 8 : i32
      %div3A = arith.divsi %squeeze3A, %jit3A : i32
      %sign3A = arith.constant 0 : i32
      %sign3A_16 = arith.cmpi sgt, %squeeze3A, %sign3A : i32
      %sign3A_17 = arith.extui %sign3A_16 : i1 to i32
      %sign3A_18 = arith.constant 0 : i32
      %sign3A_19 = arith.cmpi slt, %squeeze3A, %sign3A_18 : i32
      %sign3A_20 = arith.extui %sign3A_19 : i1 to i32
      %sign3A_21 = arith.subi %sign3A_17, %sign3A_20 : i32
      %sign3A_22 = arith.constant 0 : i32
      %sign3A_23 = arith.cmpi sgt, %jit3A, %sign3A_22 : i32
      %sign3A_24 = arith.extui %sign3A_23 : i1 to i32
      %sign3A_25 = arith.constant 0 : i32
      %sign3A_26 = arith.cmpi slt, %jit3A, %sign3A_25 : i32
      %sign3A_27 = arith.extui %sign3A_26 : i1 to i32
      %sign3A_28 = arith.subi %sign3A_24, %sign3A_27 : i32
      %ne3A = arith.cmpi ne, %sign3A_21, %sign3A_28 : i32
      %rem3A = arith.remsi %squeeze3A, %jit3A : i32
      %ne3A_29 = arith.constant 0 : i32
      %ne3A_30 = arith.cmpi ne, %rem3A, %ne3A_29 : i32
      %and3A = arith.andi %ne3A, %ne3A_30 : i1
      %sub3A = arith.constant 1 : i32
      %sub3A_31 = arith.subi %div3A, %sub3A : i32
      %select_n3A = arith.select %and3A, %sub3A_31, %div3A : i32
      %mul3A_32 = arith.constant 8 : i32
      %mul3A_33 = arith.muli %select_n3A, %mul3A_32 : i32
      %multiple_of3A = tpu.assume_multiple %mul3A_33, 8 : i32
      %sub3A_34 = arith.subi %squeeze3A_15, %multiple_of3A : i32
      %add3A_35 = arith.constant 31 : i32
      %add3A_36 = arith.addi %sub3A_34, %add3A_35 : i32
      %max3A = arith.constant 0 : i32
      %max3A_37 = arith.maxsi %add3A_36, %max3A : i32
      %jit3A_38 = arith.constant 32 : i32
      %div3A_39 = arith.divsi %max3A_37, %jit3A_38 : i32
      %sign3A_40 = arith.constant 0 : i32
      %sign3A_41 = arith.cmpi sgt, %max3A_37, %sign3A_40 : i32
      %sign3A_42 = arith.extui %sign3A_41 : i1 to i32
      %sign3A_43 = arith.constant 0 : i32
      %sign3A_44 = arith.cmpi slt, %max3A_37, %sign3A_43 : i32
      %sign3A_45 = arith.extui %sign3A_44 : i1 to i32
      %sign3A_46 = arith.subi %sign3A_42, %sign3A_45 : i32
      %sign3A_47 = arith.constant 0 : i32
      %sign3A_48 = arith.cmpi sgt, %jit3A_38, %sign3A_47 : i32
      %sign3A_49 = arith.extui %sign3A_48 : i1 to i32
      %sign3A_50 = arith.constant 0 : i32
      %sign3A_51 = arith.cmpi slt, %jit3A_38, %sign3A_50 : i32
      %sign3A_52 = arith.extui %sign3A_51 : i1 to i32
      %sign3A_53 = arith.subi %sign3A_49, %sign3A_52 : i32
      %ne3A_54 = arith.cmpi ne, %sign3A_46, %sign3A_53 : i32
      %rem3A_55 = arith.remsi %max3A_37, %jit3A_38 : i32
      %ne3A_56 = arith.constant 0 : i32
      %ne3A_57 = arith.cmpi ne, %rem3A_55, %ne3A_56 : i32
      %and3A_58 = arith.andi %ne3A_54, %ne3A_57 : i1
      %sub3A_59 = arith.constant 1 : i32
      %sub3A_60 = arith.subi %div3A_39, %sub3A_59 : i32
      %select_n3A_61 = arith.select %and3A_58, %sub3A_60, %div3A_39 : i32
      %neg3A = arith.constant 0.000000e+00 : f32
      %neg3A_62 = vector.broadcast %neg3A : f32 to vector<16xf32>
      %neg3A_63 = arith.subf %neg3A_62, %broadcast_in_dim3A_3 : vector<16xf32>
      %neg3A_64 = arith.constant 0.000000e+00 : f32
      %neg3A_65 = vector.broadcast %neg3A_64 : f32 to vector<16xf32>
      %neg3A_66 = arith.subf %neg3A_65, %broadcast_in_dim3A_3 : vector<16xf32>
      %neg3A_67 = arith.constant 0.000000e+00 : f32
      %neg3A_68 = vector.broadcast %neg3A_67 : f32 to vector<16xf32>
      %neg3A_69 = arith.subf %neg3A_68, %broadcast_in_dim3A_3 : vector<16xf32>
      %neg3A_70 = arith.constant 0.000000e+00 : f32
      %neg3A_71 = vector.broadcast %neg3A_70 : f32 to vector<16xf32>
      %neg3A_72 = arith.subf %neg3A_71, %broadcast_in_dim3A_3 : vector<16xf32>
      %while3A = arith.constant 0 : i32
      %while3A_73 = arith.subi %select_n3A_61, %while3A : i32
      %while3A_74 = arith.addi %while3A, %while3A_73 : i32
      %while3A_75 = arith.constant 1 : i32
      %while3A_76 = arith.divsi %while3A_73, %while3A_75 : i32
      %while3A_77 = arith.muli %while3A_76, %while3A_75 : i32
      %while3A_78 = arith.addi %while3A, %while3A_77 : i32
      %while3A_79 = arith.constant 1 : i32
      %while3A_80:16 = scf.for %while3A_166 = %while3A to %while3A_78 step %while3A_79 iter_args(%while3A_167 = %broadcast_in_dim3A_3, %while3A_168 = %broadcast_in_dim3A_3, %while3A_169 = %broadcast_in_dim3A_3, %while3A_170 = %broadcast_in_dim3A_3, %while3A_171 = %neg3A_63, %while3A_172 = %neg3A_66, %while3A_173 = %neg3A_69, %while3A_174 = %neg3A_72, %while3A_175 = %broadcast_in_dim3A_5, %while3A_176 = %broadcast_in_dim3A_5, %while3A_177 = %broadcast_in_dim3A_5, %while3A_178 = %broadcast_in_dim3A_5, %while3A_179 = %broadcast_in_dim3A_5, %while3A_180 = %broadcast_in_dim3A_5, %while3A_181 = %broadcast_in_dim3A_5, %while3A_182 = %broadcast_in_dim3A_5) -> (vector<16xf32>, vector<16xf32>, vector<16xf32>, vector<16xf32>, vector<16xf32>, vector<16xf32>, vector<16xf32>, vector<16xf32>, vector<16xf32>, vector<16xf32>, vector<16xf32>, vector<16xf32>, vector<16xf32>, vector<16xf32>, vector<16xf32>, vector<16xf32>)  : i32 {
        %mul3A_183 = arith.constant 32 : i32
        %mul3A_184 = arith.muli %while3A_166, %mul3A_183 : i32
        %add3A_185 = arith.addi %multiple_of3A, %mul3A_184 : i32
        %multiple_of3A_186 = tpu.assume_multiple %add3A_185, 8 : i32
        %sub3A_187 = arith.subi %squeeze3A, %multiple_of3A_186 : i32
        %max3A_188 = arith.constant 0 : i32
        %max3A_189 = arith.maxsi %sub3A_187, %max3A_188 : i32
        %sub3A_190 = arith.subi %squeeze3A_15, %multiple_of3A_186 : i32
        %min3A = arith.constant 32 : i32
        %min3A_191 = arith.minsi %sub3A_190, %min3A : i32
        "tpu.region"() ({
          %run_scoped3A = tpu.sem_alloc : memref<!tpu.dma_semaphore, #tpu.memory_space<semaphore_mem>>
          %dma_start3A = arith.constant 0 : i32
          %dma_start3A_202 = tpu.memref_slice %arg2[%multiple_of3A_186, %dma_start3A] : memref<800072x64xf32, #tpu.memory_space<hbm>> -> memref<32x64xf32, #tpu.memory_space<hbm>>
          %dma_start3A_203 = arith.constant 0 : i32
          %dma_start3A_204 = tpu.memref_slice %arg2[%multiple_of3A_186, %dma_start3A_203] : memref<800072x64xf32, #tpu.memory_space<hbm>> -> memref<32x64xf32, #tpu.memory_space<hbm>>
          tpu.enqueue_dma source(%dma_start3A_204 : memref<32x64xf32, #tpu.memory_space<hbm>>) target(%arg8 : memref<32x64xf32, #tpu.memory_space<vmem>>) target_semaphore(%run_scoped3A : memref<!tpu.dma_semaphore, #tpu.memory_space<semaphore_mem>>)
          %dma_wait3A = arith.constant 0 : i32
          %dma_wait3A_205 = tpu.memref_slice %arg2[%multiple_of3A_186, %dma_wait3A] : memref<800072x64xf32, #tpu.memory_space<hbm>> -> memref<32x64xf32, #tpu.memory_space<hbm>>
          %dma_wait3A_206 = arith.constant 0 : i32
          %dma_wait3A_207 = tpu.memref_slice %arg2[%multiple_of3A_186, %dma_wait3A_206] : memref<800072x64xf32, #tpu.memory_space<hbm>> -> memref<32x64xf32, #tpu.memory_space<hbm>>
          tpu.wait_dma2 semaphore(%run_scoped3A : memref<!tpu.dma_semaphore, #tpu.memory_space<semaphore_mem>>) src(%dma_wait3A_207 : memref<32x64xf32, #tpu.memory_space<hbm>>) dst(%arg8 : memref<32x64xf32, #tpu.memory_space<vmem>>)
          tpu.yield
        }) : () -> ()
        %while3A_192 = arith.subi %min3A_191, %max3A_189 : i32
        %while3A_193 = arith.addi %max3A_189, %while3A_192 : i32
        %while3A_194 = arith.constant 1 : i32
        %while3A_195 = arith.divsi %while3A_192, %while3A_194 : i32
        %while3A_196 = arith.muli %while3A_195, %while3A_194 : i32
        %while3A_197 = arith.addi %max3A_189, %while3A_196 : i32
        %while3A_198 = arith.constant 1 : i32
        %while3A_199:16 = scf.for %while3A_202 = %max3A_189 to %while3A_197 step %while3A_198 iter_args(%while3A_203 = %while3A_167, %while3A_204 = %while3A_168, %while3A_205 = %while3A_169, %while3A_206 = %while3A_170, %while3A_207 = %while3A_171, %while3A_208 = %while3A_172, %while3A_209 = %while3A_173, %while3A_210 = %while3A_174, %while3A_211 = %while3A_175, %while3A_212 = %while3A_176, %while3A_213 = %while3A_177, %while3A_214 = %while3A_178, %while3A_215 = %while3A_179, %while3A_216 = %while3A_180, %while3A_217 = %while3A_181, %while3A_218 = %while3A_182) -> (vector<16xf32>, vector<16xf32>, vector<16xf32>, vector<16xf32>, vector<16xf32>, vector<16xf32>, vector<16xf32>, vector<16xf32>, vector<16xf32>, vector<16xf32>, vector<16xf32>, vector<16xf32>, vector<16xf32>, vector<16xf32>, vector<16xf32>, vector<16xf32>)  : i32 {
          %get3A_219 = arith.index_cast %while3A_202 : i32 to index
          %get3A_220 = arith.constant 0 : index
          %get3A_221 = tpu.vector_load %arg8[%get3A_219, %get3A_220] {strides = array<i32>} : memref<32x64xf32, #tpu.memory_space<vmem>>, vector<1x16xf32>,
          %get3A_222 = vector.shape_cast %get3A_221 : vector<1x16xf32> to vector<16xf32>
          %get3A_223 = arith.index_cast %while3A_202 : i32 to index
          %get3A_224 = arith.constant 16 : index
          %get3A_225 = tpu.vector_load %arg8[%get3A_223, %get3A_224] {strides = array<i32>} : memref<32x64xf32, #tpu.memory_space<vmem>>, vector<1x16xf32>,
          %get3A_226 = vector.shape_cast %get3A_225 : vector<1x16xf32> to vector<16xf32>
          %get3A_227 = arith.index_cast %while3A_202 : i32 to index
          %get3A_228 = arith.constant 32 : index
          %get3A_229 = tpu.vector_load %arg8[%get3A_227, %get3A_228] {strides = array<i32>} : memref<32x64xf32, #tpu.memory_space<vmem>>, vector<1x16xf32>,
          %get3A_230 = vector.shape_cast %get3A_229 : vector<1x16xf32> to vector<16xf32>
          %get3A_231 = arith.index_cast %while3A_202 : i32 to index
          %get3A_232 = arith.constant 48 : index
          %get3A_233 = tpu.vector_load %arg8[%get3A_231, %get3A_232] {strides = array<i32>} : memref<32x64xf32, #tpu.memory_space<vmem>>, vector<1x16xf32>,
          %get3A_234 = vector.shape_cast %get3A_233 : vector<1x16xf32> to vector<16xf32>
          %min3A_235 = arith.minimumf %while3A_203, %get3A_222 : vector<16xf32>
          %min3A_236 = arith.minimumf %while3A_204, %get3A_226 : vector<16xf32>
          %min3A_237 = arith.minimumf %while3A_205, %get3A_230 : vector<16xf32>
          %min3A_238 = arith.minimumf %while3A_206, %get3A_234 : vector<16xf32>
          %max3A_239 = arith.maximumf %while3A_207, %get3A_222 : vector<16xf32>
          %max3A_240 = arith.maximumf %while3A_208, %get3A_226 : vector<16xf32>
          %max3A_241 = arith.maximumf %while3A_209, %get3A_230 : vector<16xf32>
          %max3A_242 = arith.maximumf %while3A_210, %get3A_234 : vector<16xf32>
          %add3A_243 = arith.addf %while3A_211, %get3A_222 : vector<16xf32>
          %add3A_244 = arith.addf %while3A_212, %get3A_226 : vector<16xf32>
          %add3A_245 = arith.addf %while3A_213, %get3A_230 : vector<16xf32>
          %add3A_246 = arith.addf %while3A_214, %get3A_234 : vector<16xf32>
          %mul3A_247 = arith.mulf %get3A_222, %get3A_222 : vector<16xf32>
          %add3A_248 = arith.addf %while3A_215, %mul3A_247 : vector<16xf32>
          %mul3A_249 = arith.mulf %get3A_226, %get3A_226 : vector<16xf32>
          %add3A_250 = arith.addf %while3A_216, %mul3A_249 : vector<16xf32>
          %mul3A_251 = arith.mulf %get3A_230, %get3A_230 : vector<16xf32>
          %add3A_252 = arith.addf %while3A_217, %mul3A_251 : vector<16xf32>
          %mul3A_253 = arith.mulf %get3A_234, %get3A_234 : vector<16xf32>
          %add3A_254 = arith.addf %while3A_218, %mul3A_253 : vector<16xf32>
          scf.yield %min3A_235, %min3A_236, %min3A_237, %min3A_238, %max3A_239, %max3A_240, %max3A_241, %max3A_242, %add3A_243, %add3A_244, %add3A_245, %add3A_246, %add3A_248, %add3A_250, %add3A_252, %add3A_254 : vector<16xf32>, vector<16xf32>, vector<16xf32>, vector<16xf32>, vector<16xf32>, vector<16xf32>, vector<16xf32>, vector<16xf32>, vector<16xf32>, vector<16xf32>, vector<16xf32>, vector<16xf32>, vector<16xf32>, vector<16xf32>, vector<16xf32>, vector<16xf32>
        }
        %while3A_200 = arith.constant 1 : i32
        %while3A_201:16 = scf.for %while3A_202 = %while3A_197 to %while3A_193 step %while3A_200 iter_args(%while3A_203 = %while3A_199#0, %while3A_204 = %while3A_199#1, %while3A_205 = %while3A_199#2, %while3A_206 = %while3A_199#3, %while3A_207 = %while3A_199#4, %while3A_208 = %while3A_199#5, %while3A_209 = %while3A_199#6, %while3A_210 = %while3A_199#7, %while3A_211 = %while3A_199#8, %while3A_212 = %while3A_199#9, %while3A_213 = %while3A_199#10, %while3A_214 = %while3A_199#11, %while3A_215 = %while3A_199#12, %while3A_216 = %while3A_199#13, %while3A_217 = %while3A_199#14, %while3A_218 = %while3A_199#15) -> (vector<16xf32>, vector<16xf32>, vector<16xf32>, vector<16xf32>, vector<16xf32>, vector<16xf32>, vector<16xf32>, vector<16xf32>, vector<16xf32>, vector<16xf32>, vector<16xf32>, vector<16xf32>, vector<16xf32>, vector<16xf32>, vector<16xf32>, vector<16xf32>)  : i32 {
          %get3A_219 = arith.index_cast %while3A_202 : i32 to index
          %get3A_220 = arith.constant 0 : index
          %get3A_221 = tpu.vector_load %arg8[%get3A_219, %get3A_220] {strides = array<i32>} : memref<32x64xf32, #tpu.memory_space<vmem>>, vector<1x16xf32>,
          %get3A_222 = vector.shape_cast %get3A_221 : vector<1x16xf32> to vector<16xf32>
          %get3A_223 = arith.index_cast %while3A_202 : i32 to index
          %get3A_224 = arith.constant 16 : index
          %get3A_225 = tpu.vector_load %arg8[%get3A_223, %get3A_224] {strides = array<i32>} : memref<32x64xf32, #tpu.memory_space<vmem>>, vector<1x16xf32>,
          %get3A_226 = vector.shape_cast %get3A_225 : vector<1x16xf32> to vector<16xf32>
          %get3A_227 = arith.index_cast %while3A_202 : i32 to index
          %get3A_228 = arith.constant 32 : index
          %get3A_229 = tpu.vector_load %arg8[%get3A_227, %get3A_228] {strides = array<i32>} : memref<32x64xf32, #tpu.memory_space<vmem>>, vector<1x16xf32>,
          %get3A_230 = vector.shape_cast %get3A_229 : vector<1x16xf32> to vector<16xf32>
          %get3A_231 = arith.index_cast %while3A_202 : i32 to index
          %get3A_232 = arith.constant 48 : index
          %get3A_233 = tpu.vector_load %arg8[%get3A_231, %get3A_232] {strides = array<i32>} : memref<32x64xf32, #tpu.memory_space<vmem>>, vector<1x16xf32>,
          %get3A_234 = vector.shape_cast %get3A_233 : vector<1x16xf32> to vector<16xf32>
          %min3A_235 = arith.minimumf %while3A_203, %get3A_222 : vector<16xf32>
          %min3A_236 = arith.minimumf %while3A_204, %get3A_226 : vector<16xf32>
          %min3A_237 = arith.minimumf %while3A_205, %get3A_230 : vector<16xf32>
          %min3A_238 = arith.minimumf %while3A_206, %get3A_234 : vector<16xf32>
          %max3A_239 = arith.maximumf %while3A_207, %get3A_222 : vector<16xf32>
          %max3A_240 = arith.maximumf %while3A_208, %get3A_226 : vector<16xf32>
          %max3A_241 = arith.maximumf %while3A_209, %get3A_230 : vector<16xf32>
          %max3A_242 = arith.maximumf %while3A_210, %get3A_234 : vector<16xf32>
          %add3A_243 = arith.addf %while3A_211, %get3A_222 : vector<16xf32>
          %add3A_244 = arith.addf %while3A_212, %get3A_226 : vector<16xf32>
          %add3A_245 = arith.addf %while3A_213, %get3A_230 : vector<16xf32>
          %add3A_246 = arith.addf %while3A_214, %get3A_234 : vector<16xf32>
          %mul3A_247 = arith.mulf %get3A_222, %get3A_222 : vector<16xf32>
          %add3A_248 = arith.addf %while3A_215, %mul3A_247 : vector<16xf32>
          %mul3A_249 = arith.mulf %get3A_226, %get3A_226 : vector<16xf32>
          %add3A_250 = arith.addf %while3A_216, %mul3A_249 : vector<16xf32>
          %mul3A_251 = arith.mulf %get3A_230, %get3A_230 : vector<16xf32>
          %add3A_252 = arith.addf %while3A_217, %mul3A_251 : vector<16xf32>
          %mul3A_253 = arith.mulf %get3A_234, %get3A_234 : vector<16xf32>
          %add3A_254 = arith.addf %while3A_218, %mul3A_253 : vector<16xf32>
          scf.yield %min3A_235, %min3A_236, %min3A_237, %min3A_238, %max3A_239, %max3A_240, %max3A_241, %max3A_242, %add3A_243, %add3A_244, %add3A_245, %add3A_246, %add3A_248, %add3A_250, %add3A_252, %add3A_254 : vector<16xf32>, vector<16xf32>, vector<16xf32>, vector<16xf32>, vector<16xf32>, vector<16xf32>, vector<16xf32>, vector<16xf32>, vector<16xf32>, vector<16xf32>, vector<16xf32>, vector<16xf32>, vector<16xf32>, vector<16xf32>, vector<16xf32>, vector<16xf32>
        }
        scf.yield %while3A_201#0, %while3A_201#1, %while3A_201#2, %while3A_201#3, %while3A_201#4, %while3A_201#5, %while3A_201#6, %while3A_201#7, %while3A_201#8, %while3A_201#9, %while3A_201#10, %while3A_201#11, %while3A_201#12, %while3A_201#13, %while3A_201#14, %while3A_201#15 : vector<16xf32>, vector<16xf32>, vector<16xf32>, vector<16xf32>, vector<16xf32>, vector<16xf32>, vector<16xf32>, vector<16xf32>, vector<16xf32>, vector<16xf32>, vector<16xf32>, vector<16xf32>, vector<16xf32>, vector<16xf32>, vector<16xf32>, vector<16xf32>
      }
      %while3A_81 = arith.constant 1 : i32
      %while3A_82:16 = scf.for %while3A_166 = %while3A_78 to %while3A_74 step %while3A_81 iter_args(%while3A_167 = %while3A_80#0, %while3A_168 = %while3A_80#1, %while3A_169 = %while3A_80#2, %while3A_170 = %while3A_80#3, %while3A_171 = %while3A_80#4, %while3A_172 = %while3A_80#5, %while3A_173 = %while3A_80#6, %while3A_174 = %while3A_80#7, %while3A_175 = %while3A_80#8, %while3A_176 = %while3A_80#9, %while3A_177 = %while3A_80#10, %while3A_178 = %while3A_80#11, %while3A_179 = %while3A_80#12, %while3A_180 = %while3A_80#13, %while3A_181 = %while3A_80#14, %while3A_182 = %while3A_80#15) -> (vector<16xf32>, vector<16xf32>, vector<16xf32>, vector<16xf32>, vector<16xf32>, vector<16xf32>, vector<16xf32>, vector<16xf32>, vector<16xf32>, vector<16xf32>, vector<16xf32>, vector<16xf32>, vector<16xf32>, vector<16xf32>, vector<16xf32>, vector<16xf32>)  : i32 {
        %mul3A_183 = arith.constant 32 : i32
        %mul3A_184 = arith.muli %while3A_166, %mul3A_183 : i32
        %add3A_185 = arith.addi %multiple_of3A, %mul3A_184 : i32
        %multiple_of3A_186 = tpu.assume_multiple %add3A_185, 8 : i32
        %sub3A_187 = arith.subi %squeeze3A, %multiple_of3A_186 : i32
        %max3A_188 = arith.constant 0 : i32
        %max3A_189 = arith.maxsi %sub3A_187, %max3A_188 : i32
        %sub3A_190 = arith.subi %squeeze3A_15, %multiple_of3A_186 : i32
        %min3A = arith.constant 32 : i32
        %min3A_191 = arith.minsi %sub3A_190, %min3A : i32
        "tpu.region"() ({
          %run_scoped3A = tpu.sem_alloc : memref<!tpu.dma_semaphore, #tpu.memory_space<semaphore_mem>>
          %dma_start3A = arith.constant 0 : i32
          %dma_start3A_202 = tpu.memref_slice %arg2[%multiple_of3A_186, %dma_start3A] : memref<800072x64xf32, #tpu.memory_space<hbm>> -> memref<32x64xf32, #tpu.memory_space<hbm>>
          %dma_start3A_203 = arith.constant 0 : i32
          %dma_start3A_204 = tpu.memref_slice %arg2[%multiple_of3A_186, %dma_start3A_203] : memref<800072x64xf32, #tpu.memory_space<hbm>> -> memref<32x64xf32, #tpu.memory_space<hbm>>
          tpu.enqueue_dma source(%dma_start3A_204 : memref<32x64xf32, #tpu.memory_space<hbm>>) target(%arg8 : memref<32x64xf32, #tpu.memory_space<vmem>>) target_semaphore(%run_scoped3A : memref<!tpu.dma_semaphore, #tpu.memory_space<semaphore_mem>>)
          %dma_wait3A = arith.constant 0 : i32
          %dma_wait3A_205 = tpu.memref_slice %arg2[%multiple_of3A_186, %dma_wait3A] : memref<800072x64xf32, #tpu.memory_space<hbm>> -> memref<32x64xf32, #tpu.memory_space<hbm>>
          %dma_wait3A_206 = arith.constant 0 : i32
          %dma_wait3A_207 = tpu.memref_slice %arg2[%multiple_of3A_186, %dma_wait3A_206] : memref<800072x64xf32, #tpu.memory_space<hbm>> -> memref<32x64xf32, #tpu.memory_space<hbm>>
          tpu.wait_dma2 semaphore(%run_scoped3A : memref<!tpu.dma_semaphore, #tpu.memory_space<semaphore_mem>>) src(%dma_wait3A_207 : memref<32x64xf32, #tpu.memory_space<hbm>>) dst(%arg8 : memref<32x64xf32, #tpu.memory_space<vmem>>)
          tpu.yield
        }) : () -> ()
        %while3A_192 = arith.subi %min3A_191, %max3A_189 : i32
        %while3A_193 = arith.addi %max3A_189, %while3A_192 : i32
        %while3A_194 = arith.constant 1 : i32
        %while3A_195 = arith.divsi %while3A_192, %while3A_194 : i32
        %while3A_196 = arith.muli %while3A_195, %while3A_194 : i32
        %while3A_197 = arith.addi %max3A_189, %while3A_196 : i32
        %while3A_198 = arith.constant 1 : i32
        %while3A_199:16 = scf.for %while3A_202 = %max3A_189 to %while3A_197 step %while3A_198 iter_args(%while3A_203 = %while3A_167, %while3A_204 = %while3A_168, %while3A_205 = %while3A_169, %while3A_206 = %while3A_170, %while3A_207 = %while3A_171, %while3A_208 = %while3A_172, %while3A_209 = %while3A_173, %while3A_210 = %while3A_174, %while3A_211 = %while3A_175, %while3A_212 = %while3A_176, %while3A_213 = %while3A_177, %while3A_214 = %while3A_178, %while3A_215 = %while3A_179, %while3A_216 = %while3A_180, %while3A_217 = %while3A_181, %while3A_218 = %while3A_182) -> (vector<16xf32>, vector<16xf32>, vector<16xf32>, vector<16xf32>, vector<16xf32>, vector<16xf32>, vector<16xf32>, vector<16xf32>, vector<16xf32>, vector<16xf32>, vector<16xf32>, vector<16xf32>, vector<16xf32>, vector<16xf32>, vector<16xf32>, vector<16xf32>)  : i32 {
          %get3A_219 = arith.index_cast %while3A_202 : i32 to index
          %get3A_220 = arith.constant 0 : index
          %get3A_221 = tpu.vector_load %arg8[%get3A_219, %get3A_220] {strides = array<i32>} : memref<32x64xf32, #tpu.memory_space<vmem>>, vector<1x16xf32>,
          %get3A_222 = vector.shape_cast %get3A_221 : vector<1x16xf32> to vector<16xf32>
          %get3A_223 = arith.index_cast %while3A_202 : i32 to index
          %get3A_224 = arith.constant 16 : index
          %get3A_225 = tpu.vector_load %arg8[%get3A_223, %get3A_224] {strides = array<i32>} : memref<32x64xf32, #tpu.memory_space<vmem>>, vector<1x16xf32>,
          %get3A_226 = vector.shape_cast %get3A_225 : vector<1x16xf32> to vector<16xf32>
          %get3A_227 = arith.index_cast %while3A_202 : i32 to index
          %get3A_228 = arith.constant 32 : index
          %get3A_229 = tpu.vector_load %arg8[%get3A_227, %get3A_228] {strides = array<i32>} : memref<32x64xf32, #tpu.memory_space<vmem>>, vector<1x16xf32>,
          %get3A_230 = vector.shape_cast %get3A_229 : vector<1x16xf32> to vector<16xf32>
          %get3A_231 = arith.index_cast %while3A_202 : i32 to index
          %get3A_232 = arith.constant 48 : index
          %get3A_233 = tpu.vector_load %arg8[%get3A_231, %get3A_232] {strides = array<i32>} : memref<32x64xf32, #tpu.memory_space<vmem>>, vector<1x16xf32>,
          %get3A_234 = vector.shape_cast %get3A_233 : vector<1x16xf32> to vector<16xf32>
          %min3A_235 = arith.minimumf %while3A_203, %get3A_222 : vector<16xf32>
          %min3A_236 = arith.minimumf %while3A_204, %get3A_226 : vector<16xf32>
          %min3A_237 = arith.minimumf %while3A_205, %get3A_230 : vector<16xf32>
          %min3A_238 = arith.minimumf %while3A_206, %get3A_234 : vector<16xf32>
          %max3A_239 = arith.maximumf %while3A_207, %get3A_222 : vector<16xf32>
          %max3A_240 = arith.maximumf %while3A_208, %get3A_226 : vector<16xf32>
          %max3A_241 = arith.maximumf %while3A_209, %get3A_230 : vector<16xf32>
          %max3A_242 = arith.maximumf %while3A_210, %get3A_234 : vector<16xf32>
          %add3A_243 = arith.addf %while3A_211, %get3A_222 : vector<16xf32>
          %add3A_244 = arith.addf %while3A_212, %get3A_226 : vector<16xf32>
          %add3A_245 = arith.addf %while3A_213, %get3A_230 : vector<16xf32>
          %add3A_246 = arith.addf %while3A_214, %get3A_234 : vector<16xf32>
          %mul3A_247 = arith.mulf %get3A_222, %get3A_222 : vector<16xf32>
          %add3A_248 = arith.addf %while3A_215, %mul3A_247 : vector<16xf32>
          %mul3A_249 = arith.mulf %get3A_226, %get3A_226 : vector<16xf32>
          %add3A_250 = arith.addf %while3A_216, %mul3A_249 : vector<16xf32>
          %mul3A_251 = arith.mulf %get3A_230, %get3A_230 : vector<16xf32>
          %add3A_252 = arith.addf %while3A_217, %mul3A_251 : vector<16xf32>
          %mul3A_253 = arith.mulf %get3A_234, %get3A_234 : vector<16xf32>
          %add3A_254 = arith.addf %while3A_218, %mul3A_253 : vector<16xf32>
          scf.yield %min3A_235, %min3A_236, %min3A_237, %min3A_238, %max3A_239, %max3A_240, %max3A_241, %max3A_242, %add3A_243, %add3A_244, %add3A_245, %add3A_246, %add3A_248, %add3A_250, %add3A_252, %add3A_254 : vector<16xf32>, vector<16xf32>, vector<16xf32>, vector<16xf32>, vector<16xf32>, vector<16xf32>, vector<16xf32>, vector<16xf32>, vector<16xf32>, vector<16xf32>, vector<16xf32>, vector<16xf32>, vector<16xf32>, vector<16xf32>, vector<16xf32>, vector<16xf32>
        }
        %while3A_200 = arith.constant 1 : i32
        %while3A_201:16 = scf.for %while3A_202 = %while3A_197 to %while3A_193 step %while3A_200 iter_args(%while3A_203 = %while3A_199#0, %while3A_204 = %while3A_199#1, %while3A_205 = %while3A_199#2, %while3A_206 = %while3A_199#3, %while3A_207 = %while3A_199#4, %while3A_208 = %while3A_199#5, %while3A_209 = %while3A_199#6, %while3A_210 = %while3A_199#7, %while3A_211 = %while3A_199#8, %while3A_212 = %while3A_199#9, %while3A_213 = %while3A_199#10, %while3A_214 = %while3A_199#11, %while3A_215 = %while3A_199#12, %while3A_216 = %while3A_199#13, %while3A_217 = %while3A_199#14, %while3A_218 = %while3A_199#15) -> (vector<16xf32>, vector<16xf32>, vector<16xf32>, vector<16xf32>, vector<16xf32>, vector<16xf32>, vector<16xf32>, vector<16xf32>, vector<16xf32>, vector<16xf32>, vector<16xf32>, vector<16xf32>, vector<16xf32>, vector<16xf32>, vector<16xf32>, vector<16xf32>)  : i32 {
          %get3A_219 = arith.index_cast %while3A_202 : i32 to index
          %get3A_220 = arith.constant 0 : index
          %get3A_221 = tpu.vector_load %arg8[%get3A_219, %get3A_220] {strides = array<i32>} : memref<32x64xf32, #tpu.memory_space<vmem>>, vector<1x16xf32>,
          %get3A_222 = vector.shape_cast %get3A_221 : vector<1x16xf32> to vector<16xf32>
          %get3A_223 = arith.index_cast %while3A_202 : i32 to index
          %get3A_224 = arith.constant 16 : index
          %get3A_225 = tpu.vector_load %arg8[%get3A_223, %get3A_224] {strides = array<i32>} : memref<32x64xf32, #tpu.memory_space<vmem>>, vector<1x16xf32>,
          %get3A_226 = vector.shape_cast %get3A_225 : vector<1x16xf32> to vector<16xf32>
          %get3A_227 = arith.index_cast %while3A_202 : i32 to index
          %get3A_228 = arith.constant 32 : index
          %get3A_229 = tpu.vector_load %arg8[%get3A_227, %get3A_228] {strides = array<i32>} : memref<32x64xf32, #tpu.memory_space<vmem>>, vector<1x16xf32>,
          %get3A_230 = vector.shape_cast %get3A_229 : vector<1x16xf32> to vector<16xf32>
          %get3A_231 = arith.index_cast %while3A_202 : i32 to index
          %get3A_232 = arith.constant 48 : index
          %get3A_233 = tpu.vector_load %arg8[%get3A_231, %get3A_232] {strides = array<i32>} : memref<32x64xf32, #tpu.memory_space<vmem>>, vector<1x16xf32>,
          %get3A_234 = vector.shape_cast %get3A_233 : vector<1x16xf32> to vector<16xf32>
          %min3A_235 = arith.minimumf %while3A_203, %get3A_222 : vector<16xf32>
          %min3A_236 = arith.minimumf %while3A_204, %get3A_226 : vector<16xf32>
          %min3A_237 = arith.minimumf %while3A_205, %get3A_230 : vector<16xf32>
          %min3A_238 = arith.minimumf %while3A_206, %get3A_234 : vector<16xf32>
          %max3A_239 = arith.maximumf %while3A_207, %get3A_222 : vector<16xf32>
          %max3A_240 = arith.maximumf %while3A_208, %get3A_226 : vector<16xf32>
          %max3A_241 = arith.maximumf %while3A_209, %get3A_230 : vector<16xf32>
          %max3A_242 = arith.maximumf %while3A_210, %get3A_234 : vector<16xf32>
          %add3A_243 = arith.addf %while3A_211, %get3A_222 : vector<16xf32>
          %add3A_244 = arith.addf %while3A_212, %get3A_226 : vector<16xf32>
          %add3A_245 = arith.addf %while3A_213, %get3A_230 : vector<16xf32>
          %add3A_246 = arith.addf %while3A_214, %get3A_234 : vector<16xf32>
          %mul3A_247 = arith.mulf %get3A_222, %get3A_222 : vector<16xf32>
          %add3A_248 = arith.addf %while3A_215, %mul3A_247 : vector<16xf32>
          %mul3A_249 = arith.mulf %get3A_226, %get3A_226 : vector<16xf32>
          %add3A_250 = arith.addf %while3A_216, %mul3A_249 : vector<16xf32>
          %mul3A_251 = arith.mulf %get3A_230, %get3A_230 : vector<16xf32>
          %add3A_252 = arith.addf %while3A_217, %mul3A_251 : vector<16xf32>
          %mul3A_253 = arith.mulf %get3A_234, %get3A_234 : vector<16xf32>
          %add3A_254 = arith.addf %while3A_218, %mul3A_253 : vector<16xf32>
          scf.yield %min3A_235, %min3A_236, %min3A_237, %min3A_238, %max3A_239, %max3A_240, %max3A_241, %max3A_242, %add3A_243, %add3A_244, %add3A_245, %add3A_246, %add3A_248, %add3A_250, %add3A_252, %add3A_254 : vector<16xf32>, vector<16xf32>, vector<16xf32>, vector<16xf32>, vector<16xf32>, vector<16xf32>, vector<16xf32>, vector<16xf32>, vector<16xf32>, vector<16xf32>, vector<16xf32>, vector<16xf32>, vector<16xf32>, vector<16xf32>, vector<16xf32>, vector<16xf32>
        }
        scf.yield %while3A_201#0, %while3A_201#1, %while3A_201#2, %while3A_201#3, %while3A_201#4, %while3A_201#5, %while3A_201#6, %while3A_201#7, %while3A_201#8, %while3A_201#9, %while3A_201#10, %while3A_201#11, %while3A_201#12, %while3A_201#13, %while3A_201#14, %while3A_201#15 : vector<16xf32>, vector<16xf32>, vector<16xf32>, vector<16xf32>, vector<16xf32>, vector<16xf32>, vector<16xf32>, vector<16xf32>, vector<16xf32>, vector<16xf32>, vector<16xf32>, vector<16xf32>, vector<16xf32>, vector<16xf32>, vector<16xf32>, vector<16xf32>
      }
      %rem3A_83 = arith.constant 64 : i32
      %rem3A_84 = arith.remsi %scan3A_11, %rem3A_83 : i32
      %swap3A = arith.index_cast %rem3A_84 : i32 to index
      %swap3A_85 = arith.constant 0 : index
      %swap3A_86 = tpu.vector_load %arg10[%swap3A, %swap3A_85] {strides = array<i32>} : memref<64x64xf32, #tpu.memory_space<vmem>>, vector<1x16xf32>,
      %swap3A_87 = vector.shape_cast %swap3A_86 : vector<1x16xf32> to vector<16xf32>
      %swap3A_88 = vector.shape_cast %while3A_82#0 : vector<16xf32> to vector<1x16xf32>
      tpu.vector_store %arg10[%swap3A, %swap3A_85], %swap3A_88 {strides = array<i32>} : memref<64x64xf32, #tpu.memory_space<vmem>>, vector<1x16xf32>,
      %swap3A_89 = arith.index_cast %rem3A_84 : i32 to index
      %swap3A_90 = arith.constant 0 : index
      %swap3A_91 = tpu.vector_load %arg11[%swap3A_89, %swap3A_90] {strides = array<i32>} : memref<64x64xf32, #tpu.memory_space<vmem>>, vector<1x16xf32>,
      %swap3A_92 = vector.shape_cast %swap3A_91 : vector<1x16xf32> to vector<16xf32>
      %swap3A_93 = vector.shape_cast %while3A_82#4 : vector<16xf32> to vector<1x16xf32>
      tpu.vector_store %arg11[%swap3A_89, %swap3A_90], %swap3A_93 {strides = array<i32>} : memref<64x64xf32, #tpu.memory_space<vmem>>, vector<1x16xf32>,
      %swap3A_94 = arith.index_cast %rem3A_84 : i32 to index
      %swap3A_95 = arith.constant 0 : index
      %swap3A_96 = tpu.vector_load %arg12[%swap3A_94, %swap3A_95] {strides = array<i32>} : memref<64x64xf32, #tpu.memory_space<vmem>>, vector<1x16xf32>,
      %swap3A_97 = vector.shape_cast %swap3A_96 : vector<1x16xf32> to vector<16xf32>
      %swap3A_98 = vector.shape_cast %while3A_82#8 : vector<16xf32> to vector<1x16xf32>
      tpu.vector_store %arg12[%swap3A_94, %swap3A_95], %swap3A_98 {strides = array<i32>} : memref<64x64xf32, #tpu.memory_space<vmem>>, vector<1x16xf32>,
      %swap3A_99 = arith.index_cast %rem3A_84 : i32 to index
      %swap3A_100 = arith.constant 0 : index
      %swap3A_101 = tpu.vector_load %arg13[%swap3A_99, %swap3A_100] {strides = array<i32>} : memref<64x64xf32, #tpu.memory_space<vmem>>, vector<1x16xf32>,
      %swap3A_102 = vector.shape_cast %swap3A_101 : vector<1x16xf32> to vector<16xf32>
      %swap3A_103 = vector.shape_cast %while3A_82#12 : vector<16xf32> to vector<1x16xf32>
      tpu.vector_store %arg13[%swap3A_99, %swap3A_100], %swap3A_103 {strides = array<i32>} : memref<64x64xf32, #tpu.memory_space<vmem>>, vector<1x16xf32>,
      %swap3A_104 = arith.index_cast %rem3A_84 : i32 to index
      %swap3A_105 = arith.constant 16 : index
      %swap3A_106 = tpu.vector_load %arg10[%swap3A_104, %swap3A_105] {strides = array<i32>} : memref<64x64xf32, #tpu.memory_space<vmem>>, vector<1x16xf32>,
      %swap3A_107 = vector.shape_cast %swap3A_106 : vector<1x16xf32> to vector<16xf32>
      %swap3A_108 = vector.shape_cast %while3A_82#1 : vector<16xf32> to vector<1x16xf32>
      tpu.vector_store %arg10[%swap3A_104, %swap3A_105], %swap3A_108 {strides = array<i32>} : memref<64x64xf32, #tpu.memory_space<vmem>>, vector<1x16xf32>,
      %swap3A_109 = arith.index_cast %rem3A_84 : i32 to index
      %swap3A_110 = arith.constant 16 : index
      %swap3A_111 = tpu.vector_load %arg11[%swap3A_109, %swap3A_110] {strides = array<i32>} : memref<64x64xf32, #tpu.memory_space<vmem>>, vector<1x16xf32>,
      %swap3A_112 = vector.shape_cast %swap3A_111 : vector<1x16xf32> to vector<16xf32>
      %swap3A_113 = vector.shape_cast %while3A_82#5 : vector<16xf32> to vector<1x16xf32>
      tpu.vector_store %arg11[%swap3A_109, %swap3A_110], %swap3A_113 {strides = array<i32>} : memref<64x64xf32, #tpu.memory_space<vmem>>, vector<1x16xf32>,
      %swap3A_114 = arith.index_cast %rem3A_84 : i32 to index
      %swap3A_115 = arith.constant 16 : index
      %swap3A_116 = tpu.vector_load %arg12[%swap3A_114, %swap3A_115] {strides = array<i32>} : memref<64x64xf32, #tpu.memory_space<vmem>>, vector<1x16xf32>,
      %swap3A_117 = vector.shape_cast %swap3A_116 : vector<1x16xf32> to vector<16xf32>
      %swap3A_118 = vector.shape_cast %while3A_82#9 : vector<16xf32> to vector<1x16xf32>
      tpu.vector_store %arg12[%swap3A_114, %swap3A_115], %swap3A_118 {strides = array<i32>} : memref<64x64xf32, #tpu.memory_space<vmem>>, vector<1x16xf32>,
      %swap3A_119 = arith.index_cast %rem3A_84 : i32 to index
      %swap3A_120 = arith.constant 16 : index
      %swap3A_121 = tpu.vector_load %arg13[%swap3A_119, %swap3A_120] {strides = array<i32>} : memref<64x64xf32, #tpu.memory_space<vmem>>, vector<1x16xf32>,
      %swap3A_122 = vector.shape_cast %swap3A_121 : vector<1x16xf32> to vector<16xf32>
      %swap3A_123 = vector.shape_cast %while3A_82#13 : vector<16xf32> to vector<1x16xf32>
      tpu.vector_store %arg13[%swap3A_119, %swap3A_120], %swap3A_123 {strides = array<i32>} : memref<64x64xf32, #tpu.memory_space<vmem>>, vector<1x16xf32>,
      %swap3A_124 = arith.index_cast %rem3A_84 : i32 to index
      %swap3A_125 = arith.constant 32 : index
      %swap3A_126 = tpu.vector_load %arg10[%swap3A_124, %swap3A_125] {strides = array<i32>} : memref<64x64xf32, #tpu.memory_space<vmem>>, vector<1x16xf32>,
      %swap3A_127 = vector.shape_cast %swap3A_126 : vector<1x16xf32> to vector<16xf32>
      %swap3A_128 = vector.shape_cast %while3A_82#2 : vector<16xf32> to vector<1x16xf32>
      tpu.vector_store %arg10[%swap3A_124, %swap3A_125], %swap3A_128 {strides = array<i32>} : memref<64x64xf32, #tpu.memory_space<vmem>>, vector<1x16xf32>,
      %swap3A_129 = arith.index_cast %rem3A_84 : i32 to index
      %swap3A_130 = arith.constant 32 : index
      %swap3A_131 = tpu.vector_load %arg11[%swap3A_129, %swap3A_130] {strides = array<i32>} : memref<64x64xf32, #tpu.memory_space<vmem>>, vector<1x16xf32>,
      %swap3A_132 = vector.shape_cast %swap3A_131 : vector<1x16xf32> to vector<16xf32>
      %swap3A_133 = vector.shape_cast %while3A_82#6 : vector<16xf32> to vector<1x16xf32>
      tpu.vector_store %arg11[%swap3A_129, %swap3A_130], %swap3A_133 {strides = array<i32>} : memref<64x64xf32, #tpu.memory_space<vmem>>, vector<1x16xf32>,
      %swap3A_134 = arith.index_cast %rem3A_84 : i32 to index
      %swap3A_135 = arith.constant 32 : index
      %swap3A_136 = tpu.vector_load %arg12[%swap3A_134, %swap3A_135] {strides = array<i32>} : memref<64x64xf32, #tpu.memory_space<vmem>>, vector<1x16xf32>,
      %swap3A_137 = vector.shape_cast %swap3A_136 : vector<1x16xf32> to vector<16xf32>
      %swap3A_138 = vector.shape_cast %while3A_82#10 : vector<16xf32> to vector<1x16xf32>
      tpu.vector_store %arg12[%swap3A_134, %swap3A_135], %swap3A_138 {strides = array<i32>} : memref<64x64xf32, #tpu.memory_space<vmem>>, vector<1x16xf32>,
      %swap3A_139 = arith.index_cast %rem3A_84 : i32 to index
      %swap3A_140 = arith.constant 32 : index
      %swap3A_141 = tpu.vector_load %arg13[%swap3A_139, %swap3A_140] {strides = array<i32>} : memref<64x64xf32, #tpu.memory_space<vmem>>, vector<1x16xf32>,
      %swap3A_142 = vector.shape_cast %swap3A_141 : vector<1x16xf32> to vector<16xf32>
      %swap3A_143 = vector.shape_cast %while3A_82#14 : vector<16xf32> to vector<1x16xf32>
      tpu.vector_store %arg13[%swap3A_139, %swap3A_140], %swap3A_143 {strides = array<i32>} : memref<64x64xf32, #tpu.memory_space<vmem>>, vector<1x16xf32>,
      %swap3A_144 = arith.index_cast %rem3A_84 : i32 to index
      %swap3A_145 = arith.constant 48 : index
      %swap3A_146 = tpu.vector_load %arg10[%swap3A_144, %swap3A_145] {strides = array<i32>} : memref<64x64xf32, #tpu.memory_space<vmem>>, vector<1x16xf32>,
      %swap3A_147 = vector.shape_cast %swap3A_146 : vector<1x16xf32> to vector<16xf32>
      %swap3A_148 = vector.shape_cast %while3A_82#3 : vector<16xf32> to vector<1x16xf32>
      tpu.vector_store %arg10[%swap3A_144, %swap3A_145], %swap3A_148 {strides = array<i32>} : memref<64x64xf32, #tpu.memory_space<vmem>>, vector<1x16xf32>,
      %swap3A_149 = arith.index_cast %rem3A_84 : i32 to index
      %swap3A_150 = arith.constant 48 : index
      %swap3A_151 = tpu.vector_load %arg11[%swap3A_149, %swap3A_150] {strides = array<i32>} : memref<64x64xf32, #tpu.memory_space<vmem>>, vector<1x16xf32>,
      %swap3A_152 = vector.shape_cast %swap3A_151 : vector<1x16xf32> to vector<16xf32>
      %swap3A_153 = vector.shape_cast %while3A_82#7 : vector<16xf32> to vector<1x16xf32>
      tpu.vector_store %arg11[%swap3A_149, %swap3A_150], %swap3A_153 {strides = array<i32>} : memref<64x64xf32, #tpu.memory_space<vmem>>, vector<1x16xf32>,
      %swap3A_154 = arith.index_cast %rem3A_84 : i32 to index
      %swap3A_155 = arith.constant 48 : index
      %swap3A_156 = tpu.vector_load %arg12[%swap3A_154, %swap3A_155] {strides = array<i32>} : memref<64x64xf32, #tpu.memory_space<vmem>>, vector<1x16xf32>,
      %swap3A_157 = vector.shape_cast %swap3A_156 : vector<1x16xf32> to vector<16xf32>
      %swap3A_158 = vector.shape_cast %while3A_82#11 : vector<16xf32> to vector<1x16xf32>
      tpu.vector_store %arg12[%swap3A_154, %swap3A_155], %swap3A_158 {strides = array<i32>} : memref<64x64xf32, #tpu.memory_space<vmem>>, vector<1x16xf32>,
      %swap3A_159 = arith.index_cast %rem3A_84 : i32 to index
      %swap3A_160 = arith.constant 48 : index
      %swap3A_161 = tpu.vector_load %arg13[%swap3A_159, %swap3A_160] {strides = array<i32>} : memref<64x64xf32, #tpu.memory_space<vmem>>, vector<1x16xf32>,
      %swap3A_162 = vector.shape_cast %swap3A_161 : vector<1x16xf32> to vector<16xf32>
      %swap3A_163 = vector.shape_cast %while3A_82#15 : vector<16xf32> to vector<1x16xf32>
      tpu.vector_store %arg13[%swap3A_159, %swap3A_160], %swap3A_163 {strides = array<i32>} : memref<64x64xf32, #tpu.memory_space<vmem>>, vector<1x16xf32>,
      %eq3A = arith.constant 63 : i32
      %eq3A_164 = arith.cmpi eq, %rem3A_84, %eq3A : i32
      %convert_element_type3A = arith.extui %eq3A_164 : i1 to i32
      %cond3A = arith.constant 0 : i32
      %cond3A_165 = arith.cmpi ne, %convert_element_type3A, %cond3A : i32
      scf.if %cond3A_165 {
        %add3A_166 = arith.addi %mul3A_2, %scan3A_11 : i32
        %sub3A_167 = arith.constant 63 : i32
        %sub3A_168 = arith.subi %add3A_166, %sub3A_167 : i32
        %multiple_of3A_169 = tpu.assume_multiple %sub3A_168, 8 : i32
        "tpu.region"() ({
          %run_scoped3A = tpu.sem_alloc : memref<!tpu.dma_semaphore, #tpu.memory_space<semaphore_mem>>
          %dma_start3A = arith.constant 0 : i32
          %dma_start3A_170 = tpu.memref_slice %arg4[%multiple_of3A_169, %dma_start3A] : memref<51200x64xf32, #tpu.memory_space<hbm>> -> memref<64x64xf32, #tpu.memory_space<hbm>>
          %dma_start3A_171 = arith.constant 0 : i32
          %dma_start3A_172 = tpu.memref_slice %arg4[%multiple_of3A_169, %dma_start3A_171] : memref<51200x64xf32, #tpu.memory_space<hbm>> -> memref<64x64xf32, #tpu.memory_space<hbm>>
          tpu.enqueue_dma source(%arg10 : memref<64x64xf32, #tpu.memory_space<vmem>>) target(%dma_start3A_172 : memref<64x64xf32, #tpu.memory_space<hbm>>) target_semaphore(%run_scoped3A : memref<!tpu.dma_semaphore, #tpu.memory_space<semaphore_mem>>)
          %dma_wait3A = arith.constant 0 : i32
          %dma_wait3A_173 = tpu.memref_slice %arg4[%multiple_of3A_169, %dma_wait3A] : memref<51200x64xf32, #tpu.memory_space<hbm>> -> memref<64x64xf32, #tpu.memory_space<hbm>>
          %dma_wait3A_174 = arith.constant 0 : i32
          %dma_wait3A_175 = tpu.memref_slice %arg4[%multiple_of3A_169, %dma_wait3A_174] : memref<51200x64xf32, #tpu.memory_space<hbm>> -> memref<64x64xf32, #tpu.memory_space<hbm>>
          tpu.wait_dma2 semaphore(%run_scoped3A : memref<!tpu.dma_semaphore, #tpu.memory_space<semaphore_mem>>) src(%arg10 : memref<64x64xf32, #tpu.memory_space<vmem>>) dst(%dma_wait3A_175 : memref<64x64xf32, #tpu.memory_space<hbm>>)
          tpu.yield
        }) : () -> ()
        "tpu.region"() ({
          %run_scoped3A = tpu.sem_alloc : memref<!tpu.dma_semaphore, #tpu.memory_space<semaphore_mem>>
          %dma_start3A = arith.constant 0 : i32
          %dma_start3A_170 = tpu.memref_slice %arg5[%multiple_of3A_169, %dma_start3A] : memref<51200x64xf32, #tpu.memory_space<hbm>> -> memref<64x64xf32, #tpu.memory_space<hbm>>
          %dma_start3A_171 = arith.constant 0 : i32
          %dma_start3A_172 = tpu.memref_slice %arg5[%multiple_of3A_169, %dma_start3A_171] : memref<51200x64xf32, #tpu.memory_space<hbm>> -> memref<64x64xf32, #tpu.memory_space<hbm>>
          tpu.enqueue_dma source(%arg11 : memref<64x64xf32, #tpu.memory_space<vmem>>) target(%dma_start3A_172 : memref<64x64xf32, #tpu.memory_space<hbm>>) target_semaphore(%run_scoped3A : memref<!tpu.dma_semaphore, #tpu.memory_space<semaphore_mem>>)
          %dma_wait3A = arith.constant 0 : i32
          %dma_wait3A_173 = tpu.memref_slice %arg5[%multiple_of3A_169, %dma_wait3A] : memref<51200x64xf32, #tpu.memory_space<hbm>> -> memref<64x64xf32, #tpu.memory_space<hbm>>
          %dma_wait3A_174 = arith.constant 0 : i32
          %dma_wait3A_175 = tpu.memref_slice %arg5[%multiple_of3A_169, %dma_wait3A_174] : memref<51200x64xf32, #tpu.memory_space<hbm>> -> memref<64x64xf32, #tpu.memory_space<hbm>>
          tpu.wait_dma2 semaphore(%run_scoped3A : memref<!tpu.dma_semaphore, #tpu.memory_space<semaphore_mem>>) src(%arg11 : memref<64x64xf32, #tpu.memory_space<vmem>>) dst(%dma_wait3A_175 : memref<64x64xf32, #tpu.memory_space<hbm>>)
          tpu.yield
        }) : () -> ()
        "tpu.region"() ({
          %run_scoped3A = tpu.sem_alloc : memref<!tpu.dma_semaphore, #tpu.memory_space<semaphore_mem>>
          %dma_start3A = arith.constant 0 : i32
          %dma_start3A_170 = tpu.memref_slice %arg6[%multiple_of3A_169, %dma_start3A] : memref<51200x64xf32, #tpu.memory_space<hbm>> -> memref<64x64xf32, #tpu.memory_space<hbm>>
          %dma_start3A_171 = arith.constant 0 : i32
          %dma_start3A_172 = tpu.memref_slice %arg6[%multiple_of3A_169, %dma_start3A_171] : memref<51200x64xf32, #tpu.memory_space<hbm>> -> memref<64x64xf32, #tpu.memory_space<hbm>>
          tpu.enqueue_dma source(%arg12 : memref<64x64xf32, #tpu.memory_space<vmem>>) target(%dma_start3A_172 : memref<64x64xf32, #tpu.memory_space<hbm>>) target_semaphore(%run_scoped3A : memref<!tpu.dma_semaphore, #tpu.memory_space<semaphore_mem>>)
          %dma_wait3A = arith.constant 0 : i32
          %dma_wait3A_173 = tpu.memref_slice %arg6[%multiple_of3A_169, %dma_wait3A] : memref<51200x64xf32, #tpu.memory_space<hbm>> -> memref<64x64xf32, #tpu.memory_space<hbm>>
          %dma_wait3A_174 = arith.constant 0 : i32
          %dma_wait3A_175 = tpu.memref_slice %arg6[%multiple_of3A_169, %dma_wait3A_174] : memref<51200x64xf32, #tpu.memory_space<hbm>> -> memref<64x64xf32, #tpu.memory_space<hbm>>
          tpu.wait_dma2 semaphore(%run_scoped3A : memref<!tpu.dma_semaphore, #tpu.memory_space<semaphore_mem>>) src(%arg12 : memref<64x64xf32, #tpu.memory_space<vmem>>) dst(%dma_wait3A_175 : memref<64x64xf32, #tpu.memory_space<hbm>>)
          tpu.yield
        }) : () -> ()
        "tpu.region"() ({
          %run_scoped3A = tpu.sem_alloc : memref<!tpu.dma_semaphore, #tpu.memory_space<semaphore_mem>>
          %dma_start3A = arith.constant 0 : i32
          %dma_start3A_170 = tpu.memref_slice %arg7[%multiple_of3A_169, %dma_start3A] : memref<51200x64xf32, #tpu.memory_space<hbm>> -> memref<64x64xf32, #tpu.memory_space<hbm>>
          %dma_start3A_171 = arith.constant 0 : i32
          %dma_start3A_172 = tpu.memref_slice %arg7[%multiple_of3A_169, %dma_start3A_171] : memref<51200x64xf32, #tpu.memory_space<hbm>> -> memref<64x64xf32, #tpu.memory_space<hbm>>
          tpu.enqueue_dma source(%arg13 : memref<64x64xf32, #tpu.memory_space<vmem>>) target(%dma_start3A_172 : memref<64x64xf32, #tpu.memory_space<hbm>>) target_semaphore(%run_scoped3A : memref<!tpu.dma_semaphore, #tpu.memory_space<semaphore_mem>>)
          %dma_wait3A = arith.constant 0 : i32
          %dma_wait3A_173 = tpu.memref_slice %arg7[%multiple_of3A_169, %dma_wait3A] : memref<51200x64xf32, #tpu.memory_space<hbm>> -> memref<64x64xf32, #tpu.memory_space<hbm>>
          %dma_wait3A_174 = arith.constant 0 : i32
          %dma_wait3A_175 = tpu.memref_slice %arg7[%multiple_of3A_169, %dma_wait3A_174] : memref<51200x64xf32, #tpu.memory_space<hbm>> -> memref<64x64xf32, #tpu.memory_space<hbm>>
          tpu.wait_dma2 semaphore(%run_scoped3A : memref<!tpu.dma_semaphore, #tpu.memory_space<semaphore_mem>>) src(%arg13 : memref<64x64xf32, #tpu.memory_space<vmem>>) dst(%dma_wait3A_175 : memref<64x64xf32, #tpu.memory_space<hbm>>)
          tpu.yield
        }) : () -> ()
      } else {
      }
    }
    %scan3A_10 = arith.constant 1600 : i32
    return
  }
}

#map = affine_map<(d0, d1) -> (0, 0)>
#map1 = affine_map<(d0, d1) -> (0)>
module attributes {stable_mosaic.version = 14 : i64} {
  func.func @_seg_agg_body(%arg0: i32, %arg1: i32, %arg2: memref<800072x64xf32, #tpu.memory_space<hbm>>, %arg3: memref<52864xi32, #tpu.memory_space<hbm>>, %arg4: memref<51200x64xf32, #tpu.memory_space<hbm>>, %arg5: memref<51200x64xf32, #tpu.memory_space<hbm>>, %arg6: memref<51200x64xf32, #tpu.memory_space<hbm>>, %arg7: memref<51200x64xf32, #tpu.memory_space<hbm>>, %arg8: memref<32x64xf32, #tpu.memory_space<vmem>>, %arg9: memref<1664xi32, #tpu.memory_space<vmem>>, %arg10: memref<64x64xf32, #tpu.memory_space<vmem>>, %arg11: memref<64x64xf32, #tpu.memory_space<vmem>>, %arg12: memref<64x64xf32, #tpu.memory_space<vmem>>, %arg13: memref<64x64xf32, #tpu.memory_space<vmem>>) attributes {dimension_semantics = [#tpu.dimension_semantics<core_parallel>, #tpu.dimension_semantics<subcore_parallel>], iteration_bounds = array<i64: 2, 16>, scalar_prefetch = 0 : i64, scratch_operands = 6 : i64, tpu.core_type = #tpu.core_type<sc_vector_subcore>, window_params = [{transform_indices = #map}, {transform_indices = #map1}, {transform_indices = #map}, {transform_indices = #map}, {transform_indices = #map}, {transform_indices = #map}]} {
    %mul3A = arith.constant 2 : i32
    %mul3A_0 = arith.muli %arg1, %mul3A : i32
    %add3A = arith.addi %mul3A_0, %arg0 : i32
    %mul3A_1 = arith.constant 1600 : i32
    %mul3A_2 = arith.muli %add3A, %mul3A_1 : i32
    "tpu.region"() ({
      %run_scoped3A = tpu.sem_alloc : memref<!tpu.dma_semaphore, #tpu.memory_space<semaphore_mem>>
      %dma_start3A = tpu.memref_slice %arg3[%mul3A_2] : memref<52864xi32, #tpu.memory_space<hbm>> -> memref<1664xi32, #tpu.memory_space<hbm>>
      %dma_start3A_11 = tpu.memref_slice %arg3[%mul3A_2] : memref<52864xi32, #tpu.memory_space<hbm>> -> memref<1664xi32, #tpu.memory_space<hbm>>
      tpu.enqueue_dma source(%dma_start3A_11 : memref<1664xi32, #tpu.memory_space<hbm>>) target(%arg9 : memref<1664xi32, #tpu.memory_space<vmem>>) target_semaphore(%run_scoped3A : memref<!tpu.dma_semaphore, #tpu.memory_space<semaphore_mem>>)
      %dma_wait3A = tpu.memref_slice %arg3[%mul3A_2] : memref<52864xi32, #tpu.memory_space<hbm>> -> memref<1664xi32, #tpu.memory_space<hbm>>
      %dma_wait3A_12 = tpu.memref_slice %arg3[%mul3A_2] : memref<52864xi32, #tpu.memory_space<hbm>> -> memref<1664xi32, #tpu.memory_space<hbm>>
      tpu.wait_dma2 semaphore(%run_scoped3A : memref<!tpu.dma_semaphore, #tpu.memory_space<semaphore_mem>>) src(%dma_wait3A_12 : memref<1664xi32, #tpu.memory_space<hbm>>) dst(%arg9 : memref<1664xi32, #tpu.memory_space<vmem>>)
      tpu.yield
    }) : () -> ()
    %broadcast_in_dim3A = arith.constant 0x7F800000 : f32
    %broadcast_in_dim3A_3 = vector.broadcast %broadcast_in_dim3A : f32 to vector<16xf32>
    %broadcast_in_dim3A_4 = arith.constant 0.000000e+00 : f32
    %broadcast_in_dim3A_5 = vector.broadcast %broadcast_in_dim3A_4 : f32 to vector<16xf32>
    %scan3A = arith.constant 0 : i32
    %scan3A_6 = arith.constant 0 : i32
    %scan3A_7 = arith.constant 1600 : i32
    %scan3A_8 = arith.addi %scan3A_6, %scan3A_7 : i32
    %scan3A_9 = arith.constant 1 : i32
    scf.for %scan3A_11 = %scan3A_6 to %scan3A_8 step %scan3A_9  : i32 {
      %get3A = arith.index_cast %scan3A_11 : i32 to index
      %get3A_12 = tpu.vector_load %arg9[%get3A] {strides = array<i32>} : memref<1664xi32, #tpu.memory_space<vmem>>, vector<16xi32>,
      %get3A_13 = vector.shape_cast %get3A_12 : vector<16xi32> to vector<16xi32>
      %slice3A = vector.extract_strided_slice %get3A_13 {offsets = [0], sizes = [1], strides = [1]} : vector<16xi32> to vector<1xi32>
      %squeeze3A = vector.extract %slice3A[0] : i32 from vector<1xi32>
      %slice3A_14 = vector.extract_strided_slice %get3A_13 {offsets = [1], sizes = [1], strides = [1]} : vector<16xi32> to vector<1xi32>
      %squeeze3A_15 = vector.extract %slice3A_14[0] : i32 from vector<1xi32>
      %jit3A = arith.constant 8 : i32
      %div3A = arith.divsi %squeeze3A, %jit3A : i32
      %sign3A = arith.constant 0 : i32
      %sign3A_16 = arith.cmpi sgt, %squeeze3A, %sign3A : i32
      %sign3A_17 = arith.extui %sign3A_16 : i1 to i32
      %sign3A_18 = arith.constant 0 : i32
      %sign3A_19 = arith.cmpi slt, %squeeze3A, %sign3A_18 : i32
      %sign3A_20 = arith.extui %sign3A_19 : i1 to i32
      %sign3A_21 = arith.subi %sign3A_17, %sign3A_20 : i32
      %sign3A_22 = arith.constant 0 : i32
      %sign3A_23 = arith.cmpi sgt, %jit3A, %sign3A_22 : i32
      %sign3A_24 = arith.extui %sign3A_23 : i1 to i32
      %sign3A_25 = arith.constant 0 : i32
      %sign3A_26 = arith.cmpi slt, %jit3A, %sign3A_25 : i32
      %sign3A_27 = arith.extui %sign3A_26 : i1 to i32
      %sign3A_28 = arith.subi %sign3A_24, %sign3A_27 : i32
      %ne3A = arith.cmpi ne, %sign3A_21, %sign3A_28 : i32
      %rem3A = arith.remsi %squeeze3A, %jit3A : i32
      %ne3A_29 = arith.constant 0 : i32
      %ne3A_30 = arith.cmpi ne, %rem3A, %ne3A_29 : i32
      %and3A = arith.andi %ne3A, %ne3A_30 : i1
      %sub3A = arith.constant 1 : i32
      %sub3A_31 = arith.subi %div3A, %sub3A : i32
      %select_n3A = arith.select %and3A, %sub3A_31, %div3A : i32
      %mul3A_32 = arith.constant 8 : i32
      %mul3A_33 = arith.muli %select_n3A, %mul3A_32 : i32
      %multiple_of3A = tpu.assume_multiple %mul3A_33, 8 : i32
      %sub3A_34 = arith.subi %squeeze3A_15, %multiple_of3A : i32
      %add3A_35 = arith.constant 31 : i32
      %add3A_36 = arith.addi %sub3A_34, %add3A_35 : i32
      %max3A = arith.constant 0 : i32
      %max3A_37 = arith.maxsi %add3A_36, %max3A : i32
      %jit3A_38 = arith.constant 32 : i32
      %div3A_39 = arith.divsi %max3A_37, %jit3A_38 : i32
      %sign3A_40 = arith.constant 0 : i32
      %sign3A_41 = arith.cmpi sgt, %max3A_37, %sign3A_40 : i32
      %sign3A_42 = arith.extui %sign3A_41 : i1 to i32
      %sign3A_43 = arith.constant 0 : i32
      %sign3A_44 = arith.cmpi slt, %max3A_37, %sign3A_43 : i32
      %sign3A_45 = arith.extui %sign3A_44 : i1 to i32
      %sign3A_46 = arith.subi %sign3A_42, %sign3A_45 : i32
      %sign3A_47 = arith.constant 0 : i32
      %sign3A_48 = arith.cmpi sgt, %jit3A_38, %sign3A_47 : i32
      %sign3A_49 = arith.extui %sign3A_48 : i1 to i32
      %sign3A_50 = arith.constant 0 : i32
      %sign3A_51 = arith.cmpi slt, %jit3A_38, %sign3A_50 : i32
      %sign3A_52 = arith.extui %sign3A_51 : i1 to i32
      %sign3A_53 = arith.subi %sign3A_49, %sign3A_52 : i32
      %ne3A_54 = arith.cmpi ne, %sign3A_46, %sign3A_53 : i32
      %rem3A_55 = arith.remsi %max3A_37, %jit3A_38 : i32
      %ne3A_56 = arith.constant 0 : i32
      %ne3A_57 = arith.cmpi ne, %rem3A_55, %ne3A_56 : i32
      %and3A_58 = arith.andi %ne3A_54, %ne3A_57 : i1
      %sub3A_59 = arith.constant 1 : i32
      %sub3A_60 = arith.subi %div3A_39, %sub3A_59 : i32
      %select_n3A_61 = arith.select %and3A_58, %sub3A_60, %div3A_39 : i32
      %neg3A = arith.constant 0.000000e+00 : f32
      %neg3A_62 = vector.broadcast %neg3A : f32 to vector<16xf32>
      %neg3A_63 = arith.subf %neg3A_62, %broadcast_in_dim3A_3 : vector<16xf32>
      %neg3A_64 = arith.constant 0.000000e+00 : f32
      %neg3A_65 = vector.broadcast %neg3A_64 : f32 to vector<16xf32>
      %neg3A_66 = arith.subf %neg3A_65, %broadcast_in_dim3A_3 : vector<16xf32>
      %neg3A_67 = arith.constant 0.000000e+00 : f32
      %neg3A_68 = vector.broadcast %neg3A_67 : f32 to vector<16xf32>
      %neg3A_69 = arith.subf %neg3A_68, %broadcast_in_dim3A_3 : vector<16xf32>
      %neg3A_70 = arith.constant 0.000000e+00 : f32
      %neg3A_71 = vector.broadcast %neg3A_70 : f32 to vector<16xf32>
      %neg3A_72 = arith.subf %neg3A_71, %broadcast_in_dim3A_3 : vector<16xf32>
      %while3A = arith.constant 0 : i32
      %while3A_73 = arith.subi %select_n3A_61, %while3A : i32
      %while3A_74 = arith.addi %while3A, %while3A_73 : i32
      %while3A_75 = arith.constant 1 : i32
      %while3A_76 = arith.divsi %while3A_73, %while3A_75 : i32
      %while3A_77 = arith.muli %while3A_76, %while3A_75 : i32
      %while3A_78 = arith.addi %while3A, %while3A_77 : i32
      %while3A_79 = arith.constant 1 : i32
      %while3A_80:16 = scf.for %while3A_166 = %while3A to %while3A_78 step %while3A_79 iter_args(%while3A_167 = %broadcast_in_dim3A_3, %while3A_168 = %broadcast_in_dim3A_3, %while3A_169 = %broadcast_in_dim3A_3, %while3A_170 = %broadcast_in_dim3A_3, %while3A_171 = %neg3A_63, %while3A_172 = %neg3A_66, %while3A_173 = %neg3A_69, %while3A_174 = %neg3A_72, %while3A_175 = %broadcast_in_dim3A_5, %while3A_176 = %broadcast_in_dim3A_5, %while3A_177 = %broadcast_in_dim3A_5, %while3A_178 = %broadcast_in_dim3A_5, %while3A_179 = %broadcast_in_dim3A_5, %while3A_180 = %broadcast_in_dim3A_5, %while3A_181 = %broadcast_in_dim3A_5, %while3A_182 = %broadcast_in_dim3A_5) -> (vector<16xf32>, vector<16xf32>, vector<16xf32>, vector<16xf32>, vector<16xf32>, vector<16xf32>, vector<16xf32>, vector<16xf32>, vector<16xf32>, vector<16xf32>, vector<16xf32>, vector<16xf32>, vector<16xf32>, vector<16xf32>, vector<16xf32>, vector<16xf32>)  : i32 {
        %mul3A_183 = arith.constant 32 : i32
        %mul3A_184 = arith.muli %while3A_166, %mul3A_183 : i32
        %add3A_185 = arith.addi %multiple_of3A, %mul3A_184 : i32
        %multiple_of3A_186 = tpu.assume_multiple %add3A_185, 8 : i32
        %sub3A_187 = arith.subi %squeeze3A, %multiple_of3A_186 : i32
        %max3A_188 = arith.constant 0 : i32
        %max3A_189 = arith.maxsi %sub3A_187, %max3A_188 : i32
        %sub3A_190 = arith.subi %squeeze3A_15, %multiple_of3A_186 : i32
        %min3A = arith.constant 32 : i32
        %min3A_191 = arith.minsi %sub3A_190, %min3A : i32
        "tpu.region"() ({
          %run_scoped3A = tpu.sem_alloc : memref<!tpu.dma_semaphore, #tpu.memory_space<semaphore_mem>>
          %dma_start3A = arith.constant 0 : i32
          %dma_start3A_202 = tpu.memref_slice %arg2[%multiple_of3A_186, %dma_start3A] : memref<800072x64xf32, #tpu.memory_space<hbm>> -> memref<32x64xf32, #tpu.memory_space<hbm>>
          %dma_start3A_203 = arith.constant 0 : i32
          %dma_start3A_204 = tpu.memref_slice %arg2[%multiple_of3A_186, %dma_start3A_203] : memref<800072x64xf32, #tpu.memory_space<hbm>> -> memref<32x64xf32, #tpu.memory_space<hbm>>
          tpu.enqueue_dma source(%dma_start3A_204 : memref<32x64xf32, #tpu.memory_space<hbm>>) target(%arg8 : memref<32x64xf32, #tpu.memory_space<vmem>>) target_semaphore(%run_scoped3A : memref<!tpu.dma_semaphore, #tpu.memory_space<semaphore_mem>>)
          %dma_wait3A = arith.constant 0 : i32
          %dma_wait3A_205 = tpu.memref_slice %arg2[%multiple_of3A_186, %dma_wait3A] : memref<800072x64xf32, #tpu.memory_space<hbm>> -> memref<32x64xf32, #tpu.memory_space<hbm>>
          %dma_wait3A_206 = arith.constant 0 : i32
          %dma_wait3A_207 = tpu.memref_slice %arg2[%multiple_of3A_186, %dma_wait3A_206] : memref<800072x64xf32, #tpu.memory_space<hbm>> -> memref<32x64xf32, #tpu.memory_space<hbm>>
          tpu.wait_dma2 semaphore(%run_scoped3A : memref<!tpu.dma_semaphore, #tpu.memory_space<semaphore_mem>>) src(%dma_wait3A_207 : memref<32x64xf32, #tpu.memory_space<hbm>>) dst(%arg8 : memref<32x64xf32, #tpu.memory_space<vmem>>)
          tpu.yield
        }) : () -> ()
        %while3A_192 = arith.subi %min3A_191, %max3A_189 : i32
        %while3A_193 = arith.addi %max3A_189, %while3A_192 : i32
        %while3A_194 = arith.constant 1 : i32
        %while3A_195 = arith.divsi %while3A_192, %while3A_194 : i32
        %while3A_196 = arith.muli %while3A_195, %while3A_194 : i32
        %while3A_197 = arith.addi %max3A_189, %while3A_196 : i32
        %while3A_198 = arith.constant 1 : i32
        %while3A_199:16 = scf.for %while3A_202 = %max3A_189 to %while3A_197 step %while3A_198 iter_args(%while3A_203 = %while3A_167, %while3A_204 = %while3A_168, %while3A_205 = %while3A_169, %while3A_206 = %while3A_170, %while3A_207 = %while3A_171, %while3A_208 = %while3A_172, %while3A_209 = %while3A_173, %while3A_210 = %while3A_174, %while3A_211 = %while3A_175, %while3A_212 = %while3A_176, %while3A_213 = %while3A_177, %while3A_214 = %while3A_178, %while3A_215 = %while3A_179, %while3A_216 = %while3A_180, %while3A_217 = %while3A_181, %while3A_218 = %while3A_182) -> (vector<16xf32>, vector<16xf32>, vector<16xf32>, vector<16xf32>, vector<16xf32>, vector<16xf32>, vector<16xf32>, vector<16xf32>, vector<16xf32>, vector<16xf32>, vector<16xf32>, vector<16xf32>, vector<16xf32>, vector<16xf32>, vector<16xf32>, vector<16xf32>)  : i32 {
          %get3A_219 = arith.index_cast %while3A_202 : i32 to index
          %get3A_220 = arith.constant 0 : index
          %get3A_221 = tpu.vector_load %arg8[%get3A_219, %get3A_220] {strides = array<i32>} : memref<32x64xf32, #tpu.memory_space<vmem>>, vector<1x16xf32>,
          %get3A_222 = vector.shape_cast %get3A_221 : vector<1x16xf32> to vector<16xf32>
          %get3A_223 = arith.index_cast %while3A_202 : i32 to index
          %get3A_224 = arith.constant 16 : index
          %get3A_225 = tpu.vector_load %arg8[%get3A_223, %get3A_224] {strides = array<i32>} : memref<32x64xf32, #tpu.memory_space<vmem>>, vector<1x16xf32>,
          %get3A_226 = vector.shape_cast %get3A_225 : vector<1x16xf32> to vector<16xf32>
          %get3A_227 = arith.index_cast %while3A_202 : i32 to index
          %get3A_228 = arith.constant 32 : index
          %get3A_229 = tpu.vector_load %arg8[%get3A_227, %get3A_228] {strides = array<i32>} : memref<32x64xf32, #tpu.memory_space<vmem>>, vector<1x16xf32>,
          %get3A_230 = vector.shape_cast %get3A_229 : vector<1x16xf32> to vector<16xf32>
          %get3A_231 = arith.index_cast %while3A_202 : i32 to index
          %get3A_232 = arith.constant 48 : index
          %get3A_233 = tpu.vector_load %arg8[%get3A_231, %get3A_232] {strides = array<i32>} : memref<32x64xf32, #tpu.memory_space<vmem>>, vector<1x16xf32>,
          %get3A_234 = vector.shape_cast %get3A_233 : vector<1x16xf32> to vector<16xf32>
          %min3A_235 = arith.minimumf %while3A_203, %get3A_222 : vector<16xf32>
          %min3A_236 = arith.minimumf %while3A_204, %get3A_226 : vector<16xf32>
          %min3A_237 = arith.minimumf %while3A_205, %get3A_230 : vector<16xf32>
          %min3A_238 = arith.minimumf %while3A_206, %get3A_234 : vector<16xf32>
          %max3A_239 = arith.maximumf %while3A_207, %get3A_222 : vector<16xf32>
          %max3A_240 = arith.maximumf %while3A_208, %get3A_226 : vector<16xf32>
          %max3A_241 = arith.maximumf %while3A_209, %get3A_230 : vector<16xf32>
          %max3A_242 = arith.maximumf %while3A_210, %get3A_234 : vector<16xf32>
          %add3A_243 = arith.addf %while3A_211, %get3A_222 : vector<16xf32>
          %add3A_244 = arith.addf %while3A_212, %get3A_226 : vector<16xf32>
          %add3A_245 = arith.addf %while3A_213, %get3A_230 : vector<16xf32>
          %add3A_246 = arith.addf %while3A_214, %get3A_234 : vector<16xf32>
          %mul3A_247 = arith.mulf %get3A_222, %get3A_222 : vector<16xf32>
          %add3A_248 = arith.addf %while3A_215, %mul3A_247 : vector<16xf32>
          %mul3A_249 = arith.mulf %get3A_226, %get3A_226 : vector<16xf32>
          %add3A_250 = arith.addf %while3A_216, %mul3A_249 : vector<16xf32>
          %mul3A_251 = arith.mulf %get3A_230, %get3A_230 : vector<16xf32>
          %add3A_252 = arith.addf %while3A_217, %mul3A_251 : vector<16xf32>
          %mul3A_253 = arith.mulf %get3A_234, %get3A_234 : vector<16xf32>
          %add3A_254 = arith.addf %while3A_218, %mul3A_253 : vector<16xf32>
          scf.yield %min3A_235, %min3A_236, %min3A_237, %min3A_238, %max3A_239, %max3A_240, %max3A_241, %max3A_242, %add3A_243, %add3A_244, %add3A_245, %add3A_246, %add3A_248, %add3A_250, %add3A_252, %add3A_254 : vector<16xf32>, vector<16xf32>, vector<16xf32>, vector<16xf32>, vector<16xf32>, vector<16xf32>, vector<16xf32>, vector<16xf32>, vector<16xf32>, vector<16xf32>, vector<16xf32>, vector<16xf32>, vector<16xf32>, vector<16xf32>, vector<16xf32>, vector<16xf32>
        }
        %while3A_200 = arith.constant 1 : i32
        %while3A_201:16 = scf.for %while3A_202 = %while3A_197 to %while3A_193 step %while3A_200 iter_args(%while3A_203 = %while3A_199#0, %while3A_204 = %while3A_199#1, %while3A_205 = %while3A_199#2, %while3A_206 = %while3A_199#3, %while3A_207 = %while3A_199#4, %while3A_208 = %while3A_199#5, %while3A_209 = %while3A_199#6, %while3A_210 = %while3A_199#7, %while3A_211 = %while3A_199#8, %while3A_212 = %while3A_199#9, %while3A_213 = %while3A_199#10, %while3A_214 = %while3A_199#11, %while3A_215 = %while3A_199#12, %while3A_216 = %while3A_199#13, %while3A_217 = %while3A_199#14, %while3A_218 = %while3A_199#15) -> (vector<16xf32>, vector<16xf32>, vector<16xf32>, vector<16xf32>, vector<16xf32>, vector<16xf32>, vector<16xf32>, vector<16xf32>, vector<16xf32>, vector<16xf32>, vector<16xf32>, vector<16xf32>, vector<16xf32>, vector<16xf32>, vector<16xf32>, vector<16xf32>)  : i32 {
          %get3A_219 = arith.index_cast %while3A_202 : i32 to index
          %get3A_220 = arith.constant 0 : index
          %get3A_221 = tpu.vector_load %arg8[%get3A_219, %get3A_220] {strides = array<i32>} : memref<32x64xf32, #tpu.memory_space<vmem>>, vector<1x16xf32>,
          %get3A_222 = vector.shape_cast %get3A_221 : vector<1x16xf32> to vector<16xf32>
          %get3A_223 = arith.index_cast %while3A_202 : i32 to index
          %get3A_224 = arith.constant 16 : index
          %get3A_225 = tpu.vector_load %arg8[%get3A_223, %get3A_224] {strides = array<i32>} : memref<32x64xf32, #tpu.memory_space<vmem>>, vector<1x16xf32>,
          %get3A_226 = vector.shape_cast %get3A_225 : vector<1x16xf32> to vector<16xf32>
          %get3A_227 = arith.index_cast %while3A_202 : i32 to index
          %get3A_228 = arith.constant 32 : index
          %get3A_229 = tpu.vector_load %arg8[%get3A_227, %get3A_228] {strides = array<i32>} : memref<32x64xf32, #tpu.memory_space<vmem>>, vector<1x16xf32>,
          %get3A_230 = vector.shape_cast %get3A_229 : vector<1x16xf32> to vector<16xf32>
          %get3A_231 = arith.index_cast %while3A_202 : i32 to index
          %get3A_232 = arith.constant 48 : index
          %get3A_233 = tpu.vector_load %arg8[%get3A_231, %get3A_232] {strides = array<i32>} : memref<32x64xf32, #tpu.memory_space<vmem>>, vector<1x16xf32>,
          %get3A_234 = vector.shape_cast %get3A_233 : vector<1x16xf32> to vector<16xf32>
          %min3A_235 = arith.minimumf %while3A_203, %get3A_222 : vector<16xf32>
          %min3A_236 = arith.minimumf %while3A_204, %get3A_226 : vector<16xf32>
          %min3A_237 = arith.minimumf %while3A_205, %get3A_230 : vector<16xf32>
          %min3A_238 = arith.minimumf %while3A_206, %get3A_234 : vector<16xf32>
          %max3A_239 = arith.maximumf %while3A_207, %get3A_222 : vector<16xf32>
          %max3A_240 = arith.maximumf %while3A_208, %get3A_226 : vector<16xf32>
          %max3A_241 = arith.maximumf %while3A_209, %get3A_230 : vector<16xf32>
          %max3A_242 = arith.maximumf %while3A_210, %get3A_234 : vector<16xf32>
          %add3A_243 = arith.addf %while3A_211, %get3A_222 : vector<16xf32>
          %add3A_244 = arith.addf %while3A_212, %get3A_226 : vector<16xf32>
          %add3A_245 = arith.addf %while3A_213, %get3A_230 : vector<16xf32>
          %add3A_246 = arith.addf %while3A_214, %get3A_234 : vector<16xf32>
          %mul3A_247 = arith.mulf %get3A_222, %get3A_222 : vector<16xf32>
          %add3A_248 = arith.addf %while3A_215, %mul3A_247 : vector<16xf32>
          %mul3A_249 = arith.mulf %get3A_226, %get3A_226 : vector<16xf32>
          %add3A_250 = arith.addf %while3A_216, %mul3A_249 : vector<16xf32>
          %mul3A_251 = arith.mulf %get3A_230, %get3A_230 : vector<16xf32>
          %add3A_252 = arith.addf %while3A_217, %mul3A_251 : vector<16xf32>
          %mul3A_253 = arith.mulf %get3A_234, %get3A_234 : vector<16xf32>
          %add3A_254 = arith.addf %while3A_218, %mul3A_253 : vector<16xf32>
          scf.yield %min3A_235, %min3A_236, %min3A_237, %min3A_238, %max3A_239, %max3A_240, %max3A_241, %max3A_242, %add3A_243, %add3A_244, %add3A_245, %add3A_246, %add3A_248, %add3A_250, %add3A_252, %add3A_254 : vector<16xf32>, vector<16xf32>, vector<16xf32>, vector<16xf32>, vector<16xf32>, vector<16xf32>, vector<16xf32>, vector<16xf32>, vector<16xf32>, vector<16xf32>, vector<16xf32>, vector<16xf32>, vector<16xf32>, vector<16xf32>, vector<16xf32>, vector<16xf32>
        }
        scf.yield %while3A_201#0, %while3A_201#1, %while3A_201#2, %while3A_201#3, %while3A_201#4, %while3A_201#5, %while3A_201#6, %while3A_201#7, %while3A_201#8, %while3A_201#9, %while3A_201#10, %while3A_201#11, %while3A_201#12, %while3A_201#13, %while3A_201#14, %while3A_201#15 : vector<16xf32>, vector<16xf32>, vector<16xf32>, vector<16xf32>, vector<16xf32>, vector<16xf32>, vector<16xf32>, vector<16xf32>, vector<16xf32>, vector<16xf32>, vector<16xf32>, vector<16xf32>, vector<16xf32>, vector<16xf32>, vector<16xf32>, vector<16xf32>
      }
      %while3A_81 = arith.constant 1 : i32
      %while3A_82:16 = scf.for %while3A_166 = %while3A_78 to %while3A_74 step %while3A_81 iter_args(%while3A_167 = %while3A_80#0, %while3A_168 = %while3A_80#1, %while3A_169 = %while3A_80#2, %while3A_170 = %while3A_80#3, %while3A_171 = %while3A_80#4, %while3A_172 = %while3A_80#5, %while3A_173 = %while3A_80#6, %while3A_174 = %while3A_80#7, %while3A_175 = %while3A_80#8, %while3A_176 = %while3A_80#9, %while3A_177 = %while3A_80#10, %while3A_178 = %while3A_80#11, %while3A_179 = %while3A_80#12, %while3A_180 = %while3A_80#13, %while3A_181 = %while3A_80#14, %while3A_182 = %while3A_80#15) -> (vector<16xf32>, vector<16xf32>, vector<16xf32>, vector<16xf32>, vector<16xf32>, vector<16xf32>, vector<16xf32>, vector<16xf32>, vector<16xf32>, vector<16xf32>, vector<16xf32>, vector<16xf32>, vector<16xf32>, vector<16xf32>, vector<16xf32>, vector<16xf32>)  : i32 {
        %mul3A_183 = arith.constant 32 : i32
        %mul3A_184 = arith.muli %while3A_166, %mul3A_183 : i32
        %add3A_185 = arith.addi %multiple_of3A, %mul3A_184 : i32
        %multiple_of3A_186 = tpu.assume_multiple %add3A_185, 8 : i32
        %sub3A_187 = arith.subi %squeeze3A, %multiple_of3A_186 : i32
        %max3A_188 = arith.constant 0 : i32
        %max3A_189 = arith.maxsi %sub3A_187, %max3A_188 : i32
        %sub3A_190 = arith.subi %squeeze3A_15, %multiple_of3A_186 : i32
        %min3A = arith.constant 32 : i32
        %min3A_191 = arith.minsi %sub3A_190, %min3A : i32
        "tpu.region"() ({
          %run_scoped3A = tpu.sem_alloc : memref<!tpu.dma_semaphore, #tpu.memory_space<semaphore_mem>>
          %dma_start3A = arith.constant 0 : i32
          %dma_start3A_202 = tpu.memref_slice %arg2[%multiple_of3A_186, %dma_start3A] : memref<800072x64xf32, #tpu.memory_space<hbm>> -> memref<32x64xf32, #tpu.memory_space<hbm>>
          %dma_start3A_203 = arith.constant 0 : i32
          %dma_start3A_204 = tpu.memref_slice %arg2[%multiple_of3A_186, %dma_start3A_203] : memref<800072x64xf32, #tpu.memory_space<hbm>> -> memref<32x64xf32, #tpu.memory_space<hbm>>
          tpu.enqueue_dma source(%dma_start3A_204 : memref<32x64xf32, #tpu.memory_space<hbm>>) target(%arg8 : memref<32x64xf32, #tpu.memory_space<vmem>>) target_semaphore(%run_scoped3A : memref<!tpu.dma_semaphore, #tpu.memory_space<semaphore_mem>>)
          %dma_wait3A = arith.constant 0 : i32
          %dma_wait3A_205 = tpu.memref_slice %arg2[%multiple_of3A_186, %dma_wait3A] : memref<800072x64xf32, #tpu.memory_space<hbm>> -> memref<32x64xf32, #tpu.memory_space<hbm>>
          %dma_wait3A_206 = arith.constant 0 : i32
          %dma_wait3A_207 = tpu.memref_slice %arg2[%multiple_of3A_186, %dma_wait3A_206] : memref<800072x64xf32, #tpu.memory_space<hbm>> -> memref<32x64xf32, #tpu.memory_space<hbm>>
          tpu.wait_dma2 semaphore(%run_scoped3A : memref<!tpu.dma_semaphore, #tpu.memory_space<semaphore_mem>>) src(%dma_wait3A_207 : memref<32x64xf32, #tpu.memory_space<hbm>>) dst(%arg8 : memref<32x64xf32, #tpu.memory_space<vmem>>)
          tpu.yield
        }) : () -> ()
        %while3A_192 = arith.subi %min3A_191, %max3A_189 : i32
        %while3A_193 = arith.addi %max3A_189, %while3A_192 : i32
        %while3A_194 = arith.constant 1 : i32
        %while3A_195 = arith.divsi %while3A_192, %while3A_194 : i32
        %while3A_196 = arith.muli %while3A_195, %while3A_194 : i32
        %while3A_197 = arith.addi %max3A_189, %while3A_196 : i32
        %while3A_198 = arith.constant 1 : i32
        %while3A_199:16 = scf.for %while3A_202 = %max3A_189 to %while3A_197 step %while3A_198 iter_args(%while3A_203 = %while3A_167, %while3A_204 = %while3A_168, %while3A_205 = %while3A_169, %while3A_206 = %while3A_170, %while3A_207 = %while3A_171, %while3A_208 = %while3A_172, %while3A_209 = %while3A_173, %while3A_210 = %while3A_174, %while3A_211 = %while3A_175, %while3A_212 = %while3A_176, %while3A_213 = %while3A_177, %while3A_214 = %while3A_178, %while3A_215 = %while3A_179, %while3A_216 = %while3A_180, %while3A_217 = %while3A_181, %while3A_218 = %while3A_182) -> (vector<16xf32>, vector<16xf32>, vector<16xf32>, vector<16xf32>, vector<16xf32>, vector<16xf32>, vector<16xf32>, vector<16xf32>, vector<16xf32>, vector<16xf32>, vector<16xf32>, vector<16xf32>, vector<16xf32>, vector<16xf32>, vector<16xf32>, vector<16xf32>)  : i32 {
          %get3A_219 = arith.index_cast %while3A_202 : i32 to index
          %get3A_220 = arith.constant 0 : index
          %get3A_221 = tpu.vector_load %arg8[%get3A_219, %get3A_220] {strides = array<i32>} : memref<32x64xf32, #tpu.memory_space<vmem>>, vector<1x16xf32>,
          %get3A_222 = vector.shape_cast %get3A_221 : vector<1x16xf32> to vector<16xf32>
          %get3A_223 = arith.index_cast %while3A_202 : i32 to index
          %get3A_224 = arith.constant 16 : index
          %get3A_225 = tpu.vector_load %arg8[%get3A_223, %get3A_224] {strides = array<i32>} : memref<32x64xf32, #tpu.memory_space<vmem>>, vector<1x16xf32>,
          %get3A_226 = vector.shape_cast %get3A_225 : vector<1x16xf32> to vector<16xf32>
          %get3A_227 = arith.index_cast %while3A_202 : i32 to index
          %get3A_228 = arith.constant 32 : index
          %get3A_229 = tpu.vector_load %arg8[%get3A_227, %get3A_228] {strides = array<i32>} : memref<32x64xf32, #tpu.memory_space<vmem>>, vector<1x16xf32>,
          %get3A_230 = vector.shape_cast %get3A_229 : vector<1x16xf32> to vector<16xf32>
          %get3A_231 = arith.index_cast %while3A_202 : i32 to index
          %get3A_232 = arith.constant 48 : index
          %get3A_233 = tpu.vector_load %arg8[%get3A_231, %get3A_232] {strides = array<i32>} : memref<32x64xf32, #tpu.memory_space<vmem>>, vector<1x16xf32>,
          %get3A_234 = vector.shape_cast %get3A_233 : vector<1x16xf32> to vector<16xf32>
          %min3A_235 = arith.minimumf %while3A_203, %get3A_222 : vector<16xf32>
          %min3A_236 = arith.minimumf %while3A_204, %get3A_226 : vector<16xf32>
          %min3A_237 = arith.minimumf %while3A_205, %get3A_230 : vector<16xf32>
          %min3A_238 = arith.minimumf %while3A_206, %get3A_234 : vector<16xf32>
          %max3A_239 = arith.maximumf %while3A_207, %get3A_222 : vector<16xf32>
          %max3A_240 = arith.maximumf %while3A_208, %get3A_226 : vector<16xf32>
          %max3A_241 = arith.maximumf %while3A_209, %get3A_230 : vector<16xf32>
          %max3A_242 = arith.maximumf %while3A_210, %get3A_234 : vector<16xf32>
          %add3A_243 = arith.addf %while3A_211, %get3A_222 : vector<16xf32>
          %add3A_244 = arith.addf %while3A_212, %get3A_226 : vector<16xf32>
          %add3A_245 = arith.addf %while3A_213, %get3A_230 : vector<16xf32>
          %add3A_246 = arith.addf %while3A_214, %get3A_234 : vector<16xf32>
          %mul3A_247 = arith.mulf %get3A_222, %get3A_222 : vector<16xf32>
          %add3A_248 = arith.addf %while3A_215, %mul3A_247 : vector<16xf32>
          %mul3A_249 = arith.mulf %get3A_226, %get3A_226 : vector<16xf32>
          %add3A_250 = arith.addf %while3A_216, %mul3A_249 : vector<16xf32>
          %mul3A_251 = arith.mulf %get3A_230, %get3A_230 : vector<16xf32>
          %add3A_252 = arith.addf %while3A_217, %mul3A_251 : vector<16xf32>
          %mul3A_253 = arith.mulf %get3A_234, %get3A_234 : vector<16xf32>
          %add3A_254 = arith.addf %while3A_218, %mul3A_253 : vector<16xf32>
          scf.yield %min3A_235, %min3A_236, %min3A_237, %min3A_238, %max3A_239, %max3A_240, %max3A_241, %max3A_242, %add3A_243, %add3A_244, %add3A_245, %add3A_246, %add3A_248, %add3A_250, %add3A_252, %add3A_254 : vector<16xf32>, vector<16xf32>, vector<16xf32>, vector<16xf32>, vector<16xf32>, vector<16xf32>, vector<16xf32>, vector<16xf32>, vector<16xf32>, vector<16xf32>, vector<16xf32>, vector<16xf32>, vector<16xf32>, vector<16xf32>, vector<16xf32>, vector<16xf32>
        }
        %while3A_200 = arith.constant 1 : i32
        %while3A_201:16 = scf.for %while3A_202 = %while3A_197 to %while3A_193 step %while3A_200 iter_args(%while3A_203 = %while3A_199#0, %while3A_204 = %while3A_199#1, %while3A_205 = %while3A_199#2, %while3A_206 = %while3A_199#3, %while3A_207 = %while3A_199#4, %while3A_208 = %while3A_199#5, %while3A_209 = %while3A_199#6, %while3A_210 = %while3A_199#7, %while3A_211 = %while3A_199#8, %while3A_212 = %while3A_199#9, %while3A_213 = %while3A_199#10, %while3A_214 = %while3A_199#11, %while3A_215 = %while3A_199#12, %while3A_216 = %while3A_199#13, %while3A_217 = %while3A_199#14, %while3A_218 = %while3A_199#15) -> (vector<16xf32>, vector<16xf32>, vector<16xf32>, vector<16xf32>, vector<16xf32>, vector<16xf32>, vector<16xf32>, vector<16xf32>, vector<16xf32>, vector<16xf32>, vector<16xf32>, vector<16xf32>, vector<16xf32>, vector<16xf32>, vector<16xf32>, vector<16xf32>)  : i32 {
          %get3A_219 = arith.index_cast %while3A_202 : i32 to index
          %get3A_220 = arith.constant 0 : index
          %get3A_221 = tpu.vector_load %arg8[%get3A_219, %get3A_220] {strides = array<i32>} : memref<32x64xf32, #tpu.memory_space<vmem>>, vector<1x16xf32>,
          %get3A_222 = vector.shape_cast %get3A_221 : vector<1x16xf32> to vector<16xf32>
          %get3A_223 = arith.index_cast %while3A_202 : i32 to index
          %get3A_224 = arith.constant 16 : index
          %get3A_225 = tpu.vector_load %arg8[%get3A_223, %get3A_224] {strides = array<i32>} : memref<32x64xf32, #tpu.memory_space<vmem>>, vector<1x16xf32>,
          %get3A_226 = vector.shape_cast %get3A_225 : vector<1x16xf32> to vector<16xf32>
          %get3A_227 = arith.index_cast %while3A_202 : i32 to index
          %get3A_228 = arith.constant 32 : index
          %get3A_229 = tpu.vector_load %arg8[%get3A_227, %get3A_228] {strides = array<i32>} : memref<32x64xf32, #tpu.memory_space<vmem>>, vector<1x16xf32>,
          %get3A_230 = vector.shape_cast %get3A_229 : vector<1x16xf32> to vector<16xf32>
          %get3A_231 = arith.index_cast %while3A_202 : i32 to index
          %get3A_232 = arith.constant 48 : index
          %get3A_233 = tpu.vector_load %arg8[%get3A_231, %get3A_232] {strides = array<i32>} : memref<32x64xf32, #tpu.memory_space<vmem>>, vector<1x16xf32>,
          %get3A_234 = vector.shape_cast %get3A_233 : vector<1x16xf32> to vector<16xf32>
          %min3A_235 = arith.minimumf %while3A_203, %get3A_222 : vector<16xf32>
          %min3A_236 = arith.minimumf %while3A_204, %get3A_226 : vector<16xf32>
          %min3A_237 = arith.minimumf %while3A_205, %get3A_230 : vector<16xf32>
          %min3A_238 = arith.minimumf %while3A_206, %get3A_234 : vector<16xf32>
          %max3A_239 = arith.maximumf %while3A_207, %get3A_222 : vector<16xf32>
          %max3A_240 = arith.maximumf %while3A_208, %get3A_226 : vector<16xf32>
          %max3A_241 = arith.maximumf %while3A_209, %get3A_230 : vector<16xf32>
          %max3A_242 = arith.maximumf %while3A_210, %get3A_234 : vector<16xf32>
          %add3A_243 = arith.addf %while3A_211, %get3A_222 : vector<16xf32>
          %add3A_244 = arith.addf %while3A_212, %get3A_226 : vector<16xf32>
          %add3A_245 = arith.addf %while3A_213, %get3A_230 : vector<16xf32>
          %add3A_246 = arith.addf %while3A_214, %get3A_234 : vector<16xf32>
          %mul3A_247 = arith.mulf %get3A_222, %get3A_222 : vector<16xf32>
          %add3A_248 = arith.addf %while3A_215, %mul3A_247 : vector<16xf32>
          %mul3A_249 = arith.mulf %get3A_226, %get3A_226 : vector<16xf32>
          %add3A_250 = arith.addf %while3A_216, %mul3A_249 : vector<16xf32>
          %mul3A_251 = arith.mulf %get3A_230, %get3A_230 : vector<16xf32>
          %add3A_252 = arith.addf %while3A_217, %mul3A_251 : vector<16xf32>
          %mul3A_253 = arith.mulf %get3A_234, %get3A_234 : vector<16xf32>
          %add3A_254 = arith.addf %while3A_218, %mul3A_253 : vector<16xf32>
          scf.yield %min3A_235, %min3A_236, %min3A_237, %min3A_238, %max3A_239, %max3A_240, %max3A_241, %max3A_242, %add3A_243, %add3A_244, %add3A_245, %add3A_246, %add3A_248, %add3A_250, %add3A_252, %add3A_254 : vector<16xf32>, vector<16xf32>, vector<16xf32>, vector<16xf32>, vector<16xf32>, vector<16xf32>, vector<16xf32>, vector<16xf32>, vector<16xf32>, vector<16xf32>, vector<16xf32>, vector<16xf32>, vector<16xf32>, vector<16xf32>, vector<16xf32>, vector<16xf32>
        }
        scf.yield %while3A_201#0, %while3A_201#1, %while3A_201#2, %while3A_201#3, %while3A_201#4, %while3A_201#5, %while3A_201#6, %while3A_201#7, %while3A_201#8, %while3A_201#9, %while3A_201#10, %while3A_201#11, %while3A_201#12, %while3A_201#13, %while3A_201#14, %while3A_201#15 : vector<16xf32>, vector<16xf32>, vector<16xf32>, vector<16xf32>, vector<16xf32>, vector<16xf32>, vector<16xf32>, vector<16xf32>, vector<16xf32>, vector<16xf32>, vector<16xf32>, vector<16xf32>, vector<16xf32>, vector<16xf32>, vector<16xf32>, vector<16xf32>
      }
      %rem3A_83 = arith.constant 64 : i32
      %rem3A_84 = arith.remsi %scan3A_11, %rem3A_83 : i32
      %swap3A = arith.index_cast %rem3A_84 : i32 to index
      %swap3A_85 = arith.constant 0 : index
      %swap3A_86 = tpu.vector_load %arg10[%swap3A, %swap3A_85] {strides = array<i32>} : memref<64x64xf32, #tpu.memory_space<vmem>>, vector<1x16xf32>,
      %swap3A_87 = vector.shape_cast %swap3A_86 : vector<1x16xf32> to vector<16xf32>
      %swap3A_88 = vector.shape_cast %while3A_82#0 : vector<16xf32> to vector<1x16xf32>
      tpu.vector_store %arg10[%swap3A, %swap3A_85], %swap3A_88 {strides = array<i32>} : memref<64x64xf32, #tpu.memory_space<vmem>>, vector<1x16xf32>,
      %swap3A_89 = arith.index_cast %rem3A_84 : i32 to index
      %swap3A_90 = arith.constant 0 : index
      %swap3A_91 = tpu.vector_load %arg11[%swap3A_89, %swap3A_90] {strides = array<i32>} : memref<64x64xf32, #tpu.memory_space<vmem>>, vector<1x16xf32>,
      %swap3A_92 = vector.shape_cast %swap3A_91 : vector<1x16xf32> to vector<16xf32>
      %swap3A_93 = vector.shape_cast %while3A_82#4 : vector<16xf32> to vector<1x16xf32>
      tpu.vector_store %arg11[%swap3A_89, %swap3A_90], %swap3A_93 {strides = array<i32>} : memref<64x64xf32, #tpu.memory_space<vmem>>, vector<1x16xf32>,
      %swap3A_94 = arith.index_cast %rem3A_84 : i32 to index
      %swap3A_95 = arith.constant 0 : index
      %swap3A_96 = tpu.vector_load %arg12[%swap3A_94, %swap3A_95] {strides = array<i32>} : memref<64x64xf32, #tpu.memory_space<vmem>>, vector<1x16xf32>,
      %swap3A_97 = vector.shape_cast %swap3A_96 : vector<1x16xf32> to vector<16xf32>
      %swap3A_98 = vector.shape_cast %while3A_82#8 : vector<16xf32> to vector<1x16xf32>
      tpu.vector_store %arg12[%swap3A_94, %swap3A_95], %swap3A_98 {strides = array<i32>} : memref<64x64xf32, #tpu.memory_space<vmem>>, vector<1x16xf32>,
      %swap3A_99 = arith.index_cast %rem3A_84 : i32 to index
      %swap3A_100 = arith.constant 0 : index
      %swap3A_101 = tpu.vector_load %arg13[%swap3A_99, %swap3A_100] {strides = array<i32>} : memref<64x64xf32, #tpu.memory_space<vmem>>, vector<1x16xf32>,
      %swap3A_102 = vector.shape_cast %swap3A_101 : vector<1x16xf32> to vector<16xf32>
      %swap3A_103 = vector.shape_cast %while3A_82#12 : vector<16xf32> to vector<1x16xf32>
      tpu.vector_store %arg13[%swap3A_99, %swap3A_100], %swap3A_103 {strides = array<i32>} : memref<64x64xf32, #tpu.memory_space<vmem>>, vector<1x16xf32>,
      %swap3A_104 = arith.index_cast %rem3A_84 : i32 to index
      %swap3A_105 = arith.constant 16 : index
      %swap3A_106 = tpu.vector_load %arg10[%swap3A_104, %swap3A_105] {strides = array<i32>} : memref<64x64xf32, #tpu.memory_space<vmem>>, vector<1x16xf32>,
      %swap3A_107 = vector.shape_cast %swap3A_106 : vector<1x16xf32> to vector<16xf32>
      %swap3A_108 = vector.shape_cast %while3A_82#1 : vector<16xf32> to vector<1x16xf32>
      tpu.vector_store %arg10[%swap3A_104, %swap3A_105], %swap3A_108 {strides = array<i32>} : memref<64x64xf32, #tpu.memory_space<vmem>>, vector<1x16xf32>,
      %swap3A_109 = arith.index_cast %rem3A_84 : i32 to index
      %swap3A_110 = arith.constant 16 : index
      %swap3A_111 = tpu.vector_load %arg11[%swap3A_109, %swap3A_110] {strides = array<i32>} : memref<64x64xf32, #tpu.memory_space<vmem>>, vector<1x16xf32>,
      %swap3A_112 = vector.shape_cast %swap3A_111 : vector<1x16xf32> to vector<16xf32>
      %swap3A_113 = vector.shape_cast %while3A_82#5 : vector<16xf32> to vector<1x16xf32>
      tpu.vector_store %arg11[%swap3A_109, %swap3A_110], %swap3A_113 {strides = array<i32>} : memref<64x64xf32, #tpu.memory_space<vmem>>, vector<1x16xf32>,
      %swap3A_114 = arith.index_cast %rem3A_84 : i32 to index
      %swap3A_115 = arith.constant 16 : index
      %swap3A_116 = tpu.vector_load %arg12[%swap3A_114, %swap3A_115] {strides = array<i32>} : memref<64x64xf32, #tpu.memory_space<vmem>>, vector<1x16xf32>,
      %swap3A_117 = vector.shape_cast %swap3A_116 : vector<1x16xf32> to vector<16xf32>
      %swap3A_118 = vector.shape_cast %while3A_82#9 : vector<16xf32> to vector<1x16xf32>
      tpu.vector_store %arg12[%swap3A_114, %swap3A_115], %swap3A_118 {strides = array<i32>} : memref<64x64xf32, #tpu.memory_space<vmem>>, vector<1x16xf32>,
      %swap3A_119 = arith.index_cast %rem3A_84 : i32 to index
      %swap3A_120 = arith.constant 16 : index
      %swap3A_121 = tpu.vector_load %arg13[%swap3A_119, %swap3A_120] {strides = array<i32>} : memref<64x64xf32, #tpu.memory_space<vmem>>, vector<1x16xf32>,
      %swap3A_122 = vector.shape_cast %swap3A_121 : vector<1x16xf32> to vector<16xf32>
      %swap3A_123 = vector.shape_cast %while3A_82#13 : vector<16xf32> to vector<1x16xf32>
      tpu.vector_store %arg13[%swap3A_119, %swap3A_120], %swap3A_123 {strides = array<i32>} : memref<64x64xf32, #tpu.memory_space<vmem>>, vector<1x16xf32>,
      %swap3A_124 = arith.index_cast %rem3A_84 : i32 to index
      %swap3A_125 = arith.constant 32 : index
      %swap3A_126 = tpu.vector_load %arg10[%swap3A_124, %swap3A_125] {strides = array<i32>} : memref<64x64xf32, #tpu.memory_space<vmem>>, vector<1x16xf32>,
      %swap3A_127 = vector.shape_cast %swap3A_126 : vector<1x16xf32> to vector<16xf32>
      %swap3A_128 = vector.shape_cast %while3A_82#2 : vector<16xf32> to vector<1x16xf32>
      tpu.vector_store %arg10[%swap3A_124, %swap3A_125], %swap3A_128 {strides = array<i32>} : memref<64x64xf32, #tpu.memory_space<vmem>>, vector<1x16xf32>,
      %swap3A_129 = arith.index_cast %rem3A_84 : i32 to index
      %swap3A_130 = arith.constant 32 : index
      %swap3A_131 = tpu.vector_load %arg11[%swap3A_129, %swap3A_130] {strides = array<i32>} : memref<64x64xf32, #tpu.memory_space<vmem>>, vector<1x16xf32>,
      %swap3A_132 = vector.shape_cast %swap3A_131 : vector<1x16xf32> to vector<16xf32>
      %swap3A_133 = vector.shape_cast %while3A_82#6 : vector<16xf32> to vector<1x16xf32>
      tpu.vector_store %arg11[%swap3A_129, %swap3A_130], %swap3A_133 {strides = array<i32>} : memref<64x64xf32, #tpu.memory_space<vmem>>, vector<1x16xf32>,
      %swap3A_134 = arith.index_cast %rem3A_84 : i32 to index
      %swap3A_135 = arith.constant 32 : index
      %swap3A_136 = tpu.vector_load %arg12[%swap3A_134, %swap3A_135] {strides = array<i32>} : memref<64x64xf32, #tpu.memory_space<vmem>>, vector<1x16xf32>,
      %swap3A_137 = vector.shape_cast %swap3A_136 : vector<1x16xf32> to vector<16xf32>
      %swap3A_138 = vector.shape_cast %while3A_82#10 : vector<16xf32> to vector<1x16xf32>
      tpu.vector_store %arg12[%swap3A_134, %swap3A_135], %swap3A_138 {strides = array<i32>} : memref<64x64xf32, #tpu.memory_space<vmem>>, vector<1x16xf32>,
      %swap3A_139 = arith.index_cast %rem3A_84 : i32 to index
      %swap3A_140 = arith.constant 32 : index
      %swap3A_141 = tpu.vector_load %arg13[%swap3A_139, %swap3A_140] {strides = array<i32>} : memref<64x64xf32, #tpu.memory_space<vmem>>, vector<1x16xf32>,
      %swap3A_142 = vector.shape_cast %swap3A_141 : vector<1x16xf32> to vector<16xf32>
      %swap3A_143 = vector.shape_cast %while3A_82#14 : vector<16xf32> to vector<1x16xf32>
      tpu.vector_store %arg13[%swap3A_139, %swap3A_140], %swap3A_143 {strides = array<i32>} : memref<64x64xf32, #tpu.memory_space<vmem>>, vector<1x16xf32>,
      %swap3A_144 = arith.index_cast %rem3A_84 : i32 to index
      %swap3A_145 = arith.constant 48 : index
      %swap3A_146 = tpu.vector_load %arg10[%swap3A_144, %swap3A_145] {strides = array<i32>} : memref<64x64xf32, #tpu.memory_space<vmem>>, vector<1x16xf32>,
      %swap3A_147 = vector.shape_cast %swap3A_146 : vector<1x16xf32> to vector<16xf32>
      %swap3A_148 = vector.shape_cast %while3A_82#3 : vector<16xf32> to vector<1x16xf32>
      tpu.vector_store %arg10[%swap3A_144, %swap3A_145], %swap3A_148 {strides = array<i32>} : memref<64x64xf32, #tpu.memory_space<vmem>>, vector<1x16xf32>,
      %swap3A_149 = arith.index_cast %rem3A_84 : i32 to index
      %swap3A_150 = arith.constant 48 : index
      %swap3A_151 = tpu.vector_load %arg11[%swap3A_149, %swap3A_150] {strides = array<i32>} : memref<64x64xf32, #tpu.memory_space<vmem>>, vector<1x16xf32>,
      %swap3A_152 = vector.shape_cast %swap3A_151 : vector<1x16xf32> to vector<16xf32>
      %swap3A_153 = vector.shape_cast %while3A_82#7 : vector<16xf32> to vector<1x16xf32>
      tpu.vector_store %arg11[%swap3A_149, %swap3A_150], %swap3A_153 {strides = array<i32>} : memref<64x64xf32, #tpu.memory_space<vmem>>, vector<1x16xf32>,
      %swap3A_154 = arith.index_cast %rem3A_84 : i32 to index
      %swap3A_155 = arith.constant 48 : index
      %swap3A_156 = tpu.vector_load %arg12[%swap3A_154, %swap3A_155] {strides = array<i32>} : memref<64x64xf32, #tpu.memory_space<vmem>>, vector<1x16xf32>,
      %swap3A_157 = vector.shape_cast %swap3A_156 : vector<1x16xf32> to vector<16xf32>
      %swap3A_158 = vector.shape_cast %while3A_82#11 : vector<16xf32> to vector<1x16xf32>
      tpu.vector_store %arg12[%swap3A_154, %swap3A_155], %swap3A_158 {strides = array<i32>} : memref<64x64xf32, #tpu.memory_space<vmem>>, vector<1x16xf32>,
      %swap3A_159 = arith.index_cast %rem3A_84 : i32 to index
      %swap3A_160 = arith.constant 48 : index
      %swap3A_161 = tpu.vector_load %arg13[%swap3A_159, %swap3A_160] {strides = array<i32>} : memref<64x64xf32, #tpu.memory_space<vmem>>, vector<1x16xf32>,
      %swap3A_162 = vector.shape_cast %swap3A_161 : vector<1x16xf32> to vector<16xf32>
      %swap3A_163 = vector.shape_cast %while3A_82#15 : vector<16xf32> to vector<1x16xf32>
      tpu.vector_store %arg13[%swap3A_159, %swap3A_160], %swap3A_163 {strides = array<i32>} : memref<64x64xf32, #tpu.memory_space<vmem>>, vector<1x16xf32>,
      %eq3A = arith.constant 63 : i32
      %eq3A_164 = arith.cmpi eq, %rem3A_84, %eq3A : i32
      %convert_element_type3A = arith.extui %eq3A_164 : i1 to i32
      %cond3A = arith.constant 0 : i32
      %cond3A_165 = arith.cmpi ne, %convert_element_type3A, %cond3A : i32
      scf.if %cond3A_165 {
        %add3A_166 = arith.addi %mul3A_2, %scan3A_11 : i32
        %sub3A_167 = arith.constant 63 : i32
        %sub3A_168 = arith.subi %add3A_166, %sub3A_167 : i32
        %multiple_of3A_169 = tpu.assume_multiple %sub3A_168, 8 : i32
        "tpu.region"() ({
          %run_scoped3A = tpu.sem_alloc : memref<!tpu.dma_semaphore, #tpu.memory_space<semaphore_mem>>
          %dma_start3A = arith.constant 0 : i32
          %dma_start3A_170 = tpu.memref_slice %arg4[%multiple_of3A_169, %dma_start3A] : memref<51200x64xf32, #tpu.memory_space<hbm>> -> memref<64x64xf32, #tpu.memory_space<hbm>>
          %dma_start3A_171 = arith.constant 0 : i32
          %dma_start3A_172 = tpu.memref_slice %arg4[%multiple_of3A_169, %dma_start3A_171] : memref<51200x64xf32, #tpu.memory_space<hbm>> -> memref<64x64xf32, #tpu.memory_space<hbm>>
          tpu.enqueue_dma source(%arg10 : memref<64x64xf32, #tpu.memory_space<vmem>>) target(%dma_start3A_172 : memref<64x64xf32, #tpu.memory_space<hbm>>) target_semaphore(%run_scoped3A : memref<!tpu.dma_semaphore, #tpu.memory_space<semaphore_mem>>)
          %dma_wait3A = arith.constant 0 : i32
          %dma_wait3A_173 = tpu.memref_slice %arg4[%multiple_of3A_169, %dma_wait3A] : memref<51200x64xf32, #tpu.memory_space<hbm>> -> memref<64x64xf32, #tpu.memory_space<hbm>>
          %dma_wait3A_174 = arith.constant 0 : i32
          %dma_wait3A_175 = tpu.memref_slice %arg4[%multiple_of3A_169, %dma_wait3A_174] : memref<51200x64xf32, #tpu.memory_space<hbm>> -> memref<64x64xf32, #tpu.memory_space<hbm>>
          tpu.wait_dma2 semaphore(%run_scoped3A : memref<!tpu.dma_semaphore, #tpu.memory_space<semaphore_mem>>) src(%arg10 : memref<64x64xf32, #tpu.memory_space<vmem>>) dst(%dma_wait3A_175 : memref<64x64xf32, #tpu.memory_space<hbm>>)
          tpu.yield
        }) : () -> ()
        "tpu.region"() ({
          %run_scoped3A = tpu.sem_alloc : memref<!tpu.dma_semaphore, #tpu.memory_space<semaphore_mem>>
          %dma_start3A = arith.constant 0 : i32
          %dma_start3A_170 = tpu.memref_slice %arg5[%multiple_of3A_169, %dma_start3A] : memref<51200x64xf32, #tpu.memory_space<hbm>> -> memref<64x64xf32, #tpu.memory_space<hbm>>
          %dma_start3A_171 = arith.constant 0 : i32
          %dma_start3A_172 = tpu.memref_slice %arg5[%multiple_of3A_169, %dma_start3A_171] : memref<51200x64xf32, #tpu.memory_space<hbm>> -> memref<64x64xf32, #tpu.memory_space<hbm>>
          tpu.enqueue_dma source(%arg11 : memref<64x64xf32, #tpu.memory_space<vmem>>) target(%dma_start3A_172 : memref<64x64xf32, #tpu.memory_space<hbm>>) target_semaphore(%run_scoped3A : memref<!tpu.dma_semaphore, #tpu.memory_space<semaphore_mem>>)
          %dma_wait3A = arith.constant 0 : i32
          %dma_wait3A_173 = tpu.memref_slice %arg5[%multiple_of3A_169, %dma_wait3A] : memref<51200x64xf32, #tpu.memory_space<hbm>> -> memref<64x64xf32, #tpu.memory_space<hbm>>
          %dma_wait3A_174 = arith.constant 0 : i32
          %dma_wait3A_175 = tpu.memref_slice %arg5[%multiple_of3A_169, %dma_wait3A_174] : memref<51200x64xf32, #tpu.memory_space<hbm>> -> memref<64x64xf32, #tpu.memory_space<hbm>>
          tpu.wait_dma2 semaphore(%run_scoped3A : memref<!tpu.dma_semaphore, #tpu.memory_space<semaphore_mem>>) src(%arg11 : memref<64x64xf32, #tpu.memory_space<vmem>>) dst(%dma_wait3A_175 : memref<64x64xf32, #tpu.memory_space<hbm>>)
          tpu.yield
        }) : () -> ()
        "tpu.region"() ({
          %run_scoped3A = tpu.sem_alloc : memref<!tpu.dma_semaphore, #tpu.memory_space<semaphore_mem>>
          %dma_start3A = arith.constant 0 : i32
          %dma_start3A_170 = tpu.memref_slice %arg6[%multiple_of3A_169, %dma_start3A] : memref<51200x64xf32, #tpu.memory_space<hbm>> -> memref<64x64xf32, #tpu.memory_space<hbm>>
          %dma_start3A_171 = arith.constant 0 : i32
          %dma_start3A_172 = tpu.memref_slice %arg6[%multiple_of3A_169, %dma_start3A_171] : memref<51200x64xf32, #tpu.memory_space<hbm>> -> memref<64x64xf32, #tpu.memory_space<hbm>>
          tpu.enqueue_dma source(%arg12 : memref<64x64xf32, #tpu.memory_space<vmem>>) target(%dma_start3A_172 : memref<64x64xf32, #tpu.memory_space<hbm>>) target_semaphore(%run_scoped3A : memref<!tpu.dma_semaphore, #tpu.memory_space<semaphore_mem>>)
          %dma_wait3A = arith.constant 0 : i32
          %dma_wait3A_173 = tpu.memref_slice %arg6[%multiple_of3A_169, %dma_wait3A] : memref<51200x64xf32, #tpu.memory_space<hbm>> -> memref<64x64xf32, #tpu.memory_space<hbm>>
          %dma_wait3A_174 = arith.constant 0 : i32
          %dma_wait3A_175 = tpu.memref_slice %arg6[%multiple_of3A_169, %dma_wait3A_174] : memref<51200x64xf32, #tpu.memory_space<hbm>> -> memref<64x64xf32, #tpu.memory_space<hbm>>
          tpu.wait_dma2 semaphore(%run_scoped3A : memref<!tpu.dma_semaphore, #tpu.memory_space<semaphore_mem>>) src(%arg12 : memref<64x64xf32, #tpu.memory_space<vmem>>) dst(%dma_wait3A_175 : memref<64x64xf32, #tpu.memory_space<hbm>>)
          tpu.yield
        }) : () -> ()
        "tpu.region"() ({
          %run_scoped3A = tpu.sem_alloc : memref<!tpu.dma_semaphore, #tpu.memory_space<semaphore_mem>>
          %dma_start3A = arith.constant 0 : i32
          %dma_start3A_170 = tpu.memref_slice %arg7[%multiple_of3A_169, %dma_start3A] : memref<51200x64xf32, #tpu.memory_space<hbm>> -> memref<64x64xf32, #tpu.memory_space<hbm>>
          %dma_start3A_171 = arith.constant 0 : i32
          %dma_start3A_172 = tpu.memref_slice %arg7[%multiple_of3A_169, %dma_start3A_171] : memref<51200x64xf32, #tpu.memory_space<hbm>> -> memref<64x64xf32, #tpu.memory_space<hbm>>
          tpu.enqueue_dma source(%arg13 : memref<64x64xf32, #tpu.memory_space<vmem>>) target(%dma_start3A_172 : memref<64x64xf32, #tpu.memory_space<hbm>>) target_semaphore(%run_scoped3A : memref<!tpu.dma_semaphore, #tpu.memory_space<semaphore_mem>>)
          %dma_wait3A = arith.constant 0 : i32
          %dma_wait3A_173 = tpu.memref_slice %arg7[%multiple_of3A_169, %dma_wait3A] : memref<51200x64xf32, #tpu.memory_space<hbm>> -> memref<64x64xf32, #tpu.memory_space<hbm>>
          %dma_wait3A_174 = arith.constant 0 : i32
          %dma_wait3A_175 = tpu.memref_slice %arg7[%multiple_of3A_169, %dma_wait3A_174] : memref<51200x64xf32, #tpu.memory_space<hbm>> -> memref<64x64xf32, #tpu.memory_space<hbm>>
          tpu.wait_dma2 semaphore(%run_scoped3A : memref<!tpu.dma_semaphore, #tpu.memory_space<semaphore_mem>>) src(%arg13 : memref<64x64xf32, #tpu.memory_space<vmem>>) dst(%dma_wait3A_175 : memref<64x64xf32, #tpu.memory_space<hbm>>)
          tpu.yield
        }) : () -> ()
      } else {
      }
    }
    %scan3A_10 = arith.constant 1600 : i32
    return
  }
}

</mosaic_0001>

<sc_bundles>
// kernel: gather_offload_async_start.1
scs
__scs_entry_jumppad:
0x0: {  	(pc) =	sbr.rel $0x88, $3  }
0x1: {  	(tag) =	ssettag $0x0;
	lr =	simm.s32 $0x1  }
0x2: {  	[smem:$0x3F77] =	sst lr;
	_ =	strace $0xD0000000  }
0x3: {  	_ = 	snop  }
0x4: {  	_ = 	snop  }
0x5: {  	_ = 	snop  }
0x6: {  	_ = 	snop  }
0x7: {  	_ = 	snop  }
__scs_overlays_trampoline_lowered:
0x8: {  	[smem:$0x3F86] =	sst s0  }
0x9: {  	[smem:$0x3F87] =	sst s1  }
0xa: {  	[smem:$0x3F88] =	sst s2  }
0xb: {  	[smem:$0x3F89] =	sst s3  }
0xc: {  	[smem:$0x3F8A] =	sst s4  }
0xd: {  	[smem:$0x3F8B] =	sst s5  }
0xe: {  	[smem:$0x3F8C] =	sst s6  }
0xf: {  	[smem:$0x3F8D] =	sst s7  }
0x10: {  	[smem:$0x3F8E] =	sst s8  }
0x11: {  	[smem:$0x3F8F] =	sst s9;
	s0 =	simm.s32 @!p0 $0x0  }
0x12: {  	s1 =	sld [smem:$0x3F75];
	s0 =	simm.s32 @p0 $0x1  }
0x13: {  	[smem:$0x3F90] =	sst s0;
	s0 =	simm.s32 @!p1 $0x0  }
0x14: {  	s2 =	sld [smem:$0x3F74];
	s0 =	simm.s32 @p1 $0x1  }
0x15: {  	[smem:$0x3F91] =	sst s0;
	s0 =	simm.s32 @!p2 $0x0  }
0x16: {  	s3 =	sld [smem:$0x3FDB];
	s0 =	simm.s32 @p2 $0x1  }
0x17: {  	s4 =	simm.s32 $0x1BF5;
	[smem:$0x3F93] =	sst s0  }
0x18: {  	s0 =	sld [smem:$0x3F76];
	_ =	swait.ge [sflag:s4], $0x0  }
0x19: {  	s7 =	sld [smem:$0x3F77]  }
0x1a: {  	s8 =	sadd.s32 $0xFFFFE003, lr  }
0x1b: {  	s9 =	sadd.s32 $0xFFFFFEF7, lr;
	s5 =	simm.s32 $0xFFFFFFFF;
	p2 =	slt.u32 s8, $0xFFFFF086  }
0x1c: {  	p1 =	slt.u32 s9, $0xF7A;
	s5 =	simm.s32 @!p2 $0x0  }
0x1d: {  	s5 =	simm.s32 @p1 $0x1;
	p0 =	seq.s32 s7, s2  }
0x1e: {  	s7 =	smul.u32 @!p0 $0xF7A, s2;
	p2 =	seq.s32 @!p0 s5, $0x0  }
0x1f: {  	s9 =	smul.u32 $0xF7A, s1;
	s8 =	simm.s32 @!p0 $0x1BF5;
	p2 =	por !p2, p0  }
0x20: {  	[sflag:s8] =	ssyncset.s32 @!p0 $0xFFFFF086;
	s6 =	sadd.s32 @!p0 s3, s7;
	s7 =	simm.s32 @!p0 $0x108  }
0x21: {  	s3 =	sadd.s32 s3, s9;
	s6 =	sadd.s32 @!p0 $0x88, s6;
	s7 =	simm.s32 @p2 $0x1082  }
0x22: {  	[simem:s7], [sflag:s8] =	dma.local @!p0 [hbm:s6], $0xF7A  }
0x23: {  	s9 =	sor.u32 $0xD0000000, s2;
	s6 =	simm.s32 $0x108;
	_ =	swait.ge @!p0 [sflag:s8], $0x0  }
0x24: {  	s3 =	sadd.s32 $0x88, s3;
	s6 =	simm.s32 @!p1 $0x1082;
	[sflag:s4] =	ssyncset.s32 $0xFFFFF086  }
0x25: {  	[simem:s6], [sflag:s4] =	dma.local [hbm:s3], $0xF7A  }
0x26: {  	[smem:$0x3F77] =	sst s1;
	(tag) =	ssettag s2;
	_ =	strace s9  }
0x27: {  	s1 =	sld [smem:$0x3F87]  }
0x28: {  	s2 =	sld [smem:$0x3F88]  }
0x29: {  	s4 =	sld [smem:$0x3F8A]  }
0x2a: {  	p0 =	seq.s32 s5, $0x0;
	s5 =	sld [smem:$0x3F8B]  }
0x2b: {  	s6 =	sld [smem:$0x3F8C]  }
0x2c: {  	s7 =	sld [smem:$0x3F8D]  }
0x2d: {  	s3 =	simm.s32 $0x108;
	s8 =	sld [smem:$0x3F8E]  }
0x2e: {  	s3 =	simm.s32 @!p0 $0x1082;
	s9 =	sld [smem:$0x3F8F]  }
0x2f: {  	lr =	sadd.s32 s0, s3;
	s0 =	sld [smem:$0x3F86]  }
0x30: {  	s3 =	sld [smem:$0x3F89]  }
0x31: {  	[smem:$0x3F92] =	sst s10  }
0x32: {  	s10 =	sld [smem:$0x3F90];
	_ =	sdelay $0x3  }
0x33: {  	p0 =	seq.s32 s10, $0x1;
	s10 =	sld [smem:$0x3F92];
	_ =	sdelay $0x3  }
0x34: {  	[smem:$0x3F92] =	sst s10  }
0x35: {  	s10 =	sld [smem:$0x3F91];
	_ =	sdelay $0x3  }
0x36: {  	p1 =	seq.s32 s10, $0x1;
	s10 =	sld [smem:$0x3F92];
	_ =	sdelay $0x3  }
0x37: {  	[smem:$0x3F92] =	sst s10  }
0x38: {  	s10 =	sld [smem:$0x3F93]  }
0x39: {  	_ = 	snop;
	(pc) =	sbr.ind lr, $3  }
0x3a: {  	_ = 	snop  }
0x3b: {  	_ = 	snop  }
0x3c: {  	p2 =	seq.s32 s10, $0x1;
	s10 =	sld [smem:$0x3F92]  }
0x3d: {  	_ =	shalt  }
0x3e: {  	_ =	shalt  }
0x3f: {  	_ =	shalt  }
0x40: {  	_ =	shalt  }
0x41: {  	_ =	shalt  }
0x42: {  	_ =	shalt  }
0x43: {  	_ =	shalt  }
0x44: {  	_ =	shalt  }
0x45: {  	_ =	shalt  }
0x46: {  	_ =	shalt  }
0x47: {  	_ =	shalt  }
0x48: {  	_ =	shalt  }
0x49: {  	_ =	shalt  }
0x4a: {  	_ =	shalt  }
0x4b: {  	_ =	shalt  }
0x4c: {  	_ =	shalt  }
0x4d: {  	_ =	shalt  }
0x4e: {  	_ =	shalt  }
0x4f: {  	_ =	shalt  }
0x50: {  	_ =	shalt  }
0x51: {  	_ =	shalt  }
0x52: {  	_ =	shalt  }
0x53: {  	_ =	shalt  }
0x54: {  	_ =	shalt  }
0x55: {  	_ =	shalt  }
0x56: {  	_ =	shalt  }
0x57: {  	_ =	shalt  }
0x58: {  	_ =	shalt  }
0x59: {  	_ =	shalt  }
0x5a: {  	_ =	shalt  }
0x5b: {  	_ =	shalt  }
0x5c: {  	_ =	shalt  }
0x5d: {  	_ =	shalt  }
0x5e: {  	_ =	shalt  }
0x5f: {  	_ =	shalt  }
0x60: {  	_ =	shalt  }
0x61: {  	_ =	shalt  }
0x62: {  	_ =	shalt  }
0x63: {  	_ =	shalt  }
0x64: {  	_ =	shalt  }
0x65: {  	_ =	shalt  }
0x66: {  	_ =	shalt  }
0x67: {  	_ =	shalt  }
0x68: {  	_ =	shalt  }
0x69: {  	_ =	shalt  }
0x6a: {  	_ =	shalt  }
0x6b: {  	_ =	shalt  }
0x6c: {  	_ =	shalt  }
0x6d: {  	_ =	shalt  }
0x6e: {  	_ =	shalt  }
0x6f: {  	_ =	shalt  }
0x70: {  	_ =	shalt  }
0x71: {  	_ =	shalt  }
0x72: {  	_ =	shalt  }
0x73: {  	_ =	shalt  }
0x74: {  	_ =	shalt  }
0x75: {  	_ =	shalt  }
0x76: {  	_ =	shalt  }
0x77: {  	_ =	shalt  }
0x78: {  	_ =	shalt  }
0x79: {  	_ =	shalt  }
0x7a: {  	_ =	shalt  }
0x7b: {  	_ =	shalt  }
0x7c: {  	_ =	shalt  }
0x7d: {  	_ =	shalt  }
0x7e: {  	_ =	shalt  }
0x7f: {  	_ =	shalt  }
0x80: {  	_ =	shalt  }
0x81: {  	_ =	shalt  }
0x82: {  	_ =	shalt  }
0x83: {  	_ =	shalt  }
0x84: {  	_ =	shalt  }
0x85: {  	_ =	shalt  }
0x86: {  	_ =	shalt  }
0x87: {  	_ =	shalt  }
.Lfunc_end0:
.L_simem_size_0:
called_computation.6_lowered:
.L_overlay_start_0:
0x88: {  	s2 =	sld [smem:$0x3FD9]  }
0x89: {  	s3 =	sld [smem:$0x3FFE];
	_ =	sdelay $0x1  }
0x8a: {  	s1 =	srdreg.scid  }
0x8b: {  	s0 =	sand.u32 $0x1, s1  }
0x8c: {  	s16 =	sshll.u32 s0, $0xA;
	s2 =	sadd.s32 s3, s2  }
0x8d: {  	s2 =	sadd.s32 s2, s16  }
0x8e: {  	[smem:$0x3F9E] =	sst s2  }
0x8f: {  	_ = 	snop  }
0x90: {  	(tm) =	ssettm $0x1  }
0x91: {  	s17 =	sld [smem:$0x3FFB];
	_ =	sdelay $0x3  }
0x92: {  	_ =	strace s17  }
0x93: {  	s2 =	sld [smem:$0x3FFC];
	_ =	sdelay $0x3  }
0x94: {  	_ =	strace s2  }
0x95: {  	s2 =	sld [smem:$0x3FFD];
	_ =	sdelay $0x3  }
0x96: {  	_ =	strace s2  }
0x97: {  	_ =	strace $0x8FFFFFFF  }
0x98: {  	s18 =	sld [smem:$0x3FDB];
	_ =	sdelay $0x1  }
0x99: {  	s19 =	simm.s32 $_scs_section_size  }
0x9a: {  	s4 =	simm.s32 $_size__tile_overlayer_lowered;
	s5 =	simm.s32 $_tile_overlayer_lowered  }
0x9b: {  	s22 =	simm.s32 $0x1BFF;
	s21 =	sshll.u32 s5, $0x1;
	s2 =	sadd.s32 s19, s18  }
0x9c: {  	s6 =	simm.s32 $0x0;
	s20 =	sshll.u32 s4, $0x1;
	s4 =	sadd.s32 s21, s2  }
0x9d: {  	[timem:s6], [sflag:s22] =	dma.local [hbm:s4], s20  }
0x9e: {  	_ =	swait.ge [sflag:s22], s20  }
0x9f: {  	s3 =	ssub.s32 $0x0, s20;
	[sflag:s22] =	ssyncset.done $0x0  }
0xa0: {  	[sflag:s22] =	ssyncadd.s32 s3;
	_ =	sdelay $0x1  }
0xa1: {  	s23 =	simm.s32 $0x1B8B  }
0xa2: {  	_ =	swait.ge [sflag:s23], $0x1  }
0xa3: {  	[sflag:s23] =	ssyncset.done $0x0  }
0xa4: {  	s25 =	simm.s32 $0x1B8E;
	s24 =	sld [smem:$0x3FFE];
	[sflag:s23] =	ssyncadd.s32 $0xFFFFFFFF  }
0xa5: {  	s26 =	simm.s32 $execute0_lowered;
	[smem:$0x3FD2] =	sst s25  }
0xa6: {  	s4 =	sshll.u32 s26, $0x1;
	_ =	strace $0x80000049;
	[dreg:$0x1] =	wrdreg $0xFFFFFFFF  }
0xa7: {  	s28 =	simm.s32 $_size_execute0_lowered;
	s2 =	sadd.s32 s2, s4;
	[dreg:$0x0] =	wrdreg $0x0  }
0xa8: {  	s4 =	sshll.u32 s28, $0x1;
	[dreg:$0x2] =	wrdreg s2  }
0xa9: {  	[dreg:$0x3] =	wrdreg s4  }
0xaa: {  	[dreg:$0x4] =	wrdreg $0xC0  }
0xab: {  	_ =	task [dreg:s6], $0x5FFFF  }
0xac: {  	[dreg:$0x1] =	wrdreg $0xFFFFFFFF  }
0xad: {  	[dreg:$0x0] =	wrdreg $0x60  }
0xae: {  	[dreg:$0x2] =	wrdreg s24  }
0xaf: {  	[dreg:$0x3] =	wrdreg $0xA  }
0xb0: {  	_ =	task.clear_ibuf [dreg:s6], $0x4FFFF;
	_ =	strace $0x90000049  }
0xb1: {  	s29 =	simm.s32 $0xA;
	_ =	strace $0x8000004B  }
0xb2: {  	_ =	swait.ge [sflag:s29], $0x1  }
0xb3: {  	[sflag:s29] =	ssyncadd.s32 $0xFFFFFFFF  }
0xb4: {  	_ =	strace $0x9000004B  }
0xb5: {  	_ =	sfence  }
0xb6: {  	s30 =	sld [smem:$0x0];
	_ =	sdelay $0x2  }
0xb7: {  	s31 =	sshll.u32 s1, $0xD;
	s1 =	sshrl.u32 s1, $0x2  }
0xb8: {  	s3 =	sand.u32 $0x4000, s31;
	s1 =	sadd.s32 s1, s30  }
0xb9: {  	s0 =	sor.u32 s3, s0;
	s1 =	sshll.u32 s1, $0x11  }
0xba: {  	s0 =	sor.u32 s1, s0  }
0xbb: {  	s0 =	sadd.s32 $0x8F2B, s0  }
0xbc: {  	[sflag:s0] =	ssyncadd.remote.s32 $0x1  }
0xbd: {  	_ =	sfence.sel $0xFFFF  }
0xbe: {  	[dreg:$0x0] =	wrdreg $0xFFFFFFFF;
	(pc) =	sbr.abs _section_cstart, $3  }
0xbf: {  	[dreg:$0x1] =	wrdreg $0xFFFFFFFF  }
0xc0: {  	_ =	task.clear_ibuf [dreg:s6], $0x2FFFF;
	_ =	strace $0x9FFFFFFF  }
0xc1: {  	(tm) =	ssettm $0x7FFFFFFF  }
tec
execute0_lowered:
.L_overlay_start_1:
0x0: {  	(tag) =	ssettag $0x1  }
0x1: {  	s8 =	rddreg [dreg:$0x0];
	s1 =	stileid.u32  }
0x2: {  	s2 =	srdreg.scid;
	s0 =	rddreg [dreg:$0x1]  }
0x3: {  	_ =	strace $0x8000004A;
	s5 =	simm.s32 $0x1;
	s9 =	simm.s32 $0x1  }
0x4: {  	s10 =	simm.s32 $0x3;
	s2 =	sand.u32 $0x1, s2;
	s3 =	sshll.u32 s1, $0x1  }
0x5: {  	s13 =	simm.s32 $0x0;
	s12 =	simm.s32 $0x0;
	s6 =	sor.u32 s3, s2  }
0x6: {  	[sflag:s5] =	ssyncpa.u1 $0x0;
	s2 =	sadd.s32 $0x22E00, s8;
	s4 =	smul.u32 $0x4E20, s6  }
0x7: {  	s3 =	sadd.s32 $0x3B600, s8;
	p0 =	slt.u32 s6, $0x9;
	s6 =	simm.s32 $0x9C400  }
.Ltmp0:
0x8: {  	s6 =	simm.s32 @!p0 $0x0;
	s7 =	ssub.s32 $0xC3500, s4;
	(pc) =	sbr.rel .LBB2_1-.Ltmp0, $4  }
0x9: {  	s9 =	simm.s32 @!p0 $0x0;
	p0 =	sne.s32 s7, s6;
	s7 =	simm.s32 $0x1  }
0xa: {  	s8 =	sadd.s32 $0x53E00, s8;
	s6 =	simm.s32 $0x2;
	s7 =	simm.s32 @!p0 $0x0  }
0xb: {  	s11 =	smov.u32 s4;
	[sflag:s6] =	ssyncpa.u1 $0x0;
	s7 =	sadd.s32 s9, s7  }
0xc: {  	vm0 =	vmmov $0xffff;
	[sflag:s10] =	ssyncpa.u1 $0x0;
	s10 =	simm.s32 $0x0;
	s9 =	sadd.s32 $0x1, s7  }
.LBB2_4:
0xd: {  	v2 =	vnsel vm1, $0x0, v2  }
0xe: {  	vm1 =	vgt.s32 v0, $0x0;
	v2 =	vmin.u32 v2, $0xC34FF  }
0xf: {  	v0 =	vnsel vm1, $0x0, v0  }
0x10: {  	v0 =	vmin.u32 v0, $0xC34FF  }
0x11: {  	[tilespmem:s18], [sflag:$0x1] =	stream.indirect_vreg.gather [hbm4b:s2+s10], $0x1, v1, vm0, $0x4038;
	[tilespmem:$0x13880] =	vst v63  }
0x12: {  	(ifvalue) =	ssetifvalue $0x7FFFFFFF  }
0x13: {  	[tilespmem:s15], [sflag:$0x1] =	stream.indirect_vreg.gather [hbm4b:s2+s10], $0x1, v2, vm0, $0x4038;
	[tilespmem:$0x13880] =	vst v63  }
0x14: {  	s29 =	sadd.s32 $0x10, s15;
	(ifvalue) =	ssetifvalue $0x7FFFFFFF  }
0x15: {  	[tilespmem:s29], [sflag:$0x1] =	stream.indirect_vreg.gather [hbm4b:s2+s10], $0x1, v0, vm0, $0x4038;
	[tilespmem:$0x13880] =	vst v63  }
0x16: {  	_ =	swait.ge [sflag:s5], $0x4E20  }
0x17: {  	s30 =	sshrl.u32 s13, $0x3;
	[sflag:s5] =	ssyncset.done $0x0  }
0x18: {  	s31 =	sand.u32 $0x7, s13;
	s15 =	sadd.s32 s8, s30;
	[sflag:s5] =	ssyncadd.s32 $0xFFFFB1E0  }
0x19: {  	[hbm4b:s15+s31] =	stream.linear.scatter [tilespmem:s14], [sflag:$0x3], $0x4E20, $0x38;
	[tilespmem:$0x13880] =	vst v63  }
.LBB2_5:
0x1a: {  	s15 =	sadd.s32 $0x9C400, s11  }
0x1b: {  	p1 =	sgt.s32 s15, $0xC34FF  }
0x1c: {  	s15 =	smov.u32 @p1 s4;
	p1 =	sne.s32 s12, s9  }
.Ltmp1:
0x1d: {  	p0 =	slt.u32 s12, $0x2;
	(pc) =	sbr.rel @!p1 .LBB2_6-.Ltmp1, $4  }
0x1e: {  	s14 =	simm.s32 @!p0 $0x3  }
0x1f: {  	_ =	swait.ge @!p0 [sflag:s14], $0x4E20  }
0x20: {  	s16 =	sadd.s32 $0x1, s12;
	s13 =	smov.u32 s11;
	[sflag:s14] =	ssyncset.done @!p0 $0x0  }
0x21: {  	s12 =	smov.u32 s16;
	s11 =	smov.u32 s15;
	[sflag:s14] =	ssyncadd.s32 @!p0 $0xFFFFB1E0  }
.LBB2_1:
0x22: {  	p0 =	sge.u32 s12, s7  }
0x23: {  	s14 =	sxor.u32 @!p0 $0x1, s12  }
0x24: {  	s14 =	smul.u32 @!p0 $0x13880, s14  }
0x25: {  	s31 =	sadd.s32 $0xFFFFFFFF, s12;
	s15 =	sshrl.u32 @!p0 s11, $0x3  }
0x26: {  	s16 =	sand.u32 @!p0 $0x7, s11;
	s15 =	sadd.s32 @!p0 s3, s15;
	s14 =	sshra.s32 @!p0 s14, $0x2  }
0x27: {  	[tilespmem:s14], [sflag:$0x2] =	stream.linear.gather @!p0 [hbm4b:s15+s16], $0x4E20, $0x38;
	[tilespmem:$0x13880] =	vst v63  }
0x28: {  	p0 =	sge.u32 s31, s7  }
.Ltmp2:
0x29: {  	_ = 	snop;
	(pc) =	sbr.rel @p0 .LBB2_5-.Ltmp2, $1  }
0x2a: {  	_ =	sdelay $0x3  }
0x2b: {  	s14 =	sand.u32 $0x1, s12  }
0x2c: {  	_ =	swait.ge [sflag:s6], $0x4E20;
	p0 =	seq.s32 s14, $0x1;
	s14 =	simm.s32 $0x4E20  }
0x2d: {  	[sflag:s6] =	ssyncset.done $0x0;
	s14 =	simm.s32 @!p0 $0x0  }
0x2e: {  	[sflag:s6] =	ssyncadd.s32 $0xFFFFB1E0;
	(ifvalue) =	ssetifvalue $0x7FFFFFFF;
	v0 =	vld.msk [tilespmem:s14+$0x0 ss:$0x1], $0xffff;
	_ =	sdelay $0x4  }
0x2f: {  	s15 =	sadd.s32 $0x10, s14;
	vm1 =	vgt.s32 v0, $0x0  }
0x30: {  	v2 =	vld.msk [tilespmem:s15+$0x0 ss:$0x1], $0xffff;
	v1 =	vnsel vm1, $0x0, v0  }
0x31: {  	v1 =	vmin.u32 v1, $0xC34FF;
	_ =	sdelay $0x2  }
0x32: {  	s17 =	simm.s32 $0x20;
	s14 =	sadd.s32 $0x9C40, s14;
	s16 =	sadd.s32 $0x10, s15  }
0x33: {  	s15 =	sadd.s32 $0x10, s14;
	s18 =	smov.u32 s14;
	v0 =	vld.msk [tilespmem:s16+$0x0 ss:$0x1], $0xffff;
	vm1 =	vgt.s32 v2, $0x0;
	(ifvalue) =	ssetifvalue $0x7FFFFFFF  }
.LBB2_3:
0x34: {  	[tilespmem:s18], [sflag:$0x1] =	stream.indirect_vreg.gather [hbm4b:s2+s10], $0x1, v1, vm0, $0x4038;
	[tilespmem:$0x13880] =	vst v63  }
0x35: {  	s17 =	sadd.s32 $0x10, s17  }
0x36: {  	v2 =	vnsel vm1, $0x0, v2;
	p0 =	slt.u32 s17, $0x4E10  }
.Ltmp3:
0x37: {  	s18 =	smov.u32 s15;
	v1 =	vmin.u32 v2, $0xC34FF;
	(pc) =	sbr.rel @p0 .LBB2_3-.Ltmp3, $3  }
0x38: {  	_ =	sdelay $0x1  }
0x39: {  	s16 =	sadd.s32 $0x10, s16  }
0x3a: {  	vm1 =	vgt.s32 v0, $0x0;
	s15 =	sadd.s32 $0x10, s15;
	v2 =	vmov v0;
	(ifvalue) =	ssetifvalue $0x7FFFFFFF;
	v0 =	vld.msk [tilespmem:s16+$0x0 ss:$0x1], $0xffff  }
.Ltmp4:
0x3b: {  	_ = 	snop;
	(pc) =	sbr.rel .LBB2_4-.Ltmp4, $1  }
0x3c: {  	_ =	sdelay $0x3  }
.LBB2_6:
0x3d: {  	_ =	sfence.sel $0x180000  }
0x3e: {  	s2 =	simm.s32 $0x2;
	[bflag:$0x0] =	sbarrier.arrive $0xFFFF  }
0x3f: {  	s30 =	simm.s32 $0x3;
	[sflag:s2] =	ssyncpa.u1 $0x1  }
0x40: {  	s31 =	simm.s32 $0x1;
	[sflag:s30] =	ssyncpa.u1 $0x1  }
0x41: {  	[sflag:s31] =	ssyncpa.u1 $0x1  }
0x42: {  	p0 =	sne.s32 s1, $0x0;
	_ =	strace $0x9000004A  }
0x43: {  	s0 =	sadd.s32 @!p0 $0x100000, s0;
	[bflag:$0x2] =	sbarrier.arrive $0xFFFF  }
0x44: {  	[sflag:s0] =	ssyncadd.tile.s32 @!p0 $0x1;
	_ =	shalt  }
.Lfunc_end2:
_tile_overlayer_lowered:
.L_overlay_start_2:
0x45: {  	(tag) =	ssettag $0x2  }
0x46: {  	s0 =	rddreg [dreg:$0x0];
	s2 =	stileid.u32  }
0x47: {  	s1 =	rddreg [dreg:$0x1];
	p0 =	sne.s32 s2, $0x0  }
0x48: {  	s3 =	rddreg [dreg:$0x2];
	[bflag:$0x3] =	sbarrier.arrive $0xFFFF;
	s2 =	simm.s32 @!p0 $0x1C01  }
0x49: {  	[timem:s3], [sflag:s2] =	dma.local @!p0 [hbm:s0], s1  }
0x4a: {  	s0 =	simm.s32 @!p0 $0x1  }
0x4b: {  	_ =	swait.ge @!p0 [sflag:s0], s1  }
0x4c: {  	s1 =	ssub.s32 @!p0 $0x0, s1;
	[sflag:s0] =	ssyncset.done @!p0 $0x0  }
0x4d: {  	[sflag:s0] =	ssyncadd.s32 @!p0 s1  }
0x4e: {  	[bflag:$0x3] =	sbarrier.arrive $0xFFFF  }
0x4f: {  	_ =	shalt  }

// kernel: gather_offload_async_start.2
scs
__scs_entry_jumppad:
0x0: {  	(pc) =	sbr.rel $0x88, $3  }
0x1: {  	(tag) =	ssettag $0x0;
	lr =	simm.s32 $0x1  }
0x2: {  	[smem:$0x3F77] =	sst lr;
	_ =	strace $0xD0000000  }
0x3: {  	_ = 	snop  }
0x4: {  	_ = 	snop  }
0x5: {  	_ = 	snop  }
0x6: {  	_ = 	snop  }
0x7: {  	_ = 	snop  }
__scs_overlays_trampoline_lowered:
0x8: {  	[smem:$0x3F86] =	sst s0  }
0x9: {  	[smem:$0x3F87] =	sst s1  }
0xa: {  	[smem:$0x3F88] =	sst s2  }
0xb: {  	[smem:$0x3F89] =	sst s3  }
0xc: {  	[smem:$0x3F8A] =	sst s4  }
0xd: {  	[smem:$0x3F8B] =	sst s5  }
0xe: {  	[smem:$0x3F8C] =	sst s6  }
0xf: {  	[smem:$0x3F8D] =	sst s7  }
0x10: {  	[smem:$0x3F8E] =	sst s8  }
0x11: {  	[smem:$0x3F8F] =	sst s9;
	s0 =	simm.s32 @!p0 $0x0  }
0x12: {  	s1 =	sld [smem:$0x3F75];
	s0 =	simm.s32 @p0 $0x1  }
0x13: {  	[smem:$0x3F90] =	sst s0;
	s0 =	simm.s32 @!p1 $0x0  }
0x14: {  	s2 =	sld [smem:$0x3F74];
	s0 =	simm.s32 @p1 $0x1  }
0x15: {  	[smem:$0x3F91] =	sst s0;
	s0 =	simm.s32 @!p2 $0x0  }
0x16: {  	s3 =	sld [smem:$0x3FDB];
	s0 =	simm.s32 @p2 $0x1  }
0x17: {  	s4 =	simm.s32 $0x1BF5;
	[smem:$0x3F93] =	sst s0  }
0x18: {  	s0 =	sld [smem:$0x3F76];
	_ =	swait.ge [sflag:s4], $0x0  }
0x19: {  	s7 =	sld [smem:$0x3F77]  }
0x1a: {  	s8 =	sadd.s32 $0xFFFFE003, lr  }
0x1b: {  	s9 =	sadd.s32 $0xFFFFFEF7, lr;
	s5 =	simm.s32 $0xFFFFFFFF;
	p2 =	slt.u32 s8, $0xFFFFF086  }
0x1c: {  	p1 =	slt.u32 s9, $0xF7A;
	s5 =	simm.s32 @!p2 $0x0  }
0x1d: {  	s5 =	simm.s32 @p1 $0x1;
	p0 =	seq.s32 s7, s2  }
0x1e: {  	s7 =	smul.u32 @!p0 $0xF7A, s2;
	p2 =	seq.s32 @!p0 s5, $0x0  }
0x1f: {  	s9 =	smul.u32 $0xF7A, s1;
	s8 =	simm.s32 @!p0 $0x1BF5;
	p2 =	por !p2, p0  }
0x20: {  	[sflag:s8] =	ssyncset.s32 @!p0 $0xFFFFF086;
	s6 =	sadd.s32 @!p0 s3, s7;
	s7 =	simm.s32 @!p0 $0x108  }
0x21: {  	s3 =	sadd.s32 s3, s9;
	s6 =	sadd.s32 @!p0 $0x88, s6;
	s7 =	simm.s32 @p2 $0x1082  }
0x22: {  	[simem:s7], [sflag:s8] =	dma.local @!p0 [hbm:s6], $0xF7A  }
0x23: {  	s9 =	sor.u32 $0xD0000000, s2;
	s6 =	simm.s32 $0x108;
	_ =	swait.ge @!p0 [sflag:s8], $0x0  }
0x24: {  	s3 =	sadd.s32 $0x88, s3;
	s6 =	simm.s32 @!p1 $0x1082;
	[sflag:s4] =	ssyncset.s32 $0xFFFFF086  }
0x25: {  	[simem:s6], [sflag:s4] =	dma.local [hbm:s3], $0xF7A  }
0x26: {  	[smem:$0x3F77] =	sst s1;
	(tag) =	ssettag s2;
	_ =	strace s9  }
0x27: {  	s1 =	sld [smem:$0x3F87]  }
0x28: {  	s2 =	sld [smem:$0x3F88]  }
0x29: {  	s4 =	sld [smem:$0x3F8A]  }
0x2a: {  	p0 =	seq.s32 s5, $0x0;
	s5 =	sld [smem:$0x3F8B]  }
0x2b: {  	s6 =	sld [smem:$0x3F8C]  }
0x2c: {  	s7 =	sld [smem:$0x3F8D]  }
0x2d: {  	s3 =	simm.s32 $0x108;
	s8 =	sld [smem:$0x3F8E]  }
0x2e: {  	s3 =	simm.s32 @!p0 $0x1082;
	s9 =	sld [smem:$0x3F8F]  }
0x2f: {  	lr =	sadd.s32 s0, s3;
	s0 =	sld [smem:$0x3F86]  }
0x30: {  	s3 =	sld [smem:$0x3F89]  }
0x31: {  	[smem:$0x3F92] =	sst s10  }
0x32: {  	s10 =	sld [smem:$0x3F90];
	_ =	sdelay $0x3  }
0x33: {  	p0 =	seq.s32 s10, $0x1;
	s10 =	sld [smem:$0x3F92];
	_ =	sdelay $0x3  }
0x34: {  	[smem:$0x3F92] =	sst s10  }
0x35: {  	s10 =	sld [smem:$0x3F91];
	_ =	sdelay $0x3  }
0x36: {  	p1 =	seq.s32 s10, $0x1;
	s10 =	sld [smem:$0x3F92];
	_ =	sdelay $0x3  }
0x37: {  	[smem:$0x3F92] =	sst s10  }
0x38: {  	s10 =	sld [smem:$0x3F93]  }
0x39: {  	_ = 	snop;
	(pc) =	sbr.ind lr, $3  }
0x3a: {  	_ = 	snop  }
0x3b: {  	_ = 	snop  }
0x3c: {  	p2 =	seq.s32 s10, $0x1;
	s10 =	sld [smem:$0x3F92]  }
0x3d: {  	_ =	shalt  }
0x3e: {  	_ =	shalt  }
0x3f: {  	_ =	shalt  }
0x40: {  	_ =	shalt  }
0x41: {  	_ =	shalt  }
0x42: {  	_ =	shalt  }
0x43: {  	_ =	shalt  }
0x44: {  	_ =	shalt  }
0x45: {  	_ =	shalt  }
0x46: {  	_ =	shalt  }
0x47: {  	_ =	shalt  }
0x48: {  	_ =	shalt  }
0x49: {  	_ =	shalt  }
0x4a: {  	_ =	shalt  }
0x4b: {  	_ =	shalt  }
0x4c: {  	_ =	shalt  }
0x4d: {  	_ =	shalt  }
0x4e: {  	_ =	shalt  }
0x4f: {  	_ =	shalt  }
0x50: {  	_ =	shalt  }
0x51: {  	_ =	shalt  }
0x52: {  	_ =	shalt  }
0x53: {  	_ =	shalt  }
0x54: {  	_ =	shalt  }
0x55: {  	_ =	shalt  }
0x56: {  	_ =	shalt  }
0x57: {  	_ =	shalt  }
0x58: {  	_ =	shalt  }
0x59: {  	_ =	shalt  }
0x5a: {  	_ =	shalt  }
0x5b: {  	_ =	shalt  }
0x5c: {  	_ =	shalt  }
0x5d: {  	_ =	shalt  }
0x5e: {  	_ =	shalt  }
0x5f: {  	_ =	shalt  }
0x60: {  	_ =	shalt  }
0x61: {  	_ =	shalt  }
0x62: {  	_ =	shalt  }
0x63: {  	_ =	shalt  }
0x64: {  	_ =	shalt  }
0x65: {  	_ =	shalt  }
0x66: {  	_ =	shalt  }
0x67: {  	_ =	shalt  }
0x68: {  	_ =	shalt  }
0x69: {  	_ =	shalt  }
0x6a: {  	_ =	shalt  }
0x6b: {  	_ =	shalt  }
0x6c: {  	_ =	shalt  }
0x6d: {  	_ =	shalt  }
0x6e: {  	_ =	shalt  }
0x6f: {  	_ =	shalt  }
0x70: {  	_ =	shalt  }
0x71: {  	_ =	shalt  }
0x72: {  	_ =	shalt  }
0x73: {  	_ =	shalt  }
0x74: {  	_ =	shalt  }
0x75: {  	_ =	shalt  }
0x76: {  	_ =	shalt  }
0x77: {  	_ =	shalt  }
0x78: {  	_ =	shalt  }
0x79: {  	_ =	shalt  }
0x7a: {  	_ =	shalt  }
0x7b: {  	_ =	shalt  }
0x7c: {  	_ =	shalt  }
0x7d: {  	_ =	shalt  }
0x7e: {  	_ =	shalt  }
0x7f: {  	_ =	shalt  }
0x80: {  	_ =	shalt  }
0x81: {  	_ =	shalt  }
0x82: {  	_ =	shalt  }
0x83: {  	_ =	shalt  }
0x84: {  	_ =	shalt  }
0x85: {  	_ =	shalt  }
0x86: {  	_ =	shalt  }
0x87: {  	_ =	shalt  }
.Lfunc_end0:
.L_simem_size_0:
called_computation.7_lowered:
.L_overlay_start_0:
0x88: {  	s2 =	sld [smem:$0x3FD9]  }
0x89: {  	s3 =	sld [smem:$0x3FFE];
	_ =	sdelay $0x1  }
0x8a: {  	s1 =	srdreg.scid  }
0x8b: {  	s0 =	sand.u32 $0x1, s1  }
0x8c: {  	s16 =	sshll.u32 s0, $0xA;
	s2 =	sadd.s32 s3, s2  }
0x8d: {  	s2 =	sadd.s32 s2, s16  }
0x8e: {  	[smem:$0x3F9E] =	sst s2  }
0x8f: {  	_ = 	snop  }
0x90: {  	(tm) =	ssettm $0x1  }
0x91: {  	s17 =	sld [smem:$0x3FFB];
	_ =	sdelay $0x3  }
0x92: {  	_ =	strace s17  }
0x93: {  	s2 =	sld [smem:$0x3FFC];
	_ =	sdelay $0x3  }
0x94: {  	_ =	strace s2  }
0x95: {  	s2 =	sld [smem:$0x3FFD];
	_ =	sdelay $0x3  }
0x96: {  	_ =	strace s2  }
0x97: {  	_ =	strace $0x8FFFFFFF  }
0x98: {  	s18 =	sld [smem:$0x3FDB];
	_ =	sdelay $0x1  }
0x99: {  	s19 =	simm.s32 $_scs_section_size  }
0x9a: {  	s4 =	simm.s32 $_size__tile_overlayer_lowered;
	s5 =	simm.s32 $_tile_overlayer_lowered  }
0x9b: {  	s22 =	simm.s32 $0x1BFF;
	s21 =	sshll.u32 s5, $0x1;
	s2 =	sadd.s32 s19, s18  }
0x9c: {  	s6 =	simm.s32 $0x0;
	s20 =	sshll.u32 s4, $0x1;
	s4 =	sadd.s32 s21, s2  }
0x9d: {  	[timem:s6], [sflag:s22] =	dma.local [hbm:s4], s20  }
0x9e: {  	_ =	swait.ge [sflag:s22], s20  }
0x9f: {  	s3 =	ssub.s32 $0x0, s20;
	[sflag:s22] =	ssyncset.done $0x0  }
0xa0: {  	[sflag:s22] =	ssyncadd.s32 s3;
	_ =	sdelay $0x1  }
0xa1: {  	s23 =	simm.s32 $0x1B8B  }
0xa2: {  	_ =	swait.ge [sflag:s23], $0x1  }
0xa3: {  	[sflag:s23] =	ssyncset.done $0x0  }
0xa4: {  	s25 =	simm.s32 $0x1B8E;
	s24 =	sld [smem:$0x3FFE];
	[sflag:s23] =	ssyncadd.s32 $0xFFFFFFFF  }
0xa5: {  	s26 =	simm.s32 $execute0_lowered;
	[smem:$0x3FD2] =	sst s25  }
0xa6: {  	s4 =	sshll.u32 s26, $0x1;
	_ =	strace $0x80000046;
	[dreg:$0x1] =	wrdreg $0xFFFFFFFF  }
0xa7: {  	s28 =	simm.s32 $_size_execute0_lowered;
	s2 =	sadd.s32 s2, s4;
	[dreg:$0x0] =	wrdreg $0x0  }
0xa8: {  	s4 =	sshll.u32 s28, $0x1;
	[dreg:$0x2] =	wrdreg s2  }
0xa9: {  	[dreg:$0x3] =	wrdreg s4  }
0xaa: {  	[dreg:$0x4] =	wrdreg $0xC0  }
0xab: {  	_ =	task [dreg:s6], $0x5FFFF  }
0xac: {  	[dreg:$0x1] =	wrdreg $0xFFFFFFFF  }
0xad: {  	[dreg:$0x0] =	wrdreg $0x60  }
0xae: {  	[dreg:$0x2] =	wrdreg s24  }
0xaf: {  	[dreg:$0x3] =	wrdreg $0x9  }
0xb0: {  	_ =	task.clear_ibuf [dreg:s6], $0x4FFFF;
	_ =	strace $0x90000046  }
0xb1: {  	s29 =	simm.s32 $0x9;
	_ =	strace $0x80000048  }
0xb2: {  	_ =	swait.ge [sflag:s29], $0x1  }
0xb3: {  	[sflag:s29] =	ssyncadd.s32 $0xFFFFFFFF  }
0xb4: {  	_ =	strace $0x90000048  }
0xb5: {  	_ =	sfence  }
0xb6: {  	s30 =	sld [smem:$0x0];
	_ =	sdelay $0x2  }
0xb7: {  	s31 =	sshll.u32 s1, $0xD;
	s1 =	sshrl.u32 s1, $0x2  }
0xb8: {  	s3 =	sand.u32 $0x4000, s31;
	s1 =	sadd.s32 s1, s30  }
0xb9: {  	s0 =	sor.u32 s3, s0;
	s1 =	sshll.u32 s1, $0x11  }
0xba: {  	s0 =	sor.u32 s1, s0  }
0xbb: {  	s0 =	sadd.s32 $0x8F2B, s0  }
0xbc: {  	[sflag:s0] =	ssyncadd.remote.s32 $0x1  }
0xbd: {  	_ =	sfence.sel $0xFFFF  }
0xbe: {  	[dreg:$0x0] =	wrdreg $0xFFFFFFFF;
	(pc) =	sbr.abs _section_cstart, $3  }
0xbf: {  	[dreg:$0x1] =	wrdreg $0xFFFFFFFF  }
0xc0: {  	_ =	task.clear_ibuf [dreg:s6], $0x2FFFF;
	_ =	strace $0x9FFFFFFF  }
0xc1: {  	(tm) =	ssettm $0x7FFFFFFF  }
tec
execute0_lowered:
.L_overlay_start_1:
0x0: {  	(tag) =	ssettag $0x1  }
0x1: {  	s8 =	rddreg [dreg:$0x0];
	s1 =	stileid.u32  }
0x2: {  	s2 =	srdreg.scid;
	s0 =	rddreg [dreg:$0x1]  }
0x3: {  	_ =	strace $0x80000047;
	s5 =	simm.s32 $0x1;
	s9 =	simm.s32 $0x1  }
0x4: {  	s10 =	simm.s32 $0x3;
	s2 =	sand.u32 $0x1, s2;
	s3 =	sshll.u32 s1, $0x1  }
0x5: {  	s13 =	simm.s32 $0x0;
	s12 =	simm.s32 $0x0;
	s6 =	sor.u32 s3, s2  }
0x6: {  	[sflag:s5] =	ssyncpa.u1 $0x0;
	s2 =	sadd.s32 $0xA600, s8;
	s4 =	smul.u32 $0x4E20, s6  }
0x7: {  	s3 =	sadd.s32 $0x3B600, s8;
	p0 =	slt.u32 s6, $0x9;
	s6 =	simm.s32 $0x9C400  }
.Ltmp0:
0x8: {  	s6 =	simm.s32 @!p0 $0x0;
	s7 =	ssub.s32 $0xC3500, s4;
	(pc) =	sbr.rel .LBB2_1-.Ltmp0, $4  }
0x9: {  	s9 =	simm.s32 @!p0 $0x0;
	p0 =	sne.s32 s7, s6;
	s7 =	simm.s32 $0x1  }
0xa: {  	s8 =	sadd.s32 $0x53E00, s8;
	s6 =	simm.s32 $0x2;
	s7 =	simm.s32 @!p0 $0x0  }
0xb: {  	s11 =	smov.u32 s4;
	[sflag:s6] =	ssyncpa.u1 $0x0;
	s7 =	sadd.s32 s9, s7  }
0xc: {  	vm0 =	vmmov $0xffff;
	[sflag:s10] =	ssyncpa.u1 $0x0;
	s10 =	simm.s32 $0x0;
	s9 =	sadd.s32 $0x1, s7  }
.LBB2_4:
0xd: {  	v2 =	vnsel vm1, $0x0, v2  }
0xe: {  	vm1 =	vgt.s32 v0, $0x0;
	v2 =	vmin.u32 v2, $0xC34FF  }
0xf: {  	v0 =	vnsel vm1, $0x0, v0  }
0x10: {  	v0 =	vmin.u32 v0, $0xC34FF  }
0x11: {  	[tilespmem:s18], [sflag:$0x1] =	stream.indirect_vreg.gather [hbm4b:s2+s10], $0x1, v1, vm0, $0x4038;
	[tilespmem:$0x13880] =	vst v63  }
0x12: {  	(ifvalue) =	ssetifvalue $0x7FFFFFFF  }
0x13: {  	[tilespmem:s15], [sflag:$0x1] =	stream.indirect_vreg.gather [hbm4b:s2+s10], $0x1, v2, vm0, $0x4038;
	[tilespmem:$0x13880] =	vst v63  }
0x14: {  	s29 =	sadd.s32 $0x10, s15;
	(ifvalue) =	ssetifvalue $0x7FFFFFFF  }
0x15: {  	[tilespmem:s29], [sflag:$0x1] =	stream.indirect_vreg.gather [hbm4b:s2+s10], $0x1, v0, vm0, $0x4038;
	[tilespmem:$0x13880] =	vst v63  }
0x16: {  	_ =	swait.ge [sflag:s5], $0x4E20  }
0x17: {  	s30 =	sshrl.u32 s13, $0x3;
	[sflag:s5] =	ssyncset.done $0x0  }
0x18: {  	s31 =	sand.u32 $0x7, s13;
	s15 =	sadd.s32 s8, s30;
	[sflag:s5] =	ssyncadd.s32 $0xFFFFB1E0  }
0x19: {  	[hbm4b:s15+s31] =	stream.linear.scatter [tilespmem:s14], [sflag:$0x3], $0x4E20, $0x38;
	[tilespmem:$0x13880] =	vst v63  }
.LBB2_5:
0x1a: {  	s15 =	sadd.s32 $0x9C400, s11  }
0x1b: {  	p1 =	sgt.s32 s15, $0xC34FF  }
0x1c: {  	s15 =	smov.u32 @p1 s4;
	p1 =	sne.s32 s12, s9  }
.Ltmp1:
0x1d: {  	p0 =	slt.u32 s12, $0x2;
	(pc) =	sbr.rel @!p1 .LBB2_6-.Ltmp1, $4  }
0x1e: {  	s14 =	simm.s32 @!p0 $0x3  }
0x1f: {  	_ =	swait.ge @!p0 [sflag:s14], $0x4E20  }
0x20: {  	s16 =	sadd.s32 $0x1, s12;
	s13 =	smov.u32 s11;
	[sflag:s14] =	ssyncset.done @!p0 $0x0  }
0x21: {  	s12 =	smov.u32 s16;
	s11 =	smov.u32 s15;
	[sflag:s14] =	ssyncadd.s32 @!p0 $0xFFFFB1E0  }
.LBB2_1:
0x22: {  	p0 =	sge.u32 s12, s7  }
0x23: {  	s14 =	sxor.u32 @!p0 $0x1, s12  }
0x24: {  	s14 =	smul.u32 @!p0 $0x13880, s14  }
0x25: {  	s31 =	sadd.s32 $0xFFFFFFFF, s12;
	s15 =	sshrl.u32 @!p0 s11, $0x3  }
0x26: {  	s16 =	sand.u32 @!p0 $0x7, s11;
	s15 =	sadd.s32 @!p0 s3, s15;
	s14 =	sshra.s32 @!p0 s14, $0x2  }
0x27: {  	[tilespmem:s14], [sflag:$0x2] =	stream.linear.gather @!p0 [hbm4b:s15+s16], $0x4E20, $0x38;
	[tilespmem:$0x13880] =	vst v63  }
0x28: {  	p0 =	sge.u32 s31, s7  }
.Ltmp2:
0x29: {  	_ = 	snop;
	(pc) =	sbr.rel @p0 .LBB2_5-.Ltmp2, $1  }
0x2a: {  	_ =	sdelay $0x3  }
0x2b: {  	s14 =	sand.u32 $0x1, s12  }
0x2c: {  	_ =	swait.ge [sflag:s6], $0x4E20;
	p0 =	seq.s32 s14, $0x1;
	s14 =	simm.s32 $0x4E20  }
0x2d: {  	[sflag:s6] =	ssyncset.done $0x0;
	s14 =	simm.s32 @!p0 $0x0  }
0x2e: {  	[sflag:s6] =	ssyncadd.s32 $0xFFFFB1E0;
	(ifvalue) =	ssetifvalue $0x7FFFFFFF;
	v0 =	vld.msk [tilespmem:s14+$0x0 ss:$0x1], $0xffff;
	_ =	sdelay $0x4  }
0x2f: {  	s15 =	sadd.s32 $0x10, s14;
	vm1 =	vgt.s32 v0, $0x0  }
0x30: {  	v2 =	vld.msk [tilespmem:s15+$0x0 ss:$0x1], $0xffff;
	v1 =	vnsel vm1, $0x0, v0  }
0x31: {  	v1 =	vmin.u32 v1, $0xC34FF;
	_ =	sdelay $0x2  }
0x32: {  	s17 =	simm.s32 $0x20;
	s14 =	sadd.s32 $0x9C40, s14;
	s16 =	sadd.s32 $0x10, s15  }
0x33: {  	s15 =	sadd.s32 $0x10, s14;
	s18 =	smov.u32 s14;
	v0 =	vld.msk [tilespmem:s16+$0x0 ss:$0x1], $0xffff;
	vm1 =	vgt.s32 v2, $0x0;
	(ifvalue) =	ssetifvalue $0x7FFFFFFF  }
.LBB2_3:
0x34: {  	[tilespmem:s18], [sflag:$0x1] =	stream.indirect_vreg.gather [hbm4b:s2+s10], $0x1, v1, vm0, $0x4038;
	[tilespmem:$0x13880] =	vst v63  }
0x35: {  	s17 =	sadd.s32 $0x10, s17  }
0x36: {  	v2 =	vnsel vm1, $0x0, v2;
	p0 =	slt.u32 s17, $0x4E10  }
.Ltmp3:
0x37: {  	s18 =	smov.u32 s15;
	v1 =	vmin.u32 v2, $0xC34FF;
	(pc) =	sbr.rel @p0 .LBB2_3-.Ltmp3, $3  }
0x38: {  	_ =	sdelay $0x1  }
0x39: {  	s16 =	sadd.s32 $0x10, s16  }
0x3a: {  	vm1 =	vgt.s32 v0, $0x0;
	s15 =	sadd.s32 $0x10, s15;
	v2 =	vmov v0;
	(ifvalue) =	ssetifvalue $0x7FFFFFFF;
	v0 =	vld.msk [tilespmem:s16+$0x0 ss:$0x1], $0xffff  }
.Ltmp4:
0x3b: {  	_ = 	snop;
	(pc) =	sbr.rel .LBB2_4-.Ltmp4, $1  }
0x3c: {  	_ =	sdelay $0x3  }
.LBB2_6:
0x3d: {  	_ =	sfence.sel $0x180000  }
0x3e: {  	s2 =	simm.s32 $0x2;
	[bflag:$0x0] =	sbarrier.arrive $0xFFFF  }
0x3f: {  	s30 =	simm.s32 $0x3;
	[sflag:s2] =	ssyncpa.u1 $0x1  }
0x40: {  	s31 =	simm.s32 $0x1;
	[sflag:s30] =	ssyncpa.u1 $0x1  }
0x41: {  	[sflag:s31] =	ssyncpa.u1 $0x1  }
0x42: {  	p0 =	sne.s32 s1, $0x0;
	_ =	strace $0x90000047  }
0x43: {  	s0 =	sadd.s32 @!p0 $0x100000, s0;
	[bflag:$0x2] =	sbarrier.arrive $0xFFFF  }
0x44: {  	[sflag:s0] =	ssyncadd.tile.s32 @!p0 $0x1;
	_ =	shalt  }
.Lfunc_end2:
_tile_overlayer_lowered:
.L_overlay_start_2:
0x45: {  	(tag) =	ssettag $0x2  }
0x46: {  	s0 =	rddreg [dreg:$0x0];
	s2 =	stileid.u32  }
0x47: {  	s1 =	rddreg [dreg:$0x1];
	p0 =	sne.s32 s2, $0x0  }
0x48: {  	s3 =	rddreg [dreg:$0x2];
	[bflag:$0x3] =	sbarrier.arrive $0xFFFF;
	s2 =	simm.s32 @!p0 $0x1C01  }
0x49: {  	[timem:s3], [sflag:s2] =	dma.local @!p0 [hbm:s0], s1  }
0x4a: {  	s0 =	simm.s32 @!p0 $0x1  }
0x4b: {  	_ =	swait.ge @!p0 [sflag:s0], s1  }
0x4c: {  	s1 =	ssub.s32 @!p0 $0x0, s1;
	[sflag:s0] =	ssyncset.done @!p0 $0x0  }
0x4d: {  	[sflag:s0] =	ssyncadd.s32 @!p0 s1  }
0x4e: {  	[bflag:$0x3] =	sbarrier.arrive $0xFFFF  }
0x4f: {  	_ =	shalt  }

// kernel: gather_offload_async_start
scs
__scs_entry_jumppad:
0x0: {  	(pc) =	sbr.rel $0x88, $3  }
0x1: {  	(tag) =	ssettag $0x0;
	lr =	simm.s32 $0x1  }
0x2: {  	[smem:$0x3F77] =	sst lr;
	_ =	strace $0xD0000000  }
0x3: {  	_ = 	snop  }
0x4: {  	_ = 	snop  }
0x5: {  	_ = 	snop  }
0x6: {  	_ = 	snop  }
0x7: {  	_ = 	snop  }
__scs_overlays_trampoline_lowered:
0x8: {  	[smem:$0x3F86] =	sst s0  }
0x9: {  	[smem:$0x3F87] =	sst s1  }
0xa: {  	[smem:$0x3F88] =	sst s2  }
0xb: {  	[smem:$0x3F89] =	sst s3  }
0xc: {  	[smem:$0x3F8A] =	sst s4  }
0xd: {  	[smem:$0x3F8B] =	sst s5  }
0xe: {  	[smem:$0x3F8C] =	sst s6  }
0xf: {  	[smem:$0x3F8D] =	sst s7  }
0x10: {  	[smem:$0x3F8E] =	sst s8  }
0x11: {  	[smem:$0x3F8F] =	sst s9;
	s0 =	simm.s32 @!p0 $0x0  }
0x12: {  	s1 =	sld [smem:$0x3F75];
	s0 =	simm.s32 @p0 $0x1  }
0x13: {  	[smem:$0x3F90] =	sst s0;
	s0 =	simm.s32 @!p1 $0x0  }
0x14: {  	s2 =	sld [smem:$0x3F74];
	s0 =	simm.s32 @p1 $0x1  }
0x15: {  	[smem:$0x3F91] =	sst s0;
	s0 =	simm.s32 @!p2 $0x0  }
0x16: {  	s3 =	sld [smem:$0x3FDB];
	s0 =	simm.s32 @p2 $0x1  }
0x17: {  	s4 =	simm.s32 $0x1BF5;
	[smem:$0x3F93] =	sst s0  }
0x18: {  	s0 =	sld [smem:$0x3F76];
	_ =	swait.ge [sflag:s4], $0x0  }
0x19: {  	s7 =	sld [smem:$0x3F77]  }
0x1a: {  	s8 =	sadd.s32 $0xFFFFE003, lr  }
0x1b: {  	s9 =	sadd.s32 $0xFFFFFEF7, lr;
	s5 =	simm.s32 $0xFFFFFFFF;
	p2 =	slt.u32 s8, $0xFFFFF086  }
0x1c: {  	p1 =	slt.u32 s9, $0xF7A;
	s5 =	simm.s32 @!p2 $0x0  }
0x1d: {  	s5 =	simm.s32 @p1 $0x1;
	p0 =	seq.s32 s7, s2  }
0x1e: {  	s7 =	smul.u32 @!p0 $0xF7A, s2;
	p2 =	seq.s32 @!p0 s5, $0x0  }
0x1f: {  	s9 =	smul.u32 $0xF7A, s1;
	s8 =	simm.s32 @!p0 $0x1BF5;
	p2 =	por !p2, p0  }
0x20: {  	[sflag:s8] =	ssyncset.s32 @!p0 $0xFFFFF086;
	s6 =	sadd.s32 @!p0 s3, s7;
	s7 =	simm.s32 @!p0 $0x108  }
0x21: {  	s3 =	sadd.s32 s3, s9;
	s6 =	sadd.s32 @!p0 $0x88, s6;
	s7 =	simm.s32 @p2 $0x1082  }
0x22: {  	[simem:s7], [sflag:s8] =	dma.local @!p0 [hbm:s6], $0xF7A  }
0x23: {  	s9 =	sor.u32 $0xD0000000, s2;
	s6 =	simm.s32 $0x108;
	_ =	swait.ge @!p0 [sflag:s8], $0x0  }
0x24: {  	s3 =	sadd.s32 $0x88, s3;
	s6 =	simm.s32 @!p1 $0x1082;
	[sflag:s4] =	ssyncset.s32 $0xFFFFF086  }
0x25: {  	[simem:s6], [sflag:s4] =	dma.local [hbm:s3], $0xF7A  }
0x26: {  	[smem:$0x3F77] =	sst s1;
	(tag) =	ssettag s2;
	_ =	strace s9  }
0x27: {  	s1 =	sld [smem:$0x3F87]  }
0x28: {  	s2 =	sld [smem:$0x3F88]  }
0x29: {  	s4 =	sld [smem:$0x3F8A]  }
0x2a: {  	p0 =	seq.s32 s5, $0x0;
	s5 =	sld [smem:$0x3F8B]  }
0x2b: {  	s6 =	sld [smem:$0x3F8C]  }
0x2c: {  	s7 =	sld [smem:$0x3F8D]  }
0x2d: {  	s3 =	simm.s32 $0x108;
	s8 =	sld [smem:$0x3F8E]  }
0x2e: {  	s3 =	simm.s32 @!p0 $0x1082;
	s9 =	sld [smem:$0x3F8F]  }
0x2f: {  	lr =	sadd.s32 s0, s3;
	s0 =	sld [smem:$0x3F86]  }
0x30: {  	s3 =	sld [smem:$0x3F89]  }
0x31: {  	[smem:$0x3F92] =	sst s10  }
0x32: {  	s10 =	sld [smem:$0x3F90];
	_ =	sdelay $0x3  }
0x33: {  	p0 =	seq.s32 s10, $0x1;
	s10 =	sld [smem:$0x3F92];
	_ =	sdelay $0x3  }
0x34: {  	[smem:$0x3F92] =	sst s10  }
0x35: {  	s10 =	sld [smem:$0x3F91];
	_ =	sdelay $0x3  }
0x36: {  	p1 =	seq.s32 s10, $0x1;
	s10 =	sld [smem:$0x3F92];
	_ =	sdelay $0x3  }
0x37: {  	[smem:$0x3F92] =	sst s10  }
0x38: {  	s10 =	sld [smem:$0x3F93]  }
0x39: {  	_ = 	snop;
	(pc) =	sbr.ind lr, $3  }
0x3a: {  	_ = 	snop  }
0x3b: {  	_ = 	snop  }
0x3c: {  	p2 =	seq.s32 s10, $0x1;
	s10 =	sld [smem:$0x3F92]  }
0x3d: {  	_ =	shalt  }
0x3e: {  	_ =	shalt  }
0x3f: {  	_ =	shalt  }
0x40: {  	_ =	shalt  }
0x41: {  	_ =	shalt  }
0x42: {  	_ =	shalt  }
0x43: {  	_ =	shalt  }
0x44: {  	_ =	shalt  }
0x45: {  	_ =	shalt  }
0x46: {  	_ =	shalt  }
0x47: {  	_ =	shalt  }
0x48: {  	_ =	shalt  }
0x49: {  	_ =	shalt  }
0x4a: {  	_ =	shalt  }
0x4b: {  	_ =	shalt  }
0x4c: {  	_ =	shalt  }
0x4d: {  	_ =	shalt  }
0x4e: {  	_ =	shalt  }
0x4f: {  	_ =	shalt  }
0x50: {  	_ =	shalt  }
0x51: {  	_ =	shalt  }
0x52: {  	_ =	shalt  }
0x53: {  	_ =	shalt  }
0x54: {  	_ =	shalt  }
0x55: {  	_ =	shalt  }
0x56: {  	_ =	shalt  }
0x57: {  	_ =	shalt  }
0x58: {  	_ =	shalt  }
0x59: {  	_ =	shalt  }
0x5a: {  	_ =	shalt  }
0x5b: {  	_ =	shalt  }
0x5c: {  	_ =	shalt  }
0x5d: {  	_ =	shalt  }
0x5e: {  	_ =	shalt  }
0x5f: {  	_ =	shalt  }
0x60: {  	_ =	shalt  }
0x61: {  	_ =	shalt  }
0x62: {  	_ =	shalt  }
0x63: {  	_ =	shalt  }
0x64: {  	_ =	shalt  }
0x65: {  	_ =	shalt  }
0x66: {  	_ =	shalt  }
0x67: {  	_ =	shalt  }
0x68: {  	_ =	shalt  }
0x69: {  	_ =	shalt  }
0x6a: {  	_ =	shalt  }
0x6b: {  	_ =	shalt  }
0x6c: {  	_ =	shalt  }
0x6d: {  	_ =	shalt  }
0x6e: {  	_ =	shalt  }
0x6f: {  	_ =	shalt  }
0x70: {  	_ =	shalt  }
0x71: {  	_ =	shalt  }
0x72: {  	_ =	shalt  }
0x73: {  	_ =	shalt  }
0x74: {  	_ =	shalt  }
0x75: {  	_ =	shalt  }
0x76: {  	_ =	shalt  }
0x77: {  	_ =	shalt  }
0x78: {  	_ =	shalt  }
0x79: {  	_ =	shalt  }
0x7a: {  	_ =	shalt  }
0x7b: {  	_ =	shalt  }
0x7c: {  	_ =	shalt  }
0x7d: {  	_ =	shalt  }
0x7e: {  	_ =	shalt  }
0x7f: {  	_ =	shalt  }
0x80: {  	_ =	shalt  }
0x81: {  	_ =	shalt  }
0x82: {  	_ =	shalt  }
0x83: {  	_ =	shalt  }
0x84: {  	_ =	shalt  }
0x85: {  	_ =	shalt  }
0x86: {  	_ =	shalt  }
0x87: {  	_ =	shalt  }
.Lfunc_end0:
.L_simem_size_0:
called_computation.5_lowered:
.L_overlay_start_0:
0x88: {  	s2 =	sld [smem:$0x3FD9]  }
0x89: {  	s3 =	sld [smem:$0x3FFE];
	_ =	sdelay $0x1  }
0x8a: {  	s1 =	srdreg.scid  }
0x8b: {  	s0 =	sand.u32 $0x1, s1  }
0x8c: {  	s16 =	sshll.u32 s0, $0xA;
	s2 =	sadd.s32 s3, s2  }
0x8d: {  	s2 =	sadd.s32 s2, s16  }
0x8e: {  	[smem:$0x3F9E] =	sst s2  }
0x8f: {  	_ = 	snop  }
0x90: {  	(tm) =	ssettm $0x1  }
0x91: {  	s17 =	sld [smem:$0x3FFB];
	_ =	sdelay $0x3  }
0x92: {  	_ =	strace s17  }
0x93: {  	s2 =	sld [smem:$0x3FFC];
	_ =	sdelay $0x3  }
0x94: {  	_ =	strace s2  }
0x95: {  	s2 =	sld [smem:$0x3FFD];
	_ =	sdelay $0x3  }
0x96: {  	_ =	strace s2  }
0x97: {  	_ =	strace $0x8FFFFFFF  }
0x98: {  	s18 =	sld [smem:$0x3FDB];
	_ =	sdelay $0x1  }
0x99: {  	s19 =	simm.s32 $_scs_section_size  }
0x9a: {  	s4 =	simm.s32 $_size__tile_overlayer_lowered;
	s5 =	simm.s32 $_tile_overlayer_lowered  }
0x9b: {  	s22 =	simm.s32 $0x1BFF;
	s21 =	sshll.u32 s5, $0x1;
	s2 =	sadd.s32 s19, s18  }
0x9c: {  	s6 =	simm.s32 $0x0;
	s20 =	sshll.u32 s4, $0x1;
	s4 =	sadd.s32 s21, s2  }
0x9d: {  	[timem:s6], [sflag:s22] =	dma.local [hbm:s4], s20  }
0x9e: {  	_ =	swait.ge [sflag:s22], s20  }
0x9f: {  	s3 =	ssub.s32 $0x0, s20;
	[sflag:s22] =	ssyncset.done $0x0  }
0xa0: {  	[sflag:s22] =	ssyncadd.s32 s3;
	_ =	sdelay $0x1  }
0xa1: {  	s23 =	simm.s32 $0x1B8B  }
0xa2: {  	_ =	swait.ge [sflag:s23], $0x1  }
0xa3: {  	[sflag:s23] =	ssyncset.done $0x0  }
0xa4: {  	s25 =	simm.s32 $0x1B8E;
	s24 =	sld [smem:$0x3FFE];
	[sflag:s23] =	ssyncadd.s32 $0xFFFFFFFF  }
0xa5: {  	s26 =	simm.s32 $execute0_lowered;
	[smem:$0x3FD2] =	sst s25  }
0xa6: {  	s4 =	sshll.u32 s26, $0x1;
	_ =	strace $0x80000061;
	[dreg:$0x1] =	wrdreg $0xFFFFFFFF  }
0xa7: {  	s28 =	simm.s32 $_size_execute0_lowered;
	s2 =	sadd.s32 s2, s4;
	[dreg:$0x0] =	wrdreg $0x0  }
0xa8: {  	s4 =	sshll.u32 s28, $0x1;
	[dreg:$0x2] =	wrdreg s2  }
0xa9: {  	[dreg:$0x3] =	wrdreg s4  }
0xaa: {  	[dreg:$0x4] =	wrdreg $0xC0  }
0xab: {  	_ =	task [dreg:s6], $0x5FFFF  }
0xac: {  	[dreg:$0x1] =	wrdreg $0xFFFFFFFF  }
0xad: {  	[dreg:$0x0] =	wrdreg $0x60  }
0xae: {  	[dreg:$0x2] =	wrdreg s24  }
0xaf: {  	[dreg:$0x3] =	wrdreg $0x9  }
0xb0: {  	_ =	task.clear_ibuf [dreg:s6], $0x4FFFF;
	_ =	strace $0x90000061  }
0xb1: {  	s29 =	simm.s32 $0x9;
	_ =	strace $0x80000063  }
0xb2: {  	_ =	swait.ge [sflag:s29], $0x1  }
0xb3: {  	[sflag:s29] =	ssyncadd.s32 $0xFFFFFFFF  }
0xb4: {  	_ =	strace $0x90000063  }
0xb5: {  	_ =	sfence  }
0xb6: {  	s30 =	sld [smem:$0x0];
	_ =	sdelay $0x2  }
0xb7: {  	s31 =	sshll.u32 s1, $0xD;
	s1 =	sshrl.u32 s1, $0x2  }
0xb8: {  	s3 =	sand.u32 $0x4000, s31;
	s1 =	sadd.s32 s1, s30  }
0xb9: {  	s0 =	sor.u32 s3, s0;
	s1 =	sshll.u32 s1, $0x11  }
0xba: {  	s0 =	sor.u32 s1, s0  }
0xbb: {  	s0 =	sadd.s32 $0x8F2B, s0  }
0xbc: {  	[sflag:s0] =	ssyncadd.remote.s32 $0x1  }
0xbd: {  	_ =	sfence.sel $0xFFFF  }
0xbe: {  	[dreg:$0x0] =	wrdreg $0xFFFFFFFF;
	(pc) =	sbr.abs _section_cstart, $3  }
0xbf: {  	[dreg:$0x1] =	wrdreg $0xFFFFFFFF  }
0xc0: {  	_ =	task.clear_ibuf [dreg:s6], $0x2FFFF;
	_ =	strace $0x9FFFFFFF  }
0xc1: {  	(tm) =	ssettm $0x7FFFFFFF  }
tec
execute0_lowered:
.L_overlay_start_1:
0x0: {  	(tag) =	ssettag $0x1  }
0x1: {  	s8 =	rddreg [dreg:$0x0]  }
0x2: {  	s0 =	rddreg [dreg:$0x1];
	_ =	strace $0x80000062;
	s1 =	stileid.u32  }
0x3: {  	s3 =	srdreg.scid;
	s4 =	simm.s32 $0x1;
	s7 =	simm.s32 $0x1  }
0x4: {  	s9 =	simm.s32 $0x1;
	s10 =	simm.s32 $0x3;
	s13 =	simm.s32 $0x0  }
0x5: {  	s12 =	simm.s32 $0x0;
	s5 =	sand.u32 $0x1, s3;
	s6 =	sshll.u32 s1, $0x1  }
0x6: {  	s2 =	sadd.s32 $0x53E00, s8;
	s3 =	sadd.s32 $0x3B600, s8;
	s5 =	sor.u32 s6, s5  }
.Ltmp0:
0x7: {  	[sflag:s4] =	ssyncpa.u1 $0x0;
	p0 =	slt.u32 s5, $0x19;
	(pc) =	sbr.rel .LBB2_1-.Ltmp0, $4  }
0x8: {  	s6 =	simm.s32 $0x2;
	s7 =	simm.s32 @!p0 $0x0;
	p0 =	sne.s32 s5, $0x18  }
0x9: {  	[sflag:s6] =	ssyncpa.u1 $0x0;
	s5 =	smul.u32 $0x3B0, s5;
	s9 =	simm.s32 @!p0 $0x0  }
0xa: {  	s8 =	sadd.s32 $0x3D000, s8;
	[sflag:s10] =	ssyncpa.u1 $0x0;
	s7 =	sadd.s32 s9, s7  }
0xb: {  	vm0 =	vmmov $0xffff;
	s10 =	simm.s32 $0x0;
	s11 =	smov.u32 s5;
	s9 =	sadd.s32 $0x1, s7  }
.LBB2_4:
0xc: {  	v2 =	vnsel vm1, $0x0, v2  }
0xd: {  	vm1 =	vgt.s32 v0, $0x0;
	v2 =	vmin.u32 v2, $0xC34FF  }
0xe: {  	v0 =	vnsel vm1, $0x0, v0  }
0xf: {  	v0 =	vmin.u32 v0, $0xC34FF  }
0x10: {  	[tilespmem:s18], [sflag:$0x1] =	stream.indirect_vreg.gather [hbm4b:s2+s10], $0x1, v1, vm0, $0x4038;
	[tilespmem:$0xEC0] =	vst v63  }
0x11: {  	(ifvalue) =	ssetifvalue $0x7FFFFFFF  }
0x12: {  	[tilespmem:s15], [sflag:$0x1] =	stream.indirect_vreg.gather [hbm4b:s2+s10], $0x1, v2, vm0, $0x4038;
	[tilespmem:$0xEC0] =	vst v63  }
0x13: {  	s29 =	sadd.s32 $0x10, s15;
	(ifvalue) =	ssetifvalue $0x7FFFFFFF  }
0x14: {  	[tilespmem:s29], [sflag:$0x1] =	stream.indirect_vreg.gather [hbm4b:s2+s10], $0x1, v0, vm0, $0x4038;
	[tilespmem:$0xEC0] =	vst v63  }
0x15: {  	_ =	swait.ge [sflag:s4], $0x3B0  }
0x16: {  	s30 =	sshrl.u32 s13, $0x3;
	[sflag:s4] =	ssyncset.done $0x0  }
0x17: {  	s31 =	sand.u32 $0x7, s13;
	s15 =	sadd.s32 s8, s30;
	[sflag:s4] =	ssyncadd.s32 $0xFFFFFC50  }
0x18: {  	[hbm4b:s15+s31] =	stream.linear.scatter [tilespmem:s14], [sflag:$0x3], $0x3B0, $0x38;
	[tilespmem:$0xEC0] =	vst v63  }
.LBB2_5:
0x19: {  	s15 =	sadd.s32 $0x7600, s11  }
0x1a: {  	p1 =	sgt.s32 s15, $0xCE7F  }
0x1b: {  	s15 =	smov.u32 @p1 s5;
	p1 =	sne.s32 s12, s9  }
.Ltmp1:
0x1c: {  	p0 =	slt.u32 s12, $0x2;
	(pc) =	sbr.rel @!p1 .LBB2_6-.Ltmp1, $4  }
0x1d: {  	s14 =	simm.s32 @!p0 $0x3  }
0x1e: {  	_ =	swait.ge @!p0 [sflag:s14], $0x3B0  }
0x1f: {  	s16 =	sadd.s32 $0x1, s12;
	s13 =	smov.u32 s11;
	[sflag:s14] =	ssyncset.done @!p0 $0x0  }
0x20: {  	s12 =	smov.u32 s16;
	s11 =	smov.u32 s15;
	[sflag:s14] =	ssyncadd.s32 @!p0 $0xFFFFFC50  }
.LBB2_1:
0x21: {  	p0 =	sge.u32 s12, s7  }
0x22: {  	s14 =	sxor.u32 @!p0 $0x1, s12  }
0x23: {  	s14 =	smul.u32 @!p0 $0xEC0, s14  }
0x24: {  	s31 =	sadd.s32 $0xFFFFFFFF, s12;
	s15 =	sshrl.u32 @!p0 s11, $0x3  }
0x25: {  	s16 =	sand.u32 @!p0 $0x7, s11;
	s15 =	sadd.s32 @!p0 s3, s15;
	s14 =	sshra.s32 @!p0 s14, $0x2  }
0x26: {  	[tilespmem:s14], [sflag:$0x2] =	stream.linear.gather @!p0 [hbm4b:s15+s16], $0x3B0, $0x38;
	[tilespmem:$0xEC0] =	vst v63  }
0x27: {  	p0 =	sge.u32 s31, s7  }
.Ltmp2:
0x28: {  	_ = 	snop;
	(pc) =	sbr.rel @p0 .LBB2_5-.Ltmp2, $1  }
0x29: {  	_ =	sdelay $0x3  }
0x2a: {  	s14 =	sand.u32 $0x1, s12  }
0x2b: {  	_ =	swait.ge [sflag:s6], $0x3B0;
	p0 =	seq.s32 s14, $0x1;
	s14 =	simm.s32 $0x3B0  }
0x2c: {  	[sflag:s6] =	ssyncset.done $0x0;
	s14 =	simm.s32 @!p0 $0x0  }
0x2d: {  	[sflag:s6] =	ssyncadd.s32 $0xFFFFFC50;
	(ifvalue) =	ssetifvalue $0x7FFFFFFF;
	v0 =	vld.msk [tilespmem:s14+$0x0 ss:$0x1], $0xffff;
	_ =	sdelay $0x4  }
0x2e: {  	s15 =	sadd.s32 $0x10, s14;
	vm1 =	vgt.s32 v0, $0x0  }
0x2f: {  	v2 =	vld.msk [tilespmem:s15+$0x0 ss:$0x1], $0xffff;
	v1 =	vnsel vm1, $0x0, v0  }
0x30: {  	v1 =	vmin.u32 v1, $0xC34FF;
	_ =	sdelay $0x2  }
0x31: {  	s17 =	simm.s32 $0x20;
	s14 =	sadd.s32 $0x760, s14;
	s16 =	sadd.s32 $0x10, s15  }
0x32: {  	s15 =	sadd.s32 $0x10, s14;
	s18 =	smov.u32 s14;
	v0 =	vld.msk [tilespmem:s16+$0x0 ss:$0x1], $0xffff;
	vm1 =	vgt.s32 v2, $0x0;
	(ifvalue) =	ssetifvalue $0x7FFFFFFF  }
.LBB2_3:
0x33: {  	[tilespmem:s18], [sflag:$0x1] =	stream.indirect_vreg.gather [hbm4b:s2+s10], $0x1, v1, vm0, $0x4038;
	[tilespmem:$0xEC0] =	vst v63  }
0x34: {  	s17 =	sadd.s32 $0x10, s17  }
0x35: {  	v2 =	vnsel vm1, $0x0, v2;
	p0 =	slt.u32 s17, $0x3A0  }
.Ltmp3:
0x36: {  	s18 =	smov.u32 s15;
	v1 =	vmin.u32 v2, $0xC34FF;
	(pc) =	sbr.rel @p0 .LBB2_3-.Ltmp3, $3  }
0x37: {  	_ =	sdelay $0x1  }
0x38: {  	s16 =	sadd.s32 $0x10, s16  }
0x39: {  	vm1 =	vgt.s32 v0, $0x0;
	s15 =	sadd.s32 $0x10, s15;
	v2 =	vmov v0;
	(ifvalue) =	ssetifvalue $0x7FFFFFFF;
	v0 =	vld.msk [tilespmem:s16+$0x0 ss:$0x1], $0xffff  }
.Ltmp4:
0x3a: {  	_ = 	snop;
	(pc) =	sbr.rel .LBB2_4-.Ltmp4, $1  }
0x3b: {  	_ =	sdelay $0x3  }
.LBB2_6:
0x3c: {  	_ =	sfence.sel $0x180000  }
0x3d: {  	s2 =	simm.s32 $0x2;
	[bflag:$0x0] =	sbarrier.arrive $0xFFFF  }
0x3e: {  	s30 =	simm.s32 $0x3;
	[sflag:s2] =	ssyncpa.u1 $0x1  }
0x3f: {  	s31 =	simm.s32 $0x1;
	[sflag:s30] =	ssyncpa.u1 $0x1  }
0x40: {  	[sflag:s31] =	ssyncpa.u1 $0x1  }
0x41: {  	p0 =	sne.s32 s1, $0x0;
	_ =	strace $0x90000062  }
0x42: {  	s0 =	sadd.s32 @!p0 $0x100000, s0;
	[bflag:$0x2] =	sbarrier.arrive $0xFFFF  }
0x43: {  	[sflag:s0] =	ssyncadd.tile.s32 @!p0 $0x1;
	_ =	shalt  }
.Lfunc_end2:
_tile_overlayer_lowered:
.L_overlay_start_2:
0x44: {  	(tag) =	ssettag $0x2  }
0x45: {  	s0 =	rddreg [dreg:$0x0];
	s2 =	stileid.u32  }
0x46: {  	s1 =	rddreg [dreg:$0x1];
	p0 =	sne.s32 s2, $0x0  }
0x47: {  	s3 =	rddreg [dreg:$0x2];
	[bflag:$0x3] =	sbarrier.arrive $0xFFFF;
	s2 =	simm.s32 @!p0 $0x1C01  }
0x48: {  	[timem:s3], [sflag:s2] =	dma.local @!p0 [hbm:s0], s1  }
0x49: {  	s0 =	simm.s32 @!p0 $0x1  }
0x4a: {  	_ =	swait.ge @!p0 [sflag:s0], s1  }
0x4b: {  	s1 =	ssub.s32 @!p0 $0x0, s1;
	[sflag:s0] =	ssyncset.done @!p0 $0x0  }
0x4c: {  	[sflag:s0] =	ssyncadd.s32 @!p0 s1  }
0x4d: {  	[bflag:$0x3] =	sbarrier.arrive $0xFFFF  }
0x4e: {  	_ =	shalt  }

// kernel: kernel.4.cloned.1.call-start
scs
__scs_entry_jumppad:
0x0: {  	(pc) =	sbr.rel $0x88, $3  }
0x1: {  	(tag) =	ssettag $0x0;
	lr =	simm.s32 $0x1  }
0x2: {  	[smem:$0x3F77] =	sst lr;
	_ =	strace $0xD0000000  }
0x3: {  	_ = 	snop  }
0x4: {  	_ = 	snop  }
0x5: {  	_ = 	snop  }
0x6: {  	_ = 	snop  }
0x7: {  	_ = 	snop  }
__scs_overlays_trampoline_lowered:
0x8: {  	[smem:$0x3F86] =	sst s0  }
0x9: {  	[smem:$0x3F87] =	sst s1  }
0xa: {  	[smem:$0x3F88] =	sst s2  }
0xb: {  	[smem:$0x3F89] =	sst s3  }
0xc: {  	[smem:$0x3F8A] =	sst s4  }
0xd: {  	[smem:$0x3F8B] =	sst s5  }
0xe: {  	[smem:$0x3F8C] =	sst s6  }
0xf: {  	[smem:$0x3F8D] =	sst s7  }
0x10: {  	[smem:$0x3F8E] =	sst s8  }
0x11: {  	[smem:$0x3F8F] =	sst s9;
	s0 =	simm.s32 @!p0 $0x0  }
0x12: {  	s1 =	sld [smem:$0x3F75];
	s0 =	simm.s32 @p0 $0x1  }
0x13: {  	[smem:$0x3F90] =	sst s0;
	s0 =	simm.s32 @!p1 $0x0  }
0x14: {  	s2 =	sld [smem:$0x3F74];
	s0 =	simm.s32 @p1 $0x1  }
0x15: {  	[smem:$0x3F91] =	sst s0;
	s0 =	simm.s32 @!p2 $0x0  }
0x16: {  	s3 =	sld [smem:$0x3FDB];
	s0 =	simm.s32 @p2 $0x1  }
0x17: {  	s4 =	simm.s32 $0x1BF5;
	[smem:$0x3F93] =	sst s0  }
0x18: {  	s0 =	sld [smem:$0x3F76];
	_ =	swait.ge [sflag:s4], $0x0  }
0x19: {  	s7 =	sld [smem:$0x3F77]  }
0x1a: {  	s8 =	sadd.s32 $0xFFFFE003, lr  }
0x1b: {  	s9 =	sadd.s32 $0xFFFFFEF7, lr;
	s5 =	simm.s32 $0xFFFFFFFF;
	p2 =	slt.u32 s8, $0xFFFFF086  }
0x1c: {  	p1 =	slt.u32 s9, $0xF7A;
	s5 =	simm.s32 @!p2 $0x0  }
0x1d: {  	s5 =	simm.s32 @p1 $0x1;
	p0 =	seq.s32 s7, s2  }
0x1e: {  	s7 =	smul.u32 @!p0 $0xF7A, s2;
	p2 =	seq.s32 @!p0 s5, $0x0  }
0x1f: {  	s9 =	smul.u32 $0xF7A, s1;
	s8 =	simm.s32 @!p0 $0x1BF5;
	p2 =	por !p2, p0  }
0x20: {  	[sflag:s8] =	ssyncset.s32 @!p0 $0xFFFFF086;
	s6 =	sadd.s32 @!p0 s3, s7;
	s7 =	simm.s32 @!p0 $0x108  }
0x21: {  	s3 =	sadd.s32 s3, s9;
	s6 =	sadd.s32 @!p0 $0x88, s6;
	s7 =	simm.s32 @p2 $0x1082  }
0x22: {  	[simem:s7], [sflag:s8] =	dma.local @!p0 [hbm:s6], $0xF7A  }
0x23: {  	s9 =	sor.u32 $0xD0000000, s2;
	s6 =	simm.s32 $0x108;
	_ =	swait.ge @!p0 [sflag:s8], $0x0  }
0x24: {  	s3 =	sadd.s32 $0x88, s3;
	s6 =	simm.s32 @!p1 $0x1082;
	[sflag:s4] =	ssyncset.s32 $0xFFFFF086  }
0x25: {  	[simem:s6], [sflag:s4] =	dma.local [hbm:s3], $0xF7A  }
0x26: {  	[smem:$0x3F77] =	sst s1;
	(tag) =	ssettag s2;
	_ =	strace s9  }
0x27: {  	s1 =	sld [smem:$0x3F87]  }
0x28: {  	s2 =	sld [smem:$0x3F88]  }
0x29: {  	s4 =	sld [smem:$0x3F8A]  }
0x2a: {  	p0 =	seq.s32 s5, $0x0;
	s5 =	sld [smem:$0x3F8B]  }
0x2b: {  	s6 =	sld [smem:$0x3F8C]  }
0x2c: {  	s7 =	sld [smem:$0x3F8D]  }
0x2d: {  	s3 =	simm.s32 $0x108;
	s8 =	sld [smem:$0x3F8E]  }
0x2e: {  	s3 =	simm.s32 @!p0 $0x1082;
	s9 =	sld [smem:$0x3F8F]  }
0x2f: {  	lr =	sadd.s32 s0, s3;
	s0 =	sld [smem:$0x3F86]  }
0x30: {  	s3 =	sld [smem:$0x3F89]  }
0x31: {  	[smem:$0x3F92] =	sst s10  }
0x32: {  	s10 =	sld [smem:$0x3F90];
	_ =	sdelay $0x3  }
0x33: {  	p0 =	seq.s32 s10, $0x1;
	s10 =	sld [smem:$0x3F92];
	_ =	sdelay $0x3  }
0x34: {  	[smem:$0x3F92] =	sst s10  }
0x35: {  	s10 =	sld [smem:$0x3F91];
	_ =	sdelay $0x3  }
0x36: {  	p1 =	seq.s32 s10, $0x1;
	s10 =	sld [smem:$0x3F92];
	_ =	sdelay $0x3  }
0x37: {  	[smem:$0x3F92] =	sst s10  }
0x38: {  	s10 =	sld [smem:$0x3F93]  }
0x39: {  	_ = 	snop;
	(pc) =	sbr.ind lr, $3  }
0x3a: {  	_ = 	snop  }
0x3b: {  	_ = 	snop  }
0x3c: {  	p2 =	seq.s32 s10, $0x1;
	s10 =	sld [smem:$0x3F92]  }
0x3d: {  	_ =	shalt  }
0x3e: {  	_ =	shalt  }
0x3f: {  	_ =	shalt  }
0x40: {  	_ =	shalt  }
0x41: {  	_ =	shalt  }
0x42: {  	_ =	shalt  }
0x43: {  	_ =	shalt  }
0x44: {  	_ =	shalt  }
0x45: {  	_ =	shalt  }
0x46: {  	_ =	shalt  }
0x47: {  	_ =	shalt  }
0x48: {  	_ =	shalt  }
0x49: {  	_ =	shalt  }
0x4a: {  	_ =	shalt  }
0x4b: {  	_ =	shalt  }
0x4c: {  	_ =	shalt  }
0x4d: {  	_ =	shalt  }
0x4e: {  	_ =	shalt  }
0x4f: {  	_ =	shalt  }
0x50: {  	_ =	shalt  }
0x51: {  	_ =	shalt  }
0x52: {  	_ =	shalt  }
0x53: {  	_ =	shalt  }
0x54: {  	_ =	shalt  }
0x55: {  	_ =	shalt  }
0x56: {  	_ =	shalt  }
0x57: {  	_ =	shalt  }
0x58: {  	_ =	shalt  }
0x59: {  	_ =	shalt  }
0x5a: {  	_ =	shalt  }
0x5b: {  	_ =	shalt  }
0x5c: {  	_ =	shalt  }
0x5d: {  	_ =	shalt  }
0x5e: {  	_ =	shalt  }
0x5f: {  	_ =	shalt  }
0x60: {  	_ =	shalt  }
0x61: {  	_ =	shalt  }
0x62: {  	_ =	shalt  }
0x63: {  	_ =	shalt  }
0x64: {  	_ =	shalt  }
0x65: {  	_ =	shalt  }
0x66: {  	_ =	shalt  }
0x67: {  	_ =	shalt  }
0x68: {  	_ =	shalt  }
0x69: {  	_ =	shalt  }
0x6a: {  	_ =	shalt  }
0x6b: {  	_ =	shalt  }
0x6c: {  	_ =	shalt  }
0x6d: {  	_ =	shalt  }
0x6e: {  	_ =	shalt  }
0x6f: {  	_ =	shalt  }
0x70: {  	_ =	shalt  }
0x71: {  	_ =	shalt  }
0x72: {  	_ =	shalt  }
0x73: {  	_ =	shalt  }
0x74: {  	_ =	shalt  }
0x75: {  	_ =	shalt  }
0x76: {  	_ =	shalt  }
0x77: {  	_ =	shalt  }
0x78: {  	_ =	shalt  }
0x79: {  	_ =	shalt  }
0x7a: {  	_ =	shalt  }
0x7b: {  	_ =	shalt  }
0x7c: {  	_ =	shalt  }
0x7d: {  	_ =	shalt  }
0x7e: {  	_ =	shalt  }
0x7f: {  	_ =	shalt  }
0x80: {  	_ =	shalt  }
0x81: {  	_ =	shalt  }
0x82: {  	_ =	shalt  }
0x83: {  	_ =	shalt  }
0x84: {  	_ =	shalt  }
0x85: {  	_ =	shalt  }
0x86: {  	_ =	shalt  }
0x87: {  	_ =	shalt  }
.Lfunc_end0:
.L_simem_size_0:
called_computation.8_lowered:
.L_overlay_start_0:
0x88: {  	s2 =	sld [smem:$0x3FD9]  }
0x89: {  	s3 =	sld [smem:$0x3FFE];
	_ =	sdelay $0x1  }
0x8a: {  	s1 =	srdreg.scid  }
0x8b: {  	s0 =	sand.u32 $0x1, s1  }
0x8c: {  	s16 =	sshll.u32 s0, $0xA;
	s2 =	sadd.s32 s3, s2  }
0x8d: {  	s2 =	sadd.s32 s2, s16  }
0x8e: {  	[smem:$0x3F9E] =	sst s2  }
0x8f: {  	_ = 	snop  }
0x90: {  	(tm) =	ssettm $0x1  }
0x91: {  	s17 =	sld [smem:$0x3FFB];
	_ =	sdelay $0x3  }
0x92: {  	_ =	strace s17  }
0x93: {  	s2 =	sld [smem:$0x3FFC];
	_ =	sdelay $0x3  }
0x94: {  	_ =	strace s2  }
0x95: {  	s2 =	sld [smem:$0x3FFD];
	_ =	sdelay $0x3  }
0x96: {  	_ =	strace s2  }
0x97: {  	_ =	strace $0x8FFFFFFF  }
0x98: {  	s18 =	sld [smem:$0x3FDB];
	_ =	sdelay $0x1  }
0x99: {  	s19 =	simm.s32 $_scs_section_size  }
0x9a: {  	s4 =	simm.s32 $_size__tile_overlayer_lowered;
	s5 =	simm.s32 $_tile_overlayer_lowered  }
0x9b: {  	s22 =	simm.s32 $0x1BFF;
	s21 =	sshll.u32 s5, $0x1;
	s2 =	sadd.s32 s19, s18  }
0x9c: {  	s6 =	simm.s32 $0x0;
	s20 =	sshll.u32 s4, $0x1;
	s4 =	sadd.s32 s21, s2  }
0x9d: {  	[timem:s6], [sflag:s22] =	dma.local [hbm:s4], s20  }
0x9e: {  	_ =	swait.ge [sflag:s22], s20  }
0x9f: {  	s3 =	ssub.s32 $0x0, s20;
	[sflag:s22] =	ssyncset.done $0x0  }
0xa0: {  	[sflag:s22] =	ssyncadd.s32 s3;
	_ =	sdelay $0x1  }
0xa1: {  	s23 =	simm.s32 $0x1B8B  }
0xa2: {  	_ =	swait.ge [sflag:s23], $0x1  }
0xa3: {  	[sflag:s23] =	ssyncset.done $0x0  }
0xa4: {  	s25 =	simm.s32 $0x1B8E;
	s24 =	sld [smem:$0x3FFE];
	[sflag:s23] =	ssyncadd.s32 $0xFFFFFFFF  }
0xa5: {  	s26 =	simm.s32 $execute0_lowered;
	[smem:$0x3FD2] =	sst s25  }
0xa6: {  	s4 =	sshll.u32 s26, $0x1;
	_ =	strace $0x80000052;
	[dreg:$0x1] =	wrdreg $0xFFFFFFFF  }
0xa7: {  	s28 =	simm.s32 $_size_execute0_lowered;
	s2 =	sadd.s32 s2, s4;
	[dreg:$0x0] =	wrdreg $0x0  }
0xa8: {  	s4 =	sshll.u32 s28, $0x1;
	[dreg:$0x2] =	wrdreg s2  }
0xa9: {  	[dreg:$0x3] =	wrdreg s4  }
0xaa: {  	[dreg:$0x4] =	wrdreg $0xC0  }
0xab: {  	_ =	task [dreg:s6], $0x5FFFF  }
0xac: {  	[dreg:$0x1] =	wrdreg $0xFFFFFFFF  }
0xad: {  	[dreg:$0x0] =	wrdreg $0x60  }
0xae: {  	[dreg:$0x2] =	wrdreg s24  }
0xaf: {  	[dreg:$0x3] =	wrdreg $0x9  }
0xb0: {  	_ =	task.clear_ibuf [dreg:s6], $0x4FFFF;
	_ =	strace $0x90000052  }
0xb1: {  	s29 =	simm.s32 $0x9;
	_ =	strace $0x80000054  }
0xb2: {  	_ =	swait.ge [sflag:s29], $0x1  }
0xb3: {  	[sflag:s29] =	ssyncadd.s32 $0xFFFFFFFF  }
0xb4: {  	_ =	strace $0x90000054  }
0xb5: {  	_ =	sfence  }
0xb6: {  	s30 =	sld [smem:$0x0];
	_ =	sdelay $0x2  }
0xb7: {  	s31 =	sshll.u32 s1, $0xD;
	s1 =	sshrl.u32 s1, $0x2  }
0xb8: {  	s3 =	sand.u32 $0x4000, s31;
	s1 =	sadd.s32 s1, s30  }
0xb9: {  	s0 =	sor.u32 s3, s0;
	s1 =	sshll.u32 s1, $0x11  }
0xba: {  	s0 =	sor.u32 s1, s0  }
0xbb: {  	s0 =	sadd.s32 $0x8F2B, s0  }
0xbc: {  	[sflag:s0] =	ssyncadd.remote.s32 $0x1  }
0xbd: {  	_ =	sfence.sel $0xFFFF  }
0xbe: {  	[dreg:$0x0] =	wrdreg $0xFFFFFFFF;
	(pc) =	sbr.abs _section_cstart, $3  }
0xbf: {  	[dreg:$0x1] =	wrdreg $0xFFFFFFFF  }
0xc0: {  	_ =	task.clear_ibuf [dreg:s6], $0x2FFFF;
	_ =	strace $0x9FFFFFFF  }
0xc1: {  	(tm) =	ssettm $0x7FFFFFFF  }
tec
execute0_lowered:
.L_overlay_start_1:
0x0: {  	(tag) =	ssettag $0x1  }
0x1: {  	s1 =	srdreg.scid  }
0x2: {  	s0 =	stileid.u32;
	s8 =	rddreg [dreg:$0x0];
	s2 =	simm.s32 $0x0  }
0x3: {  	s12 =	simm.s32 $0x1;
	s5 =	sand.u32 $0x1, s1;
	s31 =	sshll.u32 s0, $0x1  }
0x4: {  	s13 =	simm.s32 $0x2;
	s1 =	rddreg [dreg:$0x1];
	s3 =	sor.u32 s5, s31  }
0x5: {  	s14 =	simm.s32 $0x0;
	[smem:$0x7FF] =	sst s2;
	s3 =	smul.u32 $0x640, s3  }
.Ltmp0:
0x6: {  	s4 =	sadd.s32 $0x486400, s8;
	s10 =	ssub.s32 $0x2, s5;
	(pc) =	sbr.rel .LBB2_1-.Ltmp0, $4  }
0x7: {  	s7 =	sadd.s32 $0x3B600, s8;
	_ =	strace $0x80000053;
	s11 =	sshrl.u32 s10, $0x1  }
0x8: {  	s5 =	sadd.s32 $0x1183A00, s8;
	s10 =	ssub.s32 s10, s11;
	s6 =	sshrl.u32 s3, $0x3  }
0x9: {  	s11 =	simm.s32 $0x1000;
	s9 =	sadd.s32 s6, s8;
	s6 =	sadd.s32 $0x124BA00, s8  }
0xa: {  	s10 =	smax.u32 s10, $0x1;
	s8 =	sadd.s32 $0x10BBA00, s8;
	s9 =	sadd.s32 $0x7200, s9  }
.LBB2_15:
0xb: {  	s14 =	sadd.s32 $0x1, s14  }
0xc: {  	p0 =	sne.s32 s14, s10  }
.Ltmp1:
0xd: {  	_ = 	snop;
	(pc) =	sbr.rel @!p0 .LBB2_16-.Ltmp1, $1  }
0xe: {  	_ =	sdelay $0x3  }
.LBB2_1:
.Ltmp2:
0xf: {  	(pc) =	sbr.rel .LBB2_2-.Ltmp2, $4  }
0x10: {  	[tilespmem:s11], [sflag:$0x1] =	stream.linear.gather [hbm4b:s9+s2], $0x680, $0x38;
	[tilespmem:$0x9680] =	vst v63  }
0x11: {  	_ =	swait.ge [sflag:s12], $0x680  }
0x12: {  	[sflag:s12] =	ssyncset.done $0x0  }
0x13: {  	s15 =	simm.s32 $0x0;
	[sflag:s12] =	ssyncadd.s32 $0xFFFFF980  }
.LBB2_3:
0x14: {  	v5 =	vimm.f32 $0.0e+00  }
0x15: {  	v10 =	vimm.f32 $-Inf;
	v15 =	vimm.f32 $+Inf;
	v14 =	vimm.f32 $+Inf  }
0x16: {  	v13 =	vimm.f32 $+Inf;
	v0 =	vimm.f32 $+Inf;
	v9 =	vimm.f32 $-Inf  }
0x17: {  	v6 =	vimm.f32 $-Inf;
	v1 =	vimm.f32 $-Inf;
	v8 =	vimm.f32 $0.0e+00  }
0x18: {  	v4 =	vimm.f32 $0.0e+00;
	v3 =	vimm.f32 $0.0e+00;
	v12 =	vimm.f32 $0.0e+00  }
0x19: {  	v11 =	vimm.f32 $0.0e+00;
	v7 =	vimm.f32 $0.0e+00;
	v2 =	vimm.f32 $0.0e+00  }
.LBB2_14:
0x1a: {  	s16 =	sand.u32 $0x3F, s15  }
0x1b: {  	s17 =	sshll.u32 s16, $0x7  }
0x1c: {  	[tilespmem:s17+$0x1680] =	vst v15  }
0x1d: {  	[tilespmem:s17+$0x3680] =	vst v10  }
0x1e: {  	[tilespmem:s17+$0x5680] =	vst v5  }
0x1f: {  	[tilespmem:s17+$0x7680] =	vst v12  }
0x20: {  	[tilespmem:s17+$0x1690] =	vst v14  }
0x21: {  	[tilespmem:s17+$0x3690] =	vst v9  }
0x22: {  	[tilespmem:s17+$0x5690] =	vst v8  }
0x23: {  	[tilespmem:s17+$0x7690] =	vst v11  }
0x24: {  	[tilespmem:s17+$0x16A0] =	vst v13  }
0x25: {  	[tilespmem:s17+$0x36A0] =	vst v6  }
0x26: {  	p0 =	sne.s32 s16, $0x3F;
	[tilespmem:s17+$0x56A0] =	vst v4  }
0x27: {  	[tilespmem:s17+$0x76A0] =	vst v7;
	s16 =	sadd.s32 @!p0 s3, s15  }
0x28: {  	[tilespmem:s17+$0x16B0] =	vst v0;
	s16 =	sshll.u32 @!p0 s16, $0x7  }
0x29: {  	[tilespmem:s17+$0x36B0] =	vst v1;
	s16 =	sadd.s32 @!p0 $0xFFFFE080, s16  }
0x2a: {  	[tilespmem:s17+$0x56B0] =	vst v3;
	s16 =	sshrl.u32 @!p0 s16, $0x3  }
0x2b: {  	[tilespmem:s17+$0x76B0] =	vst v2;
	s18 =	simm.s32 @!p0 $0x0;
	s19 =	simm.s32 @!p0 $0x1680;
	s17 =	sadd.s32 @!p0 s5, s16  }
0x2c: {  	[hbm4b:s17+s18] =	stream.linear.scatter @!p0 [tilespmem:s19], [sflag:$0x2], $0x2000, $0x38;
	[tilespmem:$0x9680] =	vst v63  }
0x2d: {  	s17 =	simm.s32 @!p0 $0x2  }
0x2e: {  	_ =	swait.ge @!p0 [sflag:s17], $0x2000  }
0x2f: {  	[sflag:s17] =	ssyncset.done @!p0 $0x0  }
0x30: {  	s20 =	simm.s32 @!p0 $0x3680;
	s19 =	sadd.s32 @!p0 s6, s16;
	[sflag:s17] =	ssyncadd.s32 @!p0 $0xFFFFE000  }
0x31: {  	[hbm4b:s19+s18] =	stream.linear.scatter @!p0 [tilespmem:s20], [sflag:$0x2], $0x2000, $0x38;
	[tilespmem:$0x9680] =	vst v63  }
0x32: {  	_ =	swait.ge @!p0 [sflag:s17], $0x2000  }
0x33: {  	[sflag:s17] =	ssyncset.done @!p0 $0x0  }
0x34: {  	s19 =	sadd.s32 @!p0 s7, s16;
	s20 =	simm.s32 @!p0 $0x5680;
	[sflag:s17] =	ssyncadd.s32 @!p0 $0xFFFFE000  }
0x35: {  	[hbm4b:s19+s18] =	stream.linear.scatter @!p0 [tilespmem:s20], [sflag:$0x2], $0x2000, $0x38;
	[tilespmem:$0x9680] =	vst v63  }
0x36: {  	s15 =	sadd.s32 $0x1, s15;
	_ =	swait.ge @!p0 [sflag:s17], $0x2000  }
0x37: {  	p1 =	sne.s32 s15, $0x640;
	[sflag:s17] =	ssyncset.done @!p0 $0x0  }
0x38: {  	s16 =	sadd.s32 @!p0 s8, s16;
	[sflag:s17] =	ssyncadd.s32 @!p0 $0xFFFFE000;
	s17 =	simm.s32 @!p0 $0x7680  }
0x39: {  	[hbm4b:s16+s18] =	stream.linear.scatter @!p0 [tilespmem:s17], [sflag:$0x1], $0x2000, $0x38;
	[tilespmem:$0x9680] =	vst v63  }
.Ltmp3:
0x3a: {  	_ = 	snop;
	(pc) =	sbr.rel @!p1 .LBB2_15-.Ltmp3, $4  }
0x3b: {  	s16 =	simm.s32 @!p0 $0x1  }
0x3c: {  	_ =	swait.ge @!p0 [sflag:s16], $0x2000  }
0x3d: {  	[sflag:s16] =	ssyncset.done @!p0 $0x0  }
0x3e: {  	[sflag:s16] =	ssyncadd.s32 @!p0 $0xFFFFE000  }
.LBB2_2:
0x3f: {  	v0 =	vld [tilespmem:s15+$0x1000];
	_ =	sdelay $0x4  }
0x40: {  	(v2sf) =	vpush v0, $0x0;
	_ =	sdelay $0x6  }
0x41: {  	(v2sf) =	vpush v0, $0x1;
	_ =	sdelay $0x7  }
0x42: {  	s16 =	spop (v2sf)  }
0x43: {  	s17 =	sand.u32 $0x7, s16  }
0x44: {  	s18 =	sshra.s32 s16, $0x1F;
	p0 =	slt.s32 s16, $0x1;
	p1 =	sne.s32 s17, $0x0  }
0x45: {  	s31 =	sshrl.u32 s18, $0x1D;
	p0 =	por !p0, !p1  }
0x46: {  	s18 =	simm.s32 $0x1;
	s17 =	sadd.s32 s31, s16;
	p0 =	por !p0, !p0  }
0x47: {  	s17 =	sshrl.u32 s17, $0x3;
	s18 =	simm.s32 @!p0 $0x0  }
0x48: {  	s18 =	ssub.s32 s17, s18  }
0x49: {  	s17 =	spop (v2sf);
	s18 =	sshll.u32 s18, $0x3  }
0x4a: {  	s19 =	ssub.s32 s17, s18  }
0x4b: {  	s19 =	sadd.s32 $0x1F, s19  }
0x4c: {  	p0 =	sgt.s32 s19, $0x0  }
0x4d: {  	p5 =	slt.s32 s19, $0x1;
	s19 =	simm.s32 @!p0 $0x0  }
0x4e: {  	s20 =	sand.u32 $0x1F, s19  }
0x4f: {  	p6 =	sne.s32 s20, $0x0  }
0x50: {  	p0 =	por !p5, !p6  }
0x51: {  	s20 =	simm.s32 $0x1;
	p0 =	por !p0, !p0  }
0x52: {  	s19 =	sshrl.u32 s19, $0x5;
	s20 =	simm.s32 @!p0 $0x0  }
0x53: {  	s19 =	ssub.s32 s19, s20  }
0x54: {  	p0 =	slt.s32 s19, $0x1  }
.Ltmp4:
0x55: {  	_ = 	snop;
	(pc) =	sbr.rel @p0 .LBB2_3-.Ltmp4, $1  }
0x56: {  	_ =	sdelay $0x3  }
0x57: {  	v0 =	vimm.f32 $+Inf  }
.Ltmp5:
0x58: {  	v1 =	vimm.f32 $-Inf;
	v2 =	vimm.f32 $0.0e+00;
	v7 =	vimm.f32 $0.0e+00;
	(pc) =	sbr.rel .LBB2_5-.Ltmp5, $4  }
0x59: {  	v11 =	vimm.f32 $0.0e+00;
	v12 =	vimm.f32 $0.0e+00;
	v3 =	vimm.f32 $0.0e+00  }
0x5a: {  	v4 =	vimm.f32 $0.0e+00;
	v8 =	vimm.f32 $0.0e+00;
	v5 =	vimm.f32 $0.0e+00  }
0x5b: {  	v6 =	vimm.f32 $-Inf;
	v9 =	vimm.f32 $-Inf;
	v10 =	vimm.f32 $-Inf  }
0x5c: {  	s20 =	ssub.s32 s16, s18;
	s21 =	simm.s32 $0x0;
	v13 =	vimm.f32 $+Inf;
	v14 =	vimm.f32 $+Inf;
	v15 =	vimm.f32 $+Inf  }
.LBB2_7:
0x5d: {  	v18 =	vmov v13;
	v21 =	vmov v11;
	v23 =	vmov v7  }
.LBB2_12:
0x5e: {  	v18 =	vmin.f32 @p0 v18, v30;
	v19 =	vadd.f32 @p0 v31, v21  }
0x5f: {  	v21 =	vadd.f32 @p0 v26, v23;
	v0 =	vmin.f32 v0, v27;
	v9 =	vmax.f32 v9, v29  }
0x60: {  	v1 =	vmax.f32 v1, v27;
	v63 =	vmul.f32 v24, v24;
	v15 =	vmin.f32 v15, v24  }
0x61: {  	v10 =	vmax.f32 v10, v24;
	v6 =	vmax.f32 v6, v17;
	v2 =	vadd.f32 v20, v2  }
0x62: {  	v22 =	vmul.f32 v17, v17;
	v8 =	vadd.f32 v29, v8;
	v4 =	vadd.f32 v17, v4  }
0x63: {  	v5 =	vadd.f32 v24, v5;
	v11 =	vpsel p0, v19, v11;
	v7 =	vpsel p0, v21, v7  }
0x64: {  	v13 =	vpsel p0, v18, v13;
	v11 =	vadd.f32 v16, v11;
	v7 =	vadd.f32 v22, v7  }
0x65: {  	v3 =	vadd.f32 v27, v3;
	v12 =	vadd.f32 v63, v12;
	v13 =	vmin.f32 v13, v17  }
.LBB2_13:
0x66: {  	s21 =	sadd.s32 $0x1, s21  }
0x67: {  	p0 =	sne.s32 s21, s19  }
.Ltmp6:
0x68: {  	_ = 	snop;
	(pc) =	sbr.rel @!p0 .LBB2_14-.Ltmp6, $2  }
0x69: {  	_ =	sdelay $0x2  }
0x6a: {  	s20 =	sadd.s32 $0xFFFFFFE0, s20  }
.LBB2_5:
0x6b: {  	s22 =	sshll.u32 s21, $0x5  }
0x6c: {  	s24 =	sadd.s32 s18, s22  }
0x6d: {  	s22 =	ssub.s32 s17, s24;
	s23 =	ssub.s32 s16, s24  }
0x6e: {  	p0 =	slt.s32 s22, $0x20;
	p1 =	sgt.s32 s23, $0x0  }
0x6f: {  	s22 =	simm.s32 @!p0 $0x20;
	s23 =	simm.s32 @!p1 $0x0  }
0x70: {  	s24 =	sshll.u32 s24, $0x4;
	p0 =	sge.s32 s23, s22  }
.Ltmp7:
0x71: {  	s24 =	sadd.s32 s4, s24;
	(pc) =	sbr.rel @p0 .LBB2_13-.Ltmp7, $4  }
0x72: {  	[tilespmem:s2], [sflag:$0x2] =	stream.linear.gather [hbm4b:s24+s2], $0x1000, $0x38;
	[tilespmem:$0x9680] =	vst v63  }
0x73: {  	_ =	swait.ge [sflag:s13], $0x1000  }
0x74: {  	[sflag:s13] =	ssyncset.done $0x0  }
0x75: {  	[sflag:s13] =	ssyncadd.s32 $0xFFFFF000  }
0x76: {  	p0 =	sgt.s32 s20, $0x0;
	s24 =	smov.u32 s20  }
0x77: {  	s24 =	simm.s32 @!p0 $0x0  }
0x78: {  	s24 =	sshll.u32 s24, $0x9  }
0x79: {  	s24 =	sshra.s32 s24, $0x2  }
0x7a: {  	s24 =	sor.u32 $0x20, s24  }
0x7b: {  	s23 =	sadd.s32 $0x1, s23;
	v29 =	vld [tilespmem:s24+$0xFFFFFFF0]  }
0x7c: {  	p1 =	slt.s32 s23, s22;
	v27 =	vld [tilespmem:s24+$0x10]  }
.Ltmp8:
0x7d: {  	_ = 	snop;
	(pc) =	sbr.rel @!p1 .LBB2_7-.Ltmp8, $4  }
0x7e: {  	_ = 	snop  }
0x7f: {  	v24 =	vld [tilespmem:s24+$0xFFFFFFE0]  }
0x80: {  	v17 =	vld [tilespmem:s24+$0x0]  }
0x81: {  	p0 =	por $0x0, $0x0;
	s24 =	sadd.s32 $0x80, s24;
	v16 =	vmul.f32 v29, v29;
	v14 =	vmin.f32 v14, v29;
	v20 =	vmul.f32 v27, v27  }
0x82: {  	v19 =	vld [tilespmem:s24+$0xFFFFFFF0];
	s23 =	sadd.s32 $0x1, s23  }
0x83: {  	v22 =	vld [tilespmem:s24+$0x10];
	v0 =	vmin.f32 v0, v27;
	v9 =	vmax.f32 v9, v29;
	p1 =	slt.s32 s23, s22  }
.Ltmp9:
0x84: {  	v8 =	vadd.f32 v29, v8;
	v3 =	vadd.f32 v27, v3;
	v18 =	vmul.f32 v24, v24;
	(pc) =	sbr.rel @!p1 .LBB2_9-.Ltmp9, $4  }
0x85: {  	v1 =	vmax.f32 v1, v27;
	v28 =	vld [tilespmem:s24+$0x0];
	v2 =	vadd.f32 v20, v2;
	v5 =	vadd.f32 v24, v5  }
0x86: {  	v21 =	vmovc v11;
	v15 =	vmin.f32 v15, v24;
	v10 =	vmax.f32 v10, v24;
	v24 =	vld [tilespmem:s24+$0xFFFFFFE0];
	v4 =	vadd.f32 v17, v4  }
0x87: {  	v23 =	vmovc v7;
	v6 =	vmax.f32 v6, v17;
	v26 =	vmul.f32 v17, v17;
	v12 =	vadd.f32 v18, v12  }
0x88: {  	p0 =	por $0x1, $0x1;
	s24 =	sadd.s32 $0x80, s24;
	v25 =	vmul.f32 v19, v19;
	v14 =	vmin.f32 v14, v19;
	v20 =	vmul.f32 v22, v22;
	v18 =	vmovc v13  }
.LBB2_10:
0x89: {  	_ =	sdelay $0x1  }
0x8a: {  	v27 =	vmov v28  }
0x8b: {  	s23 =	sadd.s32 $0x1, s23;
	v18 =	vmin.f32 v18, v17;
	v21 =	vadd.f32 v16, v21;
	v23 =	vadd.f32 v26, v23;
	v26 =	vmovc v24;
	v29 =	vld [tilespmem:s24+$0xFFFFFFF0]  }
0x8c: {  	v0 =	vmin.f32 v0, v22;
	v9 =	vmax.f32 v9, v19;
	v16 =	vmovc v25;
	p1 =	slt.s32 s23, s22;
	v2 =	vadd.f32 v20, v2;
	v30 =	vld [tilespmem:s24+$0x10]  }
.Ltmp10:
0x8d: {  	v1 =	vmax.f32 v1, v22;
	v8 =	vadd.f32 v19, v8;
	v4 =	vadd.f32 v28, v4;
	v17 =	vmovc v28;
	v24 =	vld [tilespmem:s24+$0xFFFFFFE0];
	(pc) =	sbr.rel @p1 .LBB2_10-.Ltmp10, $4  }
0x8e: {  	v3 =	vadd.f32 v22, v3;
	v5 =	vadd.f32 v26, v5  }
0x8f: {  	v15 =	vmin.f32 v15, v26;
	v10 =	vmax.f32 v10, v26;
	v31 =	vmul.f32 v26, v26;
	v28 =	vld [tilespmem:s24+$0x0]  }
0x90: {  	v6 =	vmax.f32 v6, v17;
	v26 =	vmul.f32 v27, v17;
	v25 =	vmul.f32 v29, v29;
	v19 =	vmovc v29  }
0x91: {  	v12 =	vadd.f32 v31, v12;
	s24 =	sadd.s32 $0x80, s24;
	v14 =	vmin.f32 v14, v19;
	v20 =	vmul.f32 v30, v30;
	v22 =	vmovc v30  }
.Ltmp11:
0x92: {  	(pc) =	sbr.rel .LBB2_12-.Ltmp11, $3  }
0x93: {  	_ =	sdelay $0x1  }
0x94: {  	v30 =	vmov v17  }
0x95: {  	v31 =	vmovc v16;
	v27 =	vmovc v22;
	v29 =	vmov v19;
	v16 =	vmov v25;
	v17 =	vmov v28  }
.LBB2_9:
.Ltmp12:
0x96: {  	(pc) =	sbr.rel .LBB2_12-.Ltmp12, $3  }
0x97: {  	_ =	sdelay $0x1  }
0x98: {  	v30 =	vmovc v17;
	v31 =	vmov v16;
	v18 =	vmov v13;
	v21 =	vmov v11  }
0x99: {  	v23 =	vmovc v7;
	v27 =	vmovc v22;
	v29 =	vmov v19;
	v16 =	vmov v25;
	v17 =	vmov v28  }
.LBB2_16:
0x9a: {  	_ =	sfence.sel $0x180000  }
0x9b: {  	[bflag:$0x0] =	sbarrier.arrive $0xFFFF  }
0x9c: {  	p0 =	sne.s32 s0, $0x0;
	_ =	strace $0x90000053  }
0x9d: {  	s0 =	sadd.s32 @!p0 $0x100000, s1;
	[bflag:$0x2] =	sbarrier.arrive $0xFFFF  }
0x9e: {  	[sflag:s0] =	ssyncadd.tile.s32 @!p0 $0x1;
	_ =	shalt  }
.Lfunc_end2:
_tile_overlayer_lowered:
.L_overlay_start_2:
0x9f: {  	(tag) =	ssettag $0x2  }
0xa0: {  	s0 =	rddreg [dreg:$0x0];
	s2 =	stileid.u32  }
0xa1: {  	s1 =	rddreg [dreg:$0x1];
	p0 =	sne.s32 s2, $0x0  }
0xa2: {  	s3 =	rddreg [dreg:$0x2];
	[bflag:$0x3] =	sbarrier.arrive $0xFFFF;
	s2 =	simm.s32 @!p0 $0x1C01  }
0xa3: {  	[timem:s3], [sflag:s2] =	dma.local @!p0 [hbm:s0], s1  }
0xa4: {  	s0 =	simm.s32 @!p0 $0x1  }
0xa5: {  	_ =	swait.ge @!p0 [sflag:s0], s1  }
0xa6: {  	s1 =	ssub.s32 @!p0 $0x0, s1;
	[sflag:s0] =	ssyncset.done @!p0 $0x0  }
0xa7: {  	[sflag:s0] =	ssyncadd.s32 @!p0 s1  }
0xa8: {  	[bflag:$0x3] =	sbarrier.arrive $0xFFFF  }
0xa9: {  	_ =	shalt  }

// kernel: kernel.7.cloned.1.call-start
scs
__scs_entry_jumppad:
0x0: {  	(pc) =	sbr.rel $0x88, $3  }
0x1: {  	(tag) =	ssettag $0x0;
	lr =	simm.s32 $0x1  }
0x2: {  	[smem:$0x3F77] =	sst lr;
	_ =	strace $0xD0000000  }
0x3: {  	_ = 	snop  }
0x4: {  	_ = 	snop  }
0x5: {  	_ = 	snop  }
0x6: {  	_ = 	snop  }
0x7: {  	_ = 	snop  }
__scs_overlays_trampoline_lowered:
0x8: {  	[smem:$0x3F86] =	sst s0  }
0x9: {  	[smem:$0x3F87] =	sst s1  }
0xa: {  	[smem:$0x3F88] =	sst s2  }
0xb: {  	[smem:$0x3F89] =	sst s3  }
0xc: {  	[smem:$0x3F8A] =	sst s4  }
0xd: {  	[smem:$0x3F8B] =	sst s5  }
0xe: {  	[smem:$0x3F8C] =	sst s6  }
0xf: {  	[smem:$0x3F8D] =	sst s7  }
0x10: {  	[smem:$0x3F8E] =	sst s8  }
0x11: {  	[smem:$0x3F8F] =	sst s9;
	s0 =	simm.s32 @!p0 $0x0  }
0x12: {  	s1 =	sld [smem:$0x3F75];
	s0 =	simm.s32 @p0 $0x1  }
0x13: {  	[smem:$0x3F90] =	sst s0;
	s0 =	simm.s32 @!p1 $0x0  }
0x14: {  	s2 =	sld [smem:$0x3F74];
	s0 =	simm.s32 @p1 $0x1  }
0x15: {  	[smem:$0x3F91] =	sst s0;
	s0 =	simm.s32 @!p2 $0x0  }
0x16: {  	s3 =	sld [smem:$0x3FDB];
	s0 =	simm.s32 @p2 $0x1  }
0x17: {  	s4 =	simm.s32 $0x1BF5;
	[smem:$0x3F93] =	sst s0  }
0x18: {  	s0 =	sld [smem:$0x3F76];
	_ =	swait.ge [sflag:s4], $0x0  }
0x19: {  	s7 =	sld [smem:$0x3F77]  }
0x1a: {  	s8 =	sadd.s32 $0xFFFFE003, lr  }
0x1b: {  	s9 =	sadd.s32 $0xFFFFFEF7, lr;
	s5 =	simm.s32 $0xFFFFFFFF;
	p2 =	slt.u32 s8, $0xFFFFF086  }
0x1c: {  	p1 =	slt.u32 s9, $0xF7A;
	s5 =	simm.s32 @!p2 $0x0  }
0x1d: {  	s5 =	simm.s32 @p1 $0x1;
	p0 =	seq.s32 s7, s2  }
0x1e: {  	s7 =	smul.u32 @!p0 $0xF7A, s2;
	p2 =	seq.s32 @!p0 s5, $0x0  }
0x1f: {  	s9 =	smul.u32 $0xF7A, s1;
	s8 =	simm.s32 @!p0 $0x1BF5;
	p2 =	por !p2, p0  }
0x20: {  	[sflag:s8] =	ssyncset.s32 @!p0 $0xFFFFF086;
	s6 =	sadd.s32 @!p0 s3, s7;
	s7 =	simm.s32 @!p0 $0x108  }
0x21: {  	s3 =	sadd.s32 s3, s9;
	s6 =	sadd.s32 @!p0 $0x88, s6;
	s7 =	simm.s32 @p2 $0x1082  }
0x22: {  	[simem:s7], [sflag:s8] =	dma.local @!p0 [hbm:s6], $0xF7A  }
0x23: {  	s9 =	sor.u32 $0xD0000000, s2;
	s6 =	simm.s32 $0x108;
	_ =	swait.ge @!p0 [sflag:s8], $0x0  }
0x24: {  	s3 =	sadd.s32 $0x88, s3;
	s6 =	simm.s32 @!p1 $0x1082;
	[sflag:s4] =	ssyncset.s32 $0xFFFFF086  }
0x25: {  	[simem:s6], [sflag:s4] =	dma.local [hbm:s3], $0xF7A  }
0x26: {  	[smem:$0x3F77] =	sst s1;
	(tag) =	ssettag s2;
	_ =	strace s9  }
0x27: {  	s1 =	sld [smem:$0x3F87]  }
0x28: {  	s2 =	sld [smem:$0x3F88]  }
0x29: {  	s4 =	sld [smem:$0x3F8A]  }
0x2a: {  	p0 =	seq.s32 s5, $0x0;
	s5 =	sld [smem:$0x3F8B]  }
0x2b: {  	s6 =	sld [smem:$0x3F8C]  }
0x2c: {  	s7 =	sld [smem:$0x3F8D]  }
0x2d: {  	s3 =	simm.s32 $0x108;
	s8 =	sld [smem:$0x3F8E]  }
0x2e: {  	s3 =	simm.s32 @!p0 $0x1082;
	s9 =	sld [smem:$0x3F8F]  }
0x2f: {  	lr =	sadd.s32 s0, s3;
	s0 =	sld [smem:$0x3F86]  }
0x30: {  	s3 =	sld [smem:$0x3F89]  }
0x31: {  	[smem:$0x3F92] =	sst s10  }
0x32: {  	s10 =	sld [smem:$0x3F90];
	_ =	sdelay $0x3  }
0x33: {  	p0 =	seq.s32 s10, $0x1;
	s10 =	sld [smem:$0x3F92];
	_ =	sdelay $0x3  }
0x34: {  	[smem:$0x3F92] =	sst s10  }
0x35: {  	s10 =	sld [smem:$0x3F91];
	_ =	sdelay $0x3  }
0x36: {  	p1 =	seq.s32 s10, $0x1;
	s10 =	sld [smem:$0x3F92];
	_ =	sdelay $0x3  }
0x37: {  	[smem:$0x3F92] =	sst s10  }
0x38: {  	s10 =	sld [smem:$0x3F93]  }
0x39: {  	_ = 	snop;
	(pc) =	sbr.ind lr, $3  }
0x3a: {  	_ = 	snop  }
0x3b: {  	_ = 	snop  }
0x3c: {  	p2 =	seq.s32 s10, $0x1;
	s10 =	sld [smem:$0x3F92]  }
0x3d: {  	_ =	shalt  }
0x3e: {  	_ =	shalt  }
0x3f: {  	_ =	shalt  }
0x40: {  	_ =	shalt  }
0x41: {  	_ =	shalt  }
0x42: {  	_ =	shalt  }
0x43: {  	_ =	shalt  }
0x44: {  	_ =	shalt  }
0x45: {  	_ =	shalt  }
0x46: {  	_ =	shalt  }
0x47: {  	_ =	shalt  }
0x48: {  	_ =	shalt  }
0x49: {  	_ =	shalt  }
0x4a: {  	_ =	shalt  }
0x4b: {  	_ =	shalt  }
0x4c: {  	_ =	shalt  }
0x4d: {  	_ =	shalt  }
0x4e: {  	_ =	shalt  }
0x4f: {  	_ =	shalt  }
0x50: {  	_ =	shalt  }
0x51: {  	_ =	shalt  }
0x52: {  	_ =	shalt  }
0x53: {  	_ =	shalt  }
0x54: {  	_ =	shalt  }
0x55: {  	_ =	shalt  }
0x56: {  	_ =	shalt  }
0x57: {  	_ =	shalt  }
0x58: {  	_ =	shalt  }
0x59: {  	_ =	shalt  }
0x5a: {  	_ =	shalt  }
0x5b: {  	_ =	shalt  }
0x5c: {  	_ =	shalt  }
0x5d: {  	_ =	shalt  }
0x5e: {  	_ =	shalt  }
0x5f: {  	_ =	shalt  }
0x60: {  	_ =	shalt  }
0x61: {  	_ =	shalt  }
0x62: {  	_ =	shalt  }
0x63: {  	_ =	shalt  }
0x64: {  	_ =	shalt  }
0x65: {  	_ =	shalt  }
0x66: {  	_ =	shalt  }
0x67: {  	_ =	shalt  }
0x68: {  	_ =	shalt  }
0x69: {  	_ =	shalt  }
0x6a: {  	_ =	shalt  }
0x6b: {  	_ =	shalt  }
0x6c: {  	_ =	shalt  }
0x6d: {  	_ =	shalt  }
0x6e: {  	_ =	shalt  }
0x6f: {  	_ =	shalt  }
0x70: {  	_ =	shalt  }
0x71: {  	_ =	shalt  }
0x72: {  	_ =	shalt  }
0x73: {  	_ =	shalt  }
0x74: {  	_ =	shalt  }
0x75: {  	_ =	shalt  }
0x76: {  	_ =	shalt  }
0x77: {  	_ =	shalt  }
0x78: {  	_ =	shalt  }
0x79: {  	_ =	shalt  }
0x7a: {  	_ =	shalt  }
0x7b: {  	_ =	shalt  }
0x7c: {  	_ =	shalt  }
0x7d: {  	_ =	shalt  }
0x7e: {  	_ =	shalt  }
0x7f: {  	_ =	shalt  }
0x80: {  	_ =	shalt  }
0x81: {  	_ =	shalt  }
0x82: {  	_ =	shalt  }
0x83: {  	_ =	shalt  }
0x84: {  	_ =	shalt  }
0x85: {  	_ =	shalt  }
0x86: {  	_ =	shalt  }
0x87: {  	_ =	shalt  }
.Lfunc_end0:
.L_simem_size_0:
called_computation.9_lowered:
.L_overlay_start_0:
0x88: {  	s2 =	sld [smem:$0x3FD9]  }
0x89: {  	s3 =	sld [smem:$0x3FFE];
	_ =	sdelay $0x1  }
0x8a: {  	s1 =	srdreg.scid  }
0x8b: {  	s0 =	sand.u32 $0x1, s1  }
0x8c: {  	s16 =	sshll.u32 s0, $0xA;
	s2 =	sadd.s32 s3, s2  }
0x8d: {  	s2 =	sadd.s32 s2, s16  }
0x8e: {  	[smem:$0x3F9E] =	sst s2  }
0x8f: {  	_ = 	snop  }
0x90: {  	(tm) =	ssettm $0x1  }
0x91: {  	s17 =	sld [smem:$0x3FFB];
	_ =	sdelay $0x3  }
0x92: {  	_ =	strace s17  }
0x93: {  	s2 =	sld [smem:$0x3FFC];
	_ =	sdelay $0x3  }
0x94: {  	_ =	strace s2  }
0x95: {  	s2 =	sld [smem:$0x3FFD];
	_ =	sdelay $0x3  }
0x96: {  	_ =	strace s2  }
0x97: {  	_ =	strace $0x8FFFFFFF  }
0x98: {  	s18 =	sld [smem:$0x3FDB];
	_ =	sdelay $0x1  }
0x99: {  	s19 =	simm.s32 $_scs_section_size  }
0x9a: {  	s4 =	simm.s32 $_size__tile_overlayer_lowered;
	s5 =	simm.s32 $_tile_overlayer_lowered  }
0x9b: {  	s22 =	simm.s32 $0x1BFF;
	s21 =	sshll.u32 s5, $0x1;
	s2 =	sadd.s32 s19, s18  }
0x9c: {  	s6 =	simm.s32 $0x0;
	s20 =	sshll.u32 s4, $0x1;
	s4 =	sadd.s32 s21, s2  }
0x9d: {  	[timem:s6], [sflag:s22] =	dma.local [hbm:s4], s20  }
0x9e: {  	_ =	swait.ge [sflag:s22], s20  }
0x9f: {  	s3 =	ssub.s32 $0x0, s20;
	[sflag:s22] =	ssyncset.done $0x0  }
0xa0: {  	[sflag:s22] =	ssyncadd.s32 s3;
	_ =	sdelay $0x1  }
0xa1: {  	s23 =	simm.s32 $0x1B8B  }
0xa2: {  	_ =	swait.ge [sflag:s23], $0x1  }
0xa3: {  	[sflag:s23] =	ssyncset.done $0x0  }
0xa4: {  	s25 =	simm.s32 $0x1B8E;
	s24 =	sld [smem:$0x3FFE];
	[sflag:s23] =	ssyncadd.s32 $0xFFFFFFFF  }
0xa5: {  	s26 =	simm.s32 $execute0_lowered;
	[smem:$0x3FD2] =	sst s25  }
0xa6: {  	s4 =	sshll.u32 s26, $0x1;
	_ =	strace $0x8000005B;
	[dreg:$0x1] =	wrdreg $0xFFFFFFFF  }
0xa7: {  	s28 =	simm.s32 $_size_execute0_lowered;
	s2 =	sadd.s32 s2, s4;
	[dreg:$0x0] =	wrdreg $0x0  }
0xa8: {  	s4 =	sshll.u32 s28, $0x1;
	[dreg:$0x2] =	wrdreg s2  }
0xa9: {  	[dreg:$0x3] =	wrdreg s4  }
0xaa: {  	[dreg:$0x4] =	wrdreg $0xC0  }
0xab: {  	_ =	task [dreg:s6], $0x5FFFF  }
0xac: {  	[dreg:$0x1] =	wrdreg $0xFFFFFFFF  }
0xad: {  	[dreg:$0x0] =	wrdreg $0x60  }
0xae: {  	[dreg:$0x2] =	wrdreg s24  }
0xaf: {  	[dreg:$0x3] =	wrdreg $0x9  }
0xb0: {  	_ =	task.clear_ibuf [dreg:s6], $0x4FFFF;
	_ =	strace $0x9000005B  }
0xb1: {  	s29 =	simm.s32 $0x9;
	_ =	strace $0x8000005D  }
0xb2: {  	_ =	swait.ge [sflag:s29], $0x1  }
0xb3: {  	[sflag:s29] =	ssyncadd.s32 $0xFFFFFFFF  }
0xb4: {  	_ =	strace $0x9000005D  }
0xb5: {  	_ =	sfence  }
0xb6: {  	s30 =	sld [smem:$0x0];
	_ =	sdelay $0x2  }
0xb7: {  	s31 =	sshll.u32 s1, $0xD;
	s1 =	sshrl.u32 s1, $0x2  }
0xb8: {  	s3 =	sand.u32 $0x4000, s31;
	s1 =	sadd.s32 s1, s30  }
0xb9: {  	s0 =	sor.u32 s3, s0;
	s1 =	sshll.u32 s1, $0x11  }
0xba: {  	s0 =	sor.u32 s1, s0  }
0xbb: {  	s0 =	sadd.s32 $0x8F2B, s0  }
0xbc: {  	[sflag:s0] =	ssyncadd.remote.s32 $0x1  }
0xbd: {  	_ =	sfence.sel $0xFFFF  }
0xbe: {  	[dreg:$0x0] =	wrdreg $0xFFFFFFFF;
	(pc) =	sbr.abs _section_cstart, $3  }
0xbf: {  	[dreg:$0x1] =	wrdreg $0xFFFFFFFF  }
0xc0: {  	_ =	task.clear_ibuf [dreg:s6], $0x2FFFF;
	_ =	strace $0x9FFFFFFF  }
0xc1: {  	(tm) =	ssettm $0x7FFFFFFF  }
tec
execute0_lowered:
.L_overlay_start_1:
0x0: {  	(tag) =	ssettag $0x1  }
0x1: {  	s1 =	srdreg.scid  }
0x2: {  	s0 =	stileid.u32;
	s8 =	rddreg [dreg:$0x0];
	s2 =	simm.s32 $0x0  }
0x3: {  	s12 =	simm.s32 $0x1;
	s5 =	sand.u32 $0x1, s1;
	s31 =	sshll.u32 s0, $0x1  }
0x4: {  	s13 =	simm.s32 $0x2;
	s1 =	rddreg [dreg:$0x1];
	s3 =	sor.u32 s5, s31  }
0x5: {  	s14 =	simm.s32 $0x0;
	[smem:$0x7FF] =	sst s2;
	s3 =	smul.u32 $0x640, s3  }
.Ltmp0:
0x6: {  	s4 =	sadd.s32 $0x16A000, s8;
	s10 =	ssub.s32 $0x2, s5;
	(pc) =	sbr.rel .LBB2_1-.Ltmp0, $4  }
0x7: {  	s7 =	sadd.s32 $0x9400, s8;
	_ =	strace $0x8000005C;
	s11 =	sshrl.u32 s10, $0x1  }
0x8: {  	s5 =	sadd.s32 $0xE67600, s8;
	s10 =	ssub.s32 s10, s11;
	s6 =	sshrl.u32 s3, $0x3  }
0x9: {  	s11 =	simm.s32 $0x1000;
	s9 =	sadd.s32 s6, s8;
	s6 =	sadd.s32 $0xF2F600, s8  }
0xa: {  	s10 =	smax.u32 s10, $0x1;
	s8 =	sadd.s32 $0xD9F600, s8;
	s9 =	sadd.s32 $0x7200, s9  }
.LBB2_15:
0xb: {  	s14 =	sadd.s32 $0x1, s14  }
0xc: {  	p0 =	sne.s32 s14, s10  }
.Ltmp1:
0xd: {  	_ = 	snop;
	(pc) =	sbr.rel @!p0 .LBB2_16-.Ltmp1, $1  }
0xe: {  	_ =	sdelay $0x3  }
.LBB2_1:
.Ltmp2:
0xf: {  	(pc) =	sbr.rel .LBB2_2-.Ltmp2, $4  }
0x10: {  	[tilespmem:s11], [sflag:$0x1] =	stream.linear.gather [hbm4b:s9+s2], $0x680, $0x38;
	[tilespmem:$0x9680] =	vst v63  }
0x11: {  	_ =	swait.ge [sflag:s12], $0x680  }
0x12: {  	[sflag:s12] =	ssyncset.done $0x0  }
0x13: {  	s15 =	simm.s32 $0x0;
	[sflag:s12] =	ssyncadd.s32 $0xFFFFF980  }
.LBB2_3:
0x14: {  	v5 =	vimm.f32 $0.0e+00  }
0x15: {  	v10 =	vimm.f32 $-Inf;
	v15 =	vimm.f32 $+Inf;
	v14 =	vimm.f32 $+Inf  }
0x16: {  	v13 =	vimm.f32 $+Inf;
	v0 =	vimm.f32 $+Inf;
	v9 =	vimm.f32 $-Inf  }
0x17: {  	v6 =	vimm.f32 $-Inf;
	v1 =	vimm.f32 $-Inf;
	v8 =	vimm.f32 $0.0e+00  }
0x18: {  	v4 =	vimm.f32 $0.0e+00;
	v3 =	vimm.f32 $0.0e+00;
	v12 =	vimm.f32 $0.0e+00  }
0x19: {  	v11 =	vimm.f32 $0.0e+00;
	v7 =	vimm.f32 $0.0e+00;
	v2 =	vimm.f32 $0.0e+00  }
.LBB2_14:
0x1a: {  	s16 =	sand.u32 $0x3F, s15  }
0x1b: {  	s17 =	sshll.u32 s16, $0x7  }
0x1c: {  	[tilespmem:s17+$0x1680] =	vst v15  }
0x1d: {  	[tilespmem:s17+$0x3680] =	vst v10  }
0x1e: {  	[tilespmem:s17+$0x5680] =	vst v5  }
0x1f: {  	[tilespmem:s17+$0x7680] =	vst v12  }
0x20: {  	[tilespmem:s17+$0x1690] =	vst v14  }
0x21: {  	[tilespmem:s17+$0x3690] =	vst v9  }
0x22: {  	[tilespmem:s17+$0x5690] =	vst v8  }
0x23: {  	[tilespmem:s17+$0x7690] =	vst v11  }
0x24: {  	[tilespmem:s17+$0x16A0] =	vst v13  }
0x25: {  	[tilespmem:s17+$0x36A0] =	vst v6  }
0x26: {  	p0 =	sne.s32 s16, $0x3F;
	[tilespmem:s17+$0x56A0] =	vst v4  }
0x27: {  	[tilespmem:s17+$0x76A0] =	vst v7;
	s16 =	sadd.s32 @!p0 s3, s15  }
0x28: {  	[tilespmem:s17+$0x16B0] =	vst v0;
	s16 =	sshll.u32 @!p0 s16, $0x7  }
0x29: {  	[tilespmem:s17+$0x36B0] =	vst v1;
	s16 =	sadd.s32 @!p0 $0xFFFFE080, s16  }
0x2a: {  	[tilespmem:s17+$0x56B0] =	vst v3;
	s16 =	sshrl.u32 @!p0 s16, $0x3  }
0x2b: {  	[tilespmem:s17+$0x76B0] =	vst v2;
	s18 =	simm.s32 @!p0 $0x0;
	s19 =	simm.s32 @!p0 $0x1680;
	s17 =	sadd.s32 @!p0 s5, s16  }
0x2c: {  	[hbm4b:s17+s18] =	stream.linear.scatter @!p0 [tilespmem:s19], [sflag:$0x2], $0x2000, $0x38;
	[tilespmem:$0x9680] =	vst v63  }
0x2d: {  	s17 =	simm.s32 @!p0 $0x2  }
0x2e: {  	_ =	swait.ge @!p0 [sflag:s17], $0x2000  }
0x2f: {  	[sflag:s17] =	ssyncset.done @!p0 $0x0  }
0x30: {  	s20 =	simm.s32 @!p0 $0x3680;
	s19 =	sadd.s32 @!p0 s6, s16;
	[sflag:s17] =	ssyncadd.s32 @!p0 $0xFFFFE000  }
0x31: {  	[hbm4b:s19+s18] =	stream.linear.scatter @!p0 [tilespmem:s20], [sflag:$0x2], $0x2000, $0x38;
	[tilespmem:$0x9680] =	vst v63  }
0x32: {  	_ =	swait.ge @!p0 [sflag:s17], $0x2000  }
0x33: {  	[sflag:s17] =	ssyncset.done @!p0 $0x0  }
0x34: {  	s19 =	sadd.s32 @!p0 s7, s16;
	s20 =	simm.s32 @!p0 $0x5680;
	[sflag:s17] =	ssyncadd.s32 @!p0 $0xFFFFE000  }
0x35: {  	[hbm4b:s19+s18] =	stream.linear.scatter @!p0 [tilespmem:s20], [sflag:$0x2], $0x2000, $0x38;
	[tilespmem:$0x9680] =	vst v63  }
0x36: {  	s15 =	sadd.s32 $0x1, s15;
	_ =	swait.ge @!p0 [sflag:s17], $0x2000  }
0x37: {  	p1 =	sne.s32 s15, $0x640;
	[sflag:s17] =	ssyncset.done @!p0 $0x0  }
0x38: {  	s16 =	sadd.s32 @!p0 s8, s16;
	[sflag:s17] =	ssyncadd.s32 @!p0 $0xFFFFE000;
	s17 =	simm.s32 @!p0 $0x7680  }
0x39: {  	[hbm4b:s16+s18] =	stream.linear.scatter @!p0 [tilespmem:s17], [sflag:$0x1], $0x2000, $0x38;
	[tilespmem:$0x9680] =	vst v63  }
.Ltmp3:
0x3a: {  	_ = 	snop;
	(pc) =	sbr.rel @!p1 .LBB2_15-.Ltmp3, $4  }
0x3b: {  	s16 =	simm.s32 @!p0 $0x1  }
0x3c: {  	_ =	swait.ge @!p0 [sflag:s16], $0x2000  }
0x3d: {  	[sflag:s16] =	ssyncset.done @!p0 $0x0  }
0x3e: {  	[sflag:s16] =	ssyncadd.s32 @!p0 $0xFFFFE000  }
.LBB2_2:
0x3f: {  	v0 =	vld [tilespmem:s15+$0x1000];
	_ =	sdelay $0x4  }
0x40: {  	(v2sf) =	vpush v0, $0x0;
	_ =	sdelay $0x6  }
0x41: {  	(v2sf) =	vpush v0, $0x1;
	_ =	sdelay $0x7  }
0x42: {  	s16 =	spop (v2sf)  }
0x43: {  	s17 =	sand.u32 $0x7, s16  }
0x44: {  	s18 =	sshra.s32 s16, $0x1F;
	p0 =	slt.s32 s16, $0x1;
	p1 =	sne.s32 s17, $0x0  }
0x45: {  	s31 =	sshrl.u32 s18, $0x1D;
	p0 =	por !p0, !p1  }
0x46: {  	s18 =	simm.s32 $0x1;
	s17 =	sadd.s32 s31, s16;
	p0 =	por !p0, !p0  }
0x47: {  	s17 =	sshrl.u32 s17, $0x3;
	s18 =	simm.s32 @!p0 $0x0  }
0x48: {  	s18 =	ssub.s32 s17, s18  }
0x49: {  	s17 =	spop (v2sf);
	s18 =	sshll.u32 s18, $0x3  }
0x4a: {  	s19 =	ssub.s32 s17, s18  }
0x4b: {  	s19 =	sadd.s32 $0x1F, s19  }
0x4c: {  	p0 =	sgt.s32 s19, $0x0  }
0x4d: {  	p5 =	slt.s32 s19, $0x1;
	s19 =	simm.s32 @!p0 $0x0  }
0x4e: {  	s20 =	sand.u32 $0x1F, s19  }
0x4f: {  	p6 =	sne.s32 s20, $0x0  }
0x50: {  	p0 =	por !p5, !p6  }
0x51: {  	s20 =	simm.s32 $0x1;
	p0 =	por !p0, !p0  }
0x52: {  	s19 =	sshrl.u32 s19, $0x5;
	s20 =	simm.s32 @!p0 $0x0  }
0x53: {  	s19 =	ssub.s32 s19, s20  }
0x54: {  	p0 =	slt.s32 s19, $0x1  }
.Ltmp4:
0x55: {  	_ = 	snop;
	(pc) =	sbr.rel @p0 .LBB2_3-.Ltmp4, $1  }
0x56: {  	_ =	sdelay $0x3  }
0x57: {  	v0 =	vimm.f32 $+Inf  }
.Ltmp5:
0x58: {  	v1 =	vimm.f32 $-Inf;
	v2 =	vimm.f32 $0.0e+00;
	v7 =	vimm.f32 $0.0e+00;
	(pc) =	sbr.rel .LBB2_5-.Ltmp5, $4  }
0x59: {  	v11 =	vimm.f32 $0.0e+00;
	v12 =	vimm.f32 $0.0e+00;
	v3 =	vimm.f32 $0.0e+00  }
0x5a: {  	v4 =	vimm.f32 $0.0e+00;
	v8 =	vimm.f32 $0.0e+00;
	v5 =	vimm.f32 $0.0e+00  }
0x5b: {  	v6 =	vimm.f32 $-Inf;
	v9 =	vimm.f32 $-Inf;
	v10 =	vimm.f32 $-Inf  }
0x5c: {  	s20 =	ssub.s32 s16, s18;
	s21 =	simm.s32 $0x0;
	v13 =	vimm.f32 $+Inf;
	v14 =	vimm.f32 $+Inf;
	v15 =	vimm.f32 $+Inf  }
.LBB2_7:
0x5d: {  	v18 =	vmov v13;
	v21 =	vmov v11;
	v23 =	vmov v7  }
.LBB2_12:
0x5e: {  	v18 =	vmin.f32 @p0 v18, v30;
	v19 =	vadd.f32 @p0 v31, v21  }
0x5f: {  	v21 =	vadd.f32 @p0 v26, v23;
	v0 =	vmin.f32 v0, v27;
	v9 =	vmax.f32 v9, v29  }
0x60: {  	v1 =	vmax.f32 v1, v27;
	v63 =	vmul.f32 v24, v24;
	v15 =	vmin.f32 v15, v24  }
0x61: {  	v10 =	vmax.f32 v10, v24;
	v6 =	vmax.f32 v6, v17;
	v2 =	vadd.f32 v20, v2  }
0x62: {  	v22 =	vmul.f32 v17, v17;
	v8 =	vadd.f32 v29, v8;
	v4 =	vadd.f32 v17, v4  }
0x63: {  	v5 =	vadd.f32 v24, v5;
	v11 =	vpsel p0, v19, v11;
	v7 =	vpsel p0, v21, v7  }
0x64: {  	v13 =	vpsel p0, v18, v13;
	v11 =	vadd.f32 v16, v11;
	v7 =	vadd.f32 v22, v7  }
0x65: {  	v3 =	vadd.f32 v27, v3;
	v12 =	vadd.f32 v63, v12;
	v13 =	vmin.f32 v13, v17  }
.LBB2_13:
0x66: {  	s21 =	sadd.s32 $0x1, s21  }
0x67: {  	p0 =	sne.s32 s21, s19  }
.Ltmp6:
0x68: {  	_ = 	snop;
	(pc) =	sbr.rel @!p0 .LBB2_14-.Ltmp6, $2  }
0x69: {  	_ =	sdelay $0x2  }
0x6a: {  	s20 =	sadd.s32 $0xFFFFFFE0, s20  }
.LBB2_5:
0x6b: {  	s22 =	sshll.u32 s21, $0x5  }
0x6c: {  	s24 =	sadd.s32 s18, s22  }
0x6d: {  	s22 =	ssub.s32 s17, s24;
	s23 =	ssub.s32 s16, s24  }
0x6e: {  	p0 =	slt.s32 s22, $0x20;
	p1 =	sgt.s32 s23, $0x0  }
0x6f: {  	s22 =	simm.s32 @!p0 $0x20;
	s23 =	simm.s32 @!p1 $0x0  }
0x70: {  	s24 =	sshll.u32 s24, $0x4;
	p0 =	sge.s32 s23, s22  }
.Ltmp7:
0x71: {  	s24 =	sadd.s32 s4, s24;
	(pc) =	sbr.rel @p0 .LBB2_13-.Ltmp7, $4  }
0x72: {  	[tilespmem:s2], [sflag:$0x2] =	stream.linear.gather [hbm4b:s24+s2], $0x1000, $0x38;
	[tilespmem:$0x9680] =	vst v63  }
0x73: {  	_ =	swait.ge [sflag:s13], $0x1000  }
0x74: {  	[sflag:s13] =	ssyncset.done $0x0  }
0x75: {  	[sflag:s13] =	ssyncadd.s32 $0xFFFFF000  }
0x76: {  	p0 =	sgt.s32 s20, $0x0;
	s24 =	smov.u32 s20  }
0x77: {  	s24 =	simm.s32 @!p0 $0x0  }
0x78: {  	s24 =	sshll.u32 s24, $0x9  }
0x79: {  	s24 =	sshra.s32 s24, $0x2  }
0x7a: {  	s24 =	sor.u32 $0x20, s24  }
0x7b: {  	s23 =	sadd.s32 $0x1, s23;
	v29 =	vld [tilespmem:s24+$0xFFFFFFF0]  }
0x7c: {  	p1 =	slt.s32 s23, s22;
	v27 =	vld [tilespmem:s24+$0x10]  }
.Ltmp8:
0x7d: {  	_ = 	snop;
	(pc) =	sbr.rel @!p1 .LBB2_7-.Ltmp8, $4  }
0x7e: {  	_ = 	snop  }
0x7f: {  	v24 =	vld [tilespmem:s24+$0xFFFFFFE0]  }
0x80: {  	v17 =	vld [tilespmem:s24+$0x0]  }
0x81: {  	p0 =	por $0x0, $0x0;
	s24 =	sadd.s32 $0x80, s24;
	v16 =	vmul.f32 v29, v29;
	v14 =	vmin.f32 v14, v29;
	v20 =	vmul.f32 v27, v27  }
0x82: {  	v19 =	vld [tilespmem:s24+$0xFFFFFFF0];
	s23 =	sadd.s32 $0x1, s23  }
0x83: {  	v22 =	vld [tilespmem:s24+$0x10];
	v0 =	vmin.f32 v0, v27;
	v9 =	vmax.f32 v9, v29;
	p1 =	slt.s32 s23, s22  }
.Ltmp9:
0x84: {  	v8 =	vadd.f32 v29, v8;
	v3 =	vadd.f32 v27, v3;
	v18 =	vmul.f32 v24, v24;
	(pc) =	sbr.rel @!p1 .LBB2_9-.Ltmp9, $4  }
0x85: {  	v1 =	vmax.f32 v1, v27;
	v28 =	vld [tilespmem:s24+$0x0];
	v2 =	vadd.f32 v20, v2;
	v5 =	vadd.f32 v24, v5  }
0x86: {  	v21 =	vmovc v11;
	v15 =	vmin.f32 v15, v24;
	v10 =	vmax.f32 v10, v24;
	v24 =	vld [tilespmem:s24+$0xFFFFFFE0];
	v4 =	vadd.f32 v17, v4  }
0x87: {  	v23 =	vmovc v7;
	v6 =	vmax.f32 v6, v17;
	v26 =	vmul.f32 v17, v17;
	v12 =	vadd.f32 v18, v12  }
0x88: {  	p0 =	por $0x1, $0x1;
	s24 =	sadd.s32 $0x80, s24;
	v25 =	vmul.f32 v19, v19;
	v14 =	vmin.f32 v14, v19;
	v20 =	vmul.f32 v22, v22;
	v18 =	vmovc v13  }
.LBB2_10:
0x89: {  	_ =	sdelay $0x1  }
0x8a: {  	v27 =	vmov v28  }
0x8b: {  	s23 =	sadd.s32 $0x1, s23;
	v18 =	vmin.f32 v18, v17;
	v21 =	vadd.f32 v16, v21;
	v23 =	vadd.f32 v26, v23;
	v26 =	vmovc v24;
	v29 =	vld [tilespmem:s24+$0xFFFFFFF0]  }
0x8c: {  	v0 =	vmin.f32 v0, v22;
	v9 =	vmax.f32 v9, v19;
	v16 =	vmovc v25;
	p1 =	slt.s32 s23, s22;
	v2 =	vadd.f32 v20, v2;
	v30 =	vld [tilespmem:s24+$0x10]  }
.Ltmp10:
0x8d: {  	v1 =	vmax.f32 v1, v22;
	v8 =	vadd.f32 v19, v8;
	v4 =	vadd.f32 v28, v4;
	v17 =	vmovc v28;
	v24 =	vld [tilespmem:s24+$0xFFFFFFE0];
	(pc) =	sbr.rel @p1 .LBB2_10-.Ltmp10, $4  }
0x8e: {  	v3 =	vadd.f32 v22, v3;
	v5 =	vadd.f32 v26, v5  }
0x8f: {  	v15 =	vmin.f32 v15, v26;
	v10 =	vmax.f32 v10, v26;
	v31 =	vmul.f32 v26, v26;
	v28 =	vld [tilespmem:s24+$0x0]  }
0x90: {  	v6 =	vmax.f32 v6, v17;
	v26 =	vmul.f32 v27, v17;
	v25 =	vmul.f32 v29, v29;
	v19 =	vmovc v29  }
0x91: {  	v12 =	vadd.f32 v31, v12;
	s24 =	sadd.s32 $0x80, s24;
	v14 =	vmin.f32 v14, v19;
	v20 =	vmul.f32 v30, v30;
	v22 =	vmovc v30  }
.Ltmp11:
0x92: {  	(pc) =	sbr.rel .LBB2_12-.Ltmp11, $3  }
0x93: {  	_ =	sdelay $0x1  }
0x94: {  	v30 =	vmov v17  }
0x95: {  	v31 =	vmovc v16;
	v27 =	vmovc v22;
	v29 =	vmov v19;
	v16 =	vmov v25;
	v17 =	vmov v28  }
.LBB2_9:
.Ltmp12:
0x96: {  	(pc) =	sbr.rel .LBB2_12-.Ltmp12, $3  }
0x97: {  	_ =	sdelay $0x1  }
0x98: {  	v30 =	vmovc v17;
	v31 =	vmov v16;
	v18 =	vmov v13;
	v21 =	vmov v11  }
0x99: {  	v23 =	vmovc v7;
	v27 =	vmovc v22;
	v29 =	vmov v19;
	v16 =	vmov v25;
	v17 =	vmov v28  }
.LBB2_16:
0x9a: {  	_ =	sfence.sel $0x180000  }
0x9b: {  	[bflag:$0x0] =	sbarrier.arrive $0xFFFF  }
0x9c: {  	p0 =	sne.s32 s0, $0x0;
	_ =	strace $0x9000005C  }
0x9d: {  	s0 =	sadd.s32 @!p0 $0x100000, s1;
	[bflag:$0x2] =	sbarrier.arrive $0xFFFF  }
0x9e: {  	[sflag:s0] =	ssyncadd.tile.s32 @!p0 $0x1;
	_ =	shalt  }
.Lfunc_end2:
_tile_overlayer_lowered:
.L_overlay_start_2:
0x9f: {  	(tag) =	ssettag $0x2  }
0xa0: {  	s0 =	rddreg [dreg:$0x0];
	s2 =	stileid.u32  }
0xa1: {  	s1 =	rddreg [dreg:$0x1];
	p0 =	sne.s32 s2, $0x0  }
0xa2: {  	s3 =	rddreg [dreg:$0x2];
	[bflag:$0x3] =	sbarrier.arrive $0xFFFF;
	s2 =	simm.s32 @!p0 $0x1C01  }
0xa3: {  	[timem:s3], [sflag:s2] =	dma.local @!p0 [hbm:s0], s1  }
0xa4: {  	s0 =	simm.s32 @!p0 $0x1  }
0xa5: {  	_ =	swait.ge @!p0 [sflag:s0], s1  }
0xa6: {  	s1 =	ssub.s32 @!p0 $0x0, s1;
	[sflag:s0] =	ssyncset.done @!p0 $0x0  }
0xa7: {  	[sflag:s0] =	ssyncadd.s32 @!p0 s1  }
0xa8: {  	[bflag:$0x3] =	sbarrier.arrive $0xFFFF  }
0xa9: {  	_ =	shalt  }

// kernel: scatter_offload_async_start
scs
__scs_entry_jumppad:
0x0: {  	(pc) =	sbr.rel $0x88, $3  }
0x1: {  	(tag) =	ssettag $0x0;
	lr =	simm.s32 $0x1  }
0x2: {  	[smem:$0x3F77] =	sst lr;
	_ =	strace $0xD0000000  }
0x3: {  	_ = 	snop  }
0x4: {  	_ = 	snop  }
0x5: {  	_ = 	snop  }
0x6: {  	_ = 	snop  }
0x7: {  	_ = 	snop  }
__scs_overlays_trampoline_lowered:
0x8: {  	[smem:$0x3F86] =	sst s0  }
0x9: {  	[smem:$0x3F87] =	sst s1  }
0xa: {  	[smem:$0x3F88] =	sst s2  }
0xb: {  	[smem:$0x3F89] =	sst s3  }
0xc: {  	[smem:$0x3F8A] =	sst s4  }
0xd: {  	[smem:$0x3F8B] =	sst s5  }
0xe: {  	[smem:$0x3F8C] =	sst s6  }
0xf: {  	[smem:$0x3F8D] =	sst s7  }
0x10: {  	[smem:$0x3F8E] =	sst s8  }
0x11: {  	[smem:$0x3F8F] =	sst s9;
	s0 =	simm.s32 @!p0 $0x0  }
0x12: {  	s1 =	sld [smem:$0x3F75];
	s0 =	simm.s32 @p0 $0x1  }
0x13: {  	[smem:$0x3F90] =	sst s0;
	s0 =	simm.s32 @!p1 $0x0  }
0x14: {  	s2 =	sld [smem:$0x3F74];
	s0 =	simm.s32 @p1 $0x1  }
0x15: {  	[smem:$0x3F91] =	sst s0;
	s0 =	simm.s32 @!p2 $0x0  }
0x16: {  	s3 =	sld [smem:$0x3FDB];
	s0 =	simm.s32 @p2 $0x1  }
0x17: {  	s4 =	simm.s32 $0x1BF5;
	[smem:$0x3F93] =	sst s0  }
0x18: {  	s0 =	sld [smem:$0x3F76];
	_ =	swait.ge [sflag:s4], $0x0  }
0x19: {  	s7 =	sld [smem:$0x3F77]  }
0x1a: {  	s8 =	sadd.s32 $0xFFFFE003, lr  }
0x1b: {  	s9 =	sadd.s32 $0xFFFFFEF7, lr;
	s5 =	simm.s32 $0xFFFFFFFF;
	p2 =	slt.u32 s8, $0xFFFFF086  }
0x1c: {  	p1 =	slt.u32 s9, $0xF7A;
	s5 =	simm.s32 @!p2 $0x0  }
0x1d: {  	s5 =	simm.s32 @p1 $0x1;
	p0 =	seq.s32 s7, s2  }
0x1e: {  	s7 =	smul.u32 @!p0 $0xF7A, s2;
	p2 =	seq.s32 @!p0 s5, $0x0  }
0x1f: {  	s9 =	smul.u32 $0xF7A, s1;
	s8 =	simm.s32 @!p0 $0x1BF5;
	p2 =	por !p2, p0  }
0x20: {  	[sflag:s8] =	ssyncset.s32 @!p0 $0xFFFFF086;
	s6 =	sadd.s32 @!p0 s3, s7;
	s7 =	simm.s32 @!p0 $0x108  }
0x21: {  	s3 =	sadd.s32 s3, s9;
	s6 =	sadd.s32 @!p0 $0x88, s6;
	s7 =	simm.s32 @p2 $0x1082  }
0x22: {  	[simem:s7], [sflag:s8] =	dma.local @!p0 [hbm:s6], $0xF7A  }
0x23: {  	s9 =	sor.u32 $0xD0000000, s2;
	s6 =	simm.s32 $0x108;
	_ =	swait.ge @!p0 [sflag:s8], $0x0  }
0x24: {  	s3 =	sadd.s32 $0x88, s3;
	s6 =	simm.s32 @!p1 $0x1082;
	[sflag:s4] =	ssyncset.s32 $0xFFFFF086  }
0x25: {  	[simem:s6], [sflag:s4] =	dma.local [hbm:s3], $0xF7A  }
0x26: {  	[smem:$0x3F77] =	sst s1;
	(tag) =	ssettag s2;
	_ =	strace s9  }
0x27: {  	s1 =	sld [smem:$0x3F87]  }
0x28: {  	s2 =	sld [smem:$0x3F88]  }
0x29: {  	s4 =	sld [smem:$0x3F8A]  }
0x2a: {  	p0 =	seq.s32 s5, $0x0;
	s5 =	sld [smem:$0x3F8B]  }
0x2b: {  	s6 =	sld [smem:$0x3F8C]  }
0x2c: {  	s7 =	sld [smem:$0x3F8D]  }
0x2d: {  	s3 =	simm.s32 $0x108;
	s8 =	sld [smem:$0x3F8E]  }
0x2e: {  	s3 =	simm.s32 @!p0 $0x1082;
	s9 =	sld [smem:$0x3F8F]  }
0x2f: {  	lr =	sadd.s32 s0, s3;
	s0 =	sld [smem:$0x3F86]  }
0x30: {  	s3 =	sld [smem:$0x3F89]  }
0x31: {  	[smem:$0x3F92] =	sst s10  }
0x32: {  	s10 =	sld [smem:$0x3F90];
	_ =	sdelay $0x3  }
0x33: {  	p0 =	seq.s32 s10, $0x1;
	s10 =	sld [smem:$0x3F92];
	_ =	sdelay $0x3  }
0x34: {  	[smem:$0x3F92] =	sst s10  }
0x35: {  	s10 =	sld [smem:$0x3F91];
	_ =	sdelay $0x3  }
0x36: {  	p1 =	seq.s32 s10, $0x1;
	s10 =	sld [smem:$0x3F92];
	_ =	sdelay $0x3  }
0x37: {  	[smem:$0x3F92] =	sst s10  }
0x38: {  	s10 =	sld [smem:$0x3F93]  }
0x39: {  	_ = 	snop;
	(pc) =	sbr.ind lr, $3  }
0x3a: {  	_ = 	snop  }
0x3b: {  	_ = 	snop  }
0x3c: {  	p2 =	seq.s32 s10, $0x1;
	s10 =	sld [smem:$0x3F92]  }
0x3d: {  	_ =	shalt  }
0x3e: {  	_ =	shalt  }
0x3f: {  	_ =	shalt  }
0x40: {  	_ =	shalt  }
0x41: {  	_ =	shalt  }
0x42: {  	_ =	shalt  }
0x43: {  	_ =	shalt  }
0x44: {  	_ =	shalt  }
0x45: {  	_ =	shalt  }
0x46: {  	_ =	shalt  }
0x47: {  	_ =	shalt  }
0x48: {  	_ =	shalt  }
0x49: {  	_ =	shalt  }
0x4a: {  	_ =	shalt  }
0x4b: {  	_ =	shalt  }
0x4c: {  	_ =	shalt  }
0x4d: {  	_ =	shalt  }
0x4e: {  	_ =	shalt  }
0x4f: {  	_ =	shalt  }
0x50: {  	_ =	shalt  }
0x51: {  	_ =	shalt  }
0x52: {  	_ =	shalt  }
0x53: {  	_ =	shalt  }
0x54: {  	_ =	shalt  }
0x55: {  	_ =	shalt  }
0x56: {  	_ =	shalt  }
0x57: {  	_ =	shalt  }
0x58: {  	_ =	shalt  }
0x59: {  	_ =	shalt  }
0x5a: {  	_ =	shalt  }
0x5b: {  	_ =	shalt  }
0x5c: {  	_ =	shalt  }
0x5d: {  	_ =	shalt  }
0x5e: {  	_ =	shalt  }
0x5f: {  	_ =	shalt  }
0x60: {  	_ =	shalt  }
0x61: {  	_ =	shalt  }
0x62: {  	_ =	shalt  }
0x63: {  	_ =	shalt  }
0x64: {  	_ =	shalt  }
0x65: {  	_ =	shalt  }
0x66: {  	_ =	shalt  }
0x67: {  	_ =	shalt  }
0x68: {  	_ =	shalt  }
0x69: {  	_ =	shalt  }
0x6a: {  	_ =	shalt  }
0x6b: {  	_ =	shalt  }
0x6c: {  	_ =	shalt  }
0x6d: {  	_ =	shalt  }
0x6e: {  	_ =	shalt  }
0x6f: {  	_ =	shalt  }
0x70: {  	_ =	shalt  }
0x71: {  	_ =	shalt  }
0x72: {  	_ =	shalt  }
0x73: {  	_ =	shalt  }
0x74: {  	_ =	shalt  }
0x75: {  	_ =	shalt  }
0x76: {  	_ =	shalt  }
0x77: {  	_ =	shalt  }
0x78: {  	_ =	shalt  }
0x79: {  	_ =	shalt  }
0x7a: {  	_ =	shalt  }
0x7b: {  	_ =	shalt  }
0x7c: {  	_ =	shalt  }
0x7d: {  	_ =	shalt  }
0x7e: {  	_ =	shalt  }
0x7f: {  	_ =	shalt  }
0x80: {  	_ =	shalt  }
0x81: {  	_ =	shalt  }
0x82: {  	_ =	shalt  }
0x83: {  	_ =	shalt  }
0x84: {  	_ =	shalt  }
0x85: {  	_ =	shalt  }
0x86: {  	_ =	shalt  }
0x87: {  	_ =	shalt  }
.Lfunc_end0:
.L_simem_size_0:
called_computation_lowered:
.L_overlay_start_0:
0x88: {  	s0 =	sld [smem:$0x3FD9]  }
0x89: {  	s1 =	sld [smem:$0x3FFE];
	_ =	sdelay $0x3  }
0x8a: {  	s0 =	sadd.s32 s1, s0  }
0x8b: {  	[smem:$0x3F9E] =	sst s0  }
0x8c: {  	_ = 	snop  }
0x8d: {  	(tm) =	ssettm $0x1  }
0x8e: {  	s15 =	sld [smem:$0x3FFB];
	_ =	sdelay $0x3  }
0x8f: {  	_ =	strace s15  }
0x90: {  	s0 =	sld [smem:$0x3FFC];
	_ =	sdelay $0x3  }
0x91: {  	_ =	strace s0  }
0x92: {  	s0 =	sld [smem:$0x3FFD];
	_ =	sdelay $0x3  }
0x93: {  	_ =	strace s0  }
0x94: {  	_ =	strace $0x8FFFFFFF  }
0x95: {  	s16 =	sld [smem:$0x3FDB];
	_ =	sdelay $0x1  }
0x96: {  	s17 =	simm.s32 $_scs_section_size  }
0x97: {  	s2 =	simm.s32 $_size__tile_overlayer_lowered;
	s3 =	simm.s32 $_tile_overlayer_lowered  }
0x98: {  	s20 =	simm.s32 $0x1BFF;
	s19 =	sshll.u32 s3, $0x1;
	s0 =	sadd.s32 s17, s16  }
0x99: {  	s4 =	simm.s32 $0x0;
	s18 =	sshll.u32 s2, $0x1;
	s2 =	sadd.s32 s19, s0  }
0x9a: {  	[timem:s4], [sflag:s20] =	dma.local [hbm:s2], s18  }
0x9b: {  	_ =	swait.ge [sflag:s20], s18  }
0x9c: {  	s1 =	ssub.s32 $0x0, s18;
	[sflag:s20] =	ssyncset.done $0x0  }
0x9d: {  	[sflag:s20] =	ssyncadd.s32 s1;
	_ =	sdelay $0x1  }
0x9e: {  	s21 =	simm.s32 $0x1B8B  }
0x9f: {  	_ =	swait.ge [sflag:s21], $0x1  }
0xa0: {  	[sflag:s21] =	ssyncset.done $0x0  }
0xa1: {  	s23 =	simm.s32 $0x1B8E;
	s22 =	sld [smem:$0x3FFE];
	[sflag:s21] =	ssyncadd.s32 $0xFFFFFFFF  }
0xa2: {  	s24 =	simm.s32 $execute0_lowered;
	[smem:$0x3FD2] =	sst s23  }
0xa3: {  	s2 =	sshll.u32 s24, $0x1;
	_ =	strace $0x8000005E;
	[dreg:$0x1] =	wrdreg $0xFFFFFFFF  }
0xa4: {  	s25 =	simm.s32 $_size_execute0_lowered;
	s0 =	sadd.s32 s0, s2;
	[dreg:$0x0] =	wrdreg $0x0  }
0xa5: {  	s2 =	sshll.u32 s25, $0x1;
	[dreg:$0x2] =	wrdreg s0  }
0xa6: {  	[dreg:$0x3] =	wrdreg s2  }
0xa7: {  	[dreg:$0x4] =	wrdreg $0xC0  }
0xa8: {  	_ =	task [dreg:s4], $0x5FFFF  }
0xa9: {  	[dreg:$0x1] =	wrdreg $0xFFFFFFFF  }
0xaa: {  	[dreg:$0x0] =	wrdreg $0x60  }
0xab: {  	[dreg:$0x2] =	wrdreg s22  }
0xac: {  	[dreg:$0x3] =	wrdreg $0x9  }
0xad: {  	_ =	task.clear_ibuf [dreg:s4], $0x4FFFF;
	_ =	strace $0x9000005E  }
0xae: {  	s26 =	simm.s32 $0x9;
	_ =	strace $0x80000060  }
0xaf: {  	_ =	swait.ge [sflag:s26], $0x1  }
0xb0: {  	[sflag:s26] =	ssyncadd.s32 $0xFFFFFFFF  }
0xb1: {  	_ =	strace $0x90000060  }
0xb2: {  	_ =	sfence  }
0xb3: {  	s28 =	sld [smem:$0x0];
	_ =	sdelay $0x1  }
0xb4: {  	s29 =	srdreg.scid  }
0xb5: {  	s30 =	sshll.u32 s29, $0xD;
	s31 =	sshrl.u32 s29, $0x2  }
0xb6: {  	s1 =	sand.u32 $0x1, s29;
	s2 =	sand.u32 $0x4000, s30;
	s0 =	sadd.s32 s31, s28  }
0xb7: {  	s1 =	sor.u32 s2, s1;
	s0 =	sshll.u32 s0, $0x11  }
0xb8: {  	s0 =	sor.u32 s0, s1  }
0xb9: {  	s0 =	sadd.s32 $0x8F2B, s0  }
0xba: {  	[sflag:s0] =	ssyncadd.remote.s32 $0x1  }
0xbb: {  	_ =	sfence.sel $0xFFFF  }
0xbc: {  	[dreg:$0x0] =	wrdreg $0xFFFFFFFF;
	(pc) =	sbr.abs _section_cstart, $3  }
0xbd: {  	[dreg:$0x1] =	wrdreg $0xFFFFFFFF  }
0xbe: {  	_ =	task.clear_ibuf [dreg:s4], $0x2FFFF;
	_ =	strace $0x9FFFFFFF  }
0xbf: {  	(tm) =	ssettm $0x7FFFFFFF  }
tec
execute0_lowered:
.L_overlay_start_1:
0x0: {  	(tag) =	ssettag $0x1  }
0x1: {  	s0 =	rddreg [dreg:$0x0];
	_ =	strace $0x8000005F;
	s1 =	simm.s32 $0x1  }
0x2: {  	s8 =	simm.s32 $0x88;
	v0 =	vimm.s32 $0x0;
	[sflag:s1] =	ssyncpa.u1 $0x0  }
0x3: {  	[tilespmem:s8+$0x30] =	vst v0  }
0x4: {  	s1 =	sadd.s32 $0xCA800, s0;
	s3 =	sadd.s32 $0xD1400, s0;
	[tilespmem:s8+$0x20] =	vst v0  }
0x5: {  	s4 =	sadd.s32 $0x7200, s0;
	s5 =	sadd.s32 $0xD2E00, s0;
	s0 =	simm.s32 $0x40;
	[tilespmem:s8+$0x10] =	vst v0  }
.LBB2_1:
0x6: {  	s0 =	sadd.s32 $0x40, s0  }
0x7: {  	[tilespmem:s8+$0x0] =	vst v0;
	s8 =	sadd.s32 $0x40, s8;
	p0 =	slt.u32 s0, $0x5040  }
.Ltmp0:
0x8: {  	(pc) =	sbr.rel @p0 .LBB2_1-.Ltmp0, $4  }
0x9: {  	_ = 	snop  }
0xa: {  	[tilespmem:s8+$0x30] =	vst v0  }
0xb: {  	[tilespmem:s8+$0x20] =	vst v0  }
0xc: {  	[tilespmem:s8+$0x10] =	vst v0  }
0xd: {  	s9 =	stileid.u32  }
0xe: {  	s0 =	smul.u32 $0x9, s9  }
0xf: {  	s2 =	smin.u32 s9, $0xD  }
0x10: {  	s0 =	sadd.s32 s2, s0  }
0x11: {  	p0 =	slt.u32 s9, $0xD;
	s6 =	smul.u32 $0x140, s0;
	s0 =	simm.s32 $0xC80  }
0x12: {  	s0 =	simm.s32 @!p0 $0xB40  }
0x13: {  	s0 =	sadd.s32 s0, s6  }
0x14: {  	s7 =	smin.u32 s0, $0xC350  }
0x15: {  	s0 =	ssub.s32 s7, s6  }
0x16: {  	p0 =	sgt.s32 s0, $0x0  }
0x17: {  	s0 =	simm.s32 @!p0 $0x0  }
0x18: {  	s29 =	simm.s32 $0x2;
	s10 =	simm.s32 $0x7;
	s28 =	smul.u32 $0xCCCD, s0  }
0x19: {  	s31 =	simm.s32 $0x8;
	s11 =	simm.s32 $0x1;
	s15 =	simm.s32 $0x0  }
0x1a: {  	p1 =	por $0x0, $0x0;
	s16 =	simm.s32 $0xA;
	s2 =	sshrl.u32 s28, $0x18  }
0x1b: {  	s20 =	simm.s32 $0x0;
	s17 =	simm.s32 $0x0;
	s30 =	smul.u32 $0x140, s2  }
.Ltmp1:
0x1c: {  	[tilespmem:s8+$0x0] =	vst v0;
	v0 =	vimm.s32 $0xFFFFFFFF;
	s19 =	simm.s32 $0x0;
	[sflag:s29] =	ssyncpa.u1 $0x0;
	(pc) =	sbr.rel .LBB2_3-.Ltmp1, $4  }
0x1d: {  	[tilespmem:$0xA108] =	vst v0;
	[sflag:s10] =	ssyncpa.u1 $0x0;
	p0 =	sne.s32 s0, s30;
	s0 =	simm.s32 $0x1  }
0x1e: {  	s10 =	simm.s32 $0x9;
	[sflag:s31] =	ssyncpa.u1 $0x0;
	s0 =	simm.s32 @!p0 $0x0  }
0x1f: {  	s13 =	sshll.u32 s9, $0x7;
	[sflag:s10] =	ssyncpa.u1 $0x0;
	s12 =	sadd.s32 s2, s0  }
0x20: {  	v0 =	vlaneseq.u32;
	s18 =	smov.u32 s6;
	p0 =	por $0x1, $0x1;
	s14 =	sadd.s32 $0x1, s12  }
.LBB2_24:
0x21: {  	s0 =	sshrl.u32 s29, $0x2  }
.LBB2_26:
0x22: {  	_ =	swait.ge [sflag:s16], s0  }
0x23: {  	s31 =	ssub.s32 $0x0, s0;
	v1 =	vmov s22;
	vm0 =	veq.s32 v0, $0x0;
	[sflag:s16] =	ssyncset.done $0x0  }
0x24: {  	vm15 =	veq.s32 v0, $0x2;
	v1 =	vsel vm0, s28, v1;
	[sflag:s16] =	ssyncadd.s32 s31  }
0x25: {  	v1 =	vsel vm15, s20, v1;
	[sflag:s16] =	ssyncpa.u1 $0x1  }
0x26: {  	[tilespmem:$0xA108] =	vst v1  }
.LBB2_27:
0x27: {  	s0 =	sadd.s32 $0x140, s18  }
0x28: {  	s2 =	smov.u32 s6;
	p2 =	slt.s32 s0, s7  }
0x29: {  	s2 =	smov.u32 @p2 s0;
	p2 =	sne.s32 s19, s14  }
.Ltmp2:
0x2a: {  	_ = 	snop;
	(pc) =	sbr.rel @!p2 .LBB2_28-.Ltmp2, $4  }
0x2b: {  	_ = 	snop  }
0x2c: {  	s20 =	smov.u32 s17  }
0x2d: {  	s31 =	sadd.s32 $0x1, s19;
	s17 =	smov.u32 s18;
	p0 =	por !p0, !p0  }
0x2e: {  	p1 =	por !p1, !p1;
	s19 =	smov.u32 s31;
	s18 =	smov.u32 s2  }
.LBB2_3:
0x2f: {  	p2 =	sge.u32 s19, s12  }
0x30: {  	s0 =	smulhi.u32 @!p2 $0xAAAAAAAB, s19  }
0x31: {  	s2 =	smov.u32 s18;
	p3 =	sgt.s32 @!p2 s18, $0xC210  }
0x32: {  	s8 =	sshra.s32 @!p2 s18, $0x1F;
	p3 =	por !p3, p2;
	s0 =	sshrl.u32 @!p2 s0, $0x1  }
0x33: {  	s8 =	sand.u32 @!p2 s8, s18;
	s2 =	simm.s32 @p3 $0xC210;
	s0 =	smul.u32 @!p2 $0x3, s0  }
0x34: {  	s2 =	ssub.s32 @!p2 s2, s8  }
0x35: {  	s22 =	sadd.s32 $0xFFFFFFFF, s19;
	s2 =	sadd.s32 @!p2 $0xFFFF3DF0, s2;
	s0 =	ssub.s32 @!p2 s19, s0  }
0x36: {  	s8 =	sshll.u32 @!p2 s2, $0x2;
	p3 =	sgt.s32 @!p2 s2, $0x13F;
	s0 =	smul.u32 @!p2 $0x500, s0  }
0x37: {  	s21 =	sand.u32 @!p2 $0x7, s18;
	s2 =	ssub.s32 @!p2 $0x500, s8;
	p3 =	por !p3, p2  }
0x38: {  	s8 =	sshrl.u32 @!p2 s18, $0x3;
	s2 =	sshrl.u32 @!p2 s2, $0x2;
	s0 =	sshrl.u32 @!p2 s0, $0x2  }
0x39: {  	s8 =	sadd.s32 @!p2 s5, s8;
	s2 =	simm.s32 @!p3 $0x0;
	s0 =	sadd.s32 @!p2 $0xA938, s0  }
0x3a: {  	[tilespmem:s0], [sflag:$0x8] =	stream.linear.gather @!p2 [hbm4b:s8+s21], s2, $0x38;
	[tilespmem:$0x1EF78] =	vst v63  }
0x3b: {  	p2 =	sge.u32 s22, s12  }
0x3c: {  	p3 =	sgt.s32 @!p2 s17, $0xC210  }
0x3d: {  	s0 =	smov.u32 s17;
	s2 =	sshra.s32 @!p2 s17, $0x1F;
	p3 =	por !p3, p2  }
0x3e: {  	s2 =	sand.u32 @!p2 s2, s17;
	s0 =	simm.s32 @p3 $0xC210  }
0x3f: {  	s0 =	ssub.s32 @!p2 s0, s2  }
0x40: {  	s0 =	sadd.s32 @!p2 $0xFFFF3DF0, s0  }
0x41: {  	s2 =	sshll.u32 @!p2 s0, $0x2  }
0x42: {  	p3 =	sgt.s32 @!p2 s0, $0x13F;
	s0 =	ssub.s32 @!p2 $0x500, s2  }
0x43: {  	p3 =	por !p3, p2;
	s0 =	sshrl.u32 @!p2 s0, $0x2  }
0x44: {  	s8 =	simm.s32 @!p2 $0x8;
	s2 =	sand.u32 @!p2 $0x1, s22;
	s0 =	simm.s32 @!p3 $0x0  }
0x45: {  	s2 =	smul.u32 @!p2 $0x500, s2;
	_ =	swait.ge @!p2 [sflag:s8], s0  }
0x46: {  	s21 =	ssub.s32 @!p2 $0x0, s0;
	[sflag:s8] =	ssyncset.done @!p2 $0x0  }
0x47: {  	s2 =	sshrl.u32 @!p2 s2, $0x2;
	[sflag:s8] =	ssyncadd.s32 @!p2 s21;
	s8 =	sshrl.u32 @!p2 s17, $0x3  }
0x48: {  	s2 =	sadd.s32 @!p2 $0xACF8, s2;
	s21 =	sand.u32 @!p2 $0x7, s17;
	s8 =	sadd.s32 @!p2 s3, s8  }
0x49: {  	[tilespmem:s2], [sflag:$0x9] =	stream.linear.gather @!p2 [hbm4b:s8+s21], s0, $0x38;
	[tilespmem:$0x1EF78] =	vst v63  }
0x4a: {  	s21 =	ssub.s32 @!p2 $0xC350, s17  }
0x4b: {  	p3 =	slt.s32 @!p2 s21, $0x1  }
0x4c: {  	p3 =	por p2, p3  }
.Ltmp3:
0x4d: {  	_ = 	snop;
	(pc) =	sbr.rel @p3 .LBB2_9-.Ltmp3, $1  }
0x4e: {  	_ =	sdelay $0x3  }
0x4f: {  	s0 =	smulhi.u32 $0xAAAAAAAB, s22;
	_ =	sdelay $0x1  }
0x50: {  	s0 =	sshrl.u32 s0, $0x1  }
0x51: {  	s0 =	smul.u32 $0x3, s0;
	_ =	sdelay $0x1  }
0x52: {  	s0 =	ssub.s32 s22, s0  }
0x53: {  	s2 =	simm.s32 $0x1;
	s0 =	smul.u32 $0x500, s0  }
.Ltmp4:
0x54: {  	s2 =	simm.s32 @!p0 $0x0;
	(pc) =	sbr.rel .LBB2_6-.Ltmp4, $4  }
0x55: {  	s2 =	smul.u32 $0x28000, s2  }
0x56: {  	p3 =	slt.s32 @!p2 s21, $0x140;
	s0 =	sshrl.u32 s0, $0x2  }
0x57: {  	p2 =	por !p3, p2;
	s2 =	sshrl.u32 s2, $0x2;
	s0 =	sadd.s32 $0xA938, s0  }
0x58: {  	s23 =	simm.s32 $0x0;
	s21 =	simm.s32 @p2 $0x140;
	s22 =	sadd.s32 $0xAF78, s2;
	v1 =	vmov s0  }
.LBB2_5:
0x59: {  	p2 =	sge.s32 s23, s21  }
.Ltmp5:
0x5a: {  	_ = 	snop;
	(pc) =	sbr.rel @p2 .LBB2_9-.Ltmp5, $2  }
0x5b: {  	_ =	sdelay $0x2  }
0x5c: {  	s22 =	sadd.s32 $0x800, s22  }
.LBB2_6:
0x5d: {  	p2 =	sle.s32 s21, s23  }
.Ltmp6:
0x5e: {  	_ = 	snop;
	(pc) =	sbr.rel @p2 .LBB2_5-.Ltmp6, $2  }
0x5f: {  	_ =	sdelay $0x2  }
0x60: {  	s24 =	smov.u32 s23;
	s23 =	sadd.s32 $0x10, s23  }
0x61: {  	s0 =	ssub.s32 s21, s24  }
0x62: {  	p2 =	slt.s32 s0, $0x10  }
0x63: {  	s0 =	simm.s32 @!p2 $0x10  }
0x64: {  	v2 =	vmov s0  }
0x65: {  	vm0 =	vgt.s32 v2, v0;
	_ =	sdelay $0x5  }
0x66: {  	v2 =	vld.idx.msk [tilespmem:v1+s24+$0x0 ss:$0x1], vm0;
	_ =	sdelay $0x2  }
0x67: {  	p2 =	slt.s32 s23, s21;
	s0 =	smov.u32 s21  }
0x68: {  	s2 =	smov.u32 s22;
	s25 =	simm.s32 $0x0;
	s0 =	smov.u32 @p2 s23  }
.LBB2_8:
0x69: {  	(v2sf) =	vpush v2, s25;
	_ =	sdelay $0xc  }
0x6a: {  	s25 =	sadd.s32 $0x1, s25  }
0x6b: {  	s31 =	sadd.s32 s25, s24  }
0x6c: {  	p2 =	slt.s32 s31, s0;
	s8 =	spop (v2sf)  }
.Ltmp7:
0x6d: {  	s8 =	sshll.u32 s8, $0x4;
	(pc) =	sbr.rel @p2 .LBB2_8-.Ltmp7, $4  }
0x6e: {  	s8 =	sand.u32 $0x1FFFFFF0, s8  }
0x6f: {  	s8 =	sadd.s32 s4, s8  }
0x70: {  	[tilespmem:s2], [sflag:$0x7] =	stream.linear.gather [hbm4b:s8+s15], $0x40, $0x38;
	[tilespmem:$0x1EF78] =	vst v63  }
0x71: {  	s2 =	sadd.s32 $0x80, s2  }
.Ltmp8:
0x72: {  	_ = 	snop;
	(pc) =	sbr.rel .LBB2_5-.Ltmp8, $1  }
0x73: {  	_ =	sdelay $0x3  }
.LBB2_9:
0x74: {  	p2 =	slt.u32 s19, $0x2  }
.Ltmp9:
0x75: {  	_ = 	snop;
	(pc) =	sbr.rel @p2 .LBB2_27-.Ltmp9, $1  }
0x76: {  	_ =	sdelay $0x3  }
0x77: {  	p2 =	sgt.s32 s20, $0xC210;
	s0 =	smov.u32 s20  }
0x78: {  	s2 =	sshra.s32 s20, $0x1F;
	s8 =	ssub.s32 $0xC350, s20;
	s0 =	simm.s32 @!p2 $0xC210  }
0x79: {  	s2 =	sand.u32 s2, s20;
	p2 =	slt.s32 s8, $0x140;
	s21 =	smov.u32 s8  }
0x7a: {  	s0 =	ssub.s32 s0, s2;
	s21 =	simm.s32 @!p2 $0x140  }
0x7b: {  	s0 =	sadd.s32 $0xFFFF3DF0, s0;
	s26 =	sshll.u32 s21, $0x6  }
0x7c: {  	s9 =	simm.s32 $0x7;
	s29 =	sshll.u32 s0, $0x2;
	s2 =	sand.u32 $0x3FFFFFC0, s26  }
0x7d: {  	p2 =	sgt.s32 s0, $0x13F;
	s30 =	ssub.s32 $0x500, s29;
	_ =	swait.ge [sflag:s9], s2  }
0x7e: {  	s2 =	ssub.s32 $0x0, s2;
	[sflag:s9] =	ssyncset.done $0x0;
	s0 =	sshrl.u32 s30, $0x2  }
0x7f: {  	[sflag:s9] =	ssyncadd.s32 s2;
	s0 =	simm.s32 @p2 $0x0  }
0x80: {  	_ =	swait.ge [sflag:s10], s0  }
0x81: {  	s0 =	ssub.s32 $0x0, s0;
	[sflag:s10] =	ssyncset.done $0x0  }
0x82: {  	[sflag:s10] =	ssyncadd.s32 s0  }
0x83: {  	v1 =	vld [tilespmem:$0xA108];
	_ =	sdelay $0x4  }
0x84: {  	(v2sf) =	vpush v1, $0x0  }
0x85: {  	(v2sf) =	vpush v1, $0x1  }
0x86: {  	(v2sf) =	vpush v1, $0x2;
	_ =	sdelay $0x3  }
0x87: {  	s0 =	sadd.s32 $0x140, s20  }
0x88: {  	p2 =	slt.s32 s7, s0  }
0x89: {  	s0 =	smov.u32 @p2 s7;
	p2 =	sgt.s32 s8, $0x0  }
0x8a: {  	s24 =	ssub.s32 s0, s20;
	s8 =	simm.s32 @!p2 $0x0  }
0x8b: {  	p2 =	slt.s32 s8, s24  }
0x8c: {  	s24 =	smov.u32 @p2 s8  }
0x8d: {  	s23 =	simm.s32 $0x1;
	p2 =	slt.s32 s24, $0x1  }
.Ltmp10:
0x8e: {  	s23 =	simm.s32 @!p1 $0x0;
	(pc) =	sbr.rel @p2 .LBB2_14-.Ltmp10, $4  }
0x8f: {  	s31 =	smul.u32 $0x500, s23  }
0x90: {  	s25 =	spop (v2sf)  }
0x91: {  	s0 =	sshrl.u32 s31, $0x2;
	s28 =	spop (v2sf)  }
0x92: {  	s21 =	sadd.s32 $0xACF8, s0;
	s20 =	spop (v2sf)  }
0x93: {  	s0 =	smin.u32 s24, $0x10  }
0x94: {  	v1 =	vmov s0  }
0x95: {  	p3 =	sgt.s32 s24, $0x10;
	vm1 =	vgt.u32 v1, v0  }
.Ltmp11:
0x96: {  	_ = 	snop;
	(pc) =	sbr.rel @!p3 .LBB2_13-.Ltmp11, $2  }
0x97: {  	_ =	sdelay $0x2  }
0x98: {  	s26 =	simm.s32 $0x10;
	s29 =	sadd.s32 $0xFFFFFFF0, s24;
	s22 =	smov.u32 s21;
	vm0 =	vmmov vm1  }
.LBB2_12:
0x99: {  	s0 =	smin.u32 s29, $0x10;
	s26 =	sadd.s32 $0x10, s26;
	v1 =	vld.msk [tilespmem:s22+$0x0 ss:$0x1], vm1  }
0x9a: {  	v2 =	vmov s0;
	p3 =	slt.s32 s26, s24  }
0x9b: {  	vm1 =	vgt.u32 v2, v0  }
.Ltmp12:
0x9c: {  	(pc) =	sbr.rel @p3 .LBB2_12-.Ltmp12, $3  }
0x9d: {  	_ =	sdelay $0x1  }
0x9e: {  	v1 =	vshll.u32 v1, $0x4  }
0x9f: {  	s29 =	sadd.s32 $0xFFFFFFF0, s29;
	[tilespmem:s22+$0x0] =	vst.msk vm0, v1;
	s22 =	sadd.s32 $0x10, s22;
	vm0 =	vmmov vm1  }
.LBB2_13:
0xa0: {  	_ =	sdelay $0x4  }
0xa1: {  	v1 =	vld.msk [tilespmem:s22+$0x0 ss:$0x1], vm1;
	_ =	sdelay $0x4  }
0xa2: {  	v1 =	vshll.u32 v1, $0x4  }
0xa3: {  	[tilespmem:s22+$0x0] =	vst.msk vm0, v1  }
.LBB2_14:
0xa4: {  	s0 =	sand.u32 $0x1, s19  }
0xa5: {  	s0 =	smul.u32 $0x140, s0  }
0xa6: {  	p3 =	sne.s32 s28, $0xFFFFFFFF  }
0xa7: {  	v1 =	vld.msk @!p3 [tilespmem:s0+$0xACF8], $0x1;
	_ =	sdelay $0x4  }
0xa8: {  	(v2sf) =	vpush @!p3 v1, $0x0;
	_ =	sdelay $0xc  }
.Ltmp13:
0xa9: {  	_ = 	snop;
	(pc) =	sbr.rel @p2 .LBB2_25-.Ltmp13, $4  }
0xaa: {  	_ = 	snop  }
0xab: {  	s26 =	spop @!p3 (v2sf)  }
0xac: {  	s20 =	simm.s32 @!p3 $0x0;
	s22 =	smov.u32 s26  }
0xad: {  	[sflag:s16] =	ssyncpa.u1 $0x0;
	s26 =	smov.u32 @p3 s25;
	s22 =	smov.u32 @p3 s28  }
0xae: {  	v1 =	vld.msk [tilespmem:s21+$0x0], $0x1;
	_ =	sdelay $0x4  }
0xaf: {  	(v2sf) =	vpush v1, $0x0;
	_ =	sdelay $0xe  }
0xb0: {  	s0 =	smul.u32 $0x28000, s23;
	s30 =	spop (v2sf)  }
0xb1: {  	s24 =	ssub.s32 $0x0, s24;
	p2 =	seq.s32 s26, s30  }
0xb2: {  	s28 =	sadd.s32 $0x1, s24;
	s0 =	sshrl.u32 s0, $0x2;
	p3 =	sgt.s32 @!p2 s26, $0x0  }
0xb3: {  	s23 =	sadd.s32 $0xAF98, s0;
	s0 =	smov.u32 s26;
	p3 =	por !p3, p2  }
0xb4: {  	s0 =	simm.s32 @p3 $0x0;
	p3 =	seq.s32 s28, $0x0  }
.Ltmp14:
0xb5: {  	_ = 	snop;
	(pc) =	sbr.rel @p3 .LBB2_17-.Ltmp14, $4  }
0xb6: {  	_ = 	snop  }
0xb7: {  	s25 =	simm.s32 $0x0;
	s31 =	simm.s32 @!p2 $0x1;
	s2 =	smin.u32 @!p2 s0, $0xFF8  }
0xb8: {  	s29 =	sadd.s32 $0x1, s21;
	s31 =	smov.u32 @p2 s25;
	s8 =	sand.u32 @!p2 $0xFF8, s2  }
0xb9: {  	s0 =	simm.s32 @!p2 $0x50C8;
	s2 =	sand.u32 @!p2 $0x7, s2;
	s8 =	sadd.s32 @!p2 s1, s8  }
.LBB2_16:
0xba: {  	s9 =	smov.u32 s31  }
0xbb: {  	[tilespmem:s0], [sflag:$0x2] =	stream.linear.gather @!p2 [hbm4b:s8+s2], $0x40, $0x38;
	[tilespmem:$0x1EF78] =	vst v63  }
0xbc: {  	s28 =	sadd.s32 $0x1, s28;
	s2 =	smov.u32 s30;
	v1 =	vld.msk [tilespmem:s29+$0x0], $0x1  }
0xbd: {  	p3 =	seq.s32 s28, $0x0;
	_ =	sdelay $0x3  }
0xbe: {  	(v2sf) =	vpush v1, $0x0;
	_ =	sdelay $0xe  }
0xbf: {  	s30 =	spop (v2sf)  }
0xc0: {  	p2 =	seq.s32 s2, s30  }
0xc1: {  	p4 =	sgt.s32 @!p2 s2, $0x0;
	s0 =	sshll.u32 @!p2 s31, $0x8;
	s31 =	sadd.s32 @!p2 $0x1, s31  }
.Ltmp15:
0xc2: {  	p4 =	por !p4, p2;
	s0 =	sshra.s32 @!p2 s0, $0x2;
	(pc) =	sbr.rel @!p3 .LBB2_16-.Ltmp15, $4  }
0xc3: {  	s31 =	smov.u32 @p2 s9;
	s2 =	simm.s32 @p4 $0x0;
	s0 =	sadd.s32 @!p2 $0x50C8, s0  }
0xc4: {  	s2 =	smin.u32 @!p2 s2, $0xFF8  }
0xc5: {  	s8 =	sand.u32 @!p2 $0xFF8, s2;
	s2 =	sand.u32 @!p2 $0x7, s2  }
0xc6: {  	s29 =	sadd.s32 $0x1, s29;
	s8 =	sadd.s32 @!p2 s1, s8  }
.LBB2_17:
0xc7: {  	[tilespmem:s0], [sflag:$0x2] =	stream.linear.gather @!p2 [hbm4b:s8+s2], $0x40, $0x38;
	[tilespmem:$0x1EF78] =	vst v63  }
.Ltmp16:
0xc8: {  	s30 =	sshll.u32 s31, $0x6;
	(pc) =	sbr.rel .LBB2_18-.Ltmp16, $4  }
0xc9: {  	s31 =	simm.s32 $0x2;
	s0 =	sand.u32 $0x3FFFFFC0, s30  }
0xca: {  	_ =	swait.ge [sflag:s31], s0  }
0xcb: {  	s0 =	ssub.s32 $0x0, s0;
	[sflag:s31] =	ssyncset.done $0x0  }
0xcc: {  	s29 =	simm.s32 $0x0;
	[sflag:s31] =	ssyncadd.s32 s0  }
.LBB2_19:
0xcd: {  	v1 =	vld [tilespmem:s23+$0xFFFFFFE0];
	_ =	sdelay $0x4  }
0xce: {  	[tilespmem:s30+$0x88] =	vst.add.f32.msk $0xffff, v1  }
0xcf: {  	v1 =	vld [tilespmem:s23+$0xFFFFFFF0];
	_ =	sdelay $0x4  }
0xd0: {  	[tilespmem:s30+$0x98] =	vst.add.f32.msk $0xffff, v1  }
0xd1: {  	v1 =	vld [tilespmem:s23+$0x0];
	_ =	sdelay $0x4  }
0xd2: {  	[tilespmem:s30+$0xA8] =	vst.add.f32.msk $0xffff, v1  }
0xd3: {  	v1 =	vld [tilespmem:s23+$0x10];
	_ =	sdelay $0x4  }
0xd4: {  	[tilespmem:s30+$0xB8] =	vst.add.f32.msk $0xffff, v1  }
.LBB2_23:
0xd5: {  	s24 =	sadd.s32 $0x1, s24  }
0xd6: {  	p2 =	seq.s32 s24, $0x0  }
.Ltmp17:
0xd7: {  	_ = 	snop;
	(pc) =	sbr.rel @p2 .LBB2_24-.Ltmp17, $2  }
0xd8: {  	_ =	sdelay $0x2  }
0xd9: {  	s23 =	sadd.s32 $0x80, s23;
	s21 =	sadd.s32 $0x1, s21;
	s26 =	smov.u32 s28  }
.LBB2_18:
0xda: {  	v1 =	vld.msk [tilespmem:s21+$0x0], $0x1;
	_ =	sdelay $0x4  }
0xdb: {  	(v2sf) =	vpush v1, $0x0;
	_ =	sdelay $0xe  }
0xdc: {  	s28 =	spop (v2sf)  }
0xdd: {  	p2 =	sne.s32 s26, s28  }
.Ltmp18:
0xde: {  	_ = 	snop;
	(pc) =	sbr.rel @!p2 .LBB2_19-.Ltmp18, $3  }
0xdf: {  	_ =	sdelay $0x1  }
0xe0: {  	s0 =	sshll.u32 s20, $0x8  }
0xe1: {  	s30 =	sshra.s32 s0, $0x2  }
0xe2: {  	p2 =	seq.s32 s26, s22  }
.Ltmp19:
0xe3: {  	_ = 	snop;
	(pc) =	sbr.rel @!p2 .LBB2_21-.Ltmp19, $1  }
0xe4: {  	_ =	sdelay $0x3  }
.Ltmp20:
0xe5: {  	s0 =	sadd.s32 $0x88, s30;
	(pc) =	sbr.rel .LBB2_22-.Ltmp20, $4  }
0xe6: {  	[spmem:s13] =	stream.linear.scatter [tilespmem:s0], [sflag:$0x1], $0x40, $0x38;
	[tilespmem:$0x1EF78] =	vst v63  }
0xe7: {  	_ =	swait.ge [sflag:s11], $0x40  }
0xe8: {  	[sflag:s11] =	ssyncset.done $0x0  }
0xe9: {  	[sflag:s11] =	ssyncadd.s32 $0xFFFFFFC0  }
.LBB2_21:
0xea: {  	s0 =	sshll.u32 s25, $0x8  }
0xeb: {  	s0 =	sshra.s32 s0, $0x2  }
0xec: {  	v1 =	vld [tilespmem:s0+$0x50C8];
	_ =	sdelay $0x4  }
0xed: {  	[tilespmem:s30+$0x88] =	vst.add.f32.msk $0xffff, v1  }
0xee: {  	v1 =	vld [tilespmem:s0+$0x50D8];
	_ =	sdelay $0x4  }
0xef: {  	[tilespmem:s30+$0x98] =	vst.add.f32.msk $0xffff, v1  }
0xf0: {  	v1 =	vld [tilespmem:s0+$0x50E8];
	_ =	sdelay $0x4  }
0xf1: {  	[tilespmem:s30+$0xA8] =	vst.add.f32.msk $0xffff, v1  }
0xf2: {  	v1 =	vld [tilespmem:s0+$0x50F8];
	_ =	sdelay $0x2  }
0xf3: {  	p2 =	sgt.u32 s26, $0xFF8  }
0xf4: {  	s0 =	sand.u32 @!p2 $0xFF8, s26  }
0xf5: {  	s2 =	sadd.s32 $0x88, s30;
	s8 =	sand.u32 @!p2 $0x7, s26;
	s0 =	sadd.s32 @!p2 s1, s0;
	[tilespmem:s30+$0xB8] =	vst.add.f32.msk $0xffff, v1  }
0xf6: {  	[hbm4b:s0+s8] =	stream.linear.scatter @!p2 [tilespmem:s2], [sflag:$0xA], $0x40, $0x38;
	[tilespmem:$0x1EF78] =	vst v63  }
0xf7: {  	s0 =	simm.s32 $0x0  }
0xf8: {  	s0 =	simm.s32 @!p2 $0x100  }
0xf9: {  	s29 =	sadd.s32 s0, s29  }
.LBB2_22:
0xfa: {  	s0 =	sadd.s32 $0x1, s20  }
0xfb: {  	s2 =	smulhi.u32 $0xCCCCCCCD, s0;
	_ =	sdelay $0x1  }
0xfc: {  	v1 =	vld [tilespmem:s23+$0xFFFFFFE0];
	s2 =	sshrl.u32 s2, $0x8  }
0xfd: {  	s2 =	smul.u32 $0x140, s2;
	_ =	sdelay $0x1  }
0xfe: {  	s20 =	ssub.s32 s0, s2  }
0xff: {  	s0 =	sshll.u32 s20, $0x6  }
0x100: {  	[tilespmem:s0+$0x88] =	vst v1  }
0x101: {  	v1 =	vld [tilespmem:s23+$0xFFFFFFF0];
	_ =	sdelay $0x4  }
0x102: {  	[tilespmem:s0+$0x98] =	vst v1  }
0x103: {  	v1 =	vld [tilespmem:s23+$0x0];
	_ =	sdelay $0x4  }
0x104: {  	[tilespmem:s0+$0xA8] =	vst v1  }
0x105: {  	v1 =	vld [tilespmem:s23+$0x10]  }
.Ltmp21:
0x106: {  	_ = 	snop;
	(pc) =	sbr.rel .LBB2_23-.Ltmp21, $2  }
0x107: {  	_ =	sdelay $0x2  }
0x108: {  	s25 =	sadd.s32 $0x1, s25;
	[tilespmem:s0+$0xB8] =	vst v1  }
.LBB2_25:
.Ltmp22:
0x109: {  	(pc) =	sbr.rel .LBB2_26-.Ltmp22, $4  }
0x10a: {  	_ = 	snop  }
0x10b: {  	s0 =	simm.s32 $0x2  }
0x10c: {  	_ =	swait.ge [sflag:s0], $0x0  }
0x10d: {  	s28 =	smov.u32 s26;
	[sflag:s0] =	ssyncset.done $0x0;
	s0 =	simm.s32 $0x0  }
.LBB2_28:
0x10e: {  	_ =	sfence.sel $0x180000  }
0x10f: {  	s0 =	simm.s32 $0x7;
	[bflag:$0x0] =	sbarrier.arrive $0xFFFF  }
0x110: {  	s25 =	simm.s32 $0x8;
	[sflag:s0] =	ssyncpa.u1 $0x1  }
0x111: {  	s26 =	simm.s32 $0x9;
	[sflag:s25] =	ssyncpa.u1 $0x1  }
0x112: {  	s28 =	simm.s32 $0x2;
	[sflag:s26] =	ssyncpa.u1 $0x1  }
0x113: {  	[sflag:s28] =	ssyncpa.u1 $0x1  }
0x114: {  	v0 =	vld [tilespmem:$0xA108];
	_ =	sdelay $0x4  }
0x115: {  	(v2sf) =	vpush v0, $0x0  }
0x116: {  	(v2sf) =	vpush v0, $0x1;
	_ =	sdelay $0x1  }
0x117: {  	(v2sf) =	vpush v0, $0x2;
	_ =	sdelay $0xb  }
0x118: {  	s0 =	spop (v2sf)  }
0x119: {  	s2 =	spop (v2sf)  }
0x11a: {  	s3 =	smov.u32 s0;
	p0 =	sne.s32 s0, s2  }
0x11b: {  	s4 =	spop (v2sf);
	s3 =	simm.s32 @!p0 $0xFFFFFFFF  }
0x11c: {  	v2 =	vimm.s32 $0x1;
	v3 =	vlaneseq.u32;
	p0 =	seq.s32 s4, $0xFFFFFFFF;
	v1 =	vmov s3  }
0x11d: {  	s7 =	stileid.u32;
	v0 =	vperm.xlane v0, v2;
	p1 =	sne.s32 @!p0 s0, s2;
	v1 =	vperm.xlane v1, v3  }
0x11e: {  	vm0 =	vcmask $0x3F04;
	s6 =	simm.s32 $0xA108;
	s0 =	simm.s32 @!p0 $0x1;
	p1 =	por !p1, p0  }
0x11f: {  	s3 =	sshll.u32 s7, $0x1;
	s2 =	sshll.u32 @!p0 s4, $0x8;
	s0 =	simm.s32 @p1 $0x0;
	v0 =	vsel vm0, v1, v0  }
0x120: {  	s5 =	sor.u32 $0x800, s3;
	s2 =	sshra.s32 @!p0 s2, $0x2;
	s0 =	sor.u32 @!p0 s0, s3;
	[tilespmem:$0xA108] =	vst v0  }
0x121: {  	[spmem:s5] =	stream.linear.scatter [tilespmem:s6], [sflag:$0x1], $0x2, $0x38;
	[tilespmem:$0x1EF78] =	vst v63  }
0x122: {  	s2 =	sadd.s32 @!p0 $0x88, s2;
	s0 =	sshll.u32 @!p0 s0, $0x6  }
0x123: {  	[spmem:s0] =	stream.linear.scatter @!p0 [tilespmem:s2], [sflag:$0x1], $0x40, $0x38;
	[tilespmem:$0x1EF78] =	vst v63  }
0x124: {  	s2 =	simm.s32 @!p0 $0x42  }
0x125: {  	s0 =	simm.s32 $0x1;
	s2 =	simm.s32 @p0 $0x2  }
0x126: {  	_ =	swait.ge [sflag:s0], s2  }
0x127: {  	s2 =	ssub.s32 $0x0, s2;
	[sflag:s0] =	ssyncset.done $0x0  }
0x128: {  	[sflag:s0] =	ssyncadd.s32 s2  }
0x129: {  	_ =	sfence.stream.spmem  }
0x12a: {  	s29 =	simm.s32 $0x3;
	[bflag:$0x0] =	sbarrier.arrive $0xFFFF  }
0x12b: {  	s30 =	simm.s32 $0x4;
	[sflag:s29] =	ssyncpa.u1 $0x1  }
0x12c: {  	s31 =	simm.s32 $0x3C;
	[sflag:s30] =	ssyncpa.u1 $0x1  }
0x12d: {  	p0 =	sne.s32 s7, $0x0;
	[sflag:s31] =	ssyncpa.u1 $0x1  }
0x12e: {  	_ =	sfence @p0  }
0x12f: {  	[sflag:s0] =	ssyncpa.u1 @p0 $0x1  }
0x130: {  	_ =	strace @p0 $0x9000005F  }
0x131: {  	[bflag:$0x2] =	sbarrier.arrive @p0 $0xFFFF  }
0x132: {  	_ =	shalt @p0  }
.LBB2_29:
0x133: {  	_ =	sfence.stream.spmem;
	s0 =	simm.s32 $0x5  }
0x134: {  	s2 =	simm.s32 $0x800;
	s3 =	simm.s32 $0xA118;
	[sflag:s0] =	ssyncpa.u1 $0x0  }
0x135: {  	[tilespmem:s3], [sflag:$0x5] =	stream.linear.gather [spmem:s2], $0x20, $0x38;
	[tilespmem:$0x1EF78] =	vst v63  }
0x136: {  	s30 =	simm.s32 $0xA138;
	s2 =	simm.s32 $0x0  }
0x137: {  	[tilespmem:s30], [sflag:$0x5] =	stream.linear.gather [spmem:s2], $0x800, $0x38;
	[tilespmem:$0x1EF78] =	vst v63  }
.Ltmp23:
0x138: {  	_ = 	snop;
	(pc) =	sbr.rel .LBB2_30-.Ltmp23, $4  }
0x139: {  	_ =	swait.ge [sflag:s0], $0x820  }
0x13a: {  	[sflag:s0] =	ssyncset.done $0x0  }
0x13b: {  	s31 =	simm.s32 $0x6;
	[sflag:s0] =	ssyncadd.s32 $0xFFFFF7E0  }
0x13c: {  	s3 =	simm.s32 $0x0;
	[sflag:s31] =	ssyncpa.u1 $0x0  }
.LBB2_36:
0x13d: {  	p0 =	slt.u32 s4, $0xFF9  }
0x13e: {  	s0 =	sand.u32 @p0 $0xFF8, s4  }
0x13f: {  	s4 =	sand.u32 @p0 $0x7, s4;
	s5 =	simm.s32 @p0 $0xA0C8;
	s0 =	sadd.s32 @p0 s1, s0  }
0x140: {  	[tilespmem:s5], [sflag:$0x6] =	stream.linear.gather @p0 [hbm4b:s0+s4], $0x40, $0x38;
	[tilespmem:$0x1EF78] =	vst v63  }
0x141: {  	s0 =	simm.s32 @p0 $0x6  }
0x142: {  	_ =	swait.ge @p0 [sflag:s0], $0x40  }
0x143: {  	[sflag:s0] =	ssyncset.done @p0 $0x0  }
0x144: {  	[sflag:s0] =	ssyncadd.s32 @p0 $0xFFFFFFC0  }
0x145: {  	v1 =	vld @p0 [tilespmem:$0xA0C8];
	_ =	sdelay $0x2  }
0x146: {  	s0 =	sshll.u32 @p0 s3, $0x8  }
0x147: {  	s4 =	sshrl.u32 @p0 s0, $0x2  }
0x148: {  	[tilespmem:s4+$0xA138] =	vst.add.f32.msk @p0 $0xffff, v1  }
0x149: {  	v1 =	vld @p0 [tilespmem:$0xA0D8];
	_ =	sdelay $0x4  }
0x14a: {  	[tilespmem:s4+$0xA148] =	vst.add.f32.msk @p0 $0xffff, v1  }
0x14b: {  	v1 =	vld @p0 [tilespmem:$0xA0E8];
	_ =	sdelay $0x4  }
0x14c: {  	[tilespmem:s4+$0xA158] =	vst.add.f32.msk @p0 $0xffff, v1  }
0x14d: {  	v1 =	vld @p0 [tilespmem:$0xA0F8];
	_ =	sdelay $0x3  }
0x14e: {  	s5 =	sshll.u32 @!p0 s3, $0x8  }
0x14f: {  	s5 =	smov.u32 @p0 s0;
	[tilespmem:s4+$0xA168] =	vst.add.f32.msk @p0 $0xffff, v1  }
0x150: {  	s0 =	sshrl.u32 s5, $0x2;
	[tilespmem:s2+$0xA118] =	vst.msk $0x1, v0  }
0x151: {  	v0 =	vld [tilespmem:s0+$0xA138];
	_ =	sdelay $0x2  }
0x152: {  	s31 =	sshll.u32 s2, $0x8  }
0x153: {  	s4 =	sshra.s32 s31, $0x2  }
0x154: {  	[tilespmem:s4+$0xA138] =	vst v0  }
0x155: {  	v0 =	vld [tilespmem:s0+$0xA148];
	_ =	sdelay $0x4  }
0x156: {  	[tilespmem:s4+$0xA148] =	vst v0  }
0x157: {  	v0 =	vld [tilespmem:s0+$0xA158];
	_ =	sdelay $0x4  }
0x158: {  	[tilespmem:s4+$0xA158] =	vst v0  }
0x159: {  	v0 =	vld [tilespmem:s0+$0xA168];
	_ =	sdelay $0x4  }
0x15a: {  	s2 =	sadd.s32 $0x1, s2;
	[tilespmem:s4+$0xA168] =	vst v0  }
.LBB2_37:
0x15b: {  	s3 =	sadd.s32 $0x1, s3  }
0x15c: {  	p0 =	sne.s32 s3, $0x20  }
.Ltmp24:
0x15d: {  	_ = 	snop;
	(pc) =	sbr.rel @!p0 .LBB2_38-.Ltmp24, $1  }
0x15e: {  	_ =	sdelay $0x3  }
.LBB2_30:
0x15f: {  	v0 =	vld.msk [tilespmem:s3+$0xA118], $0x1;
	_ =	sdelay $0x4  }
0x160: {  	(v2sf) =	vpush v0, $0x0;
	_ =	sdelay $0xe  }
0x161: {  	s4 =	spop (v2sf)  }
0x162: {  	p0 =	seq.s32 s4, $0xFFFFFFFF  }
.Ltmp25:
0x163: {  	_ = 	snop;
	(pc) =	sbr.rel @p0 .LBB2_37-.Ltmp25, $1  }
0x164: {  	_ =	sdelay $0x3  }
0x165: {  	p0 =	slt.s32 s2, $0x1  }
.Ltmp26:
0x166: {  	_ = 	snop;
	(pc) =	sbr.rel @p0 .LBB2_36-.Ltmp26, $1  }
0x167: {  	_ =	sdelay $0x3  }
0x168: {  	s5 =	simm.s32 $0xA118;
	p0 =	por $0x0, $0x0  }
0x169: {  	v1 =	vld.msk @!p0 [tilespmem:s5+$0x0], $0x1;
	_ =	sdelay $0x4  }
0x16a: {  	(v2sf) =	vpush @!p0 v1, $0x0;
	_ =	sdelay $0xd  }
0x16b: {  	p2 =	sne.s32 s2, $0x1  }
.Ltmp27:
0x16c: {  	s0 =	spop @!p0 (v2sf);
	(pc) =	sbr.rel @!p2 .LBB2_34-.Ltmp27, $4  }
0x16d: {  	p1 =	seq.s32 @!p0 s4, s0  }
0x16e: {  	s6 =	simm.s32 $0x0;
	p1 =	por !p1, p0  }
0x16f: {  	s0 =	simm.s32 $0xFFFFFFFF;
	s6 =	simm.s32 @p1 $0xFFFFFFFF  }
0x170: {  	s7 =	simm.s32 $0x1;
	s6 =	smov.u32 @p0 s0  }
.LBB2_33:
0x171: {  	s0 =	smov.u32 s6;
	p0 =	sne.s32 s6, $0xFFFFFFFF  }
0x172: {  	s5 =	sadd.s32 $0x1, s5;
	s6 =	smov.u32 s7;
	s7 =	sadd.s32 $0x1, s7  }
0x173: {  	p1 =	sne.s32 s2, s7;
	v1 =	vld.msk @!p0 [tilespmem:s5+$0x0], $0x1;
	_ =	sdelay $0x4  }
0x174: {  	(v2sf) =	vpush @!p0 v1, $0x0;
	_ =	sdelay $0xe  }
.Ltmp28:
0x175: {  	s8 =	spop @!p0 (v2sf);
	(pc) =	sbr.rel @p1 .LBB2_33-.Ltmp28, $4  }
0x176: {  	p2 =	seq.s32 @!p0 s4, s8  }
0x177: {  	p2 =	por !p2, p0  }
0x178: {  	s6 =	simm.s32 @p2 $0xFFFFFFFF  }
0x179: {  	s6 =	smov.u32 @p0 s0  }
.LBB2_34:
0x17a: {  	p0 =	seq.s32 s6, $0xFFFFFFFF  }
.Ltmp29:
0x17b: {  	_ = 	snop;
	(pc) =	sbr.rel @p0 .LBB2_36-.Ltmp29, $1  }
0x17c: {  	_ =	sdelay $0x3  }
0x17d: {  	s0 =	sshll.u32 s3, $0x6  }
0x17e: {  	s0 =	sand.u32 $0x3FFFFFC0, s0  }
0x17f: {  	v0 =	vld [tilespmem:s0+$0xA138];
	_ =	sdelay $0x2  }
0x180: {  	s4 =	sshll.u32 s6, $0x8  }
0x181: {  	s4 =	sshra.s32 s4, $0x2  }
0x182: {  	[tilespmem:s4+$0xA138] =	vst.add.f32.msk $0xffff, v0  }
0x183: {  	v0 =	vld [tilespmem:s0+$0xA148];
	_ =	sdelay $0x4  }
0x184: {  	[tilespmem:s4+$0xA148] =	vst.add.f32.msk $0xffff, v0  }
0x185: {  	v0 =	vld [tilespmem:s0+$0xA158];
	_ =	sdelay $0x4  }
0x186: {  	[tilespmem:s4+$0xA158] =	vst.add.f32.msk $0xffff, v0  }
0x187: {  	v0 =	vld [tilespmem:s0+$0xA168]  }
.Ltmp30:
0x188: {  	_ = 	snop;
	(pc) =	sbr.rel .LBB2_37-.Ltmp30, $2  }
0x189: {  	_ =	sdelay $0x2  }
0x18a: {  	[tilespmem:s4+$0xA168] =	vst.add.f32.msk $0xffff, v0  }
.LBB2_38:
0x18b: {  	p0 =	slt.s32 s2, $0x1  }
.Ltmp31:
0x18c: {  	_ = 	snop;
	(pc) =	sbr.rel @p0 .LBB2_42-.Ltmp31, $3  }
0x18d: {  	_ =	sdelay $0x1  }
0x18e: {  	s0 =	simm.s32 $0x6  }
0x18f: {  	s3 =	simm.s32 $0x0;
	[sflag:s0] =	ssyncpa.u1 $0x1  }
0x190: {  	s0 =	simm.s32 $0xA118  }
0x191: {  	v0 =	vld.msk [tilespmem:s0+$0x0], $0x1;
	_ =	sdelay $0x4  }
0x192: {  	(v2sf) =	vpush v0, $0x0;
	_ =	sdelay $0xe  }
0x193: {  	s2 =	sadd.s32 $0xFFFFFFFF, s2;
	s0 =	spop (v2sf)  }
0x194: {  	p1 =	sne.s32 s2, $0x0;
	p0 =	sgt.u32 s0, $0xFF8  }
.Ltmp32:
0x195: {  	s5 =	sand.u32 @!p0 $0xFF8, s0;
	(pc) =	sbr.rel @!p1 .LBB2_41-.Ltmp32, $4  }
0x196: {  	s4 =	simm.s32 $0xA138;
	s0 =	sand.u32 @!p0 $0x7, s0;
	s5 =	sadd.s32 @!p0 s1, s5  }
0x197: {  	[hbm4b:s5+s0] =	stream.linear.scatter @!p0 [tilespmem:s4], [sflag:$0x5], $0x40, $0x38;
	[tilespmem:$0x1EF78] =	vst v63  }
0x198: {  	s0 =	simm.s32 $0x0  }
0x199: {  	s5 =	simm.s32 $0xA119;
	s0 =	simm.s32 @!p0 $0x100  }
.LBB2_40:
0x19a: {  	v0 =	vld.msk [tilespmem:s5+$0x0], $0x1;
	s2 =	sadd.s32 $0xFFFFFFFF, s2;
	s3 =	sadd.s32 s3, s0  }
0x19b: {  	p0 =	sne.s32 s2, $0x0;
	_ =	sdelay $0x3  }
0x19c: {  	(v2sf) =	vpush v0, $0x0;
	_ =	sdelay $0xe  }
.Ltmp33:
0x19d: {  	s6 =	spop (v2sf);
	(pc) =	sbr.rel @p0 .LBB2_40-.Ltmp33, $4  }
0x19e: {  	s0 =	simm.s32 $0x0;
	p1 =	sgt.u32 s6, $0xFF8  }
0x19f: {  	s4 =	sadd.s32 $0x40, s4;
	s0 =	simm.s32 @!p1 $0x100;
	s7 =	sand.u32 @!p1 $0xFF8, s6  }
0x1a0: {  	s5 =	sadd.s32 $0x1, s5;
	s6 =	sand.u32 @!p1 $0x7, s6;
	s7 =	sadd.s32 @!p1 s1, s7  }
0x1a1: {  	[hbm4b:s7+s6] =	stream.linear.scatter @!p1 [tilespmem:s4], [sflag:$0x5], $0x40, $0x38;
	[tilespmem:$0x1EF78] =	vst v63  }
.LBB2_41:
0x1a2: {  	s0 =	sadd.s32 s3, s0  }
0x1a3: {  	s3 =	sshrl.u32 s0, $0x2  }
.LBB2_42:
0x1a4: {  	s0 =	simm.s32 $0x5  }
0x1a5: {  	_ =	swait.ge [sflag:s0], s3  }
0x1a6: {  	s1 =	ssub.s32 $0x0, s3;
	[sflag:s0] =	ssyncset.done $0x0  }
0x1a7: {  	[sflag:s0] =	ssyncadd.s32 s1  }
0x1a8: {  	[sflag:s0] =	ssyncpa.u1 $0x1  }
0x1a9: {  	s30 =	simm.s32 $0x1;
	_ =	sfence  }
0x1aa: {  	[sflag:s30] =	ssyncpa.u1 $0x1  }
0x1ab: {  	_ =	strace $0x9000005F  }
0x1ac: {  	[bflag:$0x2] =	sbarrier.arrive $0xFFFF  }
0x1ad: {  	s31 =	rddreg [dreg:$0x1]  }
0x1ae: {  	s0 =	sadd.s32 $0x100000, s31  }
0x1af: {  	[sflag:s0] =	ssyncadd.tile.s32 $0x1;
	_ =	shalt  }
.Lfunc_end2:
_tile_overlayer_lowered:
.L_overlay_start_2:
0x1b0: {  	(tag) =	ssettag $0x2  }
0x1b1: {  	s0 =	rddreg [dreg:$0x0];
	s2 =	stileid.u32  }
0x1b2: {  	s1 =	rddreg [dreg:$0x1];
	p0 =	sne.s32 s2, $0x0  }
0x1b3: {  	s3 =	rddreg [dreg:$0x2];
	[bflag:$0x3] =	sbarrier.arrive $0xFFFF;
	s2 =	simm.s32 @!p0 $0x1C01  }
0x1b4: {  	[timem:s3], [sflag:s2] =	dma.local @!p0 [hbm:s0], s1  }
0x1b5: {  	s0 =	simm.s32 @!p0 $0x1  }
0x1b6: {  	_ =	swait.ge @!p0 [sflag:s0], s1  }
0x1b7: {  	s1 =	ssub.s32 @!p0 $0x0, s1;
	[sflag:s0] =	ssyncset.done @!p0 $0x0  }
0x1b8: {  	[sflag:s0] =	ssyncadd.s32 @!p0 s1  }
0x1b9: {  	[bflag:$0x3] =	sbarrier.arrive $0xFFFF  }
0x1ba: {  	_ =	shalt  }

// kernel: sparse-core-data-format-call.1.cloned.1.call-start
scs
called_computation.2_lowered:
.L_overlay_start_0:
0x0: {  	s1 =	sld [smem:$0x3FD9]  }
0x1: {  	s2 =	sld [smem:$0x3FFE];
	_ =	sdelay $0x1  }
0x2: {  	s3 =	srdreg.scid  }
0x3: {  	s0 =	sand.u32 $0x1, s3  }
0x4: {  	s17 =	sshll.u32 s0, $0xA;
	s1 =	sadd.s32 s2, s1  }
0x5: {  	s1 =	sadd.s32 s1, s17  }
0x6: {  	[smem:$0x3F9E] =	sst s1  }
0x7: {  	_ = 	snop  }
0x8: {  	(tm) =	ssettm $0x1  }
0x9: {  	s18 =	sld [smem:$0x3FFB];
	_ =	sdelay $0x3  }
0xa: {  	_ =	strace s18  }
0xb: {  	s1 =	sld [smem:$0x3FFC];
	_ =	sdelay $0x3  }
0xc: {  	_ =	strace s1  }
0xd: {  	s1 =	sld [smem:$0x3FFD];
	_ =	sdelay $0x3  }
0xe: {  	_ =	strace s1  }
0xf: {  	_ =	strace $0x8FFFFFFF  }
0x10: {  	s19 =	sld [smem:$0x3FDB];
	_ =	sdelay $0x1  }
0x11: {  	s20 =	simm.s32 $_scs_section_size  }
0x12: {  	s4 =	simm.s32 $_size__tile_overlayer_lowered;
	s5 =	simm.s32 $_tile_overlayer_lowered  }
0x13: {  	s23 =	simm.s32 $0x1BFF;
	s22 =	sshll.u32 s5, $0x1;
	s1 =	sadd.s32 s20, s19  }
0x14: {  	s6 =	simm.s32 $0x0;
	s21 =	sshll.u32 s4, $0x1;
	s4 =	sadd.s32 s22, s1  }
0x15: {  	[timem:s6], [sflag:s23] =	dma.local [hbm:s4], s21  }
0x16: {  	_ =	swait.ge [sflag:s23], s21  }
0x17: {  	s2 =	ssub.s32 $0x0, s21;
	[sflag:s23] =	ssyncset.done $0x0  }
0x18: {  	[sflag:s23] =	ssyncadd.s32 s2;
	_ =	sdelay $0x1  }
0x19: {  	s24 =	simm.s32 $0x1B8B  }
0x1a: {  	_ =	swait.ge [sflag:s24], $0x1  }
0x1b: {  	[sflag:s24] =	ssyncset.done $0x0  }
0x1c: {  	s26 =	simm.s32 $0x1B8E;
	s25 =	sld [smem:$0x3FFE];
	[sflag:s24] =	ssyncadd.s32 $0xFFFFFFFF  }
0x1d: {  	s27 =	simm.s32 $execute0_lowered;
	[smem:$0x3FD2] =	sst s26  }
0x1e: {  	s4 =	sshll.u32 s27, $0x1;
	_ =	strace $0x80000055;
	[dreg:$0x1] =	wrdreg $0xFFFFFFFF  }
0x1f: {  	s28 =	simm.s32 $_size_execute0_lowered;
	s1 =	sadd.s32 s1, s4;
	[dreg:$0x0] =	wrdreg $0x0  }
0x20: {  	s4 =	sshll.u32 s28, $0x1;
	[dreg:$0x2] =	wrdreg s1  }
0x21: {  	[dreg:$0x3] =	wrdreg s4  }
0x22: {  	[dreg:$0x4] =	wrdreg $0xC0  }
0x23: {  	_ =	task [dreg:s6], $0x5FFFF  }
0x24: {  	[dreg:$0x1] =	wrdreg $0xFFFFFFFF  }
0x25: {  	[dreg:$0x0] =	wrdreg $0x60  }
0x26: {  	[dreg:$0x2] =	wrdreg s25  }
0x27: {  	[dreg:$0x3] =	wrdreg $0xA  }
0x28: {  	_ =	task.clear_ibuf [dreg:s6], $0x4FFFF;
	_ =	strace $0x90000055  }
0x29: {  	s29 =	simm.s32 $0xA;
	_ =	strace $0x80000057  }
0x2a: {  	_ =	swait.ge [sflag:s29], $0x1  }
0x2b: {  	[sflag:s29] =	ssyncadd.s32 $0xFFFFFFFF  }
0x2c: {  	_ =	strace $0x90000057  }
0x2d: {  	_ =	sfence  }
0x2e: {  	s30 =	sld [smem:$0x0];
	_ =	sdelay $0x2  }
0x2f: {  	s31 =	sshll.u32 s3, $0xD;
	s3 =	sshrl.u32 s3, $0x2  }
0x30: {  	s2 =	sand.u32 $0x4000, s31;
	s1 =	sadd.s32 s3, s30  }
0x31: {  	s0 =	sor.u32 s2, s0;
	s1 =	sshll.u32 s1, $0x11  }
0x32: {  	s0 =	sor.u32 s1, s0  }
0x33: {  	s0 =	sadd.s32 $0x8F2B, s0  }
0x34: {  	[sflag:s0] =	ssyncadd.remote.s32 $0x1  }
0x35: {  	_ =	sfence.sel $0xFFFF  }
0x36: {  	[dreg:$0x0] =	wrdreg $0xFFFFFFFF;
	(pc) =	sbr.abs _section_cstart, $3  }
0x37: {  	[dreg:$0x1] =	wrdreg $0xFFFFFFFF  }
0x38: {  	_ =	task.clear_ibuf [dreg:s6], $0x2FFFF;
	_ =	strace $0x9FFFFFFF  }
0x39: {  	(tm) =	ssettm $0x7FFFFFFF  }
tec
execute0_lowered:
.L_overlay_start_1:
0x0: {  	(tag) =	ssettag $0x1  }
0x1: {  	s0 =	srdreg.scid  }
0x2: {  	s1 =	sshll.u32 s0, $0x4  }
0x3: {  	s4 =	rddreg [dreg:$0x0];
	s0 =	stileid.u32;
	s1 =	sand.u32 $0x10, s1  }
0x4: {  	s7 =	simm.s32 $0x1;
	s8 =	simm.s32 $0x2;
	s2 =	sor.u32 s0, s1  }
0x5: {  	s11 =	simm.s32 $0x0;
	s3 =	sadd.s32 $0x486400, s4;
	s2 =	sshll.u32 s2, $0x7  }
0x6: {  	s10 =	simm.s32 $0x0;
	s4 =	sadd.s32 $0xAA0C00, s4;
	s6 =	ssub.s32 $0xC3500, s2  }
.Ltmp0:
0x7: {  	s1 =	rddreg [dreg:$0x1];
	s5 =	sand.u32 $0xF80, s6;
	(pc) =	sbr.rel .LBB1_1-.Ltmp0, $4  }
0x8: {  	_ =	strace $0x80000056;
	s9 =	smov.u32 s2;
	p0 =	sne.s32 s5, $0x0  }
0x9: {  	s6 =	sshrl.u32 s6, $0xC;
	s5 =	simm.s32 $0x1;
	s7 =	simm.s32 @!p0 $0x0  }
0xa: {  	[sflag:s5] =	ssyncpa.u1 $0x0;
	p0 =	por $0x0, $0x0;
	s6 =	sadd.s32 s7, s6  }
0xb: {  	[sflag:s8] =	ssyncpa.u1 $0x0;
	s8 =	simm.s32 $0x61A800;
	s7 =	sadd.s32 $0x1, s6  }
.LBB1_4:
0xc: {  	s14 =	sshll.u32 s11, $0x4  }
0xd: {  	s14 =	sand.u32 $0xFFFFF800, s14  }
0xe: {  	s16 =	sshrl.u32 s14, $0x8  }
0xf: {  	s16 =	smulhi.u32 $0x14F8B59, s16  }
0x10: {  	s17 =	sand.u32 $0x7C, s15;
	v2 =	vcombine.high v4, v2;
	[tilespmem:s13+$0x810 ss:$0x81] =	vst.msk $0xffff, v8;
	v3 =	vperm.xlane.i2c.b16 v3;
	s26 =	sand.u32 $0x80, s15;
	s27 =	sshll.u32 s11, $0x1  }
0x11: {  	v1 =	vperm.xlane.i2c.b16 v1;
	[tilespmem:s13+$0x0 ss:$0x81] =	vst.msk $0xffff, v7;
	v60 =	vperm.xlane.i2c.b16 v6;
	s17 =	sshrl.u32 s17, $0x1;
	s15 =	sshrl.u32 s26, $0x1;
	s16 =	sshrl.u32 s16, $0x4  }
0x12: {  	s11 =	sand.u32 $0xFE, s27;
	[tilespmem:s13+$0x811 ss:$0x81] =	vst.msk $0xffff, v5;
	s17 =	sadd.s32 s17, s12;
	v61 =	vcombine.low v3, v0;
	s18 =	smul.u32 $0xC3500, s16  }
0x13: {  	[tilespmem:s13+$0x1 ss:$0x81] =	vst.msk $0xffff, v2;
	s11 =	sor.u32 s11, s14;
	v62 =	vcombine.low v60, v1;
	s28 =	sadd.s32 s15, s17  }
0x14: {  	v1 =	vcombine.high v60, v1;
	[tilespmem:s28+$0x810 ss:$0x81] =	vst.msk $0xffff, v61;
	s29 =	sand.u32 $0x3F, s16;
	s11 =	ssub.s32 s11, s18  }
0x15: {  	v63 =	vcombine.high v3, v0;
	[tilespmem:s28+$0x0 ss:$0x81] =	vst.msk $0xffff, v62;
	s14 =	smul.u32 $0xC350, s29;
	s30 =	sshrl.u32 s11, $0x4;
	s11 =	sshll.u32 s11, $0x11  }
0x16: {  	[tilespmem:s28+$0x1 ss:$0x81] =	vst.msk $0xffff, v1;
	s15 =	sadd.s32 s4, s30;
	s11 =	sand.u32 $0x1C0000, s11  }
0x17: {  	[tilespmem:s28+$0x811 ss:$0x81] =	vst.msk $0xffff, v63;
	s31 =	sadd.s32 s14, s15;
	s11 =	sor.u32 $0x400, s11  }
0x18: {  	[hbm4b:s31+s11] =	stream.strided.scatter [tilespmem:s12], [sflag:$0x2], $0x1000, s8, s11, $0x20;
	[tilespmem:$0x4040] =	vst v63  }
.LBB1_5:
0x19: {  	s13 =	sadd.s32 $0x1000, s9  }
0x1a: {  	p2 =	sgt.s32 s13, $0xC34FF  }
0x1b: {  	s13 =	smov.u32 @p2 s2;
	p2 =	sne.s32 s10, s7  }
.Ltmp1:
0x1c: {  	p1 =	slt.u32 s10, $0x2;
	(pc) =	sbr.rel @!p2 .LBB1_6-.Ltmp1, $4  }
0x1d: {  	s12 =	simm.s32 @!p1 $0x2  }
0x1e: {  	s14 =	sadd.s32 $0x1, s10;
	_ =	swait.ge @!p1 [sflag:s12], $0x1000  }
0x1f: {  	s11 =	smov.u32 s9;
	p0 =	por !p0, !p0;
	[sflag:s12] =	ssyncset.done @!p1 $0x0  }
0x20: {  	s10 =	smov.u32 s14;
	s9 =	smov.u32 s13;
	[sflag:s12] =	ssyncadd.s32 @!p1 $0xFFFFF000  }
.LBB1_1:
0x21: {  	p1 =	sge.u32 s10, s6  }
0x22: {  	s12 =	sand.u32 @!p1 $0x1FFFFFE, s9  }
0x23: {  	s13 =	smulhi.u32 @!p1 $0x14F8B59, s12;
	_ =	sdelay $0x1  }
0x24: {  	s13 =	sshrl.u32 @!p1 s13, $0xC  }
0x25: {  	s13 =	smul.u32 @!p1 $0xC3500, s13;
	_ =	sdelay $0x1  }
0x26: {  	s31 =	sadd.s32 $0xFFFFFFFF, s10;
	s12 =	ssub.s32 @!p1 s12, s13;
	s13 =	sxor.u32 @!p1 $0xFFFFFFFF, s10  }
0x27: {  	s14 =	simm.s32 @!p1 $0x40;
	s12 =	sshll.u32 @!p1 s12, $0x3;
	s13 =	sshll.u32 @!p1 s13, $0xC  }
0x28: {  	s15 =	simm.s32 @!p1 $0x80;
	s12 =	sadd.s32 @!p1 s3, s12;
	s13 =	sand.u32 @!p1 $0x1000, s13  }
0x29: {  	[tilespmem:s13], [sflag:$0x1] =	stream.strided.gather @!p1 [hbm4b:s12+s14], $0x1000, s15, s14, $0x38;
	[tilespmem:$0x4040] =	vst v63  }
0x2a: {  	p1 =	sge.u32 s31, s6  }
.Ltmp2:
0x2b: {  	_ = 	snop;
	(pc) =	sbr.rel @p1 .LBB1_5-.Ltmp2, $1  }
0x2c: {  	_ =	sdelay $0x3  }
0x2d: {  	s12 =	simm.s32 $0x1  }
0x2e: {  	_ =	swait.ge [sflag:s5], $0x1000;
	s12 =	simm.s32 @!p0 $0x0  }
0x2f: {  	[sflag:s5] =	ssyncset.done $0x0;
	s12 =	sshll.u32 s12, $0xC  }
0x30: {  	[sflag:s5] =	ssyncadd.s32 $0xFFFFF000;
	s12 =	sor.u32 $0x20, s12  }
0x31: {  	v0 =	vld [tilespmem:s12+$0x10]  }
0x32: {  	v1 =	vld [tilespmem:s12+$0xFFFFFFF0]  }
0x33: {  	v4 =	vld [tilespmem:s12+$0xFFFFFFE0]  }
0x34: {  	v3 =	vld [tilespmem:s12+$0x0];
	s15 =	sadd.s32 $0x40, s12  }
0x35: {  	s13 =	sand.u32 $0x1, s10;
	v5 =	vld [tilespmem:s15+$0x10]  }
0x36: {  	s30 =	smul.u32 $0x4080, s13  }
0x37: {  	s31 =	simm.s32 $0x0  }
0x38: {  	s14 =	sand.u32 $0x7C, s31;
	s12 =	sshrl.u32 s30, $0x2;
	v6 =	vld [tilespmem:s15+$0xFFFFFFE0];
	v2 =	vperm.xlane.i2c.b16 v1;
	v4 =	vperm.xlane.i2c.b16 v4  }
0x39: {  	s13 =	sand.u32 $0x80, s31;
	s16 =	sshrl.u32 s14, $0x1;
	s12 =	sor.u32 $0x2000, s12;
	v9 =	vperm.xlane.i2c.b16 v0;
	v10 =	vperm.xlane.i2c.b16 v3;
	v1 =	vld [tilespmem:s15+$0xFFFFFFF0]  }
0x3a: {  	s14 =	simm.s32 $0x2;
	s13 =	sshrl.u32 s13, $0x1;
	s17 =	sadd.s32 s16, s12;
	v3 =	vld [tilespmem:s15+$0x0];
	v0 =	vperm.xlane.i2c.b16 v5;
	v7 =	vcombine.low v4, v2  }
0x3b: {  	s16 =	sadd.s32 $0x40, s15;
	s13 =	sadd.s32 s13, s17;
	s15 =	simm.s32 $0x4;
	v8 =	vcombine.low v10, v9;
	v5 =	vcombine.high v10, v9  }
.LBB1_3:
0x3c: {  	s14 =	sadd.s32 $0x2, s14  }
0x3d: {  	v9 =	vld [tilespmem:s16+$0x10];
	v10 =	vcombine.high v4, v2;
	[tilespmem:s13+$0x810 ss:$0x81] =	vst.msk $0xffff, v8;
	p1 =	slt.u32 s14, $0x7E  }
.Ltmp3:
0x3e: {  	v2 =	vperm.xlane.i2c.b16 v1;
	v1 =	vld [tilespmem:s16+$0xFFFFFFF0];
	[tilespmem:s13+$0x0 ss:$0x81] =	vst.msk $0xffff, v7;
	(pc) =	sbr.rel @p1 .LBB1_3-.Ltmp3, $4  }
0x3f: {  	s17 =	sand.u32 $0x7C, s15;
	v4 =	vperm.xlane.i2c.b16 v6;
	v11 =	vperm.xlane.i2c.b16 v3;
	v3 =	vld [tilespmem:s16+$0x0];
	[tilespmem:s13+$0x1 ss:$0x81] =	vst.msk $0xffff, v10  }
0x40: {  	s18 =	sand.u32 $0x80, s15;
	s17 =	sshrl.u32 s17, $0x1;
	v6 =	vld [tilespmem:s16+$0xFFFFFFE0];
	[tilespmem:s13+$0x811 ss:$0x81] =	vst.msk $0xffff, v5  }
0x41: {  	v7 =	vcombine.low v4, v2;
	v8 =	vcombine.low v11, v0;
	s13 =	sadd.s32 s17, s12;
	s17 =	sshrl.u32 s18, $0x1  }
0x42: {  	s15 =	sadd.s32 $0x4, s15;
	s16 =	sadd.s32 $0x40, s16;
	v5 =	vcombine.high v11, v0;
	s13 =	sadd.s32 s17, s13;
	v0 =	vperm.xlane.i2c.b16 v9  }
.Ltmp4:
0x43: {  	_ = 	snop;
	(pc) =	sbr.rel .LBB1_4-.Ltmp4, $1  }
0x44: {  	_ =	sdelay $0x3  }
.LBB1_6:
0x45: {  	_ =	sfence.sel $0x180000  }
0x46: {  	s2 =	simm.s32 $0x1;
	[bflag:$0x0] =	sbarrier.arrive $0xFFFF  }
0x47: {  	s31 =	simm.s32 $0x2;
	[sflag:s2] =	ssyncpa.u1 $0x1  }
0x48: {  	[sflag:s31] =	ssyncpa.u1 $0x1  }
0x49: {  	p0 =	sne.s32 s0, $0x0;
	_ =	strace $0x90000056  }
0x4a: {  	s0 =	sadd.s32 @!p0 $0x100000, s1;
	[bflag:$0x2] =	sbarrier.arrive $0xFFFF  }
0x4b: {  	[sflag:s0] =	ssyncadd.tile.s32 @!p0 $0x1;
	_ =	shalt  }
.Lfunc_end1:
_tile_overlayer_lowered:
.L_overlay_start_2:
0x4c: {  	(tag) =	ssettag $0x2  }
0x4d: {  	s0 =	rddreg [dreg:$0x0];
	s2 =	stileid.u32  }
0x4e: {  	s1 =	rddreg [dreg:$0x1];
	p0 =	sne.s32 s2, $0x0  }
0x4f: {  	s3 =	rddreg [dreg:$0x2];
	[bflag:$0x3] =	sbarrier.arrive $0xFFFF;
	s2 =	simm.s32 @!p0 $0x1C01  }
0x50: {  	[timem:s3], [sflag:s2] =	dma.local @!p0 [hbm:s0], s1  }
0x51: {  	s0 =	simm.s32 @!p0 $0x1  }
0x52: {  	_ =	swait.ge @!p0 [sflag:s0], s1  }
0x53: {  	s1 =	ssub.s32 @!p0 $0x0, s1;
	[sflag:s0] =	ssyncset.done @!p0 $0x0  }
0x54: {  	[sflag:s0] =	ssyncadd.s32 @!p0 s1  }
0x55: {  	[bflag:$0x3] =	sbarrier.arrive $0xFFFF  }
0x56: {  	_ =	shalt  }

// kernel: sparse-core-data-format-call.2.cloned.1.call-start
scs
called_computation.3_lowered:
.L_overlay_start_0:
0x0: {  	s2 =	sld [smem:$0x3FD9]  }
0x1: {  	s3 =	sld [smem:$0x3FFE];
	_ =	sdelay $0x1  }
0x2: {  	s1 =	srdreg.scid  }
0x3: {  	s0 =	sand.u32 $0x1, s1  }
0x4: {  	s18 =	sshll.u32 s0, $0xA;
	s2 =	sadd.s32 s3, s2  }
0x5: {  	s2 =	sadd.s32 s2, s18  }
0x6: {  	[smem:$0x3F9E] =	sst s2  }
0x7: {  	_ = 	snop  }
0x8: {  	(tm) =	ssettm $0x1  }
0x9: {  	s19 =	sld [smem:$0x3FFB];
	_ =	sdelay $0x3  }
0xa: {  	_ =	strace s19  }
0xb: {  	s2 =	sld [smem:$0x3FFC];
	_ =	sdelay $0x3  }
0xc: {  	_ =	strace s2  }
0xd: {  	s2 =	sld [smem:$0x3FFD];
	_ =	sdelay $0x3  }
0xe: {  	_ =	strace s2  }
0xf: {  	_ =	strace $0x8FFFFFFF  }
0x10: {  	s20 =	sld [smem:$0x3FDB];
	_ =	sdelay $0x1  }
0x11: {  	s21 =	simm.s32 $_scs_section_size  }
0x12: {  	s4 =	simm.s32 $_size__tile_overlayer_lowered;
	s5 =	simm.s32 $_tile_overlayer_lowered  }
0x13: {  	s6 =	simm.s32 $0x1BFF;
	s22 =	sshll.u32 s5, $0x1;
	s3 =	sadd.s32 s21, s20  }
0x14: {  	s23 =	simm.s32 $0x0;
	s4 =	sshll.u32 s4, $0x1;
	s5 =	sadd.s32 s22, s3  }
0x15: {  	[timem:s23], [sflag:s6] =	dma.local [hbm:s5], s4  }
0x16: {  	_ =	swait.ge [sflag:s6], s4  }
0x17: {  	s4 =	ssub.s32 $0x0, s4;
	[sflag:s6] =	ssyncset.done $0x0  }
0x18: {  	[sflag:s6] =	ssyncadd.s32 s4;
	_ =	sdelay $0x1  }
0x19: {  	s24 =	simm.s32 $0x1B8B  }
0x1a: {  	_ =	swait.ge [sflag:s24], $0x1  }
0x1b: {  	[sflag:s24] =	ssyncset.done $0x0  }
0x1c: {  	[sflag:s24] =	ssyncadd.s32 $0xFFFFFFFF  }
0x1d: {  	s4 =	sld [smem:$0x0]  }
0x1e: {  	s5 =	sand.u32 $0xFFFFFFFE, s1  }
0x1f: {  	p0 =	sne.s32 s1, s5  }
0x20: {  	s5 =	sshll.u32 @p0 s5, $0xE  }
0x21: {  	s5 =	sadd.s32 @p0 $0x11B8D, s5;
	s6 =	sshll.u32 @p0 s4, $0x11  }
0x22: {  	s5 =	sor.u32 @p0 s6, s5  }
0x23: {  	[sflag:s5] =	ssyncadd.remote.s32 @p0 $0x1;
	_ =	sdelay $0x1  }
0x24: {  	s5 =	simm.s32 @p0 $0x1B8D  }
0x25: {  	_ =	swait.eq @p0 [sflag:s5], $0x1  }
0x26: {  	[sflag:s5] =	ssyncadd.s32 @p0 $0xFFFFFFFF  }
0x27: {  	s6 =	sshll.u32 @!p0 s1, $0xE  }
0x28: {  	s6 =	sor.u32 @!p0 $0x4000, s6;
	s5 =	simm.s32 @!p0 $0x1B8D  }
0x29: {  	s4 =	sshll.u32 @!p0 s4, $0x11;
	s6 =	sadd.s32 @!p0 $0x11B8D, s6;
	_ =	swait.eq @!p0 [sflag:s5], $0x1  }
0x2a: {  	s4 =	sor.u32 @!p0 s4, s6;
	[sflag:s5] =	ssyncadd.s32 @!p0 $0xFFFFFFFF  }
0x2b: {  	s26 =	simm.s32 $0x1B8E;
	s25 =	sld [smem:$0x3FFE];
	[sflag:s4] =	ssyncadd.remote.s32 @!p0 $0x1  }
0x2c: {  	s27 =	simm.s32 $execute0_lowered;
	[smem:$0x3FD2] =	sst s26  }
0x2d: {  	s5 =	sshll.u32 s27, $0x1;
	_ =	strace $0x8000004F;
	[dreg:$0x1] =	wrdreg $0xFFFFFFFF  }
0x2e: {  	s28 =	simm.s32 $_size_execute0_lowered;
	s3 =	sadd.s32 s3, s5;
	[dreg:$0x0] =	wrdreg $0x0  }
0x2f: {  	s5 =	sshll.u32 s28, $0x1;
	[dreg:$0x2] =	wrdreg s3  }
0x30: {  	[dreg:$0x3] =	wrdreg s5  }
0x31: {  	[dreg:$0x4] =	wrdreg $0xC0  }
0x32: {  	_ =	task [dreg:s23], $0x5FFFF  }
0x33: {  	[dreg:$0x1] =	wrdreg $0xFFFFFFFF  }
0x34: {  	[dreg:$0x0] =	wrdreg $0x60  }
0x35: {  	[dreg:$0x2] =	wrdreg s25  }
0x36: {  	[dreg:$0x3] =	wrdreg $0xA  }
0x37: {  	_ =	task.clear_ibuf [dreg:s23], $0x4FFFF;
	_ =	strace $0x9000004F  }
0x38: {  	s29 =	simm.s32 $0xA;
	_ =	strace $0x80000051  }
0x39: {  	_ =	swait.ge [sflag:s29], $0x1  }
0x3a: {  	[sflag:s29] =	ssyncadd.s32 $0xFFFFFFFF  }
0x3b: {  	_ =	strace $0x90000051  }
0x3c: {  	_ =	sfence  }
0x3d: {  	s30 =	sld [smem:$0x0];
	_ =	sdelay $0x2  }
0x3e: {  	s31 =	sshll.u32 s1, $0xD;
	s1 =	sshrl.u32 s1, $0x2  }
0x3f: {  	s4 =	sand.u32 $0x4000, s31;
	s1 =	sadd.s32 s1, s30  }
0x40: {  	s0 =	sor.u32 s4, s0;
	s1 =	sshll.u32 s1, $0x11  }
0x41: {  	s0 =	sor.u32 s1, s0  }
0x42: {  	s0 =	sadd.s32 $0x8F2B, s0  }
0x43: {  	[sflag:s0] =	ssyncadd.remote.s32 $0x1  }
0x44: {  	_ =	sfence.sel $0xFFFF  }
0x45: {  	[dreg:$0x0] =	wrdreg $0xFFFFFFFF;
	(pc) =	sbr.abs _section_cstart, $3  }
0x46: {  	[dreg:$0x1] =	wrdreg $0xFFFFFFFF  }
0x47: {  	_ =	task.clear_ibuf [dreg:s23], $0x2FFFF;
	_ =	strace $0x9FFFFFFF  }
0x48: {  	(tm) =	ssettm $0x7FFFFFFF  }
0x49: {  	_ =	shalt  }
tec
execute0_lowered:
.L_overlay_start_1:
0x0: {  	(tag) =	ssettag $0x1  }
0x1: {  	s0 =	srdreg.scid  }
0x2: {  	s1 =	sshll.u32 s0, $0x4  }
0x3: {  	s4 =	rddreg [dreg:$0x0];
	s0 =	stileid.u32;
	s1 =	sand.u32 $0x10, s1  }
0x4: {  	s7 =	simm.s32 $0x1;
	s8 =	simm.s32 $0x2;
	s2 =	sor.u32 s0, s1  }
0x5: {  	s11 =	simm.s32 $0x0;
	s3 =	sadd.s32 $0x10BB400, s4;
	s2 =	sshll.u32 s2, $0x7  }
0x6: {  	s10 =	simm.s32 $0x0;
	s4 =	sadd.s32 $0x16D5C00, s4;
	s6 =	ssub.s32 $0xC3500, s2  }
.Ltmp0:
0x7: {  	s1 =	rddreg [dreg:$0x1];
	s5 =	sand.u32 $0xF80, s6;
	(pc) =	sbr.rel .LBB1_1-.Ltmp0, $4  }
0x8: {  	_ =	strace $0x80000050;
	s9 =	smov.u32 s2;
	p0 =	sne.s32 s5, $0x0  }
0x9: {  	s6 =	sshrl.u32 s6, $0xC;
	s5 =	simm.s32 $0x1;
	s7 =	simm.s32 @!p0 $0x0  }
0xa: {  	[sflag:s5] =	ssyncpa.u1 $0x0;
	p0 =	por $0x0, $0x0;
	s6 =	sadd.s32 s7, s6  }
0xb: {  	[sflag:s8] =	ssyncpa.u1 $0x0;
	s8 =	simm.s32 $0x61A800;
	s7 =	sadd.s32 $0x1, s6  }
.LBB1_4:
0xc: {  	s14 =	sshll.u32 s11, $0x4  }
0xd: {  	s14 =	sand.u32 $0xFFFFF800, s14  }
0xe: {  	s16 =	sshrl.u32 s14, $0x8  }
0xf: {  	s16 =	smulhi.u32 $0x14F8B59, s16  }
0x10: {  	s17 =	sand.u32 $0x7C, s15;
	v2 =	vcombine.high v4, v2;
	[tilespmem:s13+$0x810 ss:$0x81] =	vst.msk $0xffff, v8;
	v3 =	vperm.xlane.i2c.b16 v3;
	s26 =	sand.u32 $0x80, s15;
	s27 =	sshll.u32 s11, $0x1  }
0x11: {  	v1 =	vperm.xlane.i2c.b16 v1;
	[tilespmem:s13+$0x0 ss:$0x81] =	vst.msk $0xffff, v7;
	v60 =	vperm.xlane.i2c.b16 v6;
	s17 =	sshrl.u32 s17, $0x1;
	s15 =	sshrl.u32 s26, $0x1;
	s16 =	sshrl.u32 s16, $0x4  }
0x12: {  	s11 =	sand.u32 $0xFE, s27;
	[tilespmem:s13+$0x811 ss:$0x81] =	vst.msk $0xffff, v5;
	s17 =	sadd.s32 s17, s12;
	v61 =	vcombine.low v3, v0;
	s18 =	smul.u32 $0xC3500, s16  }
0x13: {  	[tilespmem:s13+$0x1 ss:$0x81] =	vst.msk $0xffff, v2;
	s11 =	sor.u32 s11, s14;
	v62 =	vcombine.low v60, v1;
	s28 =	sadd.s32 s15, s17  }
0x14: {  	v1 =	vcombine.high v60, v1;
	[tilespmem:s28+$0x810 ss:$0x81] =	vst.msk $0xffff, v61;
	s29 =	sand.u32 $0x3F, s16;
	s11 =	ssub.s32 s11, s18  }
0x15: {  	v63 =	vcombine.high v3, v0;
	[tilespmem:s28+$0x0 ss:$0x81] =	vst.msk $0xffff, v62;
	s14 =	smul.u32 $0xC350, s29;
	s30 =	sshrl.u32 s11, $0x4;
	s11 =	sshll.u32 s11, $0x11  }
0x16: {  	[tilespmem:s28+$0x1 ss:$0x81] =	vst.msk $0xffff, v1;
	s15 =	sadd.s32 s4, s30;
	s11 =	sand.u32 $0x1C0000, s11  }
0x17: {  	[tilespmem:s28+$0x811 ss:$0x81] =	vst.msk $0xffff, v63;
	s31 =	sadd.s32 s14, s15;
	s11 =	sor.u32 $0x400, s11  }
0x18: {  	[hbm4b:s31+s11] =	stream.strided.scatter [tilespmem:s12], [sflag:$0x2], $0x1000, s8, s11, $0x20;
	[tilespmem:$0x4040] =	vst v63  }
.LBB1_5:
0x19: {  	s13 =	sadd.s32 $0x1000, s9  }
0x1a: {  	p2 =	sgt.s32 s13, $0xC34FF  }
0x1b: {  	s13 =	smov.u32 @p2 s2;
	p2 =	sne.s32 s10, s7  }
.Ltmp1:
0x1c: {  	p1 =	slt.u32 s10, $0x2;
	(pc) =	sbr.rel @!p2 .LBB1_6-.Ltmp1, $4  }
0x1d: {  	s12 =	simm.s32 @!p1 $0x2  }
0x1e: {  	s14 =	sadd.s32 $0x1, s10;
	_ =	swait.ge @!p1 [sflag:s12], $0x1000  }
0x1f: {  	s11 =	smov.u32 s9;
	p0 =	por !p0, !p0;
	[sflag:s12] =	ssyncset.done @!p1 $0x0  }
0x20: {  	s10 =	smov.u32 s14;
	s9 =	smov.u32 s13;
	[sflag:s12] =	ssyncadd.s32 @!p1 $0xFFFFF000  }
.LBB1_1:
0x21: {  	p1 =	sge.u32 s10, s6  }
0x22: {  	s12 =	sand.u32 @!p1 $0x1FFFFFE, s9  }
0x23: {  	s13 =	smulhi.u32 @!p1 $0x14F8B59, s12;
	_ =	sdelay $0x1  }
0x24: {  	s13 =	sshrl.u32 @!p1 s13, $0xC  }
0x25: {  	s13 =	smul.u32 @!p1 $0xC3500, s13;
	_ =	sdelay $0x1  }
0x26: {  	s31 =	sadd.s32 $0xFFFFFFFF, s10;
	s12 =	ssub.s32 @!p1 s12, s13;
	s13 =	sxor.u32 @!p1 $0xFFFFFFFF, s10  }
0x27: {  	s14 =	simm.s32 @!p1 $0x40;
	s12 =	sshll.u32 @!p1 s12, $0x3;
	s13 =	sshll.u32 @!p1 s13, $0xC  }
0x28: {  	s15 =	simm.s32 @!p1 $0x80;
	s12 =	sadd.s32 @!p1 s3, s12;
	s13 =	sand.u32 @!p1 $0x1000, s13  }
0x29: {  	[tilespmem:s13], [sflag:$0x1] =	stream.strided.gather @!p1 [hbm4b:s12+s14], $0x1000, s15, s14, $0x38;
	[tilespmem:$0x4040] =	vst v63  }
0x2a: {  	p1 =	sge.u32 s31, s6  }
.Ltmp2:
0x2b: {  	_ = 	snop;
	(pc) =	sbr.rel @p1 .LBB1_5-.Ltmp2, $1  }
0x2c: {  	_ =	sdelay $0x3  }
0x2d: {  	s12 =	simm.s32 $0x1  }
0x2e: {  	_ =	swait.ge [sflag:s5], $0x1000;
	s12 =	simm.s32 @!p0 $0x0  }
0x2f: {  	[sflag:s5] =	ssyncset.done $0x0;
	s12 =	sshll.u32 s12, $0xC  }
0x30: {  	[sflag:s5] =	ssyncadd.s32 $0xFFFFF000;
	s12 =	sor.u32 $0x20, s12  }
0x31: {  	v0 =	vld [tilespmem:s12+$0x10]  }
0x32: {  	v1 =	vld [tilespmem:s12+$0xFFFFFFF0]  }
0x33: {  	v4 =	vld [tilespmem:s12+$0xFFFFFFE0]  }
0x34: {  	v3 =	vld [tilespmem:s12+$0x0];
	s15 =	sadd.s32 $0x40, s12  }
0x35: {  	s13 =	sand.u32 $0x1, s10;
	v5 =	vld [tilespmem:s15+$0x10]  }
0x36: {  	s30 =	smul.u32 $0x4080, s13  }
0x37: {  	s31 =	simm.s32 $0x0  }
0x38: {  	s14 =	sand.u32 $0x7C, s31;
	s12 =	sshrl.u32 s30, $0x2;
	v6 =	vld [tilespmem:s15+$0xFFFFFFE0];
	v2 =	vperm.xlane.i2c.b16 v1;
	v4 =	vperm.xlane.i2c.b16 v4  }
0x39: {  	s13 =	sand.u32 $0x80, s31;
	s16 =	sshrl.u32 s14, $0x1;
	s12 =	sor.u32 $0x2000, s12;
	v9 =	vperm.xlane.i2c.b16 v0;
	v10 =	vperm.xlane.i2c.b16 v3;
	v1 =	vld [tilespmem:s15+$0xFFFFFFF0]  }
0x3a: {  	s14 =	simm.s32 $0x2;
	s13 =	sshrl.u32 s13, $0x1;
	s17 =	sadd.s32 s16, s12;
	v3 =	vld [tilespmem:s15+$0x0];
	v0 =	vperm.xlane.i2c.b16 v5;
	v7 =	vcombine.low v4, v2  }
0x3b: {  	s16 =	sadd.s32 $0x40, s15;
	s13 =	sadd.s32 s13, s17;
	s15 =	simm.s32 $0x4;
	v8 =	vcombine.low v10, v9;
	v5 =	vcombine.high v10, v9  }
.LBB1_3:
0x3c: {  	s14 =	sadd.s32 $0x2, s14  }
0x3d: {  	v9 =	vld [tilespmem:s16+$0x10];
	v10 =	vcombine.high v4, v2;
	[tilespmem:s13+$0x810 ss:$0x81] =	vst.msk $0xffff, v8;
	p1 =	slt.u32 s14, $0x7E  }
.Ltmp3:
0x3e: {  	v2 =	vperm.xlane.i2c.b16 v1;
	v1 =	vld [tilespmem:s16+$0xFFFFFFF0];
	[tilespmem:s13+$0x0 ss:$0x81] =	vst.msk $0xffff, v7;
	(pc) =	sbr.rel @p1 .LBB1_3-.Ltmp3, $4  }
0x3f: {  	s17 =	sand.u32 $0x7C, s15;
	v4 =	vperm.xlane.i2c.b16 v6;
	v11 =	vperm.xlane.i2c.b16 v3;
	v3 =	vld [tilespmem:s16+$0x0];
	[tilespmem:s13+$0x1 ss:$0x81] =	vst.msk $0xffff, v10  }
0x40: {  	s18 =	sand.u32 $0x80, s15;
	s17 =	sshrl.u32 s17, $0x1;
	v6 =	vld [tilespmem:s16+$0xFFFFFFE0];
	[tilespmem:s13+$0x811 ss:$0x81] =	vst.msk $0xffff, v5  }
0x41: {  	v7 =	vcombine.low v4, v2;
	v8 =	vcombine.low v11, v0;
	s13 =	sadd.s32 s17, s12;
	s17 =	sshrl.u32 s18, $0x1  }
0x42: {  	s15 =	sadd.s32 $0x4, s15;
	s16 =	sadd.s32 $0x40, s16;
	v5 =	vcombine.high v11, v0;
	s13 =	sadd.s32 s17, s13;
	v0 =	vperm.xlane.i2c.b16 v9  }
.Ltmp4:
0x43: {  	_ = 	snop;
	(pc) =	sbr.rel .LBB1_4-.Ltmp4, $1  }
0x44: {  	_ =	sdelay $0x3  }
.LBB1_6:
0x45: {  	_ =	sfence.sel $0x180000  }
0x46: {  	s2 =	simm.s32 $0x1;
	[bflag:$0x0] =	sbarrier.arrive $0xFFFF  }
0x47: {  	s31 =	simm.s32 $0x2;
	[sflag:s2] =	ssyncpa.u1 $0x1  }
0x48: {  	[sflag:s31] =	ssyncpa.u1 $0x1  }
0x49: {  	p0 =	sne.s32 s0, $0x0;
	_ =	strace $0x90000050  }
0x4a: {  	s0 =	sadd.s32 @!p0 $0x100000, s1;
	[bflag:$0x2] =	sbarrier.arrive $0xFFFF  }
0x4b: {  	[sflag:s0] =	ssyncadd.tile.s32 @!p0 $0x1;
	_ =	shalt  }
.Lfunc_end1:
_tile_overlayer_lowered:
.L_overlay_start_2:
0x4c: {  	(tag) =	ssettag $0x2  }
0x4d: {  	s0 =	rddreg [dreg:$0x0];
	s2 =	stileid.u32  }
0x4e: {  	s1 =	rddreg [dreg:$0x1];
	p0 =	sne.s32 s2, $0x0  }
0x4f: {  	s3 =	rddreg [dreg:$0x2];
	[bflag:$0x3] =	sbarrier.arrive $0xFFFF;
	s2 =	simm.s32 @!p0 $0x1C01  }
0x50: {  	[timem:s3], [sflag:s2] =	dma.local @!p0 [hbm:s0], s1  }
0x51: {  	s0 =	simm.s32 @!p0 $0x1  }
0x52: {  	_ =	swait.ge @!p0 [sflag:s0], s1  }
0x53: {  	s1 =	ssub.s32 @!p0 $0x0, s1;
	[sflag:s0] =	ssyncset.done @!p0 $0x0  }
0x54: {  	[sflag:s0] =	ssyncadd.s32 @!p0 s1  }
0x55: {  	[bflag:$0x3] =	sbarrier.arrive $0xFFFF  }
0x56: {  	_ =	shalt  }

// kernel: sparse-core-data-format-call.3.cloned.1.call-start
scs
called_computation.4_lowered:
.L_overlay_start_0:
0x0: {  	s2 =	sld [smem:$0x3FD9]  }
0x1: {  	s3 =	sld [smem:$0x3FFE];
	_ =	sdelay $0x1  }
0x2: {  	s1 =	srdreg.scid  }
0x3: {  	s0 =	sand.u32 $0x1, s1  }
0x4: {  	s18 =	sshll.u32 s0, $0xA;
	s2 =	sadd.s32 s3, s2  }
0x5: {  	s2 =	sadd.s32 s2, s18  }
0x6: {  	[smem:$0x3F9E] =	sst s2  }
0x7: {  	_ = 	snop  }
0x8: {  	(tm) =	ssettm $0x1  }
0x9: {  	s19 =	sld [smem:$0x3FFB];
	_ =	sdelay $0x3  }
0xa: {  	_ =	strace s19  }
0xb: {  	s2 =	sld [smem:$0x3FFC];
	_ =	sdelay $0x3  }
0xc: {  	_ =	strace s2  }
0xd: {  	s2 =	sld [smem:$0x3FFD];
	_ =	sdelay $0x3  }
0xe: {  	_ =	strace s2  }
0xf: {  	_ =	strace $0x8FFFFFFF  }
0x10: {  	s20 =	sld [smem:$0x3FDB];
	_ =	sdelay $0x1  }
0x11: {  	s21 =	simm.s32 $_scs_section_size  }
0x12: {  	s4 =	simm.s32 $_size__tile_overlayer_lowered;
	s5 =	simm.s32 $_tile_overlayer_lowered  }
0x13: {  	s6 =	simm.s32 $0x1BFF;
	s22 =	sshll.u32 s5, $0x1;
	s3 =	sadd.s32 s21, s20  }
0x14: {  	s23 =	simm.s32 $0x0;
	s4 =	sshll.u32 s4, $0x1;
	s5 =	sadd.s32 s22, s3  }
0x15: {  	[timem:s23], [sflag:s6] =	dma.local [hbm:s5], s4  }
0x16: {  	_ =	swait.ge [sflag:s6], s4  }
0x17: {  	s4 =	ssub.s32 $0x0, s4;
	[sflag:s6] =	ssyncset.done $0x0  }
0x18: {  	[sflag:s6] =	ssyncadd.s32 s4;
	_ =	sdelay $0x1  }
0x19: {  	s24 =	simm.s32 $0x1B8B  }
0x1a: {  	_ =	swait.ge [sflag:s24], $0x1  }
0x1b: {  	[sflag:s24] =	ssyncset.done $0x0  }
0x1c: {  	[sflag:s24] =	ssyncadd.s32 $0xFFFFFFFF  }
0x1d: {  	s4 =	sld [smem:$0x0]  }
0x1e: {  	s5 =	sand.u32 $0xFFFFFFFE, s1  }
0x1f: {  	p0 =	sne.s32 s1, s5  }
0x20: {  	s5 =	sshll.u32 @p0 s5, $0xE  }
0x21: {  	s5 =	sadd.s32 @p0 $0x11B8D, s5;
	s6 =	sshll.u32 @p0 s4, $0x11  }
0x22: {  	s5 =	sor.u32 @p0 s6, s5  }
0x23: {  	[sflag:s5] =	ssyncadd.remote.s32 @p0 $0x1;
	_ =	sdelay $0x1  }
0x24: {  	s5 =	simm.s32 @p0 $0x1B8D  }
0x25: {  	_ =	swait.eq @p0 [sflag:s5], $0x1  }
0x26: {  	[sflag:s5] =	ssyncadd.s32 @p0 $0xFFFFFFFF  }
0x27: {  	s6 =	sshll.u32 @!p0 s1, $0xE  }
0x28: {  	s6 =	sor.u32 @!p0 $0x4000, s6;
	s5 =	simm.s32 @!p0 $0x1B8D  }
0x29: {  	s4 =	sshll.u32 @!p0 s4, $0x11;
	s6 =	sadd.s32 @!p0 $0x11B8D, s6;
	_ =	swait.eq @!p0 [sflag:s5], $0x1  }
0x2a: {  	s4 =	sor.u32 @!p0 s4, s6;
	[sflag:s5] =	ssyncadd.s32 @!p0 $0xFFFFFFFF  }
0x2b: {  	s26 =	simm.s32 $0x1B8E;
	s25 =	sld [smem:$0x3FFE];
	[sflag:s4] =	ssyncadd.remote.s32 @!p0 $0x1  }
0x2c: {  	s27 =	simm.s32 $execute0_lowered;
	[smem:$0x3FD2] =	sst s26  }
0x2d: {  	s5 =	sshll.u32 s27, $0x1;
	_ =	strace $0x8000004C;
	[dreg:$0x1] =	wrdreg $0xFFFFFFFF  }
0x2e: {  	s28 =	simm.s32 $_size_execute0_lowered;
	s3 =	sadd.s32 s3, s5;
	[dreg:$0x0] =	wrdreg $0x0  }
0x2f: {  	s5 =	sshll.u32 s28, $0x1;
	[dreg:$0x2] =	wrdreg s3  }
0x30: {  	[dreg:$0x3] =	wrdreg s5  }
0x31: {  	[dreg:$0x4] =	wrdreg $0xC0  }
0x32: {  	_ =	task [dreg:s23], $0x5FFFF  }
0x33: {  	[dreg:$0x1] =	wrdreg $0xFFFFFFFF  }
0x34: {  	[dreg:$0x0] =	wrdreg $0x60  }
0x35: {  	[dreg:$0x2] =	wrdreg s25  }
0x36: {  	[dreg:$0x3] =	wrdreg $0x9  }
0x37: {  	_ =	task.clear_ibuf [dreg:s23], $0x4FFFF;
	_ =	strace $0x9000004C  }
0x38: {  	s29 =	simm.s32 $0x9;
	_ =	strace $0x8000004E  }
0x39: {  	_ =	swait.ge [sflag:s29], $0x1  }
0x3a: {  	[sflag:s29] =	ssyncadd.s32 $0xFFFFFFFF  }
0x3b: {  	_ =	strace $0x9000004E  }
0x3c: {  	_ =	sfence  }
0x3d: {  	s30 =	sld [smem:$0x0];
	_ =	sdelay $0x2  }
0x3e: {  	s31 =	sshll.u32 s1, $0xD;
	s1 =	sshrl.u32 s1, $0x2  }
0x3f: {  	s4 =	sand.u32 $0x4000, s31;
	s1 =	sadd.s32 s1, s30  }
0x40: {  	s0 =	sor.u32 s4, s0;
	s1 =	sshll.u32 s1, $0x11  }
0x41: {  	s0 =	sor.u32 s1, s0  }
0x42: {  	s0 =	sadd.s32 $0x8F2B, s0  }
0x43: {  	[sflag:s0] =	ssyncadd.remote.s32 $0x1  }
0x44: {  	_ =	sfence.sel $0xFFFF  }
0x45: {  	[dreg:$0x0] =	wrdreg $0xFFFFFFFF;
	(pc) =	sbr.abs _section_cstart, $3  }
0x46: {  	[dreg:$0x1] =	wrdreg $0xFFFFFFFF  }
0x47: {  	_ =	task.clear_ibuf [dreg:s23], $0x2FFFF;
	_ =	strace $0x9FFFFFFF  }
0x48: {  	(tm) =	ssettm $0x7FFFFFFF  }
0x49: {  	_ =	shalt  }
tec
execute0_lowered:
.L_overlay_start_1:
0x0: {  	(tag) =	ssettag $0x1  }
0x1: {  	s0 =	srdreg.scid  }
0x2: {  	s1 =	sshll.u32 s0, $0x4  }
0x3: {  	s4 =	rddreg [dreg:$0x0];
	s0 =	stileid.u32;
	s1 =	sand.u32 $0x10, s1  }
0x4: {  	s7 =	simm.s32 $0x1;
	s8 =	simm.s32 $0x2;
	s2 =	sor.u32 s0, s1  }
0x5: {  	s11 =	simm.s32 $0x0;
	s10 =	simm.s32 $0x0;
	s2 =	sshll.u32 s2, $0x7  }
0x6: {  	s3 =	sadd.s32 $0x793800, s4;
	s4 =	sadd.s32 $0xDAE000, s4;
	s6 =	ssub.s32 $0xC3500, s2  }
.Ltmp0:
0x7: {  	s1 =	rddreg [dreg:$0x1];
	s5 =	sand.u32 $0xF80, s6;
	(pc) =	sbr.rel .LBB1_1-.Ltmp0, $4  }
0x8: {  	_ =	strace $0x8000004D;
	s9 =	smov.u32 s2;
	p0 =	sne.s32 s5, $0x0  }
0x9: {  	s6 =	sshrl.u32 s6, $0xC;
	s5 =	simm.s32 $0x1;
	s7 =	simm.s32 @!p0 $0x0  }
0xa: {  	[sflag:s5] =	ssyncpa.u1 $0x0;
	p0 =	por $0x0, $0x0;
	s6 =	sadd.s32 s7, s6  }
0xb: {  	[sflag:s8] =	ssyncpa.u1 $0x0;
	s8 =	simm.s32 $0x61A800;
	s7 =	sadd.s32 $0x1, s6  }
.LBB1_4:
0xc: {  	s14 =	sshll.u32 s11, $0x4  }
0xd: {  	s14 =	sand.u32 $0xFFFFF800, s14  }
0xe: {  	s16 =	sshrl.u32 s14, $0x8  }
0xf: {  	s16 =	smulhi.u32 $0x14F8B59, s16  }
0x10: {  	s17 =	sand.u32 $0x7C, s15;
	v2 =	vcombine.high v4, v2;
	[tilespmem:s13+$0x810 ss:$0x81] =	vst.msk $0xffff, v8;
	v3 =	vperm.xlane.i2c.b16 v3;
	s26 =	sand.u32 $0x80, s15;
	s27 =	sshll.u32 s11, $0x1  }
0x11: {  	v1 =	vperm.xlane.i2c.b16 v1;
	[tilespmem:s13+$0x0 ss:$0x81] =	vst.msk $0xffff, v7;
	v60 =	vperm.xlane.i2c.b16 v6;
	s17 =	sshrl.u32 s17, $0x1;
	s15 =	sshrl.u32 s26, $0x1;
	s16 =	sshrl.u32 s16, $0x4  }
0x12: {  	s11 =	sand.u32 $0xFE, s27;
	[tilespmem:s13+$0x811 ss:$0x81] =	vst.msk $0xffff, v5;
	s17 =	sadd.s32 s17, s12;
	v61 =	vcombine.low v3, v0;
	s18 =	smul.u32 $0xC3500, s16  }
0x13: {  	[tilespmem:s13+$0x1 ss:$0x81] =	vst.msk $0xffff, v2;
	s11 =	sor.u32 s11, s14;
	v62 =	vcombine.low v60, v1;
	s28 =	sadd.s32 s15, s17  }
0x14: {  	v1 =	vcombine.high v60, v1;
	[tilespmem:s28+$0x810 ss:$0x81] =	vst.msk $0xffff, v61;
	s29 =	sand.u32 $0x3F, s16;
	s11 =	ssub.s32 s11, s18  }
0x15: {  	v63 =	vcombine.high v3, v0;
	[tilespmem:s28+$0x0 ss:$0x81] =	vst.msk $0xffff, v62;
	s14 =	smul.u32 $0xC350, s29;
	s30 =	sshrl.u32 s11, $0x4;
	s11 =	sshll.u32 s11, $0x11  }
0x16: {  	[tilespmem:s28+$0x1 ss:$0x81] =	vst.msk $0xffff, v1;
	s15 =	sadd.s32 s4, s30;
	s11 =	sand.u32 $0x1C0000, s11  }
0x17: {  	[tilespmem:s28+$0x811 ss:$0x81] =	vst.msk $0xffff, v63;
	s31 =	sadd.s32 s14, s15;
	s11 =	sor.u32 $0x400, s11  }
0x18: {  	[hbm4b:s31+s11] =	stream.strided.scatter [tilespmem:s12], [sflag:$0x2], $0x1000, s8, s11, $0x20;
	[tilespmem:$0x4040] =	vst v63  }
.LBB1_5:
0x19: {  	s13 =	sadd.s32 $0x1000, s9  }
0x1a: {  	p2 =	sgt.s32 s13, $0xC34FF  }
0x1b: {  	s13 =	smov.u32 @p2 s2;
	p2 =	sne.s32 s10, s7  }
.Ltmp1:
0x1c: {  	p1 =	slt.u32 s10, $0x2;
	(pc) =	sbr.rel @!p2 .LBB1_6-.Ltmp1, $4  }
0x1d: {  	s12 =	simm.s32 @!p1 $0x2  }
0x1e: {  	s14 =	sadd.s32 $0x1, s10;
	_ =	swait.ge @!p1 [sflag:s12], $0x1000  }
0x1f: {  	s11 =	smov.u32 s9;
	p0 =	por !p0, !p0;
	[sflag:s12] =	ssyncset.done @!p1 $0x0  }
0x20: {  	s10 =	smov.u32 s14;
	s9 =	smov.u32 s13;
	[sflag:s12] =	ssyncadd.s32 @!p1 $0xFFFFF000  }
.LBB1_1:
0x21: {  	p1 =	sge.u32 s10, s6  }
0x22: {  	s12 =	sand.u32 @!p1 $0x1FFFFFE, s9  }
0x23: {  	s13 =	smulhi.u32 @!p1 $0x14F8B59, s12;
	_ =	sdelay $0x1  }
0x24: {  	s13 =	sshrl.u32 @!p1 s13, $0xC  }
0x25: {  	s13 =	smul.u32 @!p1 $0xC3500, s13;
	_ =	sdelay $0x1  }
0x26: {  	s31 =	sadd.s32 $0xFFFFFFFF, s10;
	s12 =	ssub.s32 @!p1 s12, s13;
	s13 =	sxor.u32 @!p1 $0xFFFFFFFF, s10  }
0x27: {  	s14 =	simm.s32 @!p1 $0x40;
	s12 =	sshll.u32 @!p1 s12, $0x3;
	s13 =	sshll.u32 @!p1 s13, $0xC  }
0x28: {  	s15 =	simm.s32 @!p1 $0x80;
	s12 =	sadd.s32 @!p1 s3, s12;
	s13 =	sand.u32 @!p1 $0x1000, s13  }
0x29: {  	[tilespmem:s13], [sflag:$0x1] =	stream.strided.gather @!p1 [hbm4b:s12+s14], $0x1000, s15, s14, $0x38;
	[tilespmem:$0x4040] =	vst v63  }
0x2a: {  	p1 =	sge.u32 s31, s6  }
.Ltmp2:
0x2b: {  	_ = 	snop;
	(pc) =	sbr.rel @p1 .LBB1_5-.Ltmp2, $1  }
0x2c: {  	_ =	sdelay $0x3  }
0x2d: {  	s12 =	simm.s32 $0x1  }
0x2e: {  	_ =	swait.ge [sflag:s5], $0x1000;
	s12 =	simm.s32 @!p0 $0x0  }
0x2f: {  	[sflag:s5] =	ssyncset.done $0x0;
	s12 =	sshll.u32 s12, $0xC  }
0x30: {  	[sflag:s5] =	ssyncadd.s32 $0xFFFFF000;
	s12 =	sor.u32 $0x20, s12  }
0x31: {  	v0 =	vld [tilespmem:s12+$0x10]  }
0x32: {  	v1 =	vld [tilespmem:s12+$0xFFFFFFF0]  }
0x33: {  	v4 =	vld [tilespmem:s12+$0xFFFFFFE0]  }
0x34: {  	v3 =	vld [tilespmem:s12+$0x0];
	s15 =	sadd.s32 $0x40, s12  }
0x35: {  	s13 =	sand.u32 $0x1, s10;
	v5 =	vld [tilespmem:s15+$0x10]  }
0x36: {  	s30 =	smul.u32 $0x4080, s13  }
0x37: {  	s31 =	simm.s32 $0x0  }
0x38: {  	s14 =	sand.u32 $0x7C, s31;
	s12 =	sshrl.u32 s30, $0x2;
	v6 =	vld [tilespmem:s15+$0xFFFFFFE0];
	v2 =	vperm.xlane.i2c.b16 v1;
	v4 =	vperm.xlane.i2c.b16 v4  }
0x39: {  	s13 =	sand.u32 $0x80, s31;
	s16 =	sshrl.u32 s14, $0x1;
	s12 =	sor.u32 $0x2000, s12;
	v9 =	vperm.xlane.i2c.b16 v0;
	v10 =	vperm.xlane.i2c.b16 v3;
	v1 =	vld [tilespmem:s15+$0xFFFFFFF0]  }
0x3a: {  	s14 =	simm.s32 $0x2;
	s13 =	sshrl.u32 s13, $0x1;
	s17 =	sadd.s32 s16, s12;
	v3 =	vld [tilespmem:s15+$0x0];
	v0 =	vperm.xlane.i2c.b16 v5;
	v7 =	vcombine.low v4, v2  }
0x3b: {  	s16 =	sadd.s32 $0x40, s15;
	s13 =	sadd.s32 s13, s17;
	s15 =	simm.s32 $0x4;
	v8 =	vcombine.low v10, v9;
	v5 =	vcombine.high v10, v9  }
.LBB1_3:
0x3c: {  	s14 =	sadd.s32 $0x2, s14  }
0x3d: {  	v9 =	vld [tilespmem:s16+$0x10];
	v10 =	vcombine.high v4, v2;
	[tilespmem:s13+$0x810 ss:$0x81] =	vst.msk $0xffff, v8;
	p1 =	slt.u32 s14, $0x7E  }
.Ltmp3:
0x3e: {  	v2 =	vperm.xlane.i2c.b16 v1;
	v1 =	vld [tilespmem:s16+$0xFFFFFFF0];
	[tilespmem:s13+$0x0 ss:$0x81] =	vst.msk $0xffff, v7;
	(pc) =	sbr.rel @p1 .LBB1_3-.Ltmp3, $4  }
0x3f: {  	s17 =	sand.u32 $0x7C, s15;
	v4 =	vperm.xlane.i2c.b16 v6;
	v11 =	vperm.xlane.i2c.b16 v3;
	v3 =	vld [tilespmem:s16+$0x0];
	[tilespmem:s13+$0x1 ss:$0x81] =	vst.msk $0xffff, v10  }
0x40: {  	s18 =	sand.u32 $0x80, s15;
	s17 =	sshrl.u32 s17, $0x1;
	v6 =	vld [tilespmem:s16+$0xFFFFFFE0];
	[tilespmem:s13+$0x811 ss:$0x81] =	vst.msk $0xffff, v5  }
0x41: {  	v7 =	vcombine.low v4, v2;
	v8 =	vcombine.low v11, v0;
	s13 =	sadd.s32 s17, s12;
	s17 =	sshrl.u32 s18, $0x1  }
0x42: {  	s15 =	sadd.s32 $0x4, s15;
	s16 =	sadd.s32 $0x40, s16;
	v5 =	vcombine.high v11, v0;
	s13 =	sadd.s32 s17, s13;
	v0 =	vperm.xlane.i2c.b16 v9  }
.Ltmp4:
0x43: {  	_ = 	snop;
	(pc) =	sbr.rel .LBB1_4-.Ltmp4, $1  }
0x44: {  	_ =	sdelay $0x3  }
.LBB1_6:
0x45: {  	_ =	sfence.sel $0x180000  }
0x46: {  	s2 =	simm.s32 $0x1;
	[bflag:$0x0] =	sbarrier.arrive $0xFFFF  }
0x47: {  	s31 =	simm.s32 $0x2;
	[sflag:s2] =	ssyncpa.u1 $0x1  }
0x48: {  	[sflag:s31] =	ssyncpa.u1 $0x1  }
0x49: {  	p0 =	sne.s32 s0, $0x0;
	_ =	strace $0x9000004D  }
0x4a: {  	s0 =	sadd.s32 @!p0 $0x100000, s1;
	[bflag:$0x2] =	sbarrier.arrive $0xFFFF  }
0x4b: {  	[sflag:s0] =	ssyncadd.tile.s32 @!p0 $0x1;
	_ =	shalt  }
.Lfunc_end1:
_tile_overlayer_lowered:
.L_overlay_start_2:
0x4c: {  	(tag) =	ssettag $0x2  }
0x4d: {  	s0 =	rddreg [dreg:$0x0];
	s2 =	stileid.u32  }
0x4e: {  	s1 =	rddreg [dreg:$0x1];
	p0 =	sne.s32 s2, $0x0  }
0x4f: {  	s3 =	rddreg [dreg:$0x2];
	[bflag:$0x3] =	sbarrier.arrive $0xFFFF;
	s2 =	simm.s32 @!p0 $0x1C01  }
0x50: {  	[timem:s3], [sflag:s2] =	dma.local @!p0 [hbm:s0], s1  }
0x51: {  	s0 =	simm.s32 @!p0 $0x1  }
0x52: {  	_ =	swait.ge @!p0 [sflag:s0], s1  }
0x53: {  	s1 =	ssub.s32 @!p0 $0x0, s1;
	[sflag:s0] =	ssyncset.done @!p0 $0x0  }
0x54: {  	[sflag:s0] =	ssyncadd.s32 @!p0 s1  }
0x55: {  	[bflag:$0x3] =	sbarrier.arrive $0xFFFF  }
0x56: {  	_ =	shalt  }

// kernel: sparse-core-data-format-call.cloned.1.call-start
scs
called_computation.1_lowered:
.L_overlay_start_0:
0x0: {  	s2 =	sld [smem:$0x3FD9]  }
0x1: {  	s3 =	sld [smem:$0x3FFE];
	_ =	sdelay $0x1  }
0x2: {  	s1 =	srdreg.scid  }
0x3: {  	s0 =	sand.u32 $0x1, s1  }
0x4: {  	s18 =	sshll.u32 s0, $0xA;
	s2 =	sadd.s32 s3, s2  }
0x5: {  	s2 =	sadd.s32 s2, s18  }
0x6: {  	[smem:$0x3F9E] =	sst s2  }
0x7: {  	_ = 	snop  }
0x8: {  	(tm) =	ssettm $0x1  }
0x9: {  	s19 =	sld [smem:$0x3FFB];
	_ =	sdelay $0x3  }
0xa: {  	_ =	strace s19  }
0xb: {  	s2 =	sld [smem:$0x3FFC];
	_ =	sdelay $0x3  }
0xc: {  	_ =	strace s2  }
0xd: {  	s2 =	sld [smem:$0x3FFD];
	_ =	sdelay $0x3  }
0xe: {  	_ =	strace s2  }
0xf: {  	_ =	strace $0x8FFFFFFF  }
0x10: {  	s20 =	sld [smem:$0x3FDB];
	_ =	sdelay $0x1  }
0x11: {  	s21 =	simm.s32 $_scs_section_size  }
0x12: {  	s4 =	simm.s32 $_size__tile_overlayer_lowered;
	s5 =	simm.s32 $_tile_overlayer_lowered  }
0x13: {  	s6 =	simm.s32 $0x1BFF;
	s22 =	sshll.u32 s5, $0x1;
	s3 =	sadd.s32 s21, s20  }
0x14: {  	s23 =	simm.s32 $0x0;
	s4 =	sshll.u32 s4, $0x1;
	s5 =	sadd.s32 s22, s3  }
0x15: {  	[timem:s23], [sflag:s6] =	dma.local [hbm:s5], s4  }
0x16: {  	_ =	swait.ge [sflag:s6], s4  }
0x17: {  	s4 =	ssub.s32 $0x0, s4;
	[sflag:s6] =	ssyncset.done $0x0  }
0x18: {  	[sflag:s6] =	ssyncadd.s32 s4;
	_ =	sdelay $0x1  }
0x19: {  	s24 =	simm.s32 $0x1B8B  }
0x1a: {  	_ =	swait.ge [sflag:s24], $0x1  }
0x1b: {  	[sflag:s24] =	ssyncset.done $0x0  }
0x1c: {  	[sflag:s24] =	ssyncadd.s32 $0xFFFFFFFF  }
0x1d: {  	s4 =	sld [smem:$0x0]  }
0x1e: {  	s5 =	sand.u32 $0xFFFFFFFE, s1  }
0x1f: {  	p0 =	sne.s32 s1, s5  }
0x20: {  	s5 =	sshll.u32 @p0 s5, $0xE  }
0x21: {  	s5 =	sadd.s32 @p0 $0x11B8D, s5;
	s6 =	sshll.u32 @p0 s4, $0x11  }
0x22: {  	s5 =	sor.u32 @p0 s6, s5  }
0x23: {  	[sflag:s5] =	ssyncadd.remote.s32 @p0 $0x1;
	_ =	sdelay $0x1  }
0x24: {  	s5 =	simm.s32 @p0 $0x1B8D  }
0x25: {  	_ =	swait.eq @p0 [sflag:s5], $0x1  }
0x26: {  	[sflag:s5] =	ssyncadd.s32 @p0 $0xFFFFFFFF  }
0x27: {  	s6 =	sshll.u32 @!p0 s1, $0xE  }
0x28: {  	s6 =	sor.u32 @!p0 $0x4000, s6;
	s5 =	simm.s32 @!p0 $0x1B8D  }
0x29: {  	s4 =	sshll.u32 @!p0 s4, $0x11;
	s6 =	sadd.s32 @!p0 $0x11B8D, s6;
	_ =	swait.eq @!p0 [sflag:s5], $0x1  }
0x2a: {  	s4 =	sor.u32 @!p0 s4, s6;
	[sflag:s5] =	ssyncadd.s32 @!p0 $0xFFFFFFFF  }
0x2b: {  	s26 =	simm.s32 $0x1B8E;
	s25 =	sld [smem:$0x3FFE];
	[sflag:s4] =	ssyncadd.remote.s32 @!p0 $0x1  }
0x2c: {  	s27 =	simm.s32 $execute0_lowered;
	[smem:$0x3FD2] =	sst s26  }
0x2d: {  	s5 =	sshll.u32 s27, $0x1;
	_ =	strace $0x80000058;
	[dreg:$0x1] =	wrdreg $0xFFFFFFFF  }
0x2e: {  	s28 =	simm.s32 $_size_execute0_lowered;
	s3 =	sadd.s32 s3, s5;
	[dreg:$0x0] =	wrdreg $0x0  }
0x2f: {  	s5 =	sshll.u32 s28, $0x1;
	[dreg:$0x2] =	wrdreg s3  }
0x30: {  	[dreg:$0x3] =	wrdreg s5  }
0x31: {  	[dreg:$0x4] =	wrdreg $0xC0  }
0x32: {  	_ =	task [dreg:s23], $0x5FFFF  }
0x33: {  	[dreg:$0x1] =	wrdreg $0xFFFFFFFF  }
0x34: {  	[dreg:$0x0] =	wrdreg $0x60  }
0x35: {  	[dreg:$0x2] =	wrdreg s25  }
0x36: {  	[dreg:$0x3] =	wrdreg $0x9  }
0x37: {  	_ =	task.clear_ibuf [dreg:s23], $0x4FFFF;
	_ =	strace $0x90000058  }
0x38: {  	s29 =	simm.s32 $0x9;
	_ =	strace $0x8000005A  }
0x39: {  	_ =	swait.ge [sflag:s29], $0x1  }
0x3a: {  	[sflag:s29] =	ssyncadd.s32 $0xFFFFFFFF  }
0x3b: {  	_ =	strace $0x9000005A  }
0x3c: {  	_ =	sfence  }
0x3d: {  	s30 =	sld [smem:$0x0];
	_ =	sdelay $0x2  }
0x3e: {  	s31 =	sshll.u32 s1, $0xD;
	s1 =	sshrl.u32 s1, $0x2  }
0x3f: {  	s4 =	sand.u32 $0x4000, s31;
	s1 =	sadd.s32 s1, s30  }
0x40: {  	s0 =	sor.u32 s4, s0;
	s1 =	sshll.u32 s1, $0x11  }
0x41: {  	s0 =	sor.u32 s1, s0  }
0x42: {  	s0 =	sadd.s32 $0x8F2B, s0  }
0x43: {  	[sflag:s0] =	ssyncadd.remote.s32 $0x1  }
0x44: {  	_ =	sfence.sel $0xFFFF  }
0x45: {  	[dreg:$0x0] =	wrdreg $0xFFFFFFFF;
	(pc) =	sbr.abs _section_cstart, $3  }
0x46: {  	[dreg:$0x1] =	wrdreg $0xFFFFFFFF  }
0x47: {  	_ =	task.clear_ibuf [dreg:s23], $0x2FFFF;
	_ =	strace $0x9FFFFFFF  }
0x48: {  	(tm) =	ssettm $0x7FFFFFFF  }
0x49: {  	_ =	shalt  }
tec
execute0_lowered:
.L_overlay_start_1:
0x0: {  	(tag) =	ssettag $0x1  }
0x1: {  	s0 =	srdreg.scid  }
0x2: {  	s1 =	sshll.u32 s0, $0x4  }
0x3: {  	s4 =	rddreg [dreg:$0x0];
	s0 =	stileid.u32;
	s1 =	sand.u32 $0x10, s1  }
0x4: {  	s7 =	simm.s32 $0x1;
	s8 =	simm.s32 $0x2;
	s1 =	sor.u32 s0, s1  }
0x5: {  	s11 =	simm.s32 $0x0;
	s10 =	simm.s32 $0x0;
	s2 =	sshll.u32 s1, $0x7  }
0x6: {  	s3 =	sadd.s32 $0xDAE000, s4;
	s4 =	sadd.s32 $0x13C8800, s4;
	s6 =	ssub.s32 $0xC3500, s2  }
.Ltmp0:
0x7: {  	s1 =	rddreg [dreg:$0x1];
	s5 =	sand.u32 $0xF80, s6;
	(pc) =	sbr.rel .LBB1_1-.Ltmp0, $4  }
0x8: {  	_ =	strace $0x80000059;
	s9 =	smov.u32 s2;
	p0 =	sne.s32 s5, $0x0  }
0x9: {  	s6 =	sshrl.u32 s6, $0xC;
	s5 =	simm.s32 $0x1;
	s7 =	simm.s32 @!p0 $0x0  }
0xa: {  	[sflag:s5] =	ssyncpa.u1 $0x0;
	p0 =	por $0x0, $0x0;
	s6 =	sadd.s32 s7, s6  }
0xb: {  	[sflag:s8] =	ssyncpa.u1 $0x0;
	s8 =	simm.s32 $0x61A800;
	s7 =	sadd.s32 $0x1, s6  }
.LBB1_4:
0xc: {  	s14 =	sshll.u32 s11, $0x4  }
0xd: {  	s14 =	sand.u32 $0xFFFFF800, s14  }
0xe: {  	s16 =	sshrl.u32 s14, $0x8  }
0xf: {  	s16 =	smulhi.u32 $0x14F8B59, s16  }
0x10: {  	s17 =	sand.u32 $0x7C, s15;
	v2 =	vcombine.high v4, v2;
	[tilespmem:s13+$0x810 ss:$0x81] =	vst.msk $0xffff, v8;
	v3 =	vperm.xlane.i2c.b16 v3;
	s26 =	sand.u32 $0x80, s15;
	s27 =	sshll.u32 s11, $0x1  }
0x11: {  	v1 =	vperm.xlane.i2c.b16 v1;
	[tilespmem:s13+$0x0 ss:$0x81] =	vst.msk $0xffff, v7;
	v60 =	vperm.xlane.i2c.b16 v6;
	s17 =	sshrl.u32 s17, $0x1;
	s15 =	sshrl.u32 s26, $0x1;
	s16 =	sshrl.u32 s16, $0x4  }
0x12: {  	s11 =	sand.u32 $0xFE, s27;
	[tilespmem:s13+$0x811 ss:$0x81] =	vst.msk $0xffff, v5;
	s17 =	sadd.s32 s17, s12;
	v61 =	vcombine.low v3, v0;
	s18 =	smul.u32 $0xC3500, s16  }
0x13: {  	[tilespmem:s13+$0x1 ss:$0x81] =	vst.msk $0xffff, v2;
	s11 =	sor.u32 s11, s14;
	v62 =	vcombine.low v60, v1;
	s28 =	sadd.s32 s15, s17  }
0x14: {  	v1 =	vcombine.high v60, v1;
	[tilespmem:s28+$0x810 ss:$0x81] =	vst.msk $0xffff, v61;
	s29 =	sand.u32 $0x3F, s16;
	s11 =	ssub.s32 s11, s18  }
0x15: {  	v63 =	vcombine.high v3, v0;
	[tilespmem:s28+$0x0 ss:$0x81] =	vst.msk $0xffff, v62;
	s14 =	smul.u32 $0xC350, s29;
	s30 =	sshrl.u32 s11, $0x4;
	s11 =	sshll.u32 s11, $0x11  }
0x16: {  	[tilespmem:s28+$0x1 ss:$0x81] =	vst.msk $0xffff, v1;
	s15 =	sadd.s32 s4, s30;
	s11 =	sand.u32 $0x1C0000, s11  }
0x17: {  	[tilespmem:s28+$0x811 ss:$0x81] =	vst.msk $0xffff, v63;
	s31 =	sadd.s32 s14, s15;
	s11 =	sor.u32 $0x400, s11  }
0x18: {  	[hbm4b:s31+s11] =	stream.strided.scatter [tilespmem:s12], [sflag:$0x2], $0x1000, s8, s11, $0x20;
	[tilespmem:$0x4040] =	vst v63  }
.LBB1_5:
0x19: {  	s13 =	sadd.s32 $0x1000, s9  }
0x1a: {  	p2 =	sgt.s32 s13, $0xC34FF  }
0x1b: {  	s13 =	smov.u32 @p2 s2;
	p2 =	sne.s32 s10, s7  }
.Ltmp1:
0x1c: {  	p1 =	slt.u32 s10, $0x2;
	(pc) =	sbr.rel @!p2 .LBB1_6-.Ltmp1, $4  }
0x1d: {  	s12 =	simm.s32 @!p1 $0x2  }
0x1e: {  	s14 =	sadd.s32 $0x1, s10;
	_ =	swait.ge @!p1 [sflag:s12], $0x1000  }
0x1f: {  	s11 =	smov.u32 s9;
	p0 =	por !p0, !p0;
	[sflag:s12] =	ssyncset.done @!p1 $0x0  }
0x20: {  	s10 =	smov.u32 s14;
	s9 =	smov.u32 s13;
	[sflag:s12] =	ssyncadd.s32 @!p1 $0xFFFFF000  }
.LBB1_1:
0x21: {  	p1 =	sge.u32 s10, s6  }
0x22: {  	s12 =	sand.u32 @!p1 $0x1FFFFFE, s9  }
0x23: {  	s13 =	smulhi.u32 @!p1 $0x14F8B59, s12;
	_ =	sdelay $0x1  }
0x24: {  	s13 =	sshrl.u32 @!p1 s13, $0xC  }
0x25: {  	s13 =	smul.u32 @!p1 $0xC3500, s13;
	_ =	sdelay $0x1  }
0x26: {  	s31 =	sadd.s32 $0xFFFFFFFF, s10;
	s12 =	ssub.s32 @!p1 s12, s13;
	s13 =	sxor.u32 @!p1 $0xFFFFFFFF, s10  }
0x27: {  	s14 =	simm.s32 @!p1 $0x40;
	s12 =	sshll.u32 @!p1 s12, $0x3;
	s13 =	sshll.u32 @!p1 s13, $0xC  }
0x28: {  	s15 =	simm.s32 @!p1 $0x80;
	s12 =	sadd.s32 @!p1 s3, s12;
	s13 =	sand.u32 @!p1 $0x1000, s13  }
0x29: {  	[tilespmem:s13], [sflag:$0x1] =	stream.strided.gather @!p1 [hbm4b:s12+s14], $0x1000, s15, s14, $0x38;
	[tilespmem:$0x4040] =	vst v63  }
0x2a: {  	p1 =	sge.u32 s31, s6  }
.Ltmp2:
0x2b: {  	_ = 	snop;
	(pc) =	sbr.rel @p1 .LBB1_5-.Ltmp2, $1  }
0x2c: {  	_ =	sdelay $0x3  }
0x2d: {  	s12 =	simm.s32 $0x1  }
0x2e: {  	_ =	swait.ge [sflag:s5], $0x1000;
	s12 =	simm.s32 @!p0 $0x0  }
0x2f: {  	[sflag:s5] =	ssyncset.done $0x0;
	s12 =	sshll.u32 s12, $0xC  }
0x30: {  	[sflag:s5] =	ssyncadd.s32 $0xFFFFF000;
	s12 =	sor.u32 $0x20, s12  }
0x31: {  	v0 =	vld [tilespmem:s12+$0x10]  }
0x32: {  	v1 =	vld [tilespmem:s12+$0xFFFFFFF0]  }
0x33: {  	v4 =	vld [tilespmem:s12+$0xFFFFFFE0]  }
0x34: {  	v3 =	vld [tilespmem:s12+$0x0];
	s15 =	sadd.s32 $0x40, s12  }
0x35: {  	s13 =	sand.u32 $0x1, s10;
	v5 =	vld [tilespmem:s15+$0x10]  }
0x36: {  	s30 =	smul.u32 $0x4080, s13  }
0x37: {  	s31 =	simm.s32 $0x0  }
0x38: {  	s14 =	sand.u32 $0x7C, s31;
	s12 =	sshrl.u32 s30, $0x2;
	v6 =	vld [tilespmem:s15+$0xFFFFFFE0];
	v2 =	vperm.xlane.i2c.b16 v1;
	v4 =	vperm.xlane.i2c.b16 v4  }
0x39: {  	s13 =	sand.u32 $0x80, s31;
	s16 =	sshrl.u32 s14, $0x1;
	s12 =	sor.u32 $0x2000, s12;
	v9 =	vperm.xlane.i2c.b16 v0;
	v10 =	vperm.xlane.i2c.b16 v3;
	v1 =	vld [tilespmem:s15+$0xFFFFFFF0]  }
0x3a: {  	s14 =	simm.s32 $0x2;
	s13 =	sshrl.u32 s13, $0x1;
	s17 =	sadd.s32 s16, s12;
	v3 =	vld [tilespmem:s15+$0x0];
	v0 =	vperm.xlane.i2c.b16 v5;
	v7 =	vcombine.low v4, v2  }
0x3b: {  	s16 =	sadd.s32 $0x40, s15;
	s13 =	sadd.s32 s13, s17;
	s15 =	simm.s32 $0x4;
	v8 =	vcombine.low v10, v9;
	v5 =	vcombine.high v10, v9  }
.LBB1_3:
0x3c: {  	s14 =	sadd.s32 $0x2, s14  }
0x3d: {  	v9 =	vld [tilespmem:s16+$0x10];
	v10 =	vcombine.high v4, v2;
	[tilespmem:s13+$0x810 ss:$0x81] =	vst.msk $0xffff, v8;
	p1 =	slt.u32 s14, $0x7E  }
.Ltmp3:
0x3e: {  	v2 =	vperm.xlane.i2c.b16 v1;
	v1 =	vld [tilespmem:s16+$0xFFFFFFF0];
	[tilespmem:s13+$0x0 ss:$0x81] =	vst.msk $0xffff, v7;
	(pc) =	sbr.rel @p1 .LBB1_3-.Ltmp3, $4  }
0x3f: {  	s17 =	sand.u32 $0x7C, s15;
	v4 =	vperm.xlane.i2c.b16 v6;
	v11 =	vperm.xlane.i2c.b16 v3;
	v3 =	vld [tilespmem:s16+$0x0];
	[tilespmem:s13+$0x1 ss:$0x81] =	vst.msk $0xffff, v10  }
0x40: {  	s18 =	sand.u32 $0x80, s15;
	s17 =	sshrl.u32 s17, $0x1;
	v6 =	vld [tilespmem:s16+$0xFFFFFFE0];
	[tilespmem:s13+$0x811 ss:$0x81] =	vst.msk $0xffff, v5  }
0x41: {  	v7 =	vcombine.low v4, v2;
	v8 =	vcombine.low v11, v0;
	s13 =	sadd.s32 s17, s12;
	s17 =	sshrl.u32 s18, $0x1  }
0x42: {  	s15 =	sadd.s32 $0x4, s15;
	s16 =	sadd.s32 $0x40, s16;
	v5 =	vcombine.high v11, v0;
	s13 =	sadd.s32 s17, s13;
	v0 =	vperm.xlane.i2c.b16 v9  }
.Ltmp4:
0x43: {  	_ = 	snop;
	(pc) =	sbr.rel .LBB1_4-.Ltmp4, $1  }
0x44: {  	_ =	sdelay $0x3  }
.LBB1_6:
0x45: {  	_ =	sfence.sel $0x180000  }
0x46: {  	s2 =	simm.s32 $0x1;
	[bflag:$0x0] =	sbarrier.arrive $0xFFFF  }
0x47: {  	s31 =	simm.s32 $0x2;
	[sflag:s2] =	ssyncpa.u1 $0x1  }
0x48: {  	[sflag:s31] =	ssyncpa.u1 $0x1  }
0x49: {  	p0 =	sne.s32 s0, $0x0;
	_ =	strace $0x90000059  }
0x4a: {  	s0 =	sadd.s32 @!p0 $0x100000, s1;
	[bflag:$0x2] =	sbarrier.arrive $0xFFFF  }
0x4b: {  	[sflag:s0] =	ssyncadd.tile.s32 @!p0 $0x1;
	_ =	shalt  }
.Lfunc_end1:
_tile_overlayer_lowered:
.L_overlay_start_2:
0x4c: {  	(tag) =	ssettag $0x2  }
0x4d: {  	s0 =	rddreg [dreg:$0x0];
	s2 =	stileid.u32  }
0x4e: {  	s1 =	rddreg [dreg:$0x1];
	p0 =	sne.s32 s2, $0x0  }
0x4f: {  	s3 =	rddreg [dreg:$0x2];
	[bflag:$0x3] =	sbarrier.arrive $0xFFFF;
	s2 =	simm.s32 @!p0 $0x1C01  }
0x50: {  	[timem:s3], [sflag:s2] =	dma.local @!p0 [hbm:s0], s1  }
0x51: {  	s0 =	simm.s32 @!p0 $0x1  }
0x52: {  	_ =	swait.ge @!p0 [sflag:s0], s1  }
0x53: {  	s1 =	ssub.s32 @!p0 $0x0, s1;
	[sflag:s0] =	ssyncset.done @!p0 $0x0  }
0x54: {  	[sflag:s0] =	ssyncadd.s32 @!p0 s1  }
0x55: {  	[bflag:$0x3] =	sbarrier.arrive $0xFFFF  }
0x56: {  	_ =	shalt  }

</sc_bundles>
